<compile_context>
chip_gen: v7x
topology: tpu7x:2x2x1
jax: 0.10.2.dev20260603
libtpu: 0.0.44.dev20260713+nightly
codegen_flags: <defaults>
</compile_context>

<pallas_src>
import functools

import jax
import jax.numpy as jnp
from jax import lax
from jax.experimental import pallas as pl
from jax.experimental.pallas import tpu as pltpu
from jax.experimental.pallas import tpu_sc as plsc

B, N, L, D, K, R = 8, 2048, 20, 256, 128, 512
NC, NS = 2, 16
NW = NC * NS
RPW = (B * K) // NW
WPB = NW // B


def _k1_body(ne_ref, ht_ref, wm_ref, bm_ref, wi_ref, bi_ref,
             scorer_ref, ht2_ref, ent_ref, vals_ref, idx_ref, gidx_ref,
             pol_ref, sc_ref, lz_ref):
    pid = pl.program_id(0)
    f32, bf16 = jnp.float32, jnp.bfloat16
    dn = (((1,), (1,)), ((), ()))

    def _lo(x):
        return x.astype(bf16).astype(f32)

    @pl.when(pid < B)
    def _scores_phase():
        ht_b = ht_ref[0]
        ht_lo = _lo(ht_b)
        scorer = jnp.tanh(
            lax.dot_general(ht_lo, _lo(wm_ref[...]), dn,
                            preferred_element_type=f32) + bm_ref[...])
        scorer_ref[0] = scorer
        ht2_ref[0] = jnp.tanh(
            lax.dot_general(ht_lo, _lo(wi_ref[...]), dn,
                            preferred_element_type=f32) + bi_ref[...])
        nrm = jnp.sqrt(jnp.sum(scorer * scorer))
        embs = ne_ref[0]
        raw = lax.dot_general(_lo(scorer), _lo(embs), dn,
                              preferred_element_type=f32)
        s = raw[0] / nrm
        sc_ref[pid] = s
        m = jnp.max(s)
        e = jnp.exp(s - m)
        z = jnp.sum(e)
        logz = jnp.log(z) + m
        ent = logz - jnp.sum(e * s) / z
        lz_ref[pid] = jnp.full((K,), logz, f32)
        ent_ref[...] = jnp.full((1, 1, K), ent, f32)

    @pl.when(pid == B)
    def _topk_phase():
        lane = lax.broadcasted_iota(jnp.int32, (B, N), 1)
        v = sc_ref[...]
        ix = lane
        for k in range(1, 12):
            up = ((lane >> k) & 1) == 0
            for j in range(k - 1, -1, -1):
                d = 1 << j
                first = (lane & d) == 0
                pv = jnp.where(first, jnp.roll(v, -d, axis=1),
                               jnp.roll(v, d, axis=1))
                pi = jnp.where(first, jnp.roll(ix, -d, axis=1),
                               jnp.roll(ix, d, axis=1))
                mine_wins = (v > pv) | ((v == pv) & (ix < pi))
                keep = mine_wins == (first == up)
                v = jnp.where(keep, v, pv)
                ix = jnp.where(keep, ix, pi)
        vals = v[:, :K]
        idxs = ix[:, :K]
        vals_ref[...] = vals
        idx_ref[...] = idxs
        rowoff = lax.broadcasted_iota(jnp.int32, (B, K), 0) * N
        gidx_ref[...] = idxs + rowoff
        logz = lz_ref[:, 0:1]
        pol = jnp.mean(vals, axis=1, keepdims=True) - logz
        pol_ref[...] = jnp.broadcast_to(pol, (B, K))


def _run_k1(node_embs, ht3, Wm, bm2, Wi, bi2):
    def capped(b):
        return (jnp.minimum(b, B - 1), 0, 0)

    return pl.pallas_call(
        _k1_body,
        grid=(B + 1,),
        in_specs=[
            pl.BlockSpec((1, N, D), capped),
            pl.BlockSpec((1, 1, R), capped),
            pl.BlockSpec((D, R), lambda b: (0, 0)),
            pl.BlockSpec((1, D), lambda b: (0, 0)),
            pl.BlockSpec((D, R), lambda b: (0, 0)),
            pl.BlockSpec((1, D), lambda b: (0, 0)),
        ],
        out_specs=[
            pl.BlockSpec((1, 1, D), capped),
            pl.BlockSpec((1, 1, D), capped),
            pl.BlockSpec((1, 1, K), capped),
            pl.BlockSpec((B, K), lambda b: (0, 0)),
            pl.BlockSpec((B, K), lambda b: (0, 0)),
            pl.BlockSpec((B, K), lambda b: (0, 0)),
            pl.BlockSpec((B, K), lambda b: (0, 0)),
        ],
        out_shape=[
            jax.ShapeDtypeStruct((B, 1, D), jnp.float32),
            jax.ShapeDtypeStruct((B, 1, D), jnp.float32),
            jax.ShapeDtypeStruct((B, 1, K), jnp.float32),
            jax.ShapeDtypeStruct((B, K), jnp.float32),
            jax.ShapeDtypeStruct((B, K), jnp.int32),
            jax.ShapeDtypeStruct((B, K), jnp.int32),
            jax.ShapeDtypeStruct((B, K), jnp.float32),
        ],
        scratch_shapes=[
            pltpu.VMEM((B, N), jnp.float32),
            pltpu.VMEM((B, K), jnp.float32),
        ],
    )(node_embs, ht3, Wm, bm2, Wi, bi2)


_NCHUNK = 4
_CROWS = RPW // _NCHUNK


def _k3_body(gidx_hbm, idx_hbm, nef_hbm, ahf_hbm, ne_out, ah_out,
             ridx_v, cidx_v, ne_v, ar_v, ah_v, semn, *sems):
    wid = lax.axis_index("s") * NC + lax.axis_index("c")
    b = wid // WPB
    base = b * K + (wid % WPB) * RPW
    pltpu.sync_copy(gidx_hbm.at[pl.ds(base, RPW)], ridx_v)
    pltpu.sync_copy(idx_hbm.at[pl.ds(b * K, K)], cidx_v)
    cps = [
        pltpu.async_copy(
            ahf_hbm.at[ridx_v.at[pl.ds(c * _CROWS, _CROWS)]],
            ar_v.at[pl.ds(c * _CROWS, _CROWS)], sems[c])
        for c in range(_NCHUNK)
    ]
    cpn = pltpu.async_copy(nef_hbm.at[ridx_v], ne_v, semn)

    cols = [cidx_v[pl.ds(j * 16, 16)] for j in range(K // 16)]
    for c in range(_NCHUNK):
        cps[c].wait()
        for r in range(c * _CROWS, (c + 1) * _CROWS):
            row16 = jnp.full((16,), r, jnp.int32)
            for j in range(K // 16):
                g = plsc.load_gather(ar_v, [row16, cols[j]])
                ah_v[pl.ds(r * K + j * 16, 16)] = g
    cpn.wait()
    pltpu.sync_copy(ne_v, ne_out.at[pl.ds(base, RPW)])
    pltpu.sync_copy(ah_v, ah_out.at[pl.ds(base * K, RPW * K)])


@functools.lru_cache(maxsize=1)
def _k3_call():
    return pl.kernel(
        _k3_body,
        out_type=(
            jax.ShapeDtypeStruct((B * K, D), jnp.float32),
            jax.ShapeDtypeStruct((B * K * K,), jnp.float32),
        ),
        mesh=plsc.VectorSubcoreMesh(core_axis_name="c", subcore_axis_name="s"),
        compiler_params=pltpu.CompilerParams(needs_layout_passes=False),
        scratch_types=[
            pltpu.VMEM((RPW,), jnp.int32),
            pltpu.VMEM((K,), jnp.int32),
            pltpu.VMEM((RPW, D), jnp.float32),
            pltpu.VMEM((RPW, N), jnp.float32),
            pltpu.VMEM((RPW * K,), jnp.float32),
            pltpu.SemaphoreType.DMA,
            pltpu.SemaphoreType.DMA,
            pltpu.SemaphoreType.DMA,
            pltpu.SemaphoreType.DMA,
            pltpu.SemaphoreType.DMA,
        ],
    )


def _run_k3(gidx_flat, idx_flat, nef, ahf):
    return _k3_call()(gidx_flat, idx_flat, nef, ahf)


def _k4_body(ne_ref, ah_ref, vals_ref, wlf_ref, ht2_ref,
             wu_ref, uu_ref, bu_ref, wr_ref, ur_ref, br_ref,
             wh_ref, uh_ref, bh_ref, ev_ref, gim_ref, out_ref):
    f32 = jnp.float32
    dt = (((1,), (1,)), ((), ()))
    dm = (((1,), (0,)), ((), ()))
    ne = ne_ref[0]
    z = ne[:, :K]
    tv = jnp.tanh(vals_ref[0])
    ev = ev_ref[...]
    cu = lax.dot_general(uu_ref[...], ev, dm, preferred_element_type=f32) + bu_ref[...]
    cr = lax.dot_general(ur_ref[...], ev, dm, preferred_element_type=f32) + br_ref[...]
    pu = lax.dot_general(wu_ref[...], z, dt, preferred_element_type=f32) * tv
    pr = lax.dot_general(wr_ref[...], z, dt, preferred_element_type=f32) * tv
    ph = lax.dot_general(wh_ref[...], z, dt, preferred_element_type=f32) * tv
    upd = jax.nn.sigmoid(pu + cu)
    rst = jax.nn.sigmoid(pr + cr)
    hc0 = rst * ev
    hcap = jnp.tanh(ph + lax.dot_general(uh_ref[...], hc0, dm, preferred_element_type=f32)
                    + bh_ref[...])
    new_q = (1.0 - upd) * ev + upd * hcap
    wl = wlf_ref[0]
    at = lax.dot_general(ne, wl, dt, preferred_element_type=f32)
    attn_a = lax.dot_general(at, at, dt, preferred_element_type=f32)
    ah = ah_ref[0]
    di = lax.rsqrt(jnp.sum(ah, axis=0))
    ahn = ah * di[None, :] * di[:, None]
    t_a = new_q + ahn + attn_a
    v = jnp.sum(ne * ht2_ref[0], axis=1)
    u = jnp.sum(t_a * v[None, :], axis=1)
    out_ref[0] = jnp.maximum(u[:, None] * gim_ref[...], 0.0)


def _run_k4(ne4, ah4, vals3, wlf, ht23, Wu, Uu, bu, Wr, Ur, br, Wh, Uh, bh,
            evolve_A, gim):
    full_kk = pl.BlockSpec((K, K), lambda b: (0, 0))
    return pl.pallas_call(
        _k4_body,
        grid=(B,),
        in_specs=[
            pl.BlockSpec((1, K, D), lambda b: (b, 0, 0)),
            pl.BlockSpec((1, K, K), lambda b: (b, 0, 0)),
            pl.BlockSpec((1, 1, K), lambda b: (b, 0, 0)),
            pl.BlockSpec((1, L, D), lambda b: (b, 0, 0)),
            pl.BlockSpec((1, 1, D), lambda b: (b, 0, 0)),
            full_kk, full_kk, full_kk, full_kk, full_kk,
            full_kk, full_kk, full_kk, full_kk, full_kk,
            pl.BlockSpec((1, D), lambda b: (0, 0)),
        ],
        out_specs=pl.BlockSpec((1, K, D), lambda b: (b, 0, 0)),
        out_shape=jax.ShapeDtypeStruct((B, K, D), jnp.float32),
    )(ne4, ah4, vals3, wlf, ht23, Wu, Uu, bu, Wr, Ur, br, Wh, Uh, bh,
      evolve_A, gim)


def kernel(Ahat, node_embs, word_level_features, mask, ht, Wm, bm, Wu, Uu, bu,
           Wr, Ur, br, Wh, Uh, bh, evolve_A, GCN_init_mapping, Wi, bi):
    ht3 = ht.reshape(B, 1, R)
    scorer3, ht23, ent3, vals, idxs, gidx, pol = _run_k1(
        node_embs, ht3, Wm, bm.reshape(1, D), Wi, bi.reshape(1, D))
    ne_flat, ah_flat = _run_k3(
        gidx.reshape(B * K), idxs.reshape(B * K),
        node_embs.reshape(B * N, D), Ahat.reshape(B * N, N))
    out_embs = _run_k4(
        ne_flat.reshape(B, K, D), ah_flat.reshape(B, K, K),
        vals.reshape(B, 1, K), word_level_features, ht23,
        Wu, Uu, bu, Wr, Ur, br, Wh, Uh, bh, evolve_A, GCN_init_mapping)
    policy_score = pol[:, 0]
    scorer = scorer3.reshape(B, D)
    entropy_object = ent3[:, 0, 0]
    return out_embs, policy_score, scorer, entropy_object

# --- scband reference (transcript-rebuilt; emitter-appended) ---
"""Pipeline reference for scband-sem-26938034880814 (READ-ONLY COPY).

The authoritative reference and input builder live on the scoring server;
editing this copy changes nothing except your own understanding.
"""

import jax, jax.numpy as jnp
import numpy as np

RNN_DIM = 512
GCN_DIM = 256
TOPK = 128


def setup_inputs(seed: int = 0):
    key = jax.random.key(seed)
    ks = jax.random.split(key, 16)
    B, N, L = 8, 2048, 20
    s_m = 1.0 / np.sqrt(RNN_DIM)
    s_k = 1.0 / np.sqrt(TOPK)
    s_g = 1.0 / np.sqrt(GCN_DIM)
    inp = {}
    inp['Ahat'] = jax.random.uniform(ks[0], (B, N, N), dtype=jnp.float32)
    inp['node_embs'] = jax.random.normal(ks[1], (B, N, GCN_DIM), dtype=jnp.float32)
    inp['word_level_features'] = jax.random.normal(ks[2], (B, L, GCN_DIM), dtype=jnp.float32)
    inp['mask'] = jnp.zeros((B, N), dtype=jnp.float32)
    inp['ht'] = jax.random.normal(ks[3], (B, RNN_DIM), dtype=jnp.float32)
    inp['Wm'] = jax.random.uniform(ks[4], (GCN_DIM, RNN_DIM), minval=-s_m, maxval=s_m, dtype=jnp.float32)
    inp['bm'] = jnp.zeros((GCN_DIM,), dtype=jnp.float32)
    inp['Wu'] = jax.random.uniform(ks[5], (TOPK, TOPK), minval=-s_k, maxval=s_k, dtype=jnp.float32)
    inp['Uu'] = jax.random.uniform(ks[6], (TOPK, TOPK), minval=-s_k, maxval=s_k, dtype=jnp.float32)
    inp['bu'] = jnp.zeros((TOPK, TOPK), dtype=jnp.float32)
    inp['Wr'] = jax.random.uniform(ks[7], (TOPK, TOPK), minval=-s_k, maxval=s_k, dtype=jnp.float32)
    inp['Ur'] = jax.random.uniform(ks[8], (TOPK, TOPK), minval=-s_k, maxval=s_k, dtype=jnp.float32)
    inp['br'] = jnp.zeros((TOPK, TOPK), dtype=jnp.float32)
    inp['Wh'] = jax.random.uniform(ks[9], (TOPK, TOPK), minval=-s_k, maxval=s_k, dtype=jnp.float32)
    inp['Uh'] = jax.random.uniform(ks[10], (TOPK, TOPK), minval=-s_k, maxval=s_k, dtype=jnp.float32)
    inp['bh'] = jnp.zeros((TOPK, TOPK), dtype=jnp.float32)
    inp['evolve_A'] = jax.random.uniform(ks[11], (TOPK, TOPK), minval=-s_k, maxval=s_k, dtype=jnp.float32)
    inp['GCN_init_mapping'] = jax.random.uniform(ks[12], (1, GCN_DIM), minval=-s_g, maxval=s_g, dtype=jnp.float32)
    inp['Wi'] = jax.random.uniform(ks[13], (GCN_DIM, RNN_DIM), minval=-s_m, maxval=s_m, dtype=jnp.float32)
    inp['bi'] = jnp.zeros((GCN_DIM,), dtype=jnp.float32)
    return inp


def _forward(Ahat, node_embs, word_level_features, mask, ht, Wm, bm, Wu, Uu, bu, Wr, Ur, br, Wh, Uh, bh, evolve_A, GCN_init_mapping, Wi, bi):
    B, N, D = node_embs.shape
    k = TOPK
    # ---- TopK_with_h ----
    scorer = jnp.tanh(jax.lax.stop_gradient(ht) @ Wm.T + bm)  # mapper(h_t.detach())  [B, gcn_dim]
    scores = jnp.einsum('bnd,bd->bn', node_embs, scorer) / jnp.linalg.norm(scorer, axis=1, keepdims=True)  # [B, N]
    vals, topk_idx = jax.lax.top_k(scores, k)  # [B, k]
    # vals are all finite -> topk_indices_out == topk_idx; repeat/truncate is identity (repeat_num >= 1, truncated to gcn_topk == k)
    sel = topk_idx
    # node_embs.gather(1, idx.unsqueeze(-1).expand(-1,-1,gcn_topk)) gathers only the first k feature columns
    z = jnp.take_along_axis(node_embs[:, :, :k], topk_idx[:, :, None], axis=1)  # [B, k, k]
    g_sc = jnp.take_along_axis(scores, topk_idx, axis=1)  # [B, k]
    out = z * jnp.tanh(g_sc)[:, :, None]
    probs = jax.nn.softmax(scores, axis=1)
    entropy_object = -jnp.sum(probs * jnp.log(probs), axis=1)  # Categorical entropy  [B]
    logp = jnp.log(probs)
    policy_score = jnp.mean(jnp.take_along_axis(logp, topk_idx, axis=1), axis=1)  # [B]
    z_topk = jnp.transpose(out, (0, 2, 1))  # [B, k, k]
    # ---- mat_GRU_cell (rows = cols = gcn_topk) ----
    update = jax.nn.sigmoid(jnp.matmul(Wu, z_topk) + Uu @ evolve_A + bu)  # [B, k, k]
    reset = jax.nn.sigmoid(jnp.matmul(Wr, z_topk) + Ur @ evolve_A + br)
    h_cap0 = reset * evolve_A
    h_cap = jnp.tanh(jnp.matmul(Wh, z_topk) + jnp.matmul(Uh, h_cap0) + bh)
    new_Q = (1.0 - update) * evolve_A + update * h_cap  # [B, k, k] -> becomes evolve_A used below
    # ---- SEM body ----
    attn = jnp.einsum('bnd,bld->bnl', node_embs, word_level_features)  # [B, N, L]
    attn_A = jnp.einsum('bnl,bml->bnm', attn, attn)  # [B, N, N]
    attn_A = jnp.take_along_axis(attn_A, sel[:, :, None], axis=1)  # [B, k, N]
    attn_A = jnp.take_along_axis(attn_A, sel[:, None, :], axis=2)  # [B, k, k]
    Ah = jnp.take_along_axis(Ahat, sel[:, :, None], axis=1)
    Ah = jnp.take_along_axis(Ah, sel[:, None, :], axis=2)  # [B, k, k]
    di = jnp.sum(Ah, axis=1) ** (-0.5)  # [B, k]
    Ah = di[:, None, :] * Ah * jax.lax.stop_gradient(di[:, :, None])  # second factor is .detach()ed in torch
    tilde_A = new_Q + Ah + attn_A  # [B, k, k]
    ne = jnp.take_along_axis(node_embs, sel[:, :, None], axis=1)  # [B, k, D]
    # init_weights(ht): GCN_weights = (Tanh(Linear(ht)))[:, :, None] @ GCN_init_mapping
    ht2 = jnp.tanh(ht @ Wi.T + bi)  # [B, D]
    GCN_W = ht2[:, :, None] * GCN_init_mapping[None]  # [B, D, D]
    out_embs = jax.nn.relu(jnp.matmul(tilde_A, jnp.matmul(ne, GCN_W)))  # [B, k, D]
    return out_embs, policy_score, scorer, entropy_object


def reference(Ahat, node_embs, word_level_features, mask, ht, Wm, bm, Wu, Uu, bu, Wr, Ur, br, Wh, Uh, bh, evolve_A, GCN_init_mapping, Wi, bi):
    return _forward(Ahat, node_embs, word_level_features, mask, ht, Wm, bm, Wu, Uu, bu, Wr, Ur, br, Wh, Uh, bh, evolve_A, GCN_init_mapping, Wi, bi)

if __name__ == "__main__":
    import jax
    _d = setup_inputs()
    print(jax.jit(kernel)(*tuple(_d.values())))

</pallas_src>

<mosaic_0001>
#map = affine_map<(d0, d1) -> (0)>
#map1 = affine_map<(d0, d1) -> (0, 0)>
module attributes {stable_mosaic.version = 14 : i64} {
  func.func @_k3_body(%arg0: i32, %arg1: i32, %arg2: memref<1024xi32, #tpu.memory_space<hbm>>, %arg3: memref<1024xi32, #tpu.memory_space<hbm>>, %arg4: memref<16384x256xf32, #tpu.memory_space<hbm>>, %arg5: memref<16384x2048xf32, #tpu.memory_space<hbm>>, %arg6: memref<1024x256xf32, #tpu.memory_space<hbm>>, %arg7: memref<131072xf32, #tpu.memory_space<hbm>>, %arg8: memref<32xi32, #tpu.memory_space<vmem>>, %arg9: memref<128xi32, #tpu.memory_space<vmem>>, %arg10: memref<32x256xf32, #tpu.memory_space<vmem>>, %arg11: memref<32x2048xf32, #tpu.memory_space<vmem>>, %arg12: memref<4096xf32, #tpu.memory_space<vmem>>, %arg13: memref<!tpu.dma_semaphore, #tpu.memory_space<semaphore_mem>>, %arg14: memref<!tpu.dma_semaphore, #tpu.memory_space<semaphore_mem>>, %arg15: memref<!tpu.dma_semaphore, #tpu.memory_space<semaphore_mem>>, %arg16: memref<!tpu.dma_semaphore, #tpu.memory_space<semaphore_mem>>, %arg17: memref<!tpu.dma_semaphore, #tpu.memory_space<semaphore_mem>>) attributes {dimension_semantics = [#tpu.dimension_semantics<core_parallel>, #tpu.dimension_semantics<subcore_parallel>], iteration_bounds = array<i64: 2, 16>, scalar_prefetch = 0 : i64, scratch_operands = 10 : i64, tpu.core_type = #tpu.core_type<sc_vector_subcore>, window_params = [{transform_indices = #map}, {transform_indices = #map}, {transform_indices = #map1}, {transform_indices = #map1}, {transform_indices = #map1}, {transform_indices = #map}]} {
    %mul3A = arith.constant 2 : i32
    %mul3A_0 = arith.muli %arg1, %mul3A : i32
    %add3A = arith.addi %mul3A_0, %arg0 : i32
    %jit3A = arith.constant 4 : i32
    %div3A = arith.divsi %add3A, %jit3A : i32
    %sign3A = arith.constant 0 : i32
    %sign3A_1 = arith.cmpi sgt, %add3A, %sign3A : i32
    %sign3A_2 = arith.extui %sign3A_1 : i1 to i32
    %sign3A_3 = arith.constant 0 : i32
    %sign3A_4 = arith.cmpi slt, %add3A, %sign3A_3 : i32
    %sign3A_5 = arith.extui %sign3A_4 : i1 to i32
    %sign3A_6 = arith.subi %sign3A_2, %sign3A_5 : i32
    %sign3A_7 = arith.constant 0 : i32
    %sign3A_8 = arith.cmpi sgt, %jit3A, %sign3A_7 : i32
    %sign3A_9 = arith.extui %sign3A_8 : i1 to i32
    %sign3A_10 = arith.constant 0 : i32
    %sign3A_11 = arith.cmpi slt, %jit3A, %sign3A_10 : i32
    %sign3A_12 = arith.extui %sign3A_11 : i1 to i32
    %sign3A_13 = arith.subi %sign3A_9, %sign3A_12 : i32
    %ne3A = arith.cmpi ne, %sign3A_6, %sign3A_13 : i32
    %rem3A = arith.remsi %add3A, %jit3A : i32
    %ne3A_14 = arith.constant 0 : i32
    %ne3A_15 = arith.cmpi ne, %rem3A, %ne3A_14 : i32
    %and3A = arith.andi %ne3A, %ne3A_15 : i1
    %sub3A = arith.constant 1 : i32
    %sub3A_16 = arith.subi %div3A, %sub3A : i32
    %select_n3A = arith.select %and3A, %sub3A_16, %div3A : i32
    %mul3A_17 = arith.constant 128 : i32
    %mul3A_18 = arith.muli %select_n3A, %mul3A_17 : i32
    %jit3A_19 = arith.constant 4 : i32
    %eq3A = arith.constant 0 : i32
    %eq3A_20 = arith.cmpi eq, %jit3A_19, %eq3A : i32
    %jit3A_21 = arith.constant 1 : i32
    %select_n3A_22 = arith.select %eq3A_20, %jit3A_21, %jit3A_19 : i32
    %rem3A_23 = arith.remsi %add3A, %select_n3A_22 : i32
    %ne3A_24 = arith.constant 0 : i32
    %ne3A_25 = arith.cmpi ne, %rem3A_23, %ne3A_24 : i32
    %lt3A = arith.constant 0 : i32
    %lt3A_26 = arith.cmpi slt, %rem3A_23, %lt3A : i32
    %lt3A_27 = arith.constant 0 : i32
    %lt3A_28 = arith.cmpi slt, %select_n3A_22, %lt3A_27 : i32
    %ne3A_29 = arith.xori %lt3A_26, %lt3A_28 : i1
    %and3A_30 = arith.andi %ne3A_29, %ne3A_25 : i1
    %add3A_31 = arith.addi %rem3A_23, %select_n3A_22 : i32
    %select_n3A_32 = arith.select %and3A_30, %add3A_31, %rem3A_23 : i32
    %mul3A_33 = arith.constant 32 : i32
    %mul3A_34 = arith.muli %select_n3A_32, %mul3A_33 : i32
    %add3A_35 = arith.addi %mul3A_18, %mul3A_34 : i32
    "tpu.region"() ({
      %run_scoped3A = tpu.sem_alloc : memref<!tpu.dma_semaphore, #tpu.memory_space<semaphore_mem>>
      %dma_start3A_952 = tpu.memref_slice %arg2[%add3A_35] : memref<1024xi32, #tpu.memory_space<hbm>> -> memref<32xi32, #tpu.memory_space<hbm>>
      %dma_start3A_953 = tpu.memref_slice %arg2[%add3A_35] : memref<1024xi32, #tpu.memory_space<hbm>> -> memref<32xi32, #tpu.memory_space<hbm>>
      tpu.enqueue_dma source(%dma_start3A_953 : memref<32xi32, #tpu.memory_space<hbm>>) target(%arg8 : memref<32xi32, #tpu.memory_space<vmem>>) target_semaphore(%run_scoped3A : memref<!tpu.dma_semaphore, #tpu.memory_space<semaphore_mem>>)
      %dma_wait3A_954 = tpu.memref_slice %arg2[%add3A_35] : memref<1024xi32, #tpu.memory_space<hbm>> -> memref<32xi32, #tpu.memory_space<hbm>>
      %dma_wait3A_955 = tpu.memref_slice %arg2[%add3A_35] : memref<1024xi32, #tpu.memory_space<hbm>> -> memref<32xi32, #tpu.memory_space<hbm>>
      tpu.wait_dma2 semaphore(%run_scoped3A : memref<!tpu.dma_semaphore, #tpu.memory_space<semaphore_mem>>) src(%dma_wait3A_955 : memref<32xi32, #tpu.memory_space<hbm>>) dst(%arg8 : memref<32xi32, #tpu.memory_space<vmem>>)
      tpu.yield
    }) : () -> ()
    %mul3A_36 = arith.constant 128 : i32
    %mul3A_37 = arith.muli %select_n3A, %mul3A_36 : i32
    "tpu.region"() ({
      %run_scoped3A = tpu.sem_alloc : memref<!tpu.dma_semaphore, #tpu.memory_space<semaphore_mem>>
      %dma_start3A_952 = tpu.memref_slice %arg3[%mul3A_37] : memref<1024xi32, #tpu.memory_space<hbm>> -> memref<128xi32, #tpu.memory_space<hbm>>
      %dma_start3A_953 = tpu.memref_slice %arg3[%mul3A_37] : memref<1024xi32, #tpu.memory_space<hbm>> -> memref<128xi32, #tpu.memory_space<hbm>>
      tpu.enqueue_dma source(%dma_start3A_953 : memref<128xi32, #tpu.memory_space<hbm>>) target(%arg9 : memref<128xi32, #tpu.memory_space<vmem>>) target_semaphore(%run_scoped3A : memref<!tpu.dma_semaphore, #tpu.memory_space<semaphore_mem>>)
      %dma_wait3A_954 = tpu.memref_slice %arg3[%mul3A_37] : memref<1024xi32, #tpu.memory_space<hbm>> -> memref<128xi32, #tpu.memory_space<hbm>>
      %dma_wait3A_955 = tpu.memref_slice %arg3[%mul3A_37] : memref<1024xi32, #tpu.memory_space<hbm>> -> memref<128xi32, #tpu.memory_space<hbm>>
      tpu.wait_dma2 semaphore(%run_scoped3A : memref<!tpu.dma_semaphore, #tpu.memory_space<semaphore_mem>>) src(%dma_wait3A_955 : memref<128xi32, #tpu.memory_space<hbm>>) dst(%arg9 : memref<128xi32, #tpu.memory_space<vmem>>)
      tpu.yield
    }) : () -> ()
    %dma_start3A = arith.constant 0 : i32
    %dma_start3A_38 = arith.constant 0 : i32
    %dma_start3A_39 = tpu.memref_slice %arg11[%dma_start3A, %dma_start3A_38] : memref<32x2048xf32, #tpu.memory_space<vmem>> -> memref<8x2048xf32, #tpu.memory_space<vmem>>
    %dma_start3A_40 = arith.constant 0 : i32
    %dma_start3A_41 = tpu.memref_slice %arg8[%dma_start3A_40] : memref<32xi32, #tpu.memory_space<vmem>> -> memref<8xi32, #tpu.memory_space<vmem>>
    %dma_start3A_42 = arith.constant 0 : i32
    %dma_start3A_43 = arith.constant 0 : i32
    %dma_start3A_44 = tpu.memref_slice %arg5[%dma_start3A_42, %dma_start3A_43] : memref<16384x2048xf32, #tpu.memory_space<hbm>> -> memref<16384x2048xf32, #tpu.memory_space<hbm>>
    tpu.enqueue_indirect_dma source(%dma_start3A_44 : memref<16384x2048xf32, #tpu.memory_space<hbm>>) target(%dma_start3A_39 : memref<8x2048xf32, #tpu.memory_space<vmem>>) offsets(%dma_start3A_41 : memref<8xi32, #tpu.memory_space<vmem>>) semaphore(%arg14 : memref<!tpu.dma_semaphore, #tpu.memory_space<semaphore_mem>>)
    %dma_start3A_45 = arith.constant 8 : i32
    %dma_start3A_46 = arith.constant 0 : i32
    %dma_start3A_47 = tpu.memref_slice %arg11[%dma_start3A_45, %dma_start3A_46] : memref<32x2048xf32, #tpu.memory_space<vmem>> -> memref<8x2048xf32, #tpu.memory_space<vmem>>
    %dma_start3A_48 = arith.constant 8 : i32
    %dma_start3A_49 = tpu.memref_slice %arg8[%dma_start3A_48] : memref<32xi32, #tpu.memory_space<vmem>> -> memref<8xi32, #tpu.memory_space<vmem>>
    %dma_start3A_50 = arith.constant 0 : i32
    %dma_start3A_51 = arith.constant 0 : i32
    %dma_start3A_52 = tpu.memref_slice %arg5[%dma_start3A_50, %dma_start3A_51] : memref<16384x2048xf32, #tpu.memory_space<hbm>> -> memref<16384x2048xf32, #tpu.memory_space<hbm>>
    tpu.enqueue_indirect_dma source(%dma_start3A_52 : memref<16384x2048xf32, #tpu.memory_space<hbm>>) target(%dma_start3A_47 : memref<8x2048xf32, #tpu.memory_space<vmem>>) offsets(%dma_start3A_49 : memref<8xi32, #tpu.memory_space<vmem>>) semaphore(%arg15 : memref<!tpu.dma_semaphore, #tpu.memory_space<semaphore_mem>>)
    %dma_start3A_53 = arith.constant 16 : i32
    %dma_start3A_54 = arith.constant 0 : i32
    %dma_start3A_55 = tpu.memref_slice %arg11[%dma_start3A_53, %dma_start3A_54] : memref<32x2048xf32, #tpu.memory_space<vmem>> -> memref<8x2048xf32, #tpu.memory_space<vmem>>
    %dma_start3A_56 = arith.constant 16 : i32
    %dma_start3A_57 = tpu.memref_slice %arg8[%dma_start3A_56] : memref<32xi32, #tpu.memory_space<vmem>> -> memref<8xi32, #tpu.memory_space<vmem>>
    %dma_start3A_58 = arith.constant 0 : i32
    %dma_start3A_59 = arith.constant 0 : i32
    %dma_start3A_60 = tpu.memref_slice %arg5[%dma_start3A_58, %dma_start3A_59] : memref<16384x2048xf32, #tpu.memory_space<hbm>> -> memref<16384x2048xf32, #tpu.memory_space<hbm>>
    tpu.enqueue_indirect_dma source(%dma_start3A_60 : memref<16384x2048xf32, #tpu.memory_space<hbm>>) target(%dma_start3A_55 : memref<8x2048xf32, #tpu.memory_space<vmem>>) offsets(%dma_start3A_57 : memref<8xi32, #tpu.memory_space<vmem>>) semaphore(%arg16 : memref<!tpu.dma_semaphore, #tpu.memory_space<semaphore_mem>>)
    %dma_start3A_61 = arith.constant 24 : i32
    %dma_start3A_62 = arith.constant 0 : i32
    %dma_start3A_63 = tpu.memref_slice %arg11[%dma_start3A_61, %dma_start3A_62] : memref<32x2048xf32, #tpu.memory_space<vmem>> -> memref<8x2048xf32, #tpu.memory_space<vmem>>
    %dma_start3A_64 = arith.constant 24 : i32
    %dma_start3A_65 = tpu.memref_slice %arg8[%dma_start3A_64] : memref<32xi32, #tpu.memory_space<vmem>> -> memref<8xi32, #tpu.memory_space<vmem>>
    %dma_start3A_66 = arith.constant 0 : i32
    %dma_start3A_67 = arith.constant 0 : i32
    %dma_start3A_68 = tpu.memref_slice %arg5[%dma_start3A_66, %dma_start3A_67] : memref<16384x2048xf32, #tpu.memory_space<hbm>> -> memref<16384x2048xf32, #tpu.memory_space<hbm>>
    tpu.enqueue_indirect_dma source(%dma_start3A_68 : memref<16384x2048xf32, #tpu.memory_space<hbm>>) target(%dma_start3A_63 : memref<8x2048xf32, #tpu.memory_space<vmem>>) offsets(%dma_start3A_65 : memref<8xi32, #tpu.memory_space<vmem>>) semaphore(%arg17 : memref<!tpu.dma_semaphore, #tpu.memory_space<semaphore_mem>>)
    %dma_start3A_69 = arith.constant 0 : i32
    %dma_start3A_70 = arith.constant 0 : i32
    %dma_start3A_71 = tpu.memref_slice %arg4[%dma_start3A_69, %dma_start3A_70] : memref<16384x256xf32, #tpu.memory_space<hbm>> -> memref<16384x256xf32, #tpu.memory_space<hbm>>
    tpu.enqueue_indirect_dma source(%dma_start3A_71 : memref<16384x256xf32, #tpu.memory_space<hbm>>) target(%arg10 : memref<32x256xf32, #tpu.memory_space<vmem>>) offsets(%arg8 : memref<32xi32, #tpu.memory_space<vmem>>) semaphore(%arg13 : memref<!tpu.dma_semaphore, #tpu.memory_space<semaphore_mem>>)
    %get3A = arith.constant 0 : index
    %get3A_72 = tpu.vector_load %arg9[%get3A] {strides = array<i32>} : memref<128xi32, #tpu.memory_space<vmem>>, vector<16xi32>,
    %get3A_73 = arith.constant 16 : index
    %get3A_74 = tpu.vector_load %arg9[%get3A_73] {strides = array<i32>} : memref<128xi32, #tpu.memory_space<vmem>>, vector<16xi32>,
    %get3A_75 = arith.constant 32 : index
    %get3A_76 = tpu.vector_load %arg9[%get3A_75] {strides = array<i32>} : memref<128xi32, #tpu.memory_space<vmem>>, vector<16xi32>,
    %get3A_77 = arith.constant 48 : index
    %get3A_78 = tpu.vector_load %arg9[%get3A_77] {strides = array<i32>} : memref<128xi32, #tpu.memory_space<vmem>>, vector<16xi32>,
    %get3A_79 = arith.constant 64 : index
    %get3A_80 = tpu.vector_load %arg9[%get3A_79] {strides = array<i32>} : memref<128xi32, #tpu.memory_space<vmem>>, vector<16xi32>,
    %get3A_81 = arith.constant 80 : index
    %get3A_82 = tpu.vector_load %arg9[%get3A_81] {strides = array<i32>} : memref<128xi32, #tpu.memory_space<vmem>>, vector<16xi32>,
    %get3A_83 = arith.constant 96 : index
    %get3A_84 = tpu.vector_load %arg9[%get3A_83] {strides = array<i32>} : memref<128xi32, #tpu.memory_space<vmem>>, vector<16xi32>,
    %get3A_85 = arith.constant 112 : index
    %get3A_86 = tpu.vector_load %arg9[%get3A_85] {strides = array<i32>} : memref<128xi32, #tpu.memory_space<vmem>>, vector<16xi32>,
    %dma_wait3A = arith.constant 0 : i32
    %dma_wait3A_87 = arith.constant 0 : i32
    %dma_wait3A_88 = tpu.memref_slice %arg11[%dma_wait3A, %dma_wait3A_87] : memref<32x2048xf32, #tpu.memory_space<vmem>> -> memref<8x2048xf32, #tpu.memory_space<vmem>>
    %dma_wait3A_89 = arith.constant 0 : i32
    %dma_wait3A_90 = tpu.memref_slice %arg8[%dma_wait3A_89] : memref<32xi32, #tpu.memory_space<vmem>> -> memref<8xi32, #tpu.memory_space<vmem>>
    %dma_wait3A_91 = arith.constant 0 : i32
    %dma_wait3A_92 = arith.constant 0 : i32
    %dma_wait3A_93 = tpu.memref_slice %arg5[%dma_wait3A_91, %dma_wait3A_92] : memref<16384x2048xf32, #tpu.memory_space<hbm>> -> memref<16384x2048xf32, #tpu.memory_space<hbm>>
    tpu.wait_indirect_dma semaphore(%arg14 : memref<!tpu.dma_semaphore, #tpu.memory_space<semaphore_mem>>) src(%dma_wait3A_93 : memref<16384x2048xf32, #tpu.memory_space<hbm>>) dst(%dma_wait3A_88 : memref<8x2048xf32, #tpu.memory_space<vmem>>)
    %broadcast_in_dim3A = arith.constant 0 : i32
    %broadcast_in_dim3A_94 = vector.broadcast %broadcast_in_dim3A : i32 to vector<16xi32>
    %gather3A = tpu.vector_load_idx %arg11[%broadcast_in_dim3A_94, %get3A_72] : memref<32x2048xf32, #tpu.memory_space<vmem>>[vector<16xi32>, vector<16xi32>], vector<16xf32>,
    %swap3A = arith.constant 0 : index
    %swap3A_95 = tpu.vector_load %arg12[%swap3A] {strides = array<i32>} : memref<4096xf32, #tpu.memory_space<vmem>>, vector<16xf32>,
    tpu.vector_store %arg12[%swap3A], %gather3A {strides = array<i32>} : memref<4096xf32, #tpu.memory_space<vmem>>, vector<16xf32>,
    %gather3A_96 = tpu.vector_load_idx %arg11[%broadcast_in_dim3A_94, %get3A_74] : memref<32x2048xf32, #tpu.memory_space<vmem>>[vector<16xi32>, vector<16xi32>], vector<16xf32>,
    %swap3A_97 = arith.constant 16 : index
    %swap3A_98 = tpu.vector_load %arg12[%swap3A_97] {strides = array<i32>} : memref<4096xf32, #tpu.memory_space<vmem>>, vector<16xf32>,
    tpu.vector_store %arg12[%swap3A_97], %gather3A_96 {strides = array<i32>} : memref<4096xf32, #tpu.memory_space<vmem>>, vector<16xf32>,
    %gather3A_99 = tpu.vector_load_idx %arg11[%broadcast_in_dim3A_94, %get3A_76] : memref<32x2048xf32, #tpu.memory_space<vmem>>[vector<16xi32>, vector<16xi32>], vector<16xf32>,
    %swap3A_100 = arith.constant 32 : index
    %swap3A_101 = tpu.vector_load %arg12[%swap3A_100] {strides = array<i32>} : memref<4096xf32, #tpu.memory_space<vmem>>, vector<16xf32>,
    tpu.vector_store %arg12[%swap3A_100], %gather3A_99 {strides = array<i32>} : memref<4096xf32, #tpu.memory_space<vmem>>, vector<16xf32>,
    %gather3A_102 = tpu.vector_load_idx %arg11[%broadcast_in_dim3A_94, %get3A_78] : memref<32x2048xf32, #tpu.memory_space<vmem>>[vector<16xi32>, vector<16xi32>], vector<16xf32>,
    %swap3A_103 = arith.constant 48 : index
    %swap3A_104 = tpu.vector_load %arg12[%swap3A_103] {strides = array<i32>} : memref<4096xf32, #tpu.memory_space<vmem>>, vector<16xf32>,
    tpu.vector_store %arg12[%swap3A_103], %gather3A_102 {strides = array<i32>} : memref<4096xf32, #tpu.memory_space<vmem>>, vector<16xf32>,
    %gather3A_105 = tpu.vector_load_idx %arg11[%broadcast_in_dim3A_94, %get3A_80] : memref<32x2048xf32, #tpu.memory_space<vmem>>[vector<16xi32>, vector<16xi32>], vector<16xf32>,
    %swap3A_106 = arith.constant 64 : index
    %swap3A_107 = tpu.vector_load %arg12[%swap3A_106] {strides = array<i32>} : memref<4096xf32, #tpu.memory_space<vmem>>, vector<16xf32>,
    tpu.vector_store %arg12[%swap3A_106], %gather3A_105 {strides = array<i32>} : memref<4096xf32, #tpu.memory_space<vmem>>, vector<16xf32>,
    %gather3A_108 = tpu.vector_load_idx %arg11[%broadcast_in_dim3A_94, %get3A_82] : memref<32x2048xf32, #tpu.memory_space<vmem>>[vector<16xi32>, vector<16xi32>], vector<16xf32>,
    %swap3A_109 = arith.constant 80 : index
    %swap3A_110 = tpu.vector_load %arg12[%swap3A_109] {strides = array<i32>} : memref<4096xf32, #tpu.memory_space<vmem>>, vector<16xf32>,
    tpu.vector_store %arg12[%swap3A_109], %gather3A_108 {strides = array<i32>} : memref<4096xf32, #tpu.memory_space<vmem>>, vector<16xf32>,
    %gather3A_111 = tpu.vector_load_idx %arg11[%broadcast_in_dim3A_94, %get3A_84] : memref<32x2048xf32, #tpu.memory_space<vmem>>[vector<16xi32>, vector<16xi32>], vector<16xf32>,
    %swap3A_112 = arith.constant 96 : index
    %swap3A_113 = tpu.vector_load %arg12[%swap3A_112] {strides = array<i32>} : memref<4096xf32, #tpu.memory_space<vmem>>, vector<16xf32>,
    tpu.vector_store %arg12[%swap3A_112], %gather3A_111 {strides = array<i32>} : memref<4096xf32, #tpu.memory_space<vmem>>, vector<16xf32>,
    %gather3A_114 = tpu.vector_load_idx %arg11[%broadcast_in_dim3A_94, %get3A_86] : memref<32x2048xf32, #tpu.memory_space<vmem>>[vector<16xi32>, vector<16xi32>], vector<16xf32>,
    %swap3A_115 = arith.constant 112 : index
    %swap3A_116 = tpu.vector_load %arg12[%swap3A_115] {strides = array<i32>} : memref<4096xf32, #tpu.memory_space<vmem>>, vector<16xf32>,
    tpu.vector_store %arg12[%swap3A_115], %gather3A_114 {strides = array<i32>} : memref<4096xf32, #tpu.memory_space<vmem>>, vector<16xf32>,
    %broadcast_in_dim3A_117 = arith.constant 1 : i32
    %broadcast_in_dim3A_118 = vector.broadcast %broadcast_in_dim3A_117 : i32 to vector<16xi32>
    %gather3A_119 = tpu.vector_load_idx %arg11[%broadcast_in_dim3A_118, %get3A_72] : memref<32x2048xf32, #tpu.memory_space<vmem>>[vector<16xi32>, vector<16xi32>], vector<16xf32>,
    %swap3A_120 = arith.constant 128 : index
    %swap3A_121 = tpu.vector_load %arg12[%swap3A_120] {strides = array<i32>} : memref<4096xf32, #tpu.memory_space<vmem>>, vector<16xf32>,
    tpu.vector_store %arg12[%swap3A_120], %gather3A_119 {strides = array<i32>} : memref<4096xf32, #tpu.memory_space<vmem>>, vector<16xf32>,
    %gather3A_122 = tpu.vector_load_idx %arg11[%broadcast_in_dim3A_118, %get3A_74] : memref<32x2048xf32, #tpu.memory_space<vmem>>[vector<16xi32>, vector<16xi32>], vector<16xf32>,
    %swap3A_123 = arith.constant 144 : index
    %swap3A_124 = tpu.vector_load %arg12[%swap3A_123] {strides = array<i32>} : memref<4096xf32, #tpu.memory_space<vmem>>, vector<16xf32>,
    tpu.vector_store %arg12[%swap3A_123], %gather3A_122 {strides = array<i32>} : memref<4096xf32, #tpu.memory_space<vmem>>, vector<16xf32>,
    %gather3A_125 = tpu.vector_load_idx %arg11[%broadcast_in_dim3A_118, %get3A_76] : memref<32x2048xf32, #tpu.memory_space<vmem>>[vector<16xi32>, vector<16xi32>], vector<16xf32>,
    %swap3A_126 = arith.constant 160 : index
    %swap3A_127 = tpu.vector_load %arg12[%swap3A_126] {strides = array<i32>} : memref<4096xf32, #tpu.memory_space<vmem>>, vector<16xf32>,
    tpu.vector_store %arg12[%swap3A_126], %gather3A_125 {strides = array<i32>} : memref<4096xf32, #tpu.memory_space<vmem>>, vector<16xf32>,
    %gather3A_128 = tpu.vector_load_idx %arg11[%broadcast_in_dim3A_118, %get3A_78] : memref<32x2048xf32, #tpu.memory_space<vmem>>[vector<16xi32>, vector<16xi32>], vector<16xf32>,
    %swap3A_129 = arith.constant 176 : index
    %swap3A_130 = tpu.vector_load %arg12[%swap3A_129] {strides = array<i32>} : memref<4096xf32, #tpu.memory_space<vmem>>, vector<16xf32>,
    tpu.vector_store %arg12[%swap3A_129], %gather3A_128 {strides = array<i32>} : memref<4096xf32, #tpu.memory_space<vmem>>, vector<16xf32>,
    %gather3A_131 = tpu.vector_load_idx %arg11[%broadcast_in_dim3A_118, %get3A_80] : memref<32x2048xf32, #tpu.memory_space<vmem>>[vector<16xi32>, vector<16xi32>], vector<16xf32>,
    %swap3A_132 = arith.constant 192 : index
    %swap3A_133 = tpu.vector_load %arg12[%swap3A_132] {strides = array<i32>} : memref<4096xf32, #tpu.memory_space<vmem>>, vector<16xf32>,
    tpu.vector_store %arg12[%swap3A_132], %gather3A_131 {strides = array<i32>} : memref<4096xf32, #tpu.memory_space<vmem>>, vector<16xf32>,
    %gather3A_134 = tpu.vector_load_idx %arg11[%broadcast_in_dim3A_118, %get3A_82] : memref<32x2048xf32, #tpu.memory_space<vmem>>[vector<16xi32>, vector<16xi32>], vector<16xf32>,
    %swap3A_135 = arith.constant 208 : index
    %swap3A_136 = tpu.vector_load %arg12[%swap3A_135] {strides = array<i32>} : memref<4096xf32, #tpu.memory_space<vmem>>, vector<16xf32>,
    tpu.vector_store %arg12[%swap3A_135], %gather3A_134 {strides = array<i32>} : memref<4096xf32, #tpu.memory_space<vmem>>, vector<16xf32>,
    %gather3A_137 = tpu.vector_load_idx %arg11[%broadcast_in_dim3A_118, %get3A_84] : memref<32x2048xf32, #tpu.memory_space<vmem>>[vector<16xi32>, vector<16xi32>], vector<16xf32>,
    %swap3A_138 = arith.constant 224 : index
    %swap3A_139 = tpu.vector_load %arg12[%swap3A_138] {strides = array<i32>} : memref<4096xf32, #tpu.memory_space<vmem>>, vector<16xf32>,
    tpu.vector_store %arg12[%swap3A_138], %gather3A_137 {strides = array<i32>} : memref<4096xf32, #tpu.memory_space<vmem>>, vector<16xf32>,
    %gather3A_140 = tpu.vector_load_idx %arg11[%broadcast_in_dim3A_118, %get3A_86] : memref<32x2048xf32, #tpu.memory_space<vmem>>[vector<16xi32>, vector<16xi32>], vector<16xf32>,
    %swap3A_141 = arith.constant 240 : index
    %swap3A_142 = tpu.vector_load %arg12[%swap3A_141] {strides = array<i32>} : memref<4096xf32, #tpu.memory_space<vmem>>, vector<16xf32>,
    tpu.vector_store %arg12[%swap3A_141], %gather3A_140 {strides = array<i32>} : memref<4096xf32, #tpu.memory_space<vmem>>, vector<16xf32>,
    %broadcast_in_dim3A_143 = arith.constant 2 : i32
    %broadcast_in_dim3A_144 = vector.broadcast %broadcast_in_dim3A_143 : i32 to vector<16xi32>
    %gather3A_145 = tpu.vector_load_idx %arg11[%broadcast_in_dim3A_144, %get3A_72] : memref<32x2048xf32, #tpu.memory_space<vmem>>[vector<16xi32>, vector<16xi32>], vector<16xf32>,
    %swap3A_146 = arith.constant 256 : index
    %swap3A_147 = tpu.vector_load %arg12[%swap3A_146] {strides = array<i32>} : memref<4096xf32, #tpu.memory_space<vmem>>, vector<16xf32>,
    tpu.vector_store %arg12[%swap3A_146], %gather3A_145 {strides = array<i32>} : memref<4096xf32, #tpu.memory_space<vmem>>, vector<16xf32>,
    %gather3A_148 = tpu.vector_load_idx %arg11[%broadcast_in_dim3A_144, %get3A_74] : memref<32x2048xf32, #tpu.memory_space<vmem>>[vector<16xi32>, vector<16xi32>], vector<16xf32>,
    %swap3A_149 = arith.constant 272 : index
    %swap3A_150 = tpu.vector_load %arg12[%swap3A_149] {strides = array<i32>} : memref<4096xf32, #tpu.memory_space<vmem>>, vector<16xf32>,
    tpu.vector_store %arg12[%swap3A_149], %gather3A_148 {strides = array<i32>} : memref<4096xf32, #tpu.memory_space<vmem>>, vector<16xf32>,
    %gather3A_151 = tpu.vector_load_idx %arg11[%broadcast_in_dim3A_144, %get3A_76] : memref<32x2048xf32, #tpu.memory_space<vmem>>[vector<16xi32>, vector<16xi32>], vector<16xf32>,
    %swap3A_152 = arith.constant 288 : index
    %swap3A_153 = tpu.vector_load %arg12[%swap3A_152] {strides = array<i32>} : memref<4096xf32, #tpu.memory_space<vmem>>, vector<16xf32>,
    tpu.vector_store %arg12[%swap3A_152], %gather3A_151 {strides = array<i32>} : memref<4096xf32, #tpu.memory_space<vmem>>, vector<16xf32>,
    %gather3A_154 = tpu.vector_load_idx %arg11[%broadcast_in_dim3A_144, %get3A_78] : memref<32x2048xf32, #tpu.memory_space<vmem>>[vector<16xi32>, vector<16xi32>], vector<16xf32>,
    %swap3A_155 = arith.constant 304 : index
    %swap3A_156 = tpu.vector_load %arg12[%swap3A_155] {strides = array<i32>} : memref<4096xf32, #tpu.memory_space<vmem>>, vector<16xf32>,
    tpu.vector_store %arg12[%swap3A_155], %gather3A_154 {strides = array<i32>} : memref<4096xf32, #tpu.memory_space<vmem>>, vector<16xf32>,
    %gather3A_157 = tpu.vector_load_idx %arg11[%broadcast_in_dim3A_144, %get3A_80] : memref<32x2048xf32, #tpu.memory_space<vmem>>[vector<16xi32>, vector<16xi32>], vector<16xf32>,
    %swap3A_158 = arith.constant 320 : index
    %swap3A_159 = tpu.vector_load %arg12[%swap3A_158] {strides = array<i32>} : memref<4096xf32, #tpu.memory_space<vmem>>, vector<16xf32>,
    tpu.vector_store %arg12[%swap3A_158], %gather3A_157 {strides = array<i32>} : memref<4096xf32, #tpu.memory_space<vmem>>, vector<16xf32>,
    %gather3A_160 = tpu.vector_load_idx %arg11[%broadcast_in_dim3A_144, %get3A_82] : memref<32x2048xf32, #tpu.memory_space<vmem>>[vector<16xi32>, vector<16xi32>], vector<16xf32>,
    %swap3A_161 = arith.constant 336 : index
    %swap3A_162 = tpu.vector_load %arg12[%swap3A_161] {strides = array<i32>} : memref<4096xf32, #tpu.memory_space<vmem>>, vector<16xf32>,
    tpu.vector_store %arg12[%swap3A_161], %gather3A_160 {strides = array<i32>} : memref<4096xf32, #tpu.memory_space<vmem>>, vector<16xf32>,
    %gather3A_163 = tpu.vector_load_idx %arg11[%broadcast_in_dim3A_144, %get3A_84] : memref<32x2048xf32, #tpu.memory_space<vmem>>[vector<16xi32>, vector<16xi32>], vector<16xf32>,
    %swap3A_164 = arith.constant 352 : index
    %swap3A_165 = tpu.vector_load %arg12[%swap3A_164] {strides = array<i32>} : memref<4096xf32, #tpu.memory_space<vmem>>, vector<16xf32>,
    tpu.vector_store %arg12[%swap3A_164], %gather3A_163 {strides = array<i32>} : memref<4096xf32, #tpu.memory_space<vmem>>, vector<16xf32>,
    %gather3A_166 = tpu.vector_load_idx %arg11[%broadcast_in_dim3A_144, %get3A_86] : memref<32x2048xf32, #tpu.memory_space<vmem>>[vector<16xi32>, vector<16xi32>], vector<16xf32>,
    %swap3A_167 = arith.constant 368 : index
    %swap3A_168 = tpu.vector_load %arg12[%swap3A_167] {strides = array<i32>} : memref<4096xf32, #tpu.memory_space<vmem>>, vector<16xf32>,
    tpu.vector_store %arg12[%swap3A_167], %gather3A_166 {strides = array<i32>} : memref<4096xf32, #tpu.memory_space<vmem>>, vector<16xf32>,
    %broadcast_in_dim3A_169 = arith.constant 3 : i32
    %broadcast_in_dim3A_170 = vector.broadcast %broadcast_in_dim3A_169 : i32 to vector<16xi32>
    %gather3A_171 = tpu.vector_load_idx %arg11[%broadcast_in_dim3A_170, %get3A_72] : memref<32x2048xf32, #tpu.memory_space<vmem>>[vector<16xi32>, vector<16xi32>], vector<16xf32>,
    %swap3A_172 = arith.constant 384 : index
    %swap3A_173 = tpu.vector_load %arg12[%swap3A_172] {strides = array<i32>} : memref<4096xf32, #tpu.memory_space<vmem>>, vector<16xf32>,
    tpu.vector_store %arg12[%swap3A_172], %gather3A_171 {strides = array<i32>} : memref<4096xf32, #tpu.memory_space<vmem>>, vector<16xf32>,
    %gather3A_174 = tpu.vector_load_idx %arg11[%broadcast_in_dim3A_170, %get3A_74] : memref<32x2048xf32, #tpu.memory_space<vmem>>[vector<16xi32>, vector<16xi32>], vector<16xf32>,
    %swap3A_175 = arith.constant 400 : index
    %swap3A_176 = tpu.vector_load %arg12[%swap3A_175] {strides = array<i32>} : memref<4096xf32, #tpu.memory_space<vmem>>, vector<16xf32>,
    tpu.vector_store %arg12[%swap3A_175], %gather3A_174 {strides = array<i32>} : memref<4096xf32, #tpu.memory_space<vmem>>, vector<16xf32>,
    %gather3A_177 = tpu.vector_load_idx %arg11[%broadcast_in_dim3A_170, %get3A_76] : memref<32x2048xf32, #tpu.memory_space<vmem>>[vector<16xi32>, vector<16xi32>], vector<16xf32>,
    %swap3A_178 = arith.constant 416 : index
    %swap3A_179 = tpu.vector_load %arg12[%swap3A_178] {strides = array<i32>} : memref<4096xf32, #tpu.memory_space<vmem>>, vector<16xf32>,
    tpu.vector_store %arg12[%swap3A_178], %gather3A_177 {strides = array<i32>} : memref<4096xf32, #tpu.memory_space<vmem>>, vector<16xf32>,
    %gather3A_180 = tpu.vector_load_idx %arg11[%broadcast_in_dim3A_170, %get3A_78] : memref<32x2048xf32, #tpu.memory_space<vmem>>[vector<16xi32>, vector<16xi32>], vector<16xf32>,
    %swap3A_181 = arith.constant 432 : index
    %swap3A_182 = tpu.vector_load %arg12[%swap3A_181] {strides = array<i32>} : memref<4096xf32, #tpu.memory_space<vmem>>, vector<16xf32>,
    tpu.vector_store %arg12[%swap3A_181], %gather3A_180 {strides = array<i32>} : memref<4096xf32, #tpu.memory_space<vmem>>, vector<16xf32>,
    %gather3A_183 = tpu.vector_load_idx %arg11[%broadcast_in_dim3A_170, %get3A_80] : memref<32x2048xf32, #tpu.memory_space<vmem>>[vector<16xi32>, vector<16xi32>], vector<16xf32>,
    %swap3A_184 = arith.constant 448 : index
    %swap3A_185 = tpu.vector_load %arg12[%swap3A_184] {strides = array<i32>} : memref<4096xf32, #tpu.memory_space<vmem>>, vector<16xf32>,
    tpu.vector_store %arg12[%swap3A_184], %gather3A_183 {strides = array<i32>} : memref<4096xf32, #tpu.memory_space<vmem>>, vector<16xf32>,
    %gather3A_186 = tpu.vector_load_idx %arg11[%broadcast_in_dim3A_170, %get3A_82] : memref<32x2048xf32, #tpu.memory_space<vmem>>[vector<16xi32>, vector<16xi32>], vector<16xf32>,
    %swap3A_187 = arith.constant 464 : index
    %swap3A_188 = tpu.vector_load %arg12[%swap3A_187] {strides = array<i32>} : memref<4096xf32, #tpu.memory_space<vmem>>, vector<16xf32>,
    tpu.vector_store %arg12[%swap3A_187], %gather3A_186 {strides = array<i32>} : memref<4096xf32, #tpu.memory_space<vmem>>, vector<16xf32>,
    %gather3A_189 = tpu.vector_load_idx %arg11[%broadcast_in_dim3A_170, %get3A_84] : memref<32x2048xf32, #tpu.memory_space<vmem>>[vector<16xi32>, vector<16xi32>], vector<16xf32>,
    %swap3A_190 = arith.constant 480 : index
    %swap3A_191 = tpu.vector_load %arg12[%swap3A_190] {strides = array<i32>} : memref<4096xf32, #tpu.memory_space<vmem>>, vector<16xf32>,
    tpu.vector_store %arg12[%swap3A_190], %gather3A_189 {strides = array<i32>} : memref<4096xf32, #tpu.memory_space<vmem>>, vector<16xf32>,
    %gather3A_192 = tpu.vector_load_idx %arg11[%broadcast_in_dim3A_170, %get3A_86] : memref<32x2048xf32, #tpu.memory_space<vmem>>[vector<16xi32>, vector<16xi32>], vector<16xf32>,
    %swap3A_193 = arith.constant 496 : index
    %swap3A_194 = tpu.vector_load %arg12[%swap3A_193] {strides = array<i32>} : memref<4096xf32, #tpu.memory_space<vmem>>, vector<16xf32>,
    tpu.vector_store %arg12[%swap3A_193], %gather3A_192 {strides = array<i32>} : memref<4096xf32, #tpu.memory_space<vmem>>, vector<16xf32>,
    %broadcast_in_dim3A_195 = arith.constant 4 : i32
    %broadcast_in_dim3A_196 = vector.broadcast %broadcast_in_dim3A_195 : i32 to vector<16xi32>
    %gather3A_197 = tpu.vector_load_idx %arg11[%broadcast_in_dim3A_196, %get3A_72] : memref<32x2048xf32, #tpu.memory_space<vmem>>[vector<16xi32>, vector<16xi32>], vector<16xf32>,
    %swap3A_198 = arith.constant 512 : index
    %swap3A_199 = tpu.vector_load %arg12[%swap3A_198] {strides = array<i32>} : memref<4096xf32, #tpu.memory_space<vmem>>, vector<16xf32>,
    tpu.vector_store %arg12[%swap3A_198], %gather3A_197 {strides = array<i32>} : memref<4096xf32, #tpu.memory_space<vmem>>, vector<16xf32>,
    %gather3A_200 = tpu.vector_load_idx %arg11[%broadcast_in_dim3A_196, %get3A_74] : memref<32x2048xf32, #tpu.memory_space<vmem>>[vector<16xi32>, vector<16xi32>], vector<16xf32>,
    %swap3A_201 = arith.constant 528 : index
    %swap3A_202 = tpu.vector_load %arg12[%swap3A_201] {strides = array<i32>} : memref<4096xf32, #tpu.memory_space<vmem>>, vector<16xf32>,
    tpu.vector_store %arg12[%swap3A_201], %gather3A_200 {strides = array<i32>} : memref<4096xf32, #tpu.memory_space<vmem>>, vector<16xf32>,
    %gather3A_203 = tpu.vector_load_idx %arg11[%broadcast_in_dim3A_196, %get3A_76] : memref<32x2048xf32, #tpu.memory_space<vmem>>[vector<16xi32>, vector<16xi32>], vector<16xf32>,
    %swap3A_204 = arith.constant 544 : index
    %swap3A_205 = tpu.vector_load %arg12[%swap3A_204] {strides = array<i32>} : memref<4096xf32, #tpu.memory_space<vmem>>, vector<16xf32>,
    tpu.vector_store %arg12[%swap3A_204], %gather3A_203 {strides = array<i32>} : memref<4096xf32, #tpu.memory_space<vmem>>, vector<16xf32>,
    %gather3A_206 = tpu.vector_load_idx %arg11[%broadcast_in_dim3A_196, %get3A_78] : memref<32x2048xf32, #tpu.memory_space<vmem>>[vector<16xi32>, vector<16xi32>], vector<16xf32>,
    %swap3A_207 = arith.constant 560 : index
    %swap3A_208 = tpu.vector_load %arg12[%swap3A_207] {strides = array<i32>} : memref<4096xf32, #tpu.memory_space<vmem>>, vector<16xf32>,
    tpu.vector_store %arg12[%swap3A_207], %gather3A_206 {strides = array<i32>} : memref<4096xf32, #tpu.memory_space<vmem>>, vector<16xf32>,
    %gather3A_209 = tpu.vector_load_idx %arg11[%broadcast_in_dim3A_196, %get3A_80] : memref<32x2048xf32, #tpu.memory_space<vmem>>[vector<16xi32>, vector<16xi32>], vector<16xf32>,
    %swap3A_210 = arith.constant 576 : index
    %swap3A_211 = tpu.vector_load %arg12[%swap3A_210] {strides = array<i32>} : memref<4096xf32, #tpu.memory_space<vmem>>, vector<16xf32>,
    tpu.vector_store %arg12[%swap3A_210], %gather3A_209 {strides = array<i32>} : memref<4096xf32, #tpu.memory_space<vmem>>, vector<16xf32>,
    %gather3A_212 = tpu.vector_load_idx %arg11[%broadcast_in_dim3A_196, %get3A_82] : memref<32x2048xf32, #tpu.memory_space<vmem>>[vector<16xi32>, vector<16xi32>], vector<16xf32>,
    %swap3A_213 = arith.constant 592 : index
    %swap3A_214 = tpu.vector_load %arg12[%swap3A_213] {strides = array<i32>} : memref<4096xf32, #tpu.memory_space<vmem>>, vector<16xf32>,
    tpu.vector_store %arg12[%swap3A_213], %gather3A_212 {strides = array<i32>} : memref<4096xf32, #tpu.memory_space<vmem>>, vector<16xf32>,
    %gather3A_215 = tpu.vector_load_idx %arg11[%broadcast_in_dim3A_196, %get3A_84] : memref<32x2048xf32, #tpu.memory_space<vmem>>[vector<16xi32>, vector<16xi32>], vector<16xf32>,
    %swap3A_216 = arith.constant 608 : index
    %swap3A_217 = tpu.vector_load %arg12[%swap3A_216] {strides = array<i32>} : memref<4096xf32, #tpu.memory_space<vmem>>, vector<16xf32>,
    tpu.vector_store %arg12[%swap3A_216], %gather3A_215 {strides = array<i32>} : memref<4096xf32, #tpu.memory_space<vmem>>, vector<16xf32>,
    %gather3A_218 = tpu.vector_load_idx %arg11[%broadcast_in_dim3A_196, %get3A_86] : memref<32x2048xf32, #tpu.memory_space<vmem>>[vector<16xi32>, vector<16xi32>], vector<16xf32>,
    %swap3A_219 = arith.constant 624 : index
    %swap3A_220 = tpu.vector_load %arg12[%swap3A_219] {strides = array<i32>} : memref<4096xf32, #tpu.memory_space<vmem>>, vector<16xf32>,
    tpu.vector_store %arg12[%swap3A_219], %gather3A_218 {strides = array<i32>} : memref<4096xf32, #tpu.memory_space<vmem>>, vector<16xf32>,
    %broadcast_in_dim3A_221 = arith.constant 5 : i32
    %broadcast_in_dim3A_222 = vector.broadcast %broadcast_in_dim3A_221 : i32 to vector<16xi32>
    %gather3A_223 = tpu.vector_load_idx %arg11[%broadcast_in_dim3A_222, %get3A_72] : memref<32x2048xf32, #tpu.memory_space<vmem>>[vector<16xi32>, vector<16xi32>], vector<16xf32>,
    %swap3A_224 = arith.constant 640 : index
    %swap3A_225 = tpu.vector_load %arg12[%swap3A_224] {strides = array<i32>} : memref<4096xf32, #tpu.memory_space<vmem>>, vector<16xf32>,
    tpu.vector_store %arg12[%swap3A_224], %gather3A_223 {strides = array<i32>} : memref<4096xf32, #tpu.memory_space<vmem>>, vector<16xf32>,
    %gather3A_226 = tpu.vector_load_idx %arg11[%broadcast_in_dim3A_222, %get3A_74] : memref<32x2048xf32, #tpu.memory_space<vmem>>[vector<16xi32>, vector<16xi32>], vector<16xf32>,
    %swap3A_227 = arith.constant 656 : index
    %swap3A_228 = tpu.vector_load %arg12[%swap3A_227] {strides = array<i32>} : memref<4096xf32, #tpu.memory_space<vmem>>, vector<16xf32>,
    tpu.vector_store %arg12[%swap3A_227], %gather3A_226 {strides = array<i32>} : memref<4096xf32, #tpu.memory_space<vmem>>, vector<16xf32>,
    %gather3A_229 = tpu.vector_load_idx %arg11[%broadcast_in_dim3A_222, %get3A_76] : memref<32x2048xf32, #tpu.memory_space<vmem>>[vector<16xi32>, vector<16xi32>], vector<16xf32>,
    %swap3A_230 = arith.constant 672 : index
    %swap3A_231 = tpu.vector_load %arg12[%swap3A_230] {strides = array<i32>} : memref<4096xf32, #tpu.memory_space<vmem>>, vector<16xf32>,
    tpu.vector_store %arg12[%swap3A_230], %gather3A_229 {strides = array<i32>} : memref<4096xf32, #tpu.memory_space<vmem>>, vector<16xf32>,
    %gather3A_232 = tpu.vector_load_idx %arg11[%broadcast_in_dim3A_222, %get3A_78] : memref<32x2048xf32, #tpu.memory_space<vmem>>[vector<16xi32>, vector<16xi32>], vector<16xf32>,
    %swap3A_233 = arith.constant 688 : index
    %swap3A_234 = tpu.vector_load %arg12[%swap3A_233] {strides = array<i32>} : memref<4096xf32, #tpu.memory_space<vmem>>, vector<16xf32>,
    tpu.vector_store %arg12[%swap3A_233], %gather3A_232 {strides = array<i32>} : memref<4096xf32, #tpu.memory_space<vmem>>, vector<16xf32>,
    %gather3A_235 = tpu.vector_load_idx %arg11[%broadcast_in_dim3A_222, %get3A_80] : memref<32x2048xf32, #tpu.memory_space<vmem>>[vector<16xi32>, vector<16xi32>], vector<16xf32>,
    %swap3A_236 = arith.constant 704 : index
    %swap3A_237 = tpu.vector_load %arg12[%swap3A_236] {strides = array<i32>} : memref<4096xf32, #tpu.memory_space<vmem>>, vector<16xf32>,
    tpu.vector_store %arg12[%swap3A_236], %gather3A_235 {strides = array<i32>} : memref<4096xf32, #tpu.memory_space<vmem>>, vector<16xf32>,
    %gather3A_238 = tpu.vector_load_idx %arg11[%broadcast_in_dim3A_222, %get3A_82] : memref<32x2048xf32, #tpu.memory_space<vmem>>[vector<16xi32>, vector<16xi32>], vector<16xf32>,
    %swap3A_239 = arith.constant 720 : index
    %swap3A_240 = tpu.vector_load %arg12[%swap3A_239] {strides = array<i32>} : memref<4096xf32, #tpu.memory_space<vmem>>, vector<16xf32>,
    tpu.vector_store %arg12[%swap3A_239], %gather3A_238 {strides = array<i32>} : memref<4096xf32, #tpu.memory_space<vmem>>, vector<16xf32>,
    %gather3A_241 = tpu.vector_load_idx %arg11[%broadcast_in_dim3A_222, %get3A_84] : memref<32x2048xf32, #tpu.memory_space<vmem>>[vector<16xi32>, vector<16xi32>], vector<16xf32>,
    %swap3A_242 = arith.constant 736 : index
    %swap3A_243 = tpu.vector_load %arg12[%swap3A_242] {strides = array<i32>} : memref<4096xf32, #tpu.memory_space<vmem>>, vector<16xf32>,
    tpu.vector_store %arg12[%swap3A_242], %gather3A_241 {strides = array<i32>} : memref<4096xf32, #tpu.memory_space<vmem>>, vector<16xf32>,
    %gather3A_244 = tpu.vector_load_idx %arg11[%broadcast_in_dim3A_222, %get3A_86] : memref<32x2048xf32, #tpu.memory_space<vmem>>[vector<16xi32>, vector<16xi32>], vector<16xf32>,
    %swap3A_245 = arith.constant 752 : index
    %swap3A_246 = tpu.vector_load %arg12[%swap3A_245] {strides = array<i32>} : memref<4096xf32, #tpu.memory_space<vmem>>, vector<16xf32>,
    tpu.vector_store %arg12[%swap3A_245], %gather3A_244 {strides = array<i32>} : memref<4096xf32, #tpu.memory_space<vmem>>, vector<16xf32>,
    %broadcast_in_dim3A_247 = arith.constant 6 : i32
    %broadcast_in_dim3A_248 = vector.broadcast %broadcast_in_dim3A_247 : i32 to vector<16xi32>
    %gather3A_249 = tpu.vector_load_idx %arg11[%broadcast_in_dim3A_248, %get3A_72] : memref<32x2048xf32, #tpu.memory_space<vmem>>[vector<16xi32>, vector<16xi32>], vector<16xf32>,
    %swap3A_250 = arith.constant 768 : index
    %swap3A_251 = tpu.vector_load %arg12[%swap3A_250] {strides = array<i32>} : memref<4096xf32, #tpu.memory_space<vmem>>, vector<16xf32>,
    tpu.vector_store %arg12[%swap3A_250], %gather3A_249 {strides = array<i32>} : memref<4096xf32, #tpu.memory_space<vmem>>, vector<16xf32>,
    %gather3A_252 = tpu.vector_load_idx %arg11[%broadcast_in_dim3A_248, %get3A_74] : memref<32x2048xf32, #tpu.memory_space<vmem>>[vector<16xi32>, vector<16xi32>], vector<16xf32>,
    %swap3A_253 = arith.constant 784 : index
    %swap3A_254 = tpu.vector_load %arg12[%swap3A_253] {strides = array<i32>} : memref<4096xf32, #tpu.memory_space<vmem>>, vector<16xf32>,
    tpu.vector_store %arg12[%swap3A_253], %gather3A_252 {strides = array<i32>} : memref<4096xf32, #tpu.memory_space<vmem>>, vector<16xf32>,
    %gather3A_255 = tpu.vector_load_idx %arg11[%broadcast_in_dim3A_248, %get3A_76] : memref<32x2048xf32, #tpu.memory_space<vmem>>[vector<16xi32>, vector<16xi32>], vector<16xf32>,
    %swap3A_256 = arith.constant 800 : index
    %swap3A_257 = tpu.vector_load %arg12[%swap3A_256] {strides = array<i32>} : memref<4096xf32, #tpu.memory_space<vmem>>, vector<16xf32>,
    tpu.vector_store %arg12[%swap3A_256], %gather3A_255 {strides = array<i32>} : memref<4096xf32, #tpu.memory_space<vmem>>, vector<16xf32>,
    %gather3A_258 = tpu.vector_load_idx %arg11[%broadcast_in_dim3A_248, %get3A_78] : memref<32x2048xf32, #tpu.memory_space<vmem>>[vector<16xi32>, vector<16xi32>], vector<16xf32>,
    %swap3A_259 = arith.constant 816 : index
    %swap3A_260 = tpu.vector_load %arg12[%swap3A_259] {strides = array<i32>} : memref<4096xf32, #tpu.memory_space<vmem>>, vector<16xf32>,
    tpu.vector_store %arg12[%swap3A_259], %gather3A_258 {strides = array<i32>} : memref<4096xf32, #tpu.memory_space<vmem>>, vector<16xf32>,
    %gather3A_261 = tpu.vector_load_idx %arg11[%broadcast_in_dim3A_248, %get3A_80] : memref<32x2048xf32, #tpu.memory_space<vmem>>[vector<16xi32>, vector<16xi32>], vector<16xf32>,
    %swap3A_262 = arith.constant 832 : index
    %swap3A_263 = tpu.vector_load %arg12[%swap3A_262] {strides = array<i32>} : memref<4096xf32, #tpu.memory_space<vmem>>, vector<16xf32>,
    tpu.vector_store %arg12[%swap3A_262], %gather3A_261 {strides = array<i32>} : memref<4096xf32, #tpu.memory_space<vmem>>, vector<16xf32>,
    %gather3A_264 = tpu.vector_load_idx %arg11[%broadcast_in_dim3A_248, %get3A_82] : memref<32x2048xf32, #tpu.memory_space<vmem>>[vector<16xi32>, vector<16xi32>], vector<16xf32>,
    %swap3A_265 = arith.constant 848 : index
    %swap3A_266 = tpu.vector_load %arg12[%swap3A_265] {strides = array<i32>} : memref<4096xf32, #tpu.memory_space<vmem>>, vector<16xf32>,
    tpu.vector_store %arg12[%swap3A_265], %gather3A_264 {strides = array<i32>} : memref<4096xf32, #tpu.memory_space<vmem>>, vector<16xf32>,
    %gather3A_267 = tpu.vector_load_idx %arg11[%broadcast_in_dim3A_248, %get3A_84] : memref<32x2048xf32, #tpu.memory_space<vmem>>[vector<16xi32>, vector<16xi32>], vector<16xf32>,
    %swap3A_268 = arith.constant 864 : index
    %swap3A_269 = tpu.vector_load %arg12[%swap3A_268] {strides = array<i32>} : memref<4096xf32, #tpu.memory_space<vmem>>, vector<16xf32>,
    tpu.vector_store %arg12[%swap3A_268], %gather3A_267 {strides = array<i32>} : memref<4096xf32, #tpu.memory_space<vmem>>, vector<16xf32>,
    %gather3A_270 = tpu.vector_load_idx %arg11[%broadcast_in_dim3A_248, %get3A_86] : memref<32x2048xf32, #tpu.memory_space<vmem>>[vector<16xi32>, vector<16xi32>], vector<16xf32>,
    %swap3A_271 = arith.constant 880 : index
    %swap3A_272 = tpu.vector_load %arg12[%swap3A_271] {strides = array<i32>} : memref<4096xf32, #tpu.memory_space<vmem>>, vector<16xf32>,
    tpu.vector_store %arg12[%swap3A_271], %gather3A_270 {strides = array<i32>} : memref<4096xf32, #tpu.memory_space<vmem>>, vector<16xf32>,
    %broadcast_in_dim3A_273 = arith.constant 7 : i32
    %broadcast_in_dim3A_274 = vector.broadcast %broadcast_in_dim3A_273 : i32 to vector<16xi32>
    %gather3A_275 = tpu.vector_load_idx %arg11[%broadcast_in_dim3A_274, %get3A_72] : memref<32x2048xf32, #tpu.memory_space<vmem>>[vector<16xi32>, vector<16xi32>], vector<16xf32>,
    %swap3A_276 = arith.constant 896 : index
    %swap3A_277 = tpu.vector_load %arg12[%swap3A_276] {strides = array<i32>} : memref<4096xf32, #tpu.memory_space<vmem>>, vector<16xf32>,
    tpu.vector_store %arg12[%swap3A_276], %gather3A_275 {strides = array<i32>} : memref<4096xf32, #tpu.memory_space<vmem>>, vector<16xf32>,
    %gather3A_278 = tpu.vector_load_idx %arg11[%broadcast_in_dim3A_274, %get3A_74] : memref<32x2048xf32, #tpu.memory_space<vmem>>[vector<16xi32>, vector<16xi32>], vector<16xf32>,
    %swap3A_279 = arith.constant 912 : index
    %swap3A_280 = tpu.vector_load %arg12[%swap3A_279] {strides = array<i32>} : memref<4096xf32, #tpu.memory_space<vmem>>, vector<16xf32>,
    tpu.vector_store %arg12[%swap3A_279], %gather3A_278 {strides = array<i32>} : memref<4096xf32, #tpu.memory_space<vmem>>, vector<16xf32>,
    %gather3A_281 = tpu.vector_load_idx %arg11[%broadcast_in_dim3A_274, %get3A_76] : memref<32x2048xf32, #tpu.memory_space<vmem>>[vector<16xi32>, vector<16xi32>], vector<16xf32>,
    %swap3A_282 = arith.constant 928 : index
    %swap3A_283 = tpu.vector_load %arg12[%swap3A_282] {strides = array<i32>} : memref<4096xf32, #tpu.memory_space<vmem>>, vector<16xf32>,
    tpu.vector_store %arg12[%swap3A_282], %gather3A_281 {strides = array<i32>} : memref<4096xf32, #tpu.memory_space<vmem>>, vector<16xf32>,
    %gather3A_284 = tpu.vector_load_idx %arg11[%broadcast_in_dim3A_274, %get3A_78] : memref<32x2048xf32, #tpu.memory_space<vmem>>[vector<16xi32>, vector<16xi32>], vector<16xf32>,
    %swap3A_285 = arith.constant 944 : index
    %swap3A_286 = tpu.vector_load %arg12[%swap3A_285] {strides = array<i32>} : memref<4096xf32, #tpu.memory_space<vmem>>, vector<16xf32>,
    tpu.vector_store %arg12[%swap3A_285], %gather3A_284 {strides = array<i32>} : memref<4096xf32, #tpu.memory_space<vmem>>, vector<16xf32>,
    %gather3A_287 = tpu.vector_load_idx %arg11[%broadcast_in_dim3A_274, %get3A_80] : memref<32x2048xf32, #tpu.memory_space<vmem>>[vector<16xi32>, vector<16xi32>], vector<16xf32>,
    %swap3A_288 = arith.constant 960 : index
    %swap3A_289 = tpu.vector_load %arg12[%swap3A_288] {strides = array<i32>} : memref<4096xf32, #tpu.memory_space<vmem>>, vector<16xf32>,
    tpu.vector_store %arg12[%swap3A_288], %gather3A_287 {strides = array<i32>} : memref<4096xf32, #tpu.memory_space<vmem>>, vector<16xf32>,
    %gather3A_290 = tpu.vector_load_idx %arg11[%broadcast_in_dim3A_274, %get3A_82] : memref<32x2048xf32, #tpu.memory_space<vmem>>[vector<16xi32>, vector<16xi32>], vector<16xf32>,
    %swap3A_291 = arith.constant 976 : index
    %swap3A_292 = tpu.vector_load %arg12[%swap3A_291] {strides = array<i32>} : memref<4096xf32, #tpu.memory_space<vmem>>, vector<16xf32>,
    tpu.vector_store %arg12[%swap3A_291], %gather3A_290 {strides = array<i32>} : memref<4096xf32, #tpu.memory_space<vmem>>, vector<16xf32>,
    %gather3A_293 = tpu.vector_load_idx %arg11[%broadcast_in_dim3A_274, %get3A_84] : memref<32x2048xf32, #tpu.memory_space<vmem>>[vector<16xi32>, vector<16xi32>], vector<16xf32>,
    %swap3A_294 = arith.constant 992 : index
    %swap3A_295 = tpu.vector_load %arg12[%swap3A_294] {strides = array<i32>} : memref<4096xf32, #tpu.memory_space<vmem>>, vector<16xf32>,
    tpu.vector_store %arg12[%swap3A_294], %gather3A_293 {strides = array<i32>} : memref<4096xf32, #tpu.memory_space<vmem>>, vector<16xf32>,
    %gather3A_296 = tpu.vector_load_idx %arg11[%broadcast_in_dim3A_274, %get3A_86] : memref<32x2048xf32, #tpu.memory_space<vmem>>[vector<16xi32>, vector<16xi32>], vector<16xf32>,
    %swap3A_297 = arith.constant 1008 : index
    %swap3A_298 = tpu.vector_load %arg12[%swap3A_297] {strides = array<i32>} : memref<4096xf32, #tpu.memory_space<vmem>>, vector<16xf32>,
    tpu.vector_store %arg12[%swap3A_297], %gather3A_296 {strides = array<i32>} : memref<4096xf32, #tpu.memory_space<vmem>>, vector<16xf32>,
    %dma_wait3A_299 = arith.constant 8 : i32
    %dma_wait3A_300 = arith.constant 0 : i32
    %dma_wait3A_301 = tpu.memref_slice %arg11[%dma_wait3A_299, %dma_wait3A_300] : memref<32x2048xf32, #tpu.memory_space<vmem>> -> memref<8x2048xf32, #tpu.memory_space<vmem>>
    %dma_wait3A_302 = arith.constant 8 : i32
    %dma_wait3A_303 = tpu.memref_slice %arg8[%dma_wait3A_302] : memref<32xi32, #tpu.memory_space<vmem>> -> memref<8xi32, #tpu.memory_space<vmem>>
    %dma_wait3A_304 = arith.constant 0 : i32
    %dma_wait3A_305 = arith.constant 0 : i32
    %dma_wait3A_306 = tpu.memref_slice %arg5[%dma_wait3A_304, %dma_wait3A_305] : memref<16384x2048xf32, #tpu.memory_space<hbm>> -> memref<16384x2048xf32, #tpu.memory_space<hbm>>
    tpu.wait_indirect_dma semaphore(%arg15 : memref<!tpu.dma_semaphore, #tpu.memory_space<semaphore_mem>>) src(%dma_wait3A_306 : memref<16384x2048xf32, #tpu.memory_space<hbm>>) dst(%dma_wait3A_301 : memref<8x2048xf32, #tpu.memory_space<vmem>>)
    %broadcast_in_dim3A_307 = arith.constant 8 : i32
    %broadcast_in_dim3A_308 = vector.broadcast %broadcast_in_dim3A_307 : i32 to vector<16xi32>
    %gather3A_309 = tpu.vector_load_idx %arg11[%broadcast_in_dim3A_308, %get3A_72] : memref<32x2048xf32, #tpu.memory_space<vmem>>[vector<16xi32>, vector<16xi32>], vector<16xf32>,
    %swap3A_310 = arith.constant 1024 : index
    %swap3A_311 = tpu.vector_load %arg12[%swap3A_310] {strides = array<i32>} : memref<4096xf32, #tpu.memory_space<vmem>>, vector<16xf32>,
    tpu.vector_store %arg12[%swap3A_310], %gather3A_309 {strides = array<i32>} : memref<4096xf32, #tpu.memory_space<vmem>>, vector<16xf32>,
    %gather3A_312 = tpu.vector_load_idx %arg11[%broadcast_in_dim3A_308, %get3A_74] : memref<32x2048xf32, #tpu.memory_space<vmem>>[vector<16xi32>, vector<16xi32>], vector<16xf32>,
    %swap3A_313 = arith.constant 1040 : index
    %swap3A_314 = tpu.vector_load %arg12[%swap3A_313] {strides = array<i32>} : memref<4096xf32, #tpu.memory_space<vmem>>, vector<16xf32>,
    tpu.vector_store %arg12[%swap3A_313], %gather3A_312 {strides = array<i32>} : memref<4096xf32, #tpu.memory_space<vmem>>, vector<16xf32>,
    %gather3A_315 = tpu.vector_load_idx %arg11[%broadcast_in_dim3A_308, %get3A_76] : memref<32x2048xf32, #tpu.memory_space<vmem>>[vector<16xi32>, vector<16xi32>], vector<16xf32>,
    %swap3A_316 = arith.constant 1056 : index
    %swap3A_317 = tpu.vector_load %arg12[%swap3A_316] {strides = array<i32>} : memref<4096xf32, #tpu.memory_space<vmem>>, vector<16xf32>,
    tpu.vector_store %arg12[%swap3A_316], %gather3A_315 {strides = array<i32>} : memref<4096xf32, #tpu.memory_space<vmem>>, vector<16xf32>,
    %gather3A_318 = tpu.vector_load_idx %arg11[%broadcast_in_dim3A_308, %get3A_78] : memref<32x2048xf32, #tpu.memory_space<vmem>>[vector<16xi32>, vector<16xi32>], vector<16xf32>,
    %swap3A_319 = arith.constant 1072 : index
    %swap3A_320 = tpu.vector_load %arg12[%swap3A_319] {strides = array<i32>} : memref<4096xf32, #tpu.memory_space<vmem>>, vector<16xf32>,
    tpu.vector_store %arg12[%swap3A_319], %gather3A_318 {strides = array<i32>} : memref<4096xf32, #tpu.memory_space<vmem>>, vector<16xf32>,
    %gather3A_321 = tpu.vector_load_idx %arg11[%broadcast_in_dim3A_308, %get3A_80] : memref<32x2048xf32, #tpu.memory_space<vmem>>[vector<16xi32>, vector<16xi32>], vector<16xf32>,
    %swap3A_322 = arith.constant 1088 : index
    %swap3A_323 = tpu.vector_load %arg12[%swap3A_322] {strides = array<i32>} : memref<4096xf32, #tpu.memory_space<vmem>>, vector<16xf32>,
    tpu.vector_store %arg12[%swap3A_322], %gather3A_321 {strides = array<i32>} : memref<4096xf32, #tpu.memory_space<vmem>>, vector<16xf32>,
    %gather3A_324 = tpu.vector_load_idx %arg11[%broadcast_in_dim3A_308, %get3A_82] : memref<32x2048xf32, #tpu.memory_space<vmem>>[vector<16xi32>, vector<16xi32>], vector<16xf32>,
    %swap3A_325 = arith.constant 1104 : index
    %swap3A_326 = tpu.vector_load %arg12[%swap3A_325] {strides = array<i32>} : memref<4096xf32, #tpu.memory_space<vmem>>, vector<16xf32>,
    tpu.vector_store %arg12[%swap3A_325], %gather3A_324 {strides = array<i32>} : memref<4096xf32, #tpu.memory_space<vmem>>, vector<16xf32>,
    %gather3A_327 = tpu.vector_load_idx %arg11[%broadcast_in_dim3A_308, %get3A_84] : memref<32x2048xf32, #tpu.memory_space<vmem>>[vector<16xi32>, vector<16xi32>], vector<16xf32>,
    %swap3A_328 = arith.constant 1120 : index
    %swap3A_329 = tpu.vector_load %arg12[%swap3A_328] {strides = array<i32>} : memref<4096xf32, #tpu.memory_space<vmem>>, vector<16xf32>,
    tpu.vector_store %arg12[%swap3A_328], %gather3A_327 {strides = array<i32>} : memref<4096xf32, #tpu.memory_space<vmem>>, vector<16xf32>,
    %gather3A_330 = tpu.vector_load_idx %arg11[%broadcast_in_dim3A_308, %get3A_86] : memref<32x2048xf32, #tpu.memory_space<vmem>>[vector<16xi32>, vector<16xi32>], vector<16xf32>,
    %swap3A_331 = arith.constant 1136 : index
    %swap3A_332 = tpu.vector_load %arg12[%swap3A_331] {strides = array<i32>} : memref<4096xf32, #tpu.memory_space<vmem>>, vector<16xf32>,
    tpu.vector_store %arg12[%swap3A_331], %gather3A_330 {strides = array<i32>} : memref<4096xf32, #tpu.memory_space<vmem>>, vector<16xf32>,
    %broadcast_in_dim3A_333 = arith.constant 9 : i32
    %broadcast_in_dim3A_334 = vector.broadcast %broadcast_in_dim3A_333 : i32 to vector<16xi32>
    %gather3A_335 = tpu.vector_load_idx %arg11[%broadcast_in_dim3A_334, %get3A_72] : memref<32x2048xf32, #tpu.memory_space<vmem>>[vector<16xi32>, vector<16xi32>], vector<16xf32>,
    %swap3A_336 = arith.constant 1152 : index
    %swap3A_337 = tpu.vector_load %arg12[%swap3A_336] {strides = array<i32>} : memref<4096xf32, #tpu.memory_space<vmem>>, vector<16xf32>,
    tpu.vector_store %arg12[%swap3A_336], %gather3A_335 {strides = array<i32>} : memref<4096xf32, #tpu.memory_space<vmem>>, vector<16xf32>,
    %gather3A_338 = tpu.vector_load_idx %arg11[%broadcast_in_dim3A_334, %get3A_74] : memref<32x2048xf32, #tpu.memory_space<vmem>>[vector<16xi32>, vector<16xi32>], vector<16xf32>,
    %swap3A_339 = arith.constant 1168 : index
    %swap3A_340 = tpu.vector_load %arg12[%swap3A_339] {strides = array<i32>} : memref<4096xf32, #tpu.memory_space<vmem>>, vector<16xf32>,
    tpu.vector_store %arg12[%swap3A_339], %gather3A_338 {strides = array<i32>} : memref<4096xf32, #tpu.memory_space<vmem>>, vector<16xf32>,
    %gather3A_341 = tpu.vector_load_idx %arg11[%broadcast_in_dim3A_334, %get3A_76] : memref<32x2048xf32, #tpu.memory_space<vmem>>[vector<16xi32>, vector<16xi32>], vector<16xf32>,
    %swap3A_342 = arith.constant 1184 : index
    %swap3A_343 = tpu.vector_load %arg12[%swap3A_342] {strides = array<i32>} : memref<4096xf32, #tpu.memory_space<vmem>>, vector<16xf32>,
    tpu.vector_store %arg12[%swap3A_342], %gather3A_341 {strides = array<i32>} : memref<4096xf32, #tpu.memory_space<vmem>>, vector<16xf32>,
    %gather3A_344 = tpu.vector_load_idx %arg11[%broadcast_in_dim3A_334, %get3A_78] : memref<32x2048xf32, #tpu.memory_space<vmem>>[vector<16xi32>, vector<16xi32>], vector<16xf32>,
    %swap3A_345 = arith.constant 1200 : index
    %swap3A_346 = tpu.vector_load %arg12[%swap3A_345] {strides = array<i32>} : memref<4096xf32, #tpu.memory_space<vmem>>, vector<16xf32>,
    tpu.vector_store %arg12[%swap3A_345], %gather3A_344 {strides = array<i32>} : memref<4096xf32, #tpu.memory_space<vmem>>, vector<16xf32>,
    %gather3A_347 = tpu.vector_load_idx %arg11[%broadcast_in_dim3A_334, %get3A_80] : memref<32x2048xf32, #tpu.memory_space<vmem>>[vector<16xi32>, vector<16xi32>], vector<16xf32>,
    %swap3A_348 = arith.constant 1216 : index
    %swap3A_349 = tpu.vector_load %arg12[%swap3A_348] {strides = array<i32>} : memref<4096xf32, #tpu.memory_space<vmem>>, vector<16xf32>,
    tpu.vector_store %arg12[%swap3A_348], %gather3A_347 {strides = array<i32>} : memref<4096xf32, #tpu.memory_space<vmem>>, vector<16xf32>,
    %gather3A_350 = tpu.vector_load_idx %arg11[%broadcast_in_dim3A_334, %get3A_82] : memref<32x2048xf32, #tpu.memory_space<vmem>>[vector<16xi32>, vector<16xi32>], vector<16xf32>,
    %swap3A_351 = arith.constant 1232 : index
    %swap3A_352 = tpu.vector_load %arg12[%swap3A_351] {strides = array<i32>} : memref<4096xf32, #tpu.memory_space<vmem>>, vector<16xf32>,
    tpu.vector_store %arg12[%swap3A_351], %gather3A_350 {strides = array<i32>} : memref<4096xf32, #tpu.memory_space<vmem>>, vector<16xf32>,
    %gather3A_353 = tpu.vector_load_idx %arg11[%broadcast_in_dim3A_334, %get3A_84] : memref<32x2048xf32, #tpu.memory_space<vmem>>[vector<16xi32>, vector<16xi32>], vector<16xf32>,
    %swap3A_354 = arith.constant 1248 : index
    %swap3A_355 = tpu.vector_load %arg12[%swap3A_354] {strides = array<i32>} : memref<4096xf32, #tpu.memory_space<vmem>>, vector<16xf32>,
    tpu.vector_store %arg12[%swap3A_354], %gather3A_353 {strides = array<i32>} : memref<4096xf32, #tpu.memory_space<vmem>>, vector<16xf32>,
    %gather3A_356 = tpu.vector_load_idx %arg11[%broadcast_in_dim3A_334, %get3A_86] : memref<32x2048xf32, #tpu.memory_space<vmem>>[vector<16xi32>, vector<16xi32>], vector<16xf32>,
    %swap3A_357 = arith.constant 1264 : index
    %swap3A_358 = tpu.vector_load %arg12[%swap3A_357] {strides = array<i32>} : memref<4096xf32, #tpu.memory_space<vmem>>, vector<16xf32>,
    tpu.vector_store %arg12[%swap3A_357], %gather3A_356 {strides = array<i32>} : memref<4096xf32, #tpu.memory_space<vmem>>, vector<16xf32>,
    %broadcast_in_dim3A_359 = arith.constant 10 : i32
    %broadcast_in_dim3A_360 = vector.broadcast %broadcast_in_dim3A_359 : i32 to vector<16xi32>
    %gather3A_361 = tpu.vector_load_idx %arg11[%broadcast_in_dim3A_360, %get3A_72] : memref<32x2048xf32, #tpu.memory_space<vmem>>[vector<16xi32>, vector<16xi32>], vector<16xf32>,
    %swap3A_362 = arith.constant 1280 : index
    %swap3A_363 = tpu.vector_load %arg12[%swap3A_362] {strides = array<i32>} : memref<4096xf32, #tpu.memory_space<vmem>>, vector<16xf32>,
    tpu.vector_store %arg12[%swap3A_362], %gather3A_361 {strides = array<i32>} : memref<4096xf32, #tpu.memory_space<vmem>>, vector<16xf32>,
    %gather3A_364 = tpu.vector_load_idx %arg11[%broadcast_in_dim3A_360, %get3A_74] : memref<32x2048xf32, #tpu.memory_space<vmem>>[vector<16xi32>, vector<16xi32>], vector<16xf32>,
    %swap3A_365 = arith.constant 1296 : index
    %swap3A_366 = tpu.vector_load %arg12[%swap3A_365] {strides = array<i32>} : memref<4096xf32, #tpu.memory_space<vmem>>, vector<16xf32>,
    tpu.vector_store %arg12[%swap3A_365], %gather3A_364 {strides = array<i32>} : memref<4096xf32, #tpu.memory_space<vmem>>, vector<16xf32>,
    %gather3A_367 = tpu.vector_load_idx %arg11[%broadcast_in_dim3A_360, %get3A_76] : memref<32x2048xf32, #tpu.memory_space<vmem>>[vector<16xi32>, vector<16xi32>], vector<16xf32>,
    %swap3A_368 = arith.constant 1312 : index
    %swap3A_369 = tpu.vector_load %arg12[%swap3A_368] {strides = array<i32>} : memref<4096xf32, #tpu.memory_space<vmem>>, vector<16xf32>,
    tpu.vector_store %arg12[%swap3A_368], %gather3A_367 {strides = array<i32>} : memref<4096xf32, #tpu.memory_space<vmem>>, vector<16xf32>,
    %gather3A_370 = tpu.vector_load_idx %arg11[%broadcast_in_dim3A_360, %get3A_78] : memref<32x2048xf32, #tpu.memory_space<vmem>>[vector<16xi32>, vector<16xi32>], vector<16xf32>,
    %swap3A_371 = arith.constant 1328 : index
    %swap3A_372 = tpu.vector_load %arg12[%swap3A_371] {strides = array<i32>} : memref<4096xf32, #tpu.memory_space<vmem>>, vector<16xf32>,
    tpu.vector_store %arg12[%swap3A_371], %gather3A_370 {strides = array<i32>} : memref<4096xf32, #tpu.memory_space<vmem>>, vector<16xf32>,
    %gather3A_373 = tpu.vector_load_idx %arg11[%broadcast_in_dim3A_360, %get3A_80] : memref<32x2048xf32, #tpu.memory_space<vmem>>[vector<16xi32>, vector<16xi32>], vector<16xf32>,
    %swap3A_374 = arith.constant 1344 : index
    %swap3A_375 = tpu.vector_load %arg12[%swap3A_374] {strides = array<i32>} : memref<4096xf32, #tpu.memory_space<vmem>>, vector<16xf32>,
    tpu.vector_store %arg12[%swap3A_374], %gather3A_373 {strides = array<i32>} : memref<4096xf32, #tpu.memory_space<vmem>>, vector<16xf32>,
    %gather3A_376 = tpu.vector_load_idx %arg11[%broadcast_in_dim3A_360, %get3A_82] : memref<32x2048xf32, #tpu.memory_space<vmem>>[vector<16xi32>, vector<16xi32>], vector<16xf32>,
    %swap3A_377 = arith.constant 1360 : index
    %swap3A_378 = tpu.vector_load %arg12[%swap3A_377] {strides = array<i32>} : memref<4096xf32, #tpu.memory_space<vmem>>, vector<16xf32>,
    tpu.vector_store %arg12[%swap3A_377], %gather3A_376 {strides = array<i32>} : memref<4096xf32, #tpu.memory_space<vmem>>, vector<16xf32>,
    %gather3A_379 = tpu.vector_load_idx %arg11[%broadcast_in_dim3A_360, %get3A_84] : memref<32x2048xf32, #tpu.memory_space<vmem>>[vector<16xi32>, vector<16xi32>], vector<16xf32>,
    %swap3A_380 = arith.constant 1376 : index
    %swap3A_381 = tpu.vector_load %arg12[%swap3A_380] {strides = array<i32>} : memref<4096xf32, #tpu.memory_space<vmem>>, vector<16xf32>,
    tpu.vector_store %arg12[%swap3A_380], %gather3A_379 {strides = array<i32>} : memref<4096xf32, #tpu.memory_space<vmem>>, vector<16xf32>,
    %gather3A_382 = tpu.vector_load_idx %arg11[%broadcast_in_dim3A_360, %get3A_86] : memref<32x2048xf32, #tpu.memory_space<vmem>>[vector<16xi32>, vector<16xi32>], vector<16xf32>,
    %swap3A_383 = arith.constant 1392 : index
    %swap3A_384 = tpu.vector_load %arg12[%swap3A_383] {strides = array<i32>} : memref<4096xf32, #tpu.memory_space<vmem>>, vector<16xf32>,
    tpu.vector_store %arg12[%swap3A_383], %gather3A_382 {strides = array<i32>} : memref<4096xf32, #tpu.memory_space<vmem>>, vector<16xf32>,
    %broadcast_in_dim3A_385 = arith.constant 11 : i32
    %broadcast_in_dim3A_386 = vector.broadcast %broadcast_in_dim3A_385 : i32 to vector<16xi32>
    %gather3A_387 = tpu.vector_load_idx %arg11[%broadcast_in_dim3A_386, %get3A_72] : memref<32x2048xf32, #tpu.memory_space<vmem>>[vector<16xi32>, vector<16xi32>], vector<16xf32>,
    %swap3A_388 = arith.constant 1408 : index
    %swap3A_389 = tpu.vector_load %arg12[%swap3A_388] {strides = array<i32>} : memref<4096xf32, #tpu.memory_space<vmem>>, vector<16xf32>,
    tpu.vector_store %arg12[%swap3A_388], %gather3A_387 {strides = array<i32>} : memref<4096xf32, #tpu.memory_space<vmem>>, vector<16xf32>,
    %gather3A_390 = tpu.vector_load_idx %arg11[%broadcast_in_dim3A_386, %get3A_74] : memref<32x2048xf32, #tpu.memory_space<vmem>>[vector<16xi32>, vector<16xi32>], vector<16xf32>,
    %swap3A_391 = arith.constant 1424 : index
    %swap3A_392 = tpu.vector_load %arg12[%swap3A_391] {strides = array<i32>} : memref<4096xf32, #tpu.memory_space<vmem>>, vector<16xf32>,
    tpu.vector_store %arg12[%swap3A_391], %gather3A_390 {strides = array<i32>} : memref<4096xf32, #tpu.memory_space<vmem>>, vector<16xf32>,
    %gather3A_393 = tpu.vector_load_idx %arg11[%broadcast_in_dim3A_386, %get3A_76] : memref<32x2048xf32, #tpu.memory_space<vmem>>[vector<16xi32>, vector<16xi32>], vector<16xf32>,
    %swap3A_394 = arith.constant 1440 : index
    %swap3A_395 = tpu.vector_load %arg12[%swap3A_394] {strides = array<i32>} : memref<4096xf32, #tpu.memory_space<vmem>>, vector<16xf32>,
    tpu.vector_store %arg12[%swap3A_394], %gather3A_393 {strides = array<i32>} : memref<4096xf32, #tpu.memory_space<vmem>>, vector<16xf32>,
    %gather3A_396 = tpu.vector_load_idx %arg11[%broadcast_in_dim3A_386, %get3A_78] : memref<32x2048xf32, #tpu.memory_space<vmem>>[vector<16xi32>, vector<16xi32>], vector<16xf32>,
    %swap3A_397 = arith.constant 1456 : index
    %swap3A_398 = tpu.vector_load %arg12[%swap3A_397] {strides = array<i32>} : memref<4096xf32, #tpu.memory_space<vmem>>, vector<16xf32>,
    tpu.vector_store %arg12[%swap3A_397], %gather3A_396 {strides = array<i32>} : memref<4096xf32, #tpu.memory_space<vmem>>, vector<16xf32>,
    %gather3A_399 = tpu.vector_load_idx %arg11[%broadcast_in_dim3A_386, %get3A_80] : memref<32x2048xf32, #tpu.memory_space<vmem>>[vector<16xi32>, vector<16xi32>], vector<16xf32>,
    %swap3A_400 = arith.constant 1472 : index
    %swap3A_401 = tpu.vector_load %arg12[%swap3A_400] {strides = array<i32>} : memref<4096xf32, #tpu.memory_space<vmem>>, vector<16xf32>,
    tpu.vector_store %arg12[%swap3A_400], %gather3A_399 {strides = array<i32>} : memref<4096xf32, #tpu.memory_space<vmem>>, vector<16xf32>,
    %gather3A_402 = tpu.vector_load_idx %arg11[%broadcast_in_dim3A_386, %get3A_82] : memref<32x2048xf32, #tpu.memory_space<vmem>>[vector<16xi32>, vector<16xi32>], vector<16xf32>,
    %swap3A_403 = arith.constant 1488 : index
    %swap3A_404 = tpu.vector_load %arg12[%swap3A_403] {strides = array<i32>} : memref<4096xf32, #tpu.memory_space<vmem>>, vector<16xf32>,
    tpu.vector_store %arg12[%swap3A_403], %gather3A_402 {strides = array<i32>} : memref<4096xf32, #tpu.memory_space<vmem>>, vector<16xf32>,
    %gather3A_405 = tpu.vector_load_idx %arg11[%broadcast_in_dim3A_386, %get3A_84] : memref<32x2048xf32, #tpu.memory_space<vmem>>[vector<16xi32>, vector<16xi32>], vector<16xf32>,
    %swap3A_406 = arith.constant 1504 : index
    %swap3A_407 = tpu.vector_load %arg12[%swap3A_406] {strides = array<i32>} : memref<4096xf32, #tpu.memory_space<vmem>>, vector<16xf32>,
    tpu.vector_store %arg12[%swap3A_406], %gather3A_405 {strides = array<i32>} : memref<4096xf32, #tpu.memory_space<vmem>>, vector<16xf32>,
    %gather3A_408 = tpu.vector_load_idx %arg11[%broadcast_in_dim3A_386, %get3A_86] : memref<32x2048xf32, #tpu.memory_space<vmem>>[vector<16xi32>, vector<16xi32>], vector<16xf32>,
    %swap3A_409 = arith.constant 1520 : index
    %swap3A_410 = tpu.vector_load %arg12[%swap3A_409] {strides = array<i32>} : memref<4096xf32, #tpu.memory_space<vmem>>, vector<16xf32>,
    tpu.vector_store %arg12[%swap3A_409], %gather3A_408 {strides = array<i32>} : memref<4096xf32, #tpu.memory_space<vmem>>, vector<16xf32>,
    %broadcast_in_dim3A_411 = arith.constant 12 : i32
    %broadcast_in_dim3A_412 = vector.broadcast %broadcast_in_dim3A_411 : i32 to vector<16xi32>
    %gather3A_413 = tpu.vector_load_idx %arg11[%broadcast_in_dim3A_412, %get3A_72] : memref<32x2048xf32, #tpu.memory_space<vmem>>[vector<16xi32>, vector<16xi32>], vector<16xf32>,
    %swap3A_414 = arith.constant 1536 : index
    %swap3A_415 = tpu.vector_load %arg12[%swap3A_414] {strides = array<i32>} : memref<4096xf32, #tpu.memory_space<vmem>>, vector<16xf32>,
    tpu.vector_store %arg12[%swap3A_414], %gather3A_413 {strides = array<i32>} : memref<4096xf32, #tpu.memory_space<vmem>>, vector<16xf32>,
    %gather3A_416 = tpu.vector_load_idx %arg11[%broadcast_in_dim3A_412, %get3A_74] : memref<32x2048xf32, #tpu.memory_space<vmem>>[vector<16xi32>, vector<16xi32>], vector<16xf32>,
    %swap3A_417 = arith.constant 1552 : index
    %swap3A_418 = tpu.vector_load %arg12[%swap3A_417] {strides = array<i32>} : memref<4096xf32, #tpu.memory_space<vmem>>, vector<16xf32>,
    tpu.vector_store %arg12[%swap3A_417], %gather3A_416 {strides = array<i32>} : memref<4096xf32, #tpu.memory_space<vmem>>, vector<16xf32>,
    %gather3A_419 = tpu.vector_load_idx %arg11[%broadcast_in_dim3A_412, %get3A_76] : memref<32x2048xf32, #tpu.memory_space<vmem>>[vector<16xi32>, vector<16xi32>], vector<16xf32>,
    %swap3A_420 = arith.constant 1568 : index
    %swap3A_421 = tpu.vector_load %arg12[%swap3A_420] {strides = array<i32>} : memref<4096xf32, #tpu.memory_space<vmem>>, vector<16xf32>,
    tpu.vector_store %arg12[%swap3A_420], %gather3A_419 {strides = array<i32>} : memref<4096xf32, #tpu.memory_space<vmem>>, vector<16xf32>,
    %gather3A_422 = tpu.vector_load_idx %arg11[%broadcast_in_dim3A_412, %get3A_78] : memref<32x2048xf32, #tpu.memory_space<vmem>>[vector<16xi32>, vector<16xi32>], vector<16xf32>,
    %swap3A_423 = arith.constant 1584 : index
    %swap3A_424 = tpu.vector_load %arg12[%swap3A_423] {strides = array<i32>} : memref<4096xf32, #tpu.memory_space<vmem>>, vector<16xf32>,
    tpu.vector_store %arg12[%swap3A_423], %gather3A_422 {strides = array<i32>} : memref<4096xf32, #tpu.memory_space<vmem>>, vector<16xf32>,
    %gather3A_425 = tpu.vector_load_idx %arg11[%broadcast_in_dim3A_412, %get3A_80] : memref<32x2048xf32, #tpu.memory_space<vmem>>[vector<16xi32>, vector<16xi32>], vector<16xf32>,
    %swap3A_426 = arith.constant 1600 : index
    %swap3A_427 = tpu.vector_load %arg12[%swap3A_426] {strides = array<i32>} : memref<4096xf32, #tpu.memory_space<vmem>>, vector<16xf32>,
    tpu.vector_store %arg12[%swap3A_426], %gather3A_425 {strides = array<i32>} : memref<4096xf32, #tpu.memory_space<vmem>>, vector<16xf32>,
    %gather3A_428 = tpu.vector_load_idx %arg11[%broadcast_in_dim3A_412, %get3A_82] : memref<32x2048xf32, #tpu.memory_space<vmem>>[vector<16xi32>, vector<16xi32>], vector<16xf32>,
    %swap3A_429 = arith.constant 1616 : index
    %swap3A_430 = tpu.vector_load %arg12[%swap3A_429] {strides = array<i32>} : memref<4096xf32, #tpu.memory_space<vmem>>, vector<16xf32>,
    tpu.vector_store %arg12[%swap3A_429], %gather3A_428 {strides = array<i32>} : memref<4096xf32, #tpu.memory_space<vmem>>, vector<16xf32>,
    %gather3A_431 = tpu.vector_load_idx %arg11[%broadcast_in_dim3A_412, %get3A_84] : memref<32x2048xf32, #tpu.memory_space<vmem>>[vector<16xi32>, vector<16xi32>], vector<16xf32>,
    %swap3A_432 = arith.constant 1632 : index
    %swap3A_433 = tpu.vector_load %arg12[%swap3A_432] {strides = array<i32>} : memref<4096xf32, #tpu.memory_space<vmem>>, vector<16xf32>,
    tpu.vector_store %arg12[%swap3A_432], %gather3A_431 {strides = array<i32>} : memref<4096xf32, #tpu.memory_space<vmem>>, vector<16xf32>,
    %gather3A_434 = tpu.vector_load_idx %arg11[%broadcast_in_dim3A_412, %get3A_86] : memref<32x2048xf32, #tpu.memory_space<vmem>>[vector<16xi32>, vector<16xi32>], vector<16xf32>,
    %swap3A_435 = arith.constant 1648 : index
    %swap3A_436 = tpu.vector_load %arg12[%swap3A_435] {strides = array<i32>} : memref<4096xf32, #tpu.memory_space<vmem>>, vector<16xf32>,
    tpu.vector_store %arg12[%swap3A_435], %gather3A_434 {strides = array<i32>} : memref<4096xf32, #tpu.memory_space<vmem>>, vector<16xf32>,
    %broadcast_in_dim3A_437 = arith.constant 13 : i32
    %broadcast_in_dim3A_438 = vector.broadcast %broadcast_in_dim3A_437 : i32 to vector<16xi32>
    %gather3A_439 = tpu.vector_load_idx %arg11[%broadcast_in_dim3A_438, %get3A_72] : memref<32x2048xf32, #tpu.memory_space<vmem>>[vector<16xi32>, vector<16xi32>], vector<16xf32>,
    %swap3A_440 = arith.constant 1664 : index
    %swap3A_441 = tpu.vector_load %arg12[%swap3A_440] {strides = array<i32>} : memref<4096xf32, #tpu.memory_space<vmem>>, vector<16xf32>,
    tpu.vector_store %arg12[%swap3A_440], %gather3A_439 {strides = array<i32>} : memref<4096xf32, #tpu.memory_space<vmem>>, vector<16xf32>,
    %gather3A_442 = tpu.vector_load_idx %arg11[%broadcast_in_dim3A_438, %get3A_74] : memref<32x2048xf32, #tpu.memory_space<vmem>>[vector<16xi32>, vector<16xi32>], vector<16xf32>,
    %swap3A_443 = arith.constant 1680 : index
    %swap3A_444 = tpu.vector_load %arg12[%swap3A_443] {strides = array<i32>} : memref<4096xf32, #tpu.memory_space<vmem>>, vector<16xf32>,
    tpu.vector_store %arg12[%swap3A_443], %gather3A_442 {strides = array<i32>} : memref<4096xf32, #tpu.memory_space<vmem>>, vector<16xf32>,
    %gather3A_445 = tpu.vector_load_idx %arg11[%broadcast_in_dim3A_438, %get3A_76] : memref<32x2048xf32, #tpu.memory_space<vmem>>[vector<16xi32>, vector<16xi32>], vector<16xf32>,
    %swap3A_446 = arith.constant 1696 : index
    %swap3A_447 = tpu.vector_load %arg12[%swap3A_446] {strides = array<i32>} : memref<4096xf32, #tpu.memory_space<vmem>>, vector<16xf32>,
    tpu.vector_store %arg12[%swap3A_446], %gather3A_445 {strides = array<i32>} : memref<4096xf32, #tpu.memory_space<vmem>>, vector<16xf32>,
    %gather3A_448 = tpu.vector_load_idx %arg11[%broadcast_in_dim3A_438, %get3A_78] : memref<32x2048xf32, #tpu.memory_space<vmem>>[vector<16xi32>, vector<16xi32>], vector<16xf32>,
    %swap3A_449 = arith.constant 1712 : index
    %swap3A_450 = tpu.vector_load %arg12[%swap3A_449] {strides = array<i32>} : memref<4096xf32, #tpu.memory_space<vmem>>, vector<16xf32>,
    tpu.vector_store %arg12[%swap3A_449], %gather3A_448 {strides = array<i32>} : memref<4096xf32, #tpu.memory_space<vmem>>, vector<16xf32>,
    %gather3A_451 = tpu.vector_load_idx %arg11[%broadcast_in_dim3A_438, %get3A_80] : memref<32x2048xf32, #tpu.memory_space<vmem>>[vector<16xi32>, vector<16xi32>], vector<16xf32>,
    %swap3A_452 = arith.constant 1728 : index
    %swap3A_453 = tpu.vector_load %arg12[%swap3A_452] {strides = array<i32>} : memref<4096xf32, #tpu.memory_space<vmem>>, vector<16xf32>,
    tpu.vector_store %arg12[%swap3A_452], %gather3A_451 {strides = array<i32>} : memref<4096xf32, #tpu.memory_space<vmem>>, vector<16xf32>,
    %gather3A_454 = tpu.vector_load_idx %arg11[%broadcast_in_dim3A_438, %get3A_82] : memref<32x2048xf32, #tpu.memory_space<vmem>>[vector<16xi32>, vector<16xi32>], vector<16xf32>,
    %swap3A_455 = arith.constant 1744 : index
    %swap3A_456 = tpu.vector_load %arg12[%swap3A_455] {strides = array<i32>} : memref<4096xf32, #tpu.memory_space<vmem>>, vector<16xf32>,
    tpu.vector_store %arg12[%swap3A_455], %gather3A_454 {strides = array<i32>} : memref<4096xf32, #tpu.memory_space<vmem>>, vector<16xf32>,
    %gather3A_457 = tpu.vector_load_idx %arg11[%broadcast_in_dim3A_438, %get3A_84] : memref<32x2048xf32, #tpu.memory_space<vmem>>[vector<16xi32>, vector<16xi32>], vector<16xf32>,
    %swap3A_458 = arith.constant 1760 : index
    %swap3A_459 = tpu.vector_load %arg12[%swap3A_458] {strides = array<i32>} : memref<4096xf32, #tpu.memory_space<vmem>>, vector<16xf32>,
    tpu.vector_store %arg12[%swap3A_458], %gather3A_457 {strides = array<i32>} : memref<4096xf32, #tpu.memory_space<vmem>>, vector<16xf32>,
    %gather3A_460 = tpu.vector_load_idx %arg11[%broadcast_in_dim3A_438, %get3A_86] : memref<32x2048xf32, #tpu.memory_space<vmem>>[vector<16xi32>, vector<16xi32>], vector<16xf32>,
    %swap3A_461 = arith.constant 1776 : index
    %swap3A_462 = tpu.vector_load %arg12[%swap3A_461] {strides = array<i32>} : memref<4096xf32, #tpu.memory_space<vmem>>, vector<16xf32>,
    tpu.vector_store %arg12[%swap3A_461], %gather3A_460 {strides = array<i32>} : memref<4096xf32, #tpu.memory_space<vmem>>, vector<16xf32>,
    %broadcast_in_dim3A_463 = arith.constant 14 : i32
    %broadcast_in_dim3A_464 = vector.broadcast %broadcast_in_dim3A_463 : i32 to vector<16xi32>
    %gather3A_465 = tpu.vector_load_idx %arg11[%broadcast_in_dim3A_464, %get3A_72] : memref<32x2048xf32, #tpu.memory_space<vmem>>[vector<16xi32>, vector<16xi32>], vector<16xf32>,
    %swap3A_466 = arith.constant 1792 : index
    %swap3A_467 = tpu.vector_load %arg12[%swap3A_466] {strides = array<i32>} : memref<4096xf32, #tpu.memory_space<vmem>>, vector<16xf32>,
    tpu.vector_store %arg12[%swap3A_466], %gather3A_465 {strides = array<i32>} : memref<4096xf32, #tpu.memory_space<vmem>>, vector<16xf32>,
    %gather3A_468 = tpu.vector_load_idx %arg11[%broadcast_in_dim3A_464, %get3A_74] : memref<32x2048xf32, #tpu.memory_space<vmem>>[vector<16xi32>, vector<16xi32>], vector<16xf32>,
    %swap3A_469 = arith.constant 1808 : index
    %swap3A_470 = tpu.vector_load %arg12[%swap3A_469] {strides = array<i32>} : memref<4096xf32, #tpu.memory_space<vmem>>, vector<16xf32>,
    tpu.vector_store %arg12[%swap3A_469], %gather3A_468 {strides = array<i32>} : memref<4096xf32, #tpu.memory_space<vmem>>, vector<16xf32>,
    %gather3A_471 = tpu.vector_load_idx %arg11[%broadcast_in_dim3A_464, %get3A_76] : memref<32x2048xf32, #tpu.memory_space<vmem>>[vector<16xi32>, vector<16xi32>], vector<16xf32>,
    %swap3A_472 = arith.constant 1824 : index
    %swap3A_473 = tpu.vector_load %arg12[%swap3A_472] {strides = array<i32>} : memref<4096xf32, #tpu.memory_space<vmem>>, vector<16xf32>,
    tpu.vector_store %arg12[%swap3A_472], %gather3A_471 {strides = array<i32>} : memref<4096xf32, #tpu.memory_space<vmem>>, vector<16xf32>,
    %gather3A_474 = tpu.vector_load_idx %arg11[%broadcast_in_dim3A_464, %get3A_78] : memref<32x2048xf32, #tpu.memory_space<vmem>>[vector<16xi32>, vector<16xi32>], vector<16xf32>,
    %swap3A_475 = arith.constant 1840 : index
    %swap3A_476 = tpu.vector_load %arg12[%swap3A_475] {strides = array<i32>} : memref<4096xf32, #tpu.memory_space<vmem>>, vector<16xf32>,
    tpu.vector_store %arg12[%swap3A_475], %gather3A_474 {strides = array<i32>} : memref<4096xf32, #tpu.memory_space<vmem>>, vector<16xf32>,
    %gather3A_477 = tpu.vector_load_idx %arg11[%broadcast_in_dim3A_464, %get3A_80] : memref<32x2048xf32, #tpu.memory_space<vmem>>[vector<16xi32>, vector<16xi32>], vector<16xf32>,
    %swap3A_478 = arith.constant 1856 : index
    %swap3A_479 = tpu.vector_load %arg12[%swap3A_478] {strides = array<i32>} : memref<4096xf32, #tpu.memory_space<vmem>>, vector<16xf32>,
    tpu.vector_store %arg12[%swap3A_478], %gather3A_477 {strides = array<i32>} : memref<4096xf32, #tpu.memory_space<vmem>>, vector<16xf32>,
    %gather3A_480 = tpu.vector_load_idx %arg11[%broadcast_in_dim3A_464, %get3A_82] : memref<32x2048xf32, #tpu.memory_space<vmem>>[vector<16xi32>, vector<16xi32>], vector<16xf32>,
    %swap3A_481 = arith.constant 1872 : index
    %swap3A_482 = tpu.vector_load %arg12[%swap3A_481] {strides = array<i32>} : memref<4096xf32, #tpu.memory_space<vmem>>, vector<16xf32>,
    tpu.vector_store %arg12[%swap3A_481], %gather3A_480 {strides = array<i32>} : memref<4096xf32, #tpu.memory_space<vmem>>, vector<16xf32>,
    %gather3A_483 = tpu.vector_load_idx %arg11[%broadcast_in_dim3A_464, %get3A_84] : memref<32x2048xf32, #tpu.memory_space<vmem>>[vector<16xi32>, vector<16xi32>], vector<16xf32>,
    %swap3A_484 = arith.constant 1888 : index
    %swap3A_485 = tpu.vector_load %arg12[%swap3A_484] {strides = array<i32>} : memref<4096xf32, #tpu.memory_space<vmem>>, vector<16xf32>,
    tpu.vector_store %arg12[%swap3A_484], %gather3A_483 {strides = array<i32>} : memref<4096xf32, #tpu.memory_space<vmem>>, vector<16xf32>,
    %gather3A_486 = tpu.vector_load_idx %arg11[%broadcast_in_dim3A_464, %get3A_86] : memref<32x2048xf32, #tpu.memory_space<vmem>>[vector<16xi32>, vector<16xi32>], vector<16xf32>,
    %swap3A_487 = arith.constant 1904 : index
    %swap3A_488 = tpu.vector_load %arg12[%swap3A_487] {strides = array<i32>} : memref<4096xf32, #tpu.memory_space<vmem>>, vector<16xf32>,
    tpu.vector_store %arg12[%swap3A_487], %gather3A_486 {strides = array<i32>} : memref<4096xf32, #tpu.memory_space<vmem>>, vector<16xf32>,
    %broadcast_in_dim3A_489 = arith.constant 15 : i32
    %broadcast_in_dim3A_490 = vector.broadcast %broadcast_in_dim3A_489 : i32 to vector<16xi32>
    %gather3A_491 = tpu.vector_load_idx %arg11[%broadcast_in_dim3A_490, %get3A_72] : memref<32x2048xf32, #tpu.memory_space<vmem>>[vector<16xi32>, vector<16xi32>], vector<16xf32>,
    %swap3A_492 = arith.constant 1920 : index
    %swap3A_493 = tpu.vector_load %arg12[%swap3A_492] {strides = array<i32>} : memref<4096xf32, #tpu.memory_space<vmem>>, vector<16xf32>,
    tpu.vector_store %arg12[%swap3A_492], %gather3A_491 {strides = array<i32>} : memref<4096xf32, #tpu.memory_space<vmem>>, vector<16xf32>,
    %gather3A_494 = tpu.vector_load_idx %arg11[%broadcast_in_dim3A_490, %get3A_74] : memref<32x2048xf32, #tpu.memory_space<vmem>>[vector<16xi32>, vector<16xi32>], vector<16xf32>,
    %swap3A_495 = arith.constant 1936 : index
    %swap3A_496 = tpu.vector_load %arg12[%swap3A_495] {strides = array<i32>} : memref<4096xf32, #tpu.memory_space<vmem>>, vector<16xf32>,
    tpu.vector_store %arg12[%swap3A_495], %gather3A_494 {strides = array<i32>} : memref<4096xf32, #tpu.memory_space<vmem>>, vector<16xf32>,
    %gather3A_497 = tpu.vector_load_idx %arg11[%broadcast_in_dim3A_490, %get3A_76] : memref<32x2048xf32, #tpu.memory_space<vmem>>[vector<16xi32>, vector<16xi32>], vector<16xf32>,
    %swap3A_498 = arith.constant 1952 : index
    %swap3A_499 = tpu.vector_load %arg12[%swap3A_498] {strides = array<i32>} : memref<4096xf32, #tpu.memory_space<vmem>>, vector<16xf32>,
    tpu.vector_store %arg12[%swap3A_498], %gather3A_497 {strides = array<i32>} : memref<4096xf32, #tpu.memory_space<vmem>>, vector<16xf32>,
    %gather3A_500 = tpu.vector_load_idx %arg11[%broadcast_in_dim3A_490, %get3A_78] : memref<32x2048xf32, #tpu.memory_space<vmem>>[vector<16xi32>, vector<16xi32>], vector<16xf32>,
    %swap3A_501 = arith.constant 1968 : index
    %swap3A_502 = tpu.vector_load %arg12[%swap3A_501] {strides = array<i32>} : memref<4096xf32, #tpu.memory_space<vmem>>, vector<16xf32>,
    tpu.vector_store %arg12[%swap3A_501], %gather3A_500 {strides = array<i32>} : memref<4096xf32, #tpu.memory_space<vmem>>, vector<16xf32>,
    %gather3A_503 = tpu.vector_load_idx %arg11[%broadcast_in_dim3A_490, %get3A_80] : memref<32x2048xf32, #tpu.memory_space<vmem>>[vector<16xi32>, vector<16xi32>], vector<16xf32>,
    %swap3A_504 = arith.constant 1984 : index
    %swap3A_505 = tpu.vector_load %arg12[%swap3A_504] {strides = array<i32>} : memref<4096xf32, #tpu.memory_space<vmem>>, vector<16xf32>,
    tpu.vector_store %arg12[%swap3A_504], %gather3A_503 {strides = array<i32>} : memref<4096xf32, #tpu.memory_space<vmem>>, vector<16xf32>,
    %gather3A_506 = tpu.vector_load_idx %arg11[%broadcast_in_dim3A_490, %get3A_82] : memref<32x2048xf32, #tpu.memory_space<vmem>>[vector<16xi32>, vector<16xi32>], vector<16xf32>,
    %swap3A_507 = arith.constant 2000 : index
    %swap3A_508 = tpu.vector_load %arg12[%swap3A_507] {strides = array<i32>} : memref<4096xf32, #tpu.memory_space<vmem>>, vector<16xf32>,
    tpu.vector_store %arg12[%swap3A_507], %gather3A_506 {strides = array<i32>} : memref<4096xf32, #tpu.memory_space<vmem>>, vector<16xf32>,
    %gather3A_509 = tpu.vector_load_idx %arg11[%broadcast_in_dim3A_490, %get3A_84] : memref<32x2048xf32, #tpu.memory_space<vmem>>[vector<16xi32>, vector<16xi32>], vector<16xf32>,
    %swap3A_510 = arith.constant 2016 : index
    %swap3A_511 = tpu.vector_load %arg12[%swap3A_510] {strides = array<i32>} : memref<4096xf32, #tpu.memory_space<vmem>>, vector<16xf32>,
    tpu.vector_store %arg12[%swap3A_510], %gather3A_509 {strides = array<i32>} : memref<4096xf32, #tpu.memory_space<vmem>>, vector<16xf32>,
    %gather3A_512 = tpu.vector_load_idx %arg11[%broadcast_in_dim3A_490, %get3A_86] : memref<32x2048xf32, #tpu.memory_space<vmem>>[vector<16xi32>, vector<16xi32>], vector<16xf32>,
    %swap3A_513 = arith.constant 2032 : index
    %swap3A_514 = tpu.vector_load %arg12[%swap3A_513] {strides = array<i32>} : memref<4096xf32, #tpu.memory_space<vmem>>, vector<16xf32>,
    tpu.vector_store %arg12[%swap3A_513], %gather3A_512 {strides = array<i32>} : memref<4096xf32, #tpu.memory_space<vmem>>, vector<16xf32>,
    %dma_wait3A_515 = arith.constant 16 : i32
    %dma_wait3A_516 = arith.constant 0 : i32
    %dma_wait3A_517 = tpu.memref_slice %arg11[%dma_wait3A_515, %dma_wait3A_516] : memref<32x2048xf32, #tpu.memory_space<vmem>> -> memref<8x2048xf32, #tpu.memory_space<vmem>>
    %dma_wait3A_518 = arith.constant 16 : i32
    %dma_wait3A_519 = tpu.memref_slice %arg8[%dma_wait3A_518] : memref<32xi32, #tpu.memory_space<vmem>> -> memref<8xi32, #tpu.memory_space<vmem>>
    %dma_wait3A_520 = arith.constant 0 : i32
    %dma_wait3A_521 = arith.constant 0 : i32
    %dma_wait3A_522 = tpu.memref_slice %arg5[%dma_wait3A_520, %dma_wait3A_521] : memref<16384x2048xf32, #tpu.memory_space<hbm>> -> memref<16384x2048xf32, #tpu.memory_space<hbm>>
    tpu.wait_indirect_dma semaphore(%arg16 : memref<!tpu.dma_semaphore, #tpu.memory_space<semaphore_mem>>) src(%dma_wait3A_522 : memref<16384x2048xf32, #tpu.memory_space<hbm>>) dst(%dma_wait3A_517 : memref<8x2048xf32, #tpu.memory_space<vmem>>)
    %broadcast_in_dim3A_523 = arith.constant 16 : i32
    %broadcast_in_dim3A_524 = vector.broadcast %broadcast_in_dim3A_523 : i32 to vector<16xi32>
    %gather3A_525 = tpu.vector_load_idx %arg11[%broadcast_in_dim3A_524, %get3A_72] : memref<32x2048xf32, #tpu.memory_space<vmem>>[vector<16xi32>, vector<16xi32>], vector<16xf32>,
    %swap3A_526 = arith.constant 2048 : index
    %swap3A_527 = tpu.vector_load %arg12[%swap3A_526] {strides = array<i32>} : memref<4096xf32, #tpu.memory_space<vmem>>, vector<16xf32>,
    tpu.vector_store %arg12[%swap3A_526], %gather3A_525 {strides = array<i32>} : memref<4096xf32, #tpu.memory_space<vmem>>, vector<16xf32>,
    %gather3A_528 = tpu.vector_load_idx %arg11[%broadcast_in_dim3A_524, %get3A_74] : memref<32x2048xf32, #tpu.memory_space<vmem>>[vector<16xi32>, vector<16xi32>], vector<16xf32>,
    %swap3A_529 = arith.constant 2064 : index
    %swap3A_530 = tpu.vector_load %arg12[%swap3A_529] {strides = array<i32>} : memref<4096xf32, #tpu.memory_space<vmem>>, vector<16xf32>,
    tpu.vector_store %arg12[%swap3A_529], %gather3A_528 {strides = array<i32>} : memref<4096xf32, #tpu.memory_space<vmem>>, vector<16xf32>,
    %gather3A_531 = tpu.vector_load_idx %arg11[%broadcast_in_dim3A_524, %get3A_76] : memref<32x2048xf32, #tpu.memory_space<vmem>>[vector<16xi32>, vector<16xi32>], vector<16xf32>,
    %swap3A_532 = arith.constant 2080 : index
    %swap3A_533 = tpu.vector_load %arg12[%swap3A_532] {strides = array<i32>} : memref<4096xf32, #tpu.memory_space<vmem>>, vector<16xf32>,
    tpu.vector_store %arg12[%swap3A_532], %gather3A_531 {strides = array<i32>} : memref<4096xf32, #tpu.memory_space<vmem>>, vector<16xf32>,
    %gather3A_534 = tpu.vector_load_idx %arg11[%broadcast_in_dim3A_524, %get3A_78] : memref<32x2048xf32, #tpu.memory_space<vmem>>[vector<16xi32>, vector<16xi32>], vector<16xf32>,
    %swap3A_535 = arith.constant 2096 : index
    %swap3A_536 = tpu.vector_load %arg12[%swap3A_535] {strides = array<i32>} : memref<4096xf32, #tpu.memory_space<vmem>>, vector<16xf32>,
    tpu.vector_store %arg12[%swap3A_535], %gather3A_534 {strides = array<i32>} : memref<4096xf32, #tpu.memory_space<vmem>>, vector<16xf32>,
    %gather3A_537 = tpu.vector_load_idx %arg11[%broadcast_in_dim3A_524, %get3A_80] : memref<32x2048xf32, #tpu.memory_space<vmem>>[vector<16xi32>, vector<16xi32>], vector<16xf32>,
    %swap3A_538 = arith.constant 2112 : index
    %swap3A_539 = tpu.vector_load %arg12[%swap3A_538] {strides = array<i32>} : memref<4096xf32, #tpu.memory_space<vmem>>, vector<16xf32>,
    tpu.vector_store %arg12[%swap3A_538], %gather3A_537 {strides = array<i32>} : memref<4096xf32, #tpu.memory_space<vmem>>, vector<16xf32>,
    %gather3A_540 = tpu.vector_load_idx %arg11[%broadcast_in_dim3A_524, %get3A_82] : memref<32x2048xf32, #tpu.memory_space<vmem>>[vector<16xi32>, vector<16xi32>], vector<16xf32>,
    %swap3A_541 = arith.constant 2128 : index
    %swap3A_542 = tpu.vector_load %arg12[%swap3A_541] {strides = array<i32>} : memref<4096xf32, #tpu.memory_space<vmem>>, vector<16xf32>,
    tpu.vector_store %arg12[%swap3A_541], %gather3A_540 {strides = array<i32>} : memref<4096xf32, #tpu.memory_space<vmem>>, vector<16xf32>,
    %gather3A_543 = tpu.vector_load_idx %arg11[%broadcast_in_dim3A_524, %get3A_84] : memref<32x2048xf32, #tpu.memory_space<vmem>>[vector<16xi32>, vector<16xi32>], vector<16xf32>,
    %swap3A_544 = arith.constant 2144 : index
    %swap3A_545 = tpu.vector_load %arg12[%swap3A_544] {strides = array<i32>} : memref<4096xf32, #tpu.memory_space<vmem>>, vector<16xf32>,
    tpu.vector_store %arg12[%swap3A_544], %gather3A_543 {strides = array<i32>} : memref<4096xf32, #tpu.memory_space<vmem>>, vector<16xf32>,
    %gather3A_546 = tpu.vector_load_idx %arg11[%broadcast_in_dim3A_524, %get3A_86] : memref<32x2048xf32, #tpu.memory_space<vmem>>[vector<16xi32>, vector<16xi32>], vector<16xf32>,
    %swap3A_547 = arith.constant 2160 : index
    %swap3A_548 = tpu.vector_load %arg12[%swap3A_547] {strides = array<i32>} : memref<4096xf32, #tpu.memory_space<vmem>>, vector<16xf32>,
    tpu.vector_store %arg12[%swap3A_547], %gather3A_546 {strides = array<i32>} : memref<4096xf32, #tpu.memory_space<vmem>>, vector<16xf32>,
    %broadcast_in_dim3A_549 = arith.constant 17 : i32
    %broadcast_in_dim3A_550 = vector.broadcast %broadcast_in_dim3A_549 : i32 to vector<16xi32>
    %gather3A_551 = tpu.vector_load_idx %arg11[%broadcast_in_dim3A_550, %get3A_72] : memref<32x2048xf32, #tpu.memory_space<vmem>>[vector<16xi32>, vector<16xi32>], vector<16xf32>,
    %swap3A_552 = arith.constant 2176 : index
    %swap3A_553 = tpu.vector_load %arg12[%swap3A_552] {strides = array<i32>} : memref<4096xf32, #tpu.memory_space<vmem>>, vector<16xf32>,
    tpu.vector_store %arg12[%swap3A_552], %gather3A_551 {strides = array<i32>} : memref<4096xf32, #tpu.memory_space<vmem>>, vector<16xf32>,
    %gather3A_554 = tpu.vector_load_idx %arg11[%broadcast_in_dim3A_550, %get3A_74] : memref<32x2048xf32, #tpu.memory_space<vmem>>[vector<16xi32>, vector<16xi32>], vector<16xf32>,
    %swap3A_555 = arith.constant 2192 : index
    %swap3A_556 = tpu.vector_load %arg12[%swap3A_555] {strides = array<i32>} : memref<4096xf32, #tpu.memory_space<vmem>>, vector<16xf32>,
    tpu.vector_store %arg12[%swap3A_555], %gather3A_554 {strides = array<i32>} : memref<4096xf32, #tpu.memory_space<vmem>>, vector<16xf32>,
    %gather3A_557 = tpu.vector_load_idx %arg11[%broadcast_in_dim3A_550, %get3A_76] : memref<32x2048xf32, #tpu.memory_space<vmem>>[vector<16xi32>, vector<16xi32>], vector<16xf32>,
    %swap3A_558 = arith.constant 2208 : index
    %swap3A_559 = tpu.vector_load %arg12[%swap3A_558] {strides = array<i32>} : memref<4096xf32, #tpu.memory_space<vmem>>, vector<16xf32>,
    tpu.vector_store %arg12[%swap3A_558], %gather3A_557 {strides = array<i32>} : memref<4096xf32, #tpu.memory_space<vmem>>, vector<16xf32>,
    %gather3A_560 = tpu.vector_load_idx %arg11[%broadcast_in_dim3A_550, %get3A_78] : memref<32x2048xf32, #tpu.memory_space<vmem>>[vector<16xi32>, vector<16xi32>], vector<16xf32>,
    %swap3A_561 = arith.constant 2224 : index
    %swap3A_562 = tpu.vector_load %arg12[%swap3A_561] {strides = array<i32>} : memref<4096xf32, #tpu.memory_space<vmem>>, vector<16xf32>,
    tpu.vector_store %arg12[%swap3A_561], %gather3A_560 {strides = array<i32>} : memref<4096xf32, #tpu.memory_space<vmem>>, vector<16xf32>,
    %gather3A_563 = tpu.vector_load_idx %arg11[%broadcast_in_dim3A_550, %get3A_80] : memref<32x2048xf32, #tpu.memory_space<vmem>>[vector<16xi32>, vector<16xi32>], vector<16xf32>,
    %swap3A_564 = arith.constant 2240 : index
    %swap3A_565 = tpu.vector_load %arg12[%swap3A_564] {strides = array<i32>} : memref<4096xf32, #tpu.memory_space<vmem>>, vector<16xf32>,
    tpu.vector_store %arg12[%swap3A_564], %gather3A_563 {strides = array<i32>} : memref<4096xf32, #tpu.memory_space<vmem>>, vector<16xf32>,
    %gather3A_566 = tpu.vector_load_idx %arg11[%broadcast_in_dim3A_550, %get3A_82] : memref<32x2048xf32, #tpu.memory_space<vmem>>[vector<16xi32>, vector<16xi32>], vector<16xf32>,
    %swap3A_567 = arith.constant 2256 : index
    %swap3A_568 = tpu.vector_load %arg12[%swap3A_567] {strides = array<i32>} : memref<4096xf32, #tpu.memory_space<vmem>>, vector<16xf32>,
    tpu.vector_store %arg12[%swap3A_567], %gather3A_566 {strides = array<i32>} : memref<4096xf32, #tpu.memory_space<vmem>>, vector<16xf32>,
    %gather3A_569 = tpu.vector_load_idx %arg11[%broadcast_in_dim3A_550, %get3A_84] : memref<32x2048xf32, #tpu.memory_space<vmem>>[vector<16xi32>, vector<16xi32>], vector<16xf32>,
    %swap3A_570 = arith.constant 2272 : index
    %swap3A_571 = tpu.vector_load %arg12[%swap3A_570] {strides = array<i32>} : memref<4096xf32, #tpu.memory_space<vmem>>, vector<16xf32>,
    tpu.vector_store %arg12[%swap3A_570], %gather3A_569 {strides = array<i32>} : memref<4096xf32, #tpu.memory_space<vmem>>, vector<16xf32>,
    %gather3A_572 = tpu.vector_load_idx %arg11[%broadcast_in_dim3A_550, %get3A_86] : memref<32x2048xf32, #tpu.memory_space<vmem>>[vector<16xi32>, vector<16xi32>], vector<16xf32>,
    %swap3A_573 = arith.constant 2288 : index
    %swap3A_574 = tpu.vector_load %arg12[%swap3A_573] {strides = array<i32>} : memref<4096xf32, #tpu.memory_space<vmem>>, vector<16xf32>,
    tpu.vector_store %arg12[%swap3A_573], %gather3A_572 {strides = array<i32>} : memref<4096xf32, #tpu.memory_space<vmem>>, vector<16xf32>,
    %broadcast_in_dim3A_575 = arith.constant 18 : i32
    %broadcast_in_dim3A_576 = vector.broadcast %broadcast_in_dim3A_575 : i32 to vector<16xi32>
    %gather3A_577 = tpu.vector_load_idx %arg11[%broadcast_in_dim3A_576, %get3A_72] : memref<32x2048xf32, #tpu.memory_space<vmem>>[vector<16xi32>, vector<16xi32>], vector<16xf32>,
    %swap3A_578 = arith.constant 2304 : index
    %swap3A_579 = tpu.vector_load %arg12[%swap3A_578] {strides = array<i32>} : memref<4096xf32, #tpu.memory_space<vmem>>, vector<16xf32>,
    tpu.vector_store %arg12[%swap3A_578], %gather3A_577 {strides = array<i32>} : memref<4096xf32, #tpu.memory_space<vmem>>, vector<16xf32>,
    %gather3A_580 = tpu.vector_load_idx %arg11[%broadcast_in_dim3A_576, %get3A_74] : memref<32x2048xf32, #tpu.memory_space<vmem>>[vector<16xi32>, vector<16xi32>], vector<16xf32>,
    %swap3A_581 = arith.constant 2320 : index
    %swap3A_582 = tpu.vector_load %arg12[%swap3A_581] {strides = array<i32>} : memref<4096xf32, #tpu.memory_space<vmem>>, vector<16xf32>,
    tpu.vector_store %arg12[%swap3A_581], %gather3A_580 {strides = array<i32>} : memref<4096xf32, #tpu.memory_space<vmem>>, vector<16xf32>,
    %gather3A_583 = tpu.vector_load_idx %arg11[%broadcast_in_dim3A_576, %get3A_76] : memref<32x2048xf32, #tpu.memory_space<vmem>>[vector<16xi32>, vector<16xi32>], vector<16xf32>,
    %swap3A_584 = arith.constant 2336 : index
    %swap3A_585 = tpu.vector_load %arg12[%swap3A_584] {strides = array<i32>} : memref<4096xf32, #tpu.memory_space<vmem>>, vector<16xf32>,
    tpu.vector_store %arg12[%swap3A_584], %gather3A_583 {strides = array<i32>} : memref<4096xf32, #tpu.memory_space<vmem>>, vector<16xf32>,
    %gather3A_586 = tpu.vector_load_idx %arg11[%broadcast_in_dim3A_576, %get3A_78] : memref<32x2048xf32, #tpu.memory_space<vmem>>[vector<16xi32>, vector<16xi32>], vector<16xf32>,
    %swap3A_587 = arith.constant 2352 : index
    %swap3A_588 = tpu.vector_load %arg12[%swap3A_587] {strides = array<i32>} : memref<4096xf32, #tpu.memory_space<vmem>>, vector<16xf32>,
    tpu.vector_store %arg12[%swap3A_587], %gather3A_586 {strides = array<i32>} : memref<4096xf32, #tpu.memory_space<vmem>>, vector<16xf32>,
    %gather3A_589 = tpu.vector_load_idx %arg11[%broadcast_in_dim3A_576, %get3A_80] : memref<32x2048xf32, #tpu.memory_space<vmem>>[vector<16xi32>, vector<16xi32>], vector<16xf32>,
    %swap3A_590 = arith.constant 2368 : index
    %swap3A_591 = tpu.vector_load %arg12[%swap3A_590] {strides = array<i32>} : memref<4096xf32, #tpu.memory_space<vmem>>, vector<16xf32>,
    tpu.vector_store %arg12[%swap3A_590], %gather3A_589 {strides = array<i32>} : memref<4096xf32, #tpu.memory_space<vmem>>, vector<16xf32>,
    %gather3A_592 = tpu.vector_load_idx %arg11[%broadcast_in_dim3A_576, %get3A_82] : memref<32x2048xf32, #tpu.memory_space<vmem>>[vector<16xi32>, vector<16xi32>], vector<16xf32>,
    %swap3A_593 = arith.constant 2384 : index
    %swap3A_594 = tpu.vector_load %arg12[%swap3A_593] {strides = array<i32>} : memref<4096xf32, #tpu.memory_space<vmem>>, vector<16xf32>,
    tpu.vector_store %arg12[%swap3A_593], %gather3A_592 {strides = array<i32>} : memref<4096xf32, #tpu.memory_space<vmem>>, vector<16xf32>,
    %gather3A_595 = tpu.vector_load_idx %arg11[%broadcast_in_dim3A_576, %get3A_84] : memref<32x2048xf32, #tpu.memory_space<vmem>>[vector<16xi32>, vector<16xi32>], vector<16xf32>,
    %swap3A_596 = arith.constant 2400 : index
    %swap3A_597 = tpu.vector_load %arg12[%swap3A_596] {strides = array<i32>} : memref<4096xf32, #tpu.memory_space<vmem>>, vector<16xf32>,
    tpu.vector_store %arg12[%swap3A_596], %gather3A_595 {strides = array<i32>} : memref<4096xf32, #tpu.memory_space<vmem>>, vector<16xf32>,
    %gather3A_598 = tpu.vector_load_idx %arg11[%broadcast_in_dim3A_576, %get3A_86] : memref<32x2048xf32, #tpu.memory_space<vmem>>[vector<16xi32>, vector<16xi32>], vector<16xf32>,
    %swap3A_599 = arith.constant 2416 : index
    %swap3A_600 = tpu.vector_load %arg12[%swap3A_599] {strides = array<i32>} : memref<4096xf32, #tpu.memory_space<vmem>>, vector<16xf32>,
    tpu.vector_store %arg12[%swap3A_599], %gather3A_598 {strides = array<i32>} : memref<4096xf32, #tpu.memory_space<vmem>>, vector<16xf32>,
    %broadcast_in_dim3A_601 = arith.constant 19 : i32
    %broadcast_in_dim3A_602 = vector.broadcast %broadcast_in_dim3A_601 : i32 to vector<16xi32>
    %gather3A_603 = tpu.vector_load_idx %arg11[%broadcast_in_dim3A_602, %get3A_72] : memref<32x2048xf32, #tpu.memory_space<vmem>>[vector<16xi32>, vector<16xi32>], vector<16xf32>,
    %swap3A_604 = arith.constant 2432 : index
    %swap3A_605 = tpu.vector_load %arg12[%swap3A_604] {strides = array<i32>} : memref<4096xf32, #tpu.memory_space<vmem>>, vector<16xf32>,
    tpu.vector_store %arg12[%swap3A_604], %gather3A_603 {strides = array<i32>} : memref<4096xf32, #tpu.memory_space<vmem>>, vector<16xf32>,
    %gather3A_606 = tpu.vector_load_idx %arg11[%broadcast_in_dim3A_602, %get3A_74] : memref<32x2048xf32, #tpu.memory_space<vmem>>[vector<16xi32>, vector<16xi32>], vector<16xf32>,
    %swap3A_607 = arith.constant 2448 : index
    %swap3A_608 = tpu.vector_load %arg12[%swap3A_607] {strides = array<i32>} : memref<4096xf32, #tpu.memory_space<vmem>>, vector<16xf32>,
    tpu.vector_store %arg12[%swap3A_607], %gather3A_606 {strides = array<i32>} : memref<4096xf32, #tpu.memory_space<vmem>>, vector<16xf32>,
    %gather3A_609 = tpu.vector_load_idx %arg11[%broadcast_in_dim3A_602, %get3A_76] : memref<32x2048xf32, #tpu.memory_space<vmem>>[vector<16xi32>, vector<16xi32>], vector<16xf32>,
    %swap3A_610 = arith.constant 2464 : index
    %swap3A_611 = tpu.vector_load %arg12[%swap3A_610] {strides = array<i32>} : memref<4096xf32, #tpu.memory_space<vmem>>, vector<16xf32>,
    tpu.vector_store %arg12[%swap3A_610], %gather3A_609 {strides = array<i32>} : memref<4096xf32, #tpu.memory_space<vmem>>, vector<16xf32>,
    %gather3A_612 = tpu.vector_load_idx %arg11[%broadcast_in_dim3A_602, %get3A_78] : memref<32x2048xf32, #tpu.memory_space<vmem>>[vector<16xi32>, vector<16xi32>], vector<16xf32>,
    %swap3A_613 = arith.constant 2480 : index
    %swap3A_614 = tpu.vector_load %arg12[%swap3A_613] {strides = array<i32>} : memref<4096xf32, #tpu.memory_space<vmem>>, vector<16xf32>,
    tpu.vector_store %arg12[%swap3A_613], %gather3A_612 {strides = array<i32>} : memref<4096xf32, #tpu.memory_space<vmem>>, vector<16xf32>,
    %gather3A_615 = tpu.vector_load_idx %arg11[%broadcast_in_dim3A_602, %get3A_80] : memref<32x2048xf32, #tpu.memory_space<vmem>>[vector<16xi32>, vector<16xi32>], vector<16xf32>,
    %swap3A_616 = arith.constant 2496 : index
    %swap3A_617 = tpu.vector_load %arg12[%swap3A_616] {strides = array<i32>} : memref<4096xf32, #tpu.memory_space<vmem>>, vector<16xf32>,
    tpu.vector_store %arg12[%swap3A_616], %gather3A_615 {strides = array<i32>} : memref<4096xf32, #tpu.memory_space<vmem>>, vector<16xf32>,
    %gather3A_618 = tpu.vector_load_idx %arg11[%broadcast_in_dim3A_602, %get3A_82] : memref<32x2048xf32, #tpu.memory_space<vmem>>[vector<16xi32>, vector<16xi32>], vector<16xf32>,
    %swap3A_619 = arith.constant 2512 : index
    %swap3A_620 = tpu.vector_load %arg12[%swap3A_619] {strides = array<i32>} : memref<4096xf32, #tpu.memory_space<vmem>>, vector<16xf32>,
    tpu.vector_store %arg12[%swap3A_619], %gather3A_618 {strides = array<i32>} : memref<4096xf32, #tpu.memory_space<vmem>>, vector<16xf32>,
    %gather3A_621 = tpu.vector_load_idx %arg11[%broadcast_in_dim3A_602, %get3A_84] : memref<32x2048xf32, #tpu.memory_space<vmem>>[vector<16xi32>, vector<16xi32>], vector<16xf32>,
    %swap3A_622 = arith.constant 2528 : index
    %swap3A_623 = tpu.vector_load %arg12[%swap3A_622] {strides = array<i32>} : memref<4096xf32, #tpu.memory_space<vmem>>, vector<16xf32>,
    tpu.vector_store %arg12[%swap3A_622], %gather3A_621 {strides = array<i32>} : memref<4096xf32, #tpu.memory_space<vmem>>, vector<16xf32>,
    %gather3A_624 = tpu.vector_load_idx %arg11[%broadcast_in_dim3A_602, %get3A_86] : memref<32x2048xf32, #tpu.memory_space<vmem>>[vector<16xi32>, vector<16xi32>], vector<16xf32>,
    %swap3A_625 = arith.constant 2544 : index
    %swap3A_626 = tpu.vector_load %arg12[%swap3A_625] {strides = array<i32>} : memref<4096xf32, #tpu.memory_space<vmem>>, vector<16xf32>,
    tpu.vector_store %arg12[%swap3A_625], %gather3A_624 {strides = array<i32>} : memref<4096xf32, #tpu.memory_space<vmem>>, vector<16xf32>,
    %broadcast_in_dim3A_627 = arith.constant 20 : i32
    %broadcast_in_dim3A_628 = vector.broadcast %broadcast_in_dim3A_627 : i32 to vector<16xi32>
    %gather3A_629 = tpu.vector_load_idx %arg11[%broadcast_in_dim3A_628, %get3A_72] : memref<32x2048xf32, #tpu.memory_space<vmem>>[vector<16xi32>, vector<16xi32>], vector<16xf32>,
    %swap3A_630 = arith.constant 2560 : index
    %swap3A_631 = tpu.vector_load %arg12[%swap3A_630] {strides = array<i32>} : memref<4096xf32, #tpu.memory_space<vmem>>, vector<16xf32>,
    tpu.vector_store %arg12[%swap3A_630], %gather3A_629 {strides = array<i32>} : memref<4096xf32, #tpu.memory_space<vmem>>, vector<16xf32>,
    %gather3A_632 = tpu.vector_load_idx %arg11[%broadcast_in_dim3A_628, %get3A_74] : memref<32x2048xf32, #tpu.memory_space<vmem>>[vector<16xi32>, vector<16xi32>], vector<16xf32>,
    %swap3A_633 = arith.constant 2576 : index
    %swap3A_634 = tpu.vector_load %arg12[%swap3A_633] {strides = array<i32>} : memref<4096xf32, #tpu.memory_space<vmem>>, vector<16xf32>,
    tpu.vector_store %arg12[%swap3A_633], %gather3A_632 {strides = array<i32>} : memref<4096xf32, #tpu.memory_space<vmem>>, vector<16xf32>,
    %gather3A_635 = tpu.vector_load_idx %arg11[%broadcast_in_dim3A_628, %get3A_76] : memref<32x2048xf32, #tpu.memory_space<vmem>>[vector<16xi32>, vector<16xi32>], vector<16xf32>,
    %swap3A_636 = arith.constant 2592 : index
    %swap3A_637 = tpu.vector_load %arg12[%swap3A_636] {strides = array<i32>} : memref<4096xf32, #tpu.memory_space<vmem>>, vector<16xf32>,
    tpu.vector_store %arg12[%swap3A_636], %gather3A_635 {strides = array<i32>} : memref<4096xf32, #tpu.memory_space<vmem>>, vector<16xf32>,
    %gather3A_638 = tpu.vector_load_idx %arg11[%broadcast_in_dim3A_628, %get3A_78] : memref<32x2048xf32, #tpu.memory_space<vmem>>[vector<16xi32>, vector<16xi32>], vector<16xf32>,
    %swap3A_639 = arith.constant 2608 : index
    %swap3A_640 = tpu.vector_load %arg12[%swap3A_639] {strides = array<i32>} : memref<4096xf32, #tpu.memory_space<vmem>>, vector<16xf32>,
    tpu.vector_store %arg12[%swap3A_639], %gather3A_638 {strides = array<i32>} : memref<4096xf32, #tpu.memory_space<vmem>>, vector<16xf32>,
    %gather3A_641 = tpu.vector_load_idx %arg11[%broadcast_in_dim3A_628, %get3A_80] : memref<32x2048xf32, #tpu.memory_space<vmem>>[vector<16xi32>, vector<16xi32>], vector<16xf32>,
    %swap3A_642 = arith.constant 2624 : index
    %swap3A_643 = tpu.vector_load %arg12[%swap3A_642] {strides = array<i32>} : memref<4096xf32, #tpu.memory_space<vmem>>, vector<16xf32>,
    tpu.vector_store %arg12[%swap3A_642], %gather3A_641 {strides = array<i32>} : memref<4096xf32, #tpu.memory_space<vmem>>, vector<16xf32>,
    %gather3A_644 = tpu.vector_load_idx %arg11[%broadcast_in_dim3A_628, %get3A_82] : memref<32x2048xf32, #tpu.memory_space<vmem>>[vector<16xi32>, vector<16xi32>], vector<16xf32>,
    %swap3A_645 = arith.constant 2640 : index
    %swap3A_646 = tpu.vector_load %arg12[%swap3A_645] {strides = array<i32>} : memref<4096xf32, #tpu.memory_space<vmem>>, vector<16xf32>,
    tpu.vector_store %arg12[%swap3A_645], %gather3A_644 {strides = array<i32>} : memref<4096xf32, #tpu.memory_space<vmem>>, vector<16xf32>,
    %gather3A_647 = tpu.vector_load_idx %arg11[%broadcast_in_dim3A_628, %get3A_84] : memref<32x2048xf32, #tpu.memory_space<vmem>>[vector<16xi32>, vector<16xi32>], vector<16xf32>,
    %swap3A_648 = arith.constant 2656 : index
    %swap3A_649 = tpu.vector_load %arg12[%swap3A_648] {strides = array<i32>} : memref<4096xf32, #tpu.memory_space<vmem>>, vector<16xf32>,
    tpu.vector_store %arg12[%swap3A_648], %gather3A_647 {strides = array<i32>} : memref<4096xf32, #tpu.memory_space<vmem>>, vector<16xf32>,
    %gather3A_650 = tpu.vector_load_idx %arg11[%broadcast_in_dim3A_628, %get3A_86] : memref<32x2048xf32, #tpu.memory_space<vmem>>[vector<16xi32>, vector<16xi32>], vector<16xf32>,
    %swap3A_651 = arith.constant 2672 : index
    %swap3A_652 = tpu.vector_load %arg12[%swap3A_651] {strides = array<i32>} : memref<4096xf32, #tpu.memory_space<vmem>>, vector<16xf32>,
    tpu.vector_store %arg12[%swap3A_651], %gather3A_650 {strides = array<i32>} : memref<4096xf32, #tpu.memory_space<vmem>>, vector<16xf32>,
    %broadcast_in_dim3A_653 = arith.constant 21 : i32
    %broadcast_in_dim3A_654 = vector.broadcast %broadcast_in_dim3A_653 : i32 to vector<16xi32>
    %gather3A_655 = tpu.vector_load_idx %arg11[%broadcast_in_dim3A_654, %get3A_72] : memref<32x2048xf32, #tpu.memory_space<vmem>>[vector<16xi32>, vector<16xi32>], vector<16xf32>,
    %swap3A_656 = arith.constant 2688 : index
    %swap3A_657 = tpu.vector_load %arg12[%swap3A_656] {strides = array<i32>} : memref<4096xf32, #tpu.memory_space<vmem>>, vector<16xf32>,
    tpu.vector_store %arg12[%swap3A_656], %gather3A_655 {strides = array<i32>} : memref<4096xf32, #tpu.memory_space<vmem>>, vector<16xf32>,
    %gather3A_658 = tpu.vector_load_idx %arg11[%broadcast_in_dim3A_654, %get3A_74] : memref<32x2048xf32, #tpu.memory_space<vmem>>[vector<16xi32>, vector<16xi32>], vector<16xf32>,
    %swap3A_659 = arith.constant 2704 : index
    %swap3A_660 = tpu.vector_load %arg12[%swap3A_659] {strides = array<i32>} : memref<4096xf32, #tpu.memory_space<vmem>>, vector<16xf32>,
    tpu.vector_store %arg12[%swap3A_659], %gather3A_658 {strides = array<i32>} : memref<4096xf32, #tpu.memory_space<vmem>>, vector<16xf32>,
    %gather3A_661 = tpu.vector_load_idx %arg11[%broadcast_in_dim3A_654, %get3A_76] : memref<32x2048xf32, #tpu.memory_space<vmem>>[vector<16xi32>, vector<16xi32>], vector<16xf32>,
    %swap3A_662 = arith.constant 2720 : index
    %swap3A_663 = tpu.vector_load %arg12[%swap3A_662] {strides = array<i32>} : memref<4096xf32, #tpu.memory_space<vmem>>, vector<16xf32>,
    tpu.vector_store %arg12[%swap3A_662], %gather3A_661 {strides = array<i32>} : memref<4096xf32, #tpu.memory_space<vmem>>, vector<16xf32>,
    %gather3A_664 = tpu.vector_load_idx %arg11[%broadcast_in_dim3A_654, %get3A_78] : memref<32x2048xf32, #tpu.memory_space<vmem>>[vector<16xi32>, vector<16xi32>], vector<16xf32>,
    %swap3A_665 = arith.constant 2736 : index
    %swap3A_666 = tpu.vector_load %arg12[%swap3A_665] {strides = array<i32>} : memref<4096xf32, #tpu.memory_space<vmem>>, vector<16xf32>,
    tpu.vector_store %arg12[%swap3A_665], %gather3A_664 {strides = array<i32>} : memref<4096xf32, #tpu.memory_space<vmem>>, vector<16xf32>,
    %gather3A_667 = tpu.vector_load_idx %arg11[%broadcast_in_dim3A_654, %get3A_80] : memref<32x2048xf32, #tpu.memory_space<vmem>>[vector<16xi32>, vector<16xi32>], vector<16xf32>,
    %swap3A_668 = arith.constant 2752 : index
    %swap3A_669 = tpu.vector_load %arg12[%swap3A_668] {strides = array<i32>} : memref<4096xf32, #tpu.memory_space<vmem>>, vector<16xf32>,
    tpu.vector_store %arg12[%swap3A_668], %gather3A_667 {strides = array<i32>} : memref<4096xf32, #tpu.memory_space<vmem>>, vector<16xf32>,
    %gather3A_670 = tpu.vector_load_idx %arg11[%broadcast_in_dim3A_654, %get3A_82] : memref<32x2048xf32, #tpu.memory_space<vmem>>[vector<16xi32>, vector<16xi32>], vector<16xf32>,
    %swap3A_671 = arith.constant 2768 : index
    %swap3A_672 = tpu.vector_load %arg12[%swap3A_671] {strides = array<i32>} : memref<4096xf32, #tpu.memory_space<vmem>>, vector<16xf32>,
    tpu.vector_store %arg12[%swap3A_671], %gather3A_670 {strides = array<i32>} : memref<4096xf32, #tpu.memory_space<vmem>>, vector<16xf32>,
    %gather3A_673 = tpu.vector_load_idx %arg11[%broadcast_in_dim3A_654, %get3A_84] : memref<32x2048xf32, #tpu.memory_space<vmem>>[vector<16xi32>, vector<16xi32>], vector<16xf32>,
    %swap3A_674 = arith.constant 2784 : index
    %swap3A_675 = tpu.vector_load %arg12[%swap3A_674] {strides = array<i32>} : memref<4096xf32, #tpu.memory_space<vmem>>, vector<16xf32>,
    tpu.vector_store %arg12[%swap3A_674], %gather3A_673 {strides = array<i32>} : memref<4096xf32, #tpu.memory_space<vmem>>, vector<16xf32>,
    %gather3A_676 = tpu.vector_load_idx %arg11[%broadcast_in_dim3A_654, %get3A_86] : memref<32x2048xf32, #tpu.memory_space<vmem>>[vector<16xi32>, vector<16xi32>], vector<16xf32>,
    %swap3A_677 = arith.constant 2800 : index
    %swap3A_678 = tpu.vector_load %arg12[%swap3A_677] {strides = array<i32>} : memref<4096xf32, #tpu.memory_space<vmem>>, vector<16xf32>,
    tpu.vector_store %arg12[%swap3A_677], %gather3A_676 {strides = array<i32>} : memref<4096xf32, #tpu.memory_space<vmem>>, vector<16xf32>,
    %broadcast_in_dim3A_679 = arith.constant 22 : i32
    %broadcast_in_dim3A_680 = vector.broadcast %broadcast_in_dim3A_679 : i32 to vector<16xi32>
    %gather3A_681 = tpu.vector_load_idx %arg11[%broadcast_in_dim3A_680, %get3A_72] : memref<32x2048xf32, #tpu.memory_space<vmem>>[vector<16xi32>, vector<16xi32>], vector<16xf32>,
    %swap3A_682 = arith.constant 2816 : index
    %swap3A_683 = tpu.vector_load %arg12[%swap3A_682] {strides = array<i32>} : memref<4096xf32, #tpu.memory_space<vmem>>, vector<16xf32>,
    tpu.vector_store %arg12[%swap3A_682], %gather3A_681 {strides = array<i32>} : memref<4096xf32, #tpu.memory_space<vmem>>, vector<16xf32>,
    %gather3A_684 = tpu.vector_load_idx %arg11[%broadcast_in_dim3A_680, %get3A_74] : memref<32x2048xf32, #tpu.memory_space<vmem>>[vector<16xi32>, vector<16xi32>], vector<16xf32>,
    %swap3A_685 = arith.constant 2832 : index
    %swap3A_686 = tpu.vector_load %arg12[%swap3A_685] {strides = array<i32>} : memref<4096xf32, #tpu.memory_space<vmem>>, vector<16xf32>,
    tpu.vector_store %arg12[%swap3A_685], %gather3A_684 {strides = array<i32>} : memref<4096xf32, #tpu.memory_space<vmem>>, vector<16xf32>,
    %gather3A_687 = tpu.vector_load_idx %arg11[%broadcast_in_dim3A_680, %get3A_76] : memref<32x2048xf32, #tpu.memory_space<vmem>>[vector<16xi32>, vector<16xi32>], vector<16xf32>,
    %swap3A_688 = arith.constant 2848 : index
    %swap3A_689 = tpu.vector_load %arg12[%swap3A_688] {strides = array<i32>} : memref<4096xf32, #tpu.memory_space<vmem>>, vector<16xf32>,
    tpu.vector_store %arg12[%swap3A_688], %gather3A_687 {strides = array<i32>} : memref<4096xf32, #tpu.memory_space<vmem>>, vector<16xf32>,
    %gather3A_690 = tpu.vector_load_idx %arg11[%broadcast_in_dim3A_680, %get3A_78] : memref<32x2048xf32, #tpu.memory_space<vmem>>[vector<16xi32>, vector<16xi32>], vector<16xf32>,
    %swap3A_691 = arith.constant 2864 : index
    %swap3A_692 = tpu.vector_load %arg12[%swap3A_691] {strides = array<i32>} : memref<4096xf32, #tpu.memory_space<vmem>>, vector<16xf32>,
    tpu.vector_store %arg12[%swap3A_691], %gather3A_690 {strides = array<i32>} : memref<4096xf32, #tpu.memory_space<vmem>>, vector<16xf32>,
    %gather3A_693 = tpu.vector_load_idx %arg11[%broadcast_in_dim3A_680, %get3A_80] : memref<32x2048xf32, #tpu.memory_space<vmem>>[vector<16xi32>, vector<16xi32>], vector<16xf32>,
    %swap3A_694 = arith.constant 2880 : index
    %swap3A_695 = tpu.vector_load %arg12[%swap3A_694] {strides = array<i32>} : memref<4096xf32, #tpu.memory_space<vmem>>, vector<16xf32>,
    tpu.vector_store %arg12[%swap3A_694], %gather3A_693 {strides = array<i32>} : memref<4096xf32, #tpu.memory_space<vmem>>, vector<16xf32>,
    %gather3A_696 = tpu.vector_load_idx %arg11[%broadcast_in_dim3A_680, %get3A_82] : memref<32x2048xf32, #tpu.memory_space<vmem>>[vector<16xi32>, vector<16xi32>], vector<16xf32>,
    %swap3A_697 = arith.constant 2896 : index
    %swap3A_698 = tpu.vector_load %arg12[%swap3A_697] {strides = array<i32>} : memref<4096xf32, #tpu.memory_space<vmem>>, vector<16xf32>,
    tpu.vector_store %arg12[%swap3A_697], %gather3A_696 {strides = array<i32>} : memref<4096xf32, #tpu.memory_space<vmem>>, vector<16xf32>,
    %gather3A_699 = tpu.vector_load_idx %arg11[%broadcast_in_dim3A_680, %get3A_84] : memref<32x2048xf32, #tpu.memory_space<vmem>>[vector<16xi32>, vector<16xi32>], vector<16xf32>,
    %swap3A_700 = arith.constant 2912 : index
    %swap3A_701 = tpu.vector_load %arg12[%swap3A_700] {strides = array<i32>} : memref<4096xf32, #tpu.memory_space<vmem>>, vector<16xf32>,
    tpu.vector_store %arg12[%swap3A_700], %gather3A_699 {strides = array<i32>} : memref<4096xf32, #tpu.memory_space<vmem>>, vector<16xf32>,
    %gather3A_702 = tpu.vector_load_idx %arg11[%broadcast_in_dim3A_680, %get3A_86] : memref<32x2048xf32, #tpu.memory_space<vmem>>[vector<16xi32>, vector<16xi32>], vector<16xf32>,
    %swap3A_703 = arith.constant 2928 : index
    %swap3A_704 = tpu.vector_load %arg12[%swap3A_703] {strides = array<i32>} : memref<4096xf32, #tpu.memory_space<vmem>>, vector<16xf32>,
    tpu.vector_store %arg12[%swap3A_703], %gather3A_702 {strides = array<i32>} : memref<4096xf32, #tpu.memory_space<vmem>>, vector<16xf32>,
    %broadcast_in_dim3A_705 = arith.constant 23 : i32
    %broadcast_in_dim3A_706 = vector.broadcast %broadcast_in_dim3A_705 : i32 to vector<16xi32>
    %gather3A_707 = tpu.vector_load_idx %arg11[%broadcast_in_dim3A_706, %get3A_72] : memref<32x2048xf32, #tpu.memory_space<vmem>>[vector<16xi32>, vector<16xi32>], vector<16xf32>,
    %swap3A_708 = arith.constant 2944 : index
    %swap3A_709 = tpu.vector_load %arg12[%swap3A_708] {strides = array<i32>} : memref<4096xf32, #tpu.memory_space<vmem>>, vector<16xf32>,
    tpu.vector_store %arg12[%swap3A_708], %gather3A_707 {strides = array<i32>} : memref<4096xf32, #tpu.memory_space<vmem>>, vector<16xf32>,
    %gather3A_710 = tpu.vector_load_idx %arg11[%broadcast_in_dim3A_706, %get3A_74] : memref<32x2048xf32, #tpu.memory_space<vmem>>[vector<16xi32>, vector<16xi32>], vector<16xf32>,
    %swap3A_711 = arith.constant 2960 : index
    %swap3A_712 = tpu.vector_load %arg12[%swap3A_711] {strides = array<i32>} : memref<4096xf32, #tpu.memory_space<vmem>>, vector<16xf32>,
    tpu.vector_store %arg12[%swap3A_711], %gather3A_710 {strides = array<i32>} : memref<4096xf32, #tpu.memory_space<vmem>>, vector<16xf32>,
    %gather3A_713 = tpu.vector_load_idx %arg11[%broadcast_in_dim3A_706, %get3A_76] : memref<32x2048xf32, #tpu.memory_space<vmem>>[vector<16xi32>, vector<16xi32>], vector<16xf32>,
    %swap3A_714 = arith.constant 2976 : index
    %swap3A_715 = tpu.vector_load %arg12[%swap3A_714] {strides = array<i32>} : memref<4096xf32, #tpu.memory_space<vmem>>, vector<16xf32>,
    tpu.vector_store %arg12[%swap3A_714], %gather3A_713 {strides = array<i32>} : memref<4096xf32, #tpu.memory_space<vmem>>, vector<16xf32>,
    %gather3A_716 = tpu.vector_load_idx %arg11[%broadcast_in_dim3A_706, %get3A_78] : memref<32x2048xf32, #tpu.memory_space<vmem>>[vector<16xi32>, vector<16xi32>], vector<16xf32>,
    %swap3A_717 = arith.constant 2992 : index
    %swap3A_718 = tpu.vector_load %arg12[%swap3A_717] {strides = array<i32>} : memref<4096xf32, #tpu.memory_space<vmem>>, vector<16xf32>,
    tpu.vector_store %arg12[%swap3A_717], %gather3A_716 {strides = array<i32>} : memref<4096xf32, #tpu.memory_space<vmem>>, vector<16xf32>,
    %gather3A_719 = tpu.vector_load_idx %arg11[%broadcast_in_dim3A_706, %get3A_80] : memref<32x2048xf32, #tpu.memory_space<vmem>>[vector<16xi32>, vector<16xi32>], vector<16xf32>,
    %swap3A_720 = arith.constant 3008 : index
    %swap3A_721 = tpu.vector_load %arg12[%swap3A_720] {strides = array<i32>} : memref<4096xf32, #tpu.memory_space<vmem>>, vector<16xf32>,
    tpu.vector_store %arg12[%swap3A_720], %gather3A_719 {strides = array<i32>} : memref<4096xf32, #tpu.memory_space<vmem>>, vector<16xf32>,
    %gather3A_722 = tpu.vector_load_idx %arg11[%broadcast_in_dim3A_706, %get3A_82] : memref<32x2048xf32, #tpu.memory_space<vmem>>[vector<16xi32>, vector<16xi32>], vector<16xf32>,
    %swap3A_723 = arith.constant 3024 : index
    %swap3A_724 = tpu.vector_load %arg12[%swap3A_723] {strides = array<i32>} : memref<4096xf32, #tpu.memory_space<vmem>>, vector<16xf32>,
    tpu.vector_store %arg12[%swap3A_723], %gather3A_722 {strides = array<i32>} : memref<4096xf32, #tpu.memory_space<vmem>>, vector<16xf32>,
    %gather3A_725 = tpu.vector_load_idx %arg11[%broadcast_in_dim3A_706, %get3A_84] : memref<32x2048xf32, #tpu.memory_space<vmem>>[vector<16xi32>, vector<16xi32>], vector<16xf32>,
    %swap3A_726 = arith.constant 3040 : index
    %swap3A_727 = tpu.vector_load %arg12[%swap3A_726] {strides = array<i32>} : memref<4096xf32, #tpu.memory_space<vmem>>, vector<16xf32>,
    tpu.vector_store %arg12[%swap3A_726], %gather3A_725 {strides = array<i32>} : memref<4096xf32, #tpu.memory_space<vmem>>, vector<16xf32>,
    %gather3A_728 = tpu.vector_load_idx %arg11[%broadcast_in_dim3A_706, %get3A_86] : memref<32x2048xf32, #tpu.memory_space<vmem>>[vector<16xi32>, vector<16xi32>], vector<16xf32>,
    %swap3A_729 = arith.constant 3056 : index
    %swap3A_730 = tpu.vector_load %arg12[%swap3A_729] {strides = array<i32>} : memref<4096xf32, #tpu.memory_space<vmem>>, vector<16xf32>,
    tpu.vector_store %arg12[%swap3A_729], %gather3A_728 {strides = array<i32>} : memref<4096xf32, #tpu.memory_space<vmem>>, vector<16xf32>,
    %dma_wait3A_731 = arith.constant 24 : i32
    %dma_wait3A_732 = arith.constant 0 : i32
    %dma_wait3A_733 = tpu.memref_slice %arg11[%dma_wait3A_731, %dma_wait3A_732] : memref<32x2048xf32, #tpu.memory_space<vmem>> -> memref<8x2048xf32, #tpu.memory_space<vmem>>
    %dma_wait3A_734 = arith.constant 24 : i32
    %dma_wait3A_735 = tpu.memref_slice %arg8[%dma_wait3A_734] : memref<32xi32, #tpu.memory_space<vmem>> -> memref<8xi32, #tpu.memory_space<vmem>>
    %dma_wait3A_736 = arith.constant 0 : i32
    %dma_wait3A_737 = arith.constant 0 : i32
    %dma_wait3A_738 = tpu.memref_slice %arg5[%dma_wait3A_736, %dma_wait3A_737] : memref<16384x2048xf32, #tpu.memory_space<hbm>> -> memref<16384x2048xf32, #tpu.memory_space<hbm>>
    tpu.wait_indirect_dma semaphore(%arg17 : memref<!tpu.dma_semaphore, #tpu.memory_space<semaphore_mem>>) src(%dma_wait3A_738 : memref<16384x2048xf32, #tpu.memory_space<hbm>>) dst(%dma_wait3A_733 : memref<8x2048xf32, #tpu.memory_space<vmem>>)
    %broadcast_in_dim3A_739 = arith.constant 24 : i32
    %broadcast_in_dim3A_740 = vector.broadcast %broadcast_in_dim3A_739 : i32 to vector<16xi32>
    %gather3A_741 = tpu.vector_load_idx %arg11[%broadcast_in_dim3A_740, %get3A_72] : memref<32x2048xf32, #tpu.memory_space<vmem>>[vector<16xi32>, vector<16xi32>], vector<16xf32>,
    %swap3A_742 = arith.constant 3072 : index
    %swap3A_743 = tpu.vector_load %arg12[%swap3A_742] {strides = array<i32>} : memref<4096xf32, #tpu.memory_space<vmem>>, vector<16xf32>,
    tpu.vector_store %arg12[%swap3A_742], %gather3A_741 {strides = array<i32>} : memref<4096xf32, #tpu.memory_space<vmem>>, vector<16xf32>,
    %gather3A_744 = tpu.vector_load_idx %arg11[%broadcast_in_dim3A_740, %get3A_74] : memref<32x2048xf32, #tpu.memory_space<vmem>>[vector<16xi32>, vector<16xi32>], vector<16xf32>,
    %swap3A_745 = arith.constant 3088 : index
    %swap3A_746 = tpu.vector_load %arg12[%swap3A_745] {strides = array<i32>} : memref<4096xf32, #tpu.memory_space<vmem>>, vector<16xf32>,
    tpu.vector_store %arg12[%swap3A_745], %gather3A_744 {strides = array<i32>} : memref<4096xf32, #tpu.memory_space<vmem>>, vector<16xf32>,
    %gather3A_747 = tpu.vector_load_idx %arg11[%broadcast_in_dim3A_740, %get3A_76] : memref<32x2048xf32, #tpu.memory_space<vmem>>[vector<16xi32>, vector<16xi32>], vector<16xf32>,
    %swap3A_748 = arith.constant 3104 : index
    %swap3A_749 = tpu.vector_load %arg12[%swap3A_748] {strides = array<i32>} : memref<4096xf32, #tpu.memory_space<vmem>>, vector<16xf32>,
    tpu.vector_store %arg12[%swap3A_748], %gather3A_747 {strides = array<i32>} : memref<4096xf32, #tpu.memory_space<vmem>>, vector<16xf32>,
    %gather3A_750 = tpu.vector_load_idx %arg11[%broadcast_in_dim3A_740, %get3A_78] : memref<32x2048xf32, #tpu.memory_space<vmem>>[vector<16xi32>, vector<16xi32>], vector<16xf32>,
    %swap3A_751 = arith.constant 3120 : index
    %swap3A_752 = tpu.vector_load %arg12[%swap3A_751] {strides = array<i32>} : memref<4096xf32, #tpu.memory_space<vmem>>, vector<16xf32>,
    tpu.vector_store %arg12[%swap3A_751], %gather3A_750 {strides = array<i32>} : memref<4096xf32, #tpu.memory_space<vmem>>, vector<16xf32>,
    %gather3A_753 = tpu.vector_load_idx %arg11[%broadcast_in_dim3A_740, %get3A_80] : memref<32x2048xf32, #tpu.memory_space<vmem>>[vector<16xi32>, vector<16xi32>], vector<16xf32>,
    %swap3A_754 = arith.constant 3136 : index
    %swap3A_755 = tpu.vector_load %arg12[%swap3A_754] {strides = array<i32>} : memref<4096xf32, #tpu.memory_space<vmem>>, vector<16xf32>,
    tpu.vector_store %arg12[%swap3A_754], %gather3A_753 {strides = array<i32>} : memref<4096xf32, #tpu.memory_space<vmem>>, vector<16xf32>,
    %gather3A_756 = tpu.vector_load_idx %arg11[%broadcast_in_dim3A_740, %get3A_82] : memref<32x2048xf32, #tpu.memory_space<vmem>>[vector<16xi32>, vector<16xi32>], vector<16xf32>,
    %swap3A_757 = arith.constant 3152 : index
    %swap3A_758 = tpu.vector_load %arg12[%swap3A_757] {strides = array<i32>} : memref<4096xf32, #tpu.memory_space<vmem>>, vector<16xf32>,
    tpu.vector_store %arg12[%swap3A_757], %gather3A_756 {strides = array<i32>} : memref<4096xf32, #tpu.memory_space<vmem>>, vector<16xf32>,
    %gather3A_759 = tpu.vector_load_idx %arg11[%broadcast_in_dim3A_740, %get3A_84] : memref<32x2048xf32, #tpu.memory_space<vmem>>[vector<16xi32>, vector<16xi32>], vector<16xf32>,
    %swap3A_760 = arith.constant 3168 : index
    %swap3A_761 = tpu.vector_load %arg12[%swap3A_760] {strides = array<i32>} : memref<4096xf32, #tpu.memory_space<vmem>>, vector<16xf32>,
    tpu.vector_store %arg12[%swap3A_760], %gather3A_759 {strides = array<i32>} : memref<4096xf32, #tpu.memory_space<vmem>>, vector<16xf32>,
    %gather3A_762 = tpu.vector_load_idx %arg11[%broadcast_in_dim3A_740, %get3A_86] : memref<32x2048xf32, #tpu.memory_space<vmem>>[vector<16xi32>, vector<16xi32>], vector<16xf32>,
    %swap3A_763 = arith.constant 3184 : index
    %swap3A_764 = tpu.vector_load %arg12[%swap3A_763] {strides = array<i32>} : memref<4096xf32, #tpu.memory_space<vmem>>, vector<16xf32>,
    tpu.vector_store %arg12[%swap3A_763], %gather3A_762 {strides = array<i32>} : memref<4096xf32, #tpu.memory_space<vmem>>, vector<16xf32>,
    %broadcast_in_dim3A_765 = arith.constant 25 : i32
    %broadcast_in_dim3A_766 = vector.broadcast %broadcast_in_dim3A_765 : i32 to vector<16xi32>
    %gather3A_767 = tpu.vector_load_idx %arg11[%broadcast_in_dim3A_766, %get3A_72] : memref<32x2048xf32, #tpu.memory_space<vmem>>[vector<16xi32>, vector<16xi32>], vector<16xf32>,
    %swap3A_768 = arith.constant 3200 : index
    %swap3A_769 = tpu.vector_load %arg12[%swap3A_768] {strides = array<i32>} : memref<4096xf32, #tpu.memory_space<vmem>>, vector<16xf32>,
    tpu.vector_store %arg12[%swap3A_768], %gather3A_767 {strides = array<i32>} : memref<4096xf32, #tpu.memory_space<vmem>>, vector<16xf32>,
    %gather3A_770 = tpu.vector_load_idx %arg11[%broadcast_in_dim3A_766, %get3A_74] : memref<32x2048xf32, #tpu.memory_space<vmem>>[vector<16xi32>, vector<16xi32>], vector<16xf32>,
    %swap3A_771 = arith.constant 3216 : index
    %swap3A_772 = tpu.vector_load %arg12[%swap3A_771] {strides = array<i32>} : memref<4096xf32, #tpu.memory_space<vmem>>, vector<16xf32>,
    tpu.vector_store %arg12[%swap3A_771], %gather3A_770 {strides = array<i32>} : memref<4096xf32, #tpu.memory_space<vmem>>, vector<16xf32>,
    %gather3A_773 = tpu.vector_load_idx %arg11[%broadcast_in_dim3A_766, %get3A_76] : memref<32x2048xf32, #tpu.memory_space<vmem>>[vector<16xi32>, vector<16xi32>], vector<16xf32>,
    %swap3A_774 = arith.constant 3232 : index
    %swap3A_775 = tpu.vector_load %arg12[%swap3A_774] {strides = array<i32>} : memref<4096xf32, #tpu.memory_space<vmem>>, vector<16xf32>,
    tpu.vector_store %arg12[%swap3A_774], %gather3A_773 {strides = array<i32>} : memref<4096xf32, #tpu.memory_space<vmem>>, vector<16xf32>,
    %gather3A_776 = tpu.vector_load_idx %arg11[%broadcast_in_dim3A_766, %get3A_78] : memref<32x2048xf32, #tpu.memory_space<vmem>>[vector<16xi32>, vector<16xi32>], vector<16xf32>,
    %swap3A_777 = arith.constant 3248 : index
    %swap3A_778 = tpu.vector_load %arg12[%swap3A_777] {strides = array<i32>} : memref<4096xf32, #tpu.memory_space<vmem>>, vector<16xf32>,
    tpu.vector_store %arg12[%swap3A_777], %gather3A_776 {strides = array<i32>} : memref<4096xf32, #tpu.memory_space<vmem>>, vector<16xf32>,
    %gather3A_779 = tpu.vector_load_idx %arg11[%broadcast_in_dim3A_766, %get3A_80] : memref<32x2048xf32, #tpu.memory_space<vmem>>[vector<16xi32>, vector<16xi32>], vector<16xf32>,
    %swap3A_780 = arith.constant 3264 : index
    %swap3A_781 = tpu.vector_load %arg12[%swap3A_780] {strides = array<i32>} : memref<4096xf32, #tpu.memory_space<vmem>>, vector<16xf32>,
    tpu.vector_store %arg12[%swap3A_780], %gather3A_779 {strides = array<i32>} : memref<4096xf32, #tpu.memory_space<vmem>>, vector<16xf32>,
    %gather3A_782 = tpu.vector_load_idx %arg11[%broadcast_in_dim3A_766, %get3A_82] : memref<32x2048xf32, #tpu.memory_space<vmem>>[vector<16xi32>, vector<16xi32>], vector<16xf32>,
    %swap3A_783 = arith.constant 3280 : index
    %swap3A_784 = tpu.vector_load %arg12[%swap3A_783] {strides = array<i32>} : memref<4096xf32, #tpu.memory_space<vmem>>, vector<16xf32>,
    tpu.vector_store %arg12[%swap3A_783], %gather3A_782 {strides = array<i32>} : memref<4096xf32, #tpu.memory_space<vmem>>, vector<16xf32>,
    %gather3A_785 = tpu.vector_load_idx %arg11[%broadcast_in_dim3A_766, %get3A_84] : memref<32x2048xf32, #tpu.memory_space<vmem>>[vector<16xi32>, vector<16xi32>], vector<16xf32>,
    %swap3A_786 = arith.constant 3296 : index
    %swap3A_787 = tpu.vector_load %arg12[%swap3A_786] {strides = array<i32>} : memref<4096xf32, #tpu.memory_space<vmem>>, vector<16xf32>,
    tpu.vector_store %arg12[%swap3A_786], %gather3A_785 {strides = array<i32>} : memref<4096xf32, #tpu.memory_space<vmem>>, vector<16xf32>,
    %gather3A_788 = tpu.vector_load_idx %arg11[%broadcast_in_dim3A_766, %get3A_86] : memref<32x2048xf32, #tpu.memory_space<vmem>>[vector<16xi32>, vector<16xi32>], vector<16xf32>,
    %swap3A_789 = arith.constant 3312 : index
    %swap3A_790 = tpu.vector_load %arg12[%swap3A_789] {strides = array<i32>} : memref<4096xf32, #tpu.memory_space<vmem>>, vector<16xf32>,
    tpu.vector_store %arg12[%swap3A_789], %gather3A_788 {strides = array<i32>} : memref<4096xf32, #tpu.memory_space<vmem>>, vector<16xf32>,
    %broadcast_in_dim3A_791 = arith.constant 26 : i32
    %broadcast_in_dim3A_792 = vector.broadcast %broadcast_in_dim3A_791 : i32 to vector<16xi32>
    %gather3A_793 = tpu.vector_load_idx %arg11[%broadcast_in_dim3A_792, %get3A_72] : memref<32x2048xf32, #tpu.memory_space<vmem>>[vector<16xi32>, vector<16xi32>], vector<16xf32>,
    %swap3A_794 = arith.constant 3328 : index
    %swap3A_795 = tpu.vector_load %arg12[%swap3A_794] {strides = array<i32>} : memref<4096xf32, #tpu.memory_space<vmem>>, vector<16xf32>,
    tpu.vector_store %arg12[%swap3A_794], %gather3A_793 {strides = array<i32>} : memref<4096xf32, #tpu.memory_space<vmem>>, vector<16xf32>,
    %gather3A_796 = tpu.vector_load_idx %arg11[%broadcast_in_dim3A_792, %get3A_74] : memref<32x2048xf32, #tpu.memory_space<vmem>>[vector<16xi32>, vector<16xi32>], vector<16xf32>,
    %swap3A_797 = arith.constant 3344 : index
    %swap3A_798 = tpu.vector_load %arg12[%swap3A_797] {strides = array<i32>} : memref<4096xf32, #tpu.memory_space<vmem>>, vector<16xf32>,
    tpu.vector_store %arg12[%swap3A_797], %gather3A_796 {strides = array<i32>} : memref<4096xf32, #tpu.memory_space<vmem>>, vector<16xf32>,
    %gather3A_799 = tpu.vector_load_idx %arg11[%broadcast_in_dim3A_792, %get3A_76] : memref<32x2048xf32, #tpu.memory_space<vmem>>[vector<16xi32>, vector<16xi32>], vector<16xf32>,
    %swap3A_800 = arith.constant 3360 : index
    %swap3A_801 = tpu.vector_load %arg12[%swap3A_800] {strides = array<i32>} : memref<4096xf32, #tpu.memory_space<vmem>>, vector<16xf32>,
    tpu.vector_store %arg12[%swap3A_800], %gather3A_799 {strides = array<i32>} : memref<4096xf32, #tpu.memory_space<vmem>>, vector<16xf32>,
    %gather3A_802 = tpu.vector_load_idx %arg11[%broadcast_in_dim3A_792, %get3A_78] : memref<32x2048xf32, #tpu.memory_space<vmem>>[vector<16xi32>, vector<16xi32>], vector<16xf32>,
    %swap3A_803 = arith.constant 3376 : index
    %swap3A_804 = tpu.vector_load %arg12[%swap3A_803] {strides = array<i32>} : memref<4096xf32, #tpu.memory_space<vmem>>, vector<16xf32>,
    tpu.vector_store %arg12[%swap3A_803], %gather3A_802 {strides = array<i32>} : memref<4096xf32, #tpu.memory_space<vmem>>, vector<16xf32>,
    %gather3A_805 = tpu.vector_load_idx %arg11[%broadcast_in_dim3A_792, %get3A_80] : memref<32x2048xf32, #tpu.memory_space<vmem>>[vector<16xi32>, vector<16xi32>], vector<16xf32>,
    %swap3A_806 = arith.constant 3392 : index
    %swap3A_807 = tpu.vector_load %arg12[%swap3A_806] {strides = array<i32>} : memref<4096xf32, #tpu.memory_space<vmem>>, vector<16xf32>,
    tpu.vector_store %arg12[%swap3A_806], %gather3A_805 {strides = array<i32>} : memref<4096xf32, #tpu.memory_space<vmem>>, vector<16xf32>,
    %gather3A_808 = tpu.vector_load_idx %arg11[%broadcast_in_dim3A_792, %get3A_82] : memref<32x2048xf32, #tpu.memory_space<vmem>>[vector<16xi32>, vector<16xi32>], vector<16xf32>,
    %swap3A_809 = arith.constant 3408 : index
    %swap3A_810 = tpu.vector_load %arg12[%swap3A_809] {strides = array<i32>} : memref<4096xf32, #tpu.memory_space<vmem>>, vector<16xf32>,
    tpu.vector_store %arg12[%swap3A_809], %gather3A_808 {strides = array<i32>} : memref<4096xf32, #tpu.memory_space<vmem>>, vector<16xf32>,
    %gather3A_811 = tpu.vector_load_idx %arg11[%broadcast_in_dim3A_792, %get3A_84] : memref<32x2048xf32, #tpu.memory_space<vmem>>[vector<16xi32>, vector<16xi32>], vector<16xf32>,
    %swap3A_812 = arith.constant 3424 : index
    %swap3A_813 = tpu.vector_load %arg12[%swap3A_812] {strides = array<i32>} : memref<4096xf32, #tpu.memory_space<vmem>>, vector<16xf32>,
    tpu.vector_store %arg12[%swap3A_812], %gather3A_811 {strides = array<i32>} : memref<4096xf32, #tpu.memory_space<vmem>>, vector<16xf32>,
    %gather3A_814 = tpu.vector_load_idx %arg11[%broadcast_in_dim3A_792, %get3A_86] : memref<32x2048xf32, #tpu.memory_space<vmem>>[vector<16xi32>, vector<16xi32>], vector<16xf32>,
    %swap3A_815 = arith.constant 3440 : index
    %swap3A_816 = tpu.vector_load %arg12[%swap3A_815] {strides = array<i32>} : memref<4096xf32, #tpu.memory_space<vmem>>, vector<16xf32>,
    tpu.vector_store %arg12[%swap3A_815], %gather3A_814 {strides = array<i32>} : memref<4096xf32, #tpu.memory_space<vmem>>, vector<16xf32>,
    %broadcast_in_dim3A_817 = arith.constant 27 : i32
    %broadcast_in_dim3A_818 = vector.broadcast %broadcast_in_dim3A_817 : i32 to vector<16xi32>
    %gather3A_819 = tpu.vector_load_idx %arg11[%broadcast_in_dim3A_818, %get3A_72] : memref<32x2048xf32, #tpu.memory_space<vmem>>[vector<16xi32>, vector<16xi32>], vector<16xf32>,
    %swap3A_820 = arith.constant 3456 : index
    %swap3A_821 = tpu.vector_load %arg12[%swap3A_820] {strides = array<i32>} : memref<4096xf32, #tpu.memory_space<vmem>>, vector<16xf32>,
    tpu.vector_store %arg12[%swap3A_820], %gather3A_819 {strides = array<i32>} : memref<4096xf32, #tpu.memory_space<vmem>>, vector<16xf32>,
    %gather3A_822 = tpu.vector_load_idx %arg11[%broadcast_in_dim3A_818, %get3A_74] : memref<32x2048xf32, #tpu.memory_space<vmem>>[vector<16xi32>, vector<16xi32>], vector<16xf32>,
    %swap3A_823 = arith.constant 3472 : index
    %swap3A_824 = tpu.vector_load %arg12[%swap3A_823] {strides = array<i32>} : memref<4096xf32, #tpu.memory_space<vmem>>, vector<16xf32>,
    tpu.vector_store %arg12[%swap3A_823], %gather3A_822 {strides = array<i32>} : memref<4096xf32, #tpu.memory_space<vmem>>, vector<16xf32>,
    %gather3A_825 = tpu.vector_load_idx %arg11[%broadcast_in_dim3A_818, %get3A_76] : memref<32x2048xf32, #tpu.memory_space<vmem>>[vector<16xi32>, vector<16xi32>], vector<16xf32>,
    %swap3A_826 = arith.constant 3488 : index
    %swap3A_827 = tpu.vector_load %arg12[%swap3A_826] {strides = array<i32>} : memref<4096xf32, #tpu.memory_space<vmem>>, vector<16xf32>,
    tpu.vector_store %arg12[%swap3A_826], %gather3A_825 {strides = array<i32>} : memref<4096xf32, #tpu.memory_space<vmem>>, vector<16xf32>,
    %gather3A_828 = tpu.vector_load_idx %arg11[%broadcast_in_dim3A_818, %get3A_78] : memref<32x2048xf32, #tpu.memory_space<vmem>>[vector<16xi32>, vector<16xi32>], vector<16xf32>,
    %swap3A_829 = arith.constant 3504 : index
    %swap3A_830 = tpu.vector_load %arg12[%swap3A_829] {strides = array<i32>} : memref<4096xf32, #tpu.memory_space<vmem>>, vector<16xf32>,
    tpu.vector_store %arg12[%swap3A_829], %gather3A_828 {strides = array<i32>} : memref<4096xf32, #tpu.memory_space<vmem>>, vector<16xf32>,
    %gather3A_831 = tpu.vector_load_idx %arg11[%broadcast_in_dim3A_818, %get3A_80] : memref<32x2048xf32, #tpu.memory_space<vmem>>[vector<16xi32>, vector<16xi32>], vector<16xf32>,
    %swap3A_832 = arith.constant 3520 : index
    %swap3A_833 = tpu.vector_load %arg12[%swap3A_832] {strides = array<i32>} : memref<4096xf32, #tpu.memory_space<vmem>>, vector<16xf32>,
    tpu.vector_store %arg12[%swap3A_832], %gather3A_831 {strides = array<i32>} : memref<4096xf32, #tpu.memory_space<vmem>>, vector<16xf32>,
    %gather3A_834 = tpu.vector_load_idx %arg11[%broadcast_in_dim3A_818, %get3A_82] : memref<32x2048xf32, #tpu.memory_space<vmem>>[vector<16xi32>, vector<16xi32>], vector<16xf32>,
    %swap3A_835 = arith.constant 3536 : index
    %swap3A_836 = tpu.vector_load %arg12[%swap3A_835] {strides = array<i32>} : memref<4096xf32, #tpu.memory_space<vmem>>, vector<16xf32>,
    tpu.vector_store %arg12[%swap3A_835], %gather3A_834 {strides = array<i32>} : memref<4096xf32, #tpu.memory_space<vmem>>, vector<16xf32>,
    %gather3A_837 = tpu.vector_load_idx %arg11[%broadcast_in_dim3A_818, %get3A_84] : memref<32x2048xf32, #tpu.memory_space<vmem>>[vector<16xi32>, vector<16xi32>], vector<16xf32>,
    %swap3A_838 = arith.constant 3552 : index
    %swap3A_839 = tpu.vector_load %arg12[%swap3A_838] {strides = array<i32>} : memref<4096xf32, #tpu.memory_space<vmem>>, vector<16xf32>,
    tpu.vector_store %arg12[%swap3A_838], %gather3A_837 {strides = array<i32>} : memref<4096xf32, #tpu.memory_space<vmem>>, vector<16xf32>,
    %gather3A_840 = tpu.vector_load_idx %arg11[%broadcast_in_dim3A_818, %get3A_86] : memref<32x2048xf32, #tpu.memory_space<vmem>>[vector<16xi32>, vector<16xi32>], vector<16xf32>,
    %swap3A_841 = arith.constant 3568 : index
    %swap3A_842 = tpu.vector_load %arg12[%swap3A_841] {strides = array<i32>} : memref<4096xf32, #tpu.memory_space<vmem>>, vector<16xf32>,
    tpu.vector_store %arg12[%swap3A_841], %gather3A_840 {strides = array<i32>} : memref<4096xf32, #tpu.memory_space<vmem>>, vector<16xf32>,
    %broadcast_in_dim3A_843 = arith.constant 28 : i32
    %broadcast_in_dim3A_844 = vector.broadcast %broadcast_in_dim3A_843 : i32 to vector<16xi32>
    %gather3A_845 = tpu.vector_load_idx %arg11[%broadcast_in_dim3A_844, %get3A_72] : memref<32x2048xf32, #tpu.memory_space<vmem>>[vector<16xi32>, vector<16xi32>], vector<16xf32>,
    %swap3A_846 = arith.constant 3584 : index
    %swap3A_847 = tpu.vector_load %arg12[%swap3A_846] {strides = array<i32>} : memref<4096xf32, #tpu.memory_space<vmem>>, vector<16xf32>,
    tpu.vector_store %arg12[%swap3A_846], %gather3A_845 {strides = array<i32>} : memref<4096xf32, #tpu.memory_space<vmem>>, vector<16xf32>,
    %gather3A_848 = tpu.vector_load_idx %arg11[%broadcast_in_dim3A_844, %get3A_74] : memref<32x2048xf32, #tpu.memory_space<vmem>>[vector<16xi32>, vector<16xi32>], vector<16xf32>,
    %swap3A_849 = arith.constant 3600 : index
    %swap3A_850 = tpu.vector_load %arg12[%swap3A_849] {strides = array<i32>} : memref<4096xf32, #tpu.memory_space<vmem>>, vector<16xf32>,
    tpu.vector_store %arg12[%swap3A_849], %gather3A_848 {strides = array<i32>} : memref<4096xf32, #tpu.memory_space<vmem>>, vector<16xf32>,
    %gather3A_851 = tpu.vector_load_idx %arg11[%broadcast_in_dim3A_844, %get3A_76] : memref<32x2048xf32, #tpu.memory_space<vmem>>[vector<16xi32>, vector<16xi32>], vector<16xf32>,
    %swap3A_852 = arith.constant 3616 : index
    %swap3A_853 = tpu.vector_load %arg12[%swap3A_852] {strides = array<i32>} : memref<4096xf32, #tpu.memory_space<vmem>>, vector<16xf32>,
    tpu.vector_store %arg12[%swap3A_852], %gather3A_851 {strides = array<i32>} : memref<4096xf32, #tpu.memory_space<vmem>>, vector<16xf32>,
    %gather3A_854 = tpu.vector_load_idx %arg11[%broadcast_in_dim3A_844, %get3A_78] : memref<32x2048xf32, #tpu.memory_space<vmem>>[vector<16xi32>, vector<16xi32>], vector<16xf32>,
    %swap3A_855 = arith.constant 3632 : index
    %swap3A_856 = tpu.vector_load %arg12[%swap3A_855] {strides = array<i32>} : memref<4096xf32, #tpu.memory_space<vmem>>, vector<16xf32>,
    tpu.vector_store %arg12[%swap3A_855], %gather3A_854 {strides = array<i32>} : memref<4096xf32, #tpu.memory_space<vmem>>, vector<16xf32>,
    %gather3A_857 = tpu.vector_load_idx %arg11[%broadcast_in_dim3A_844, %get3A_80] : memref<32x2048xf32, #tpu.memory_space<vmem>>[vector<16xi32>, vector<16xi32>], vector<16xf32>,
    %swap3A_858 = arith.constant 3648 : index
    %swap3A_859 = tpu.vector_load %arg12[%swap3A_858] {strides = array<i32>} : memref<4096xf32, #tpu.memory_space<vmem>>, vector<16xf32>,
    tpu.vector_store %arg12[%swap3A_858], %gather3A_857 {strides = array<i32>} : memref<4096xf32, #tpu.memory_space<vmem>>, vector<16xf32>,
    %gather3A_860 = tpu.vector_load_idx %arg11[%broadcast_in_dim3A_844, %get3A_82] : memref<32x2048xf32, #tpu.memory_space<vmem>>[vector<16xi32>, vector<16xi32>], vector<16xf32>,
    %swap3A_861 = arith.constant 3664 : index
    %swap3A_862 = tpu.vector_load %arg12[%swap3A_861] {strides = array<i32>} : memref<4096xf32, #tpu.memory_space<vmem>>, vector<16xf32>,
    tpu.vector_store %arg12[%swap3A_861], %gather3A_860 {strides = array<i32>} : memref<4096xf32, #tpu.memory_space<vmem>>, vector<16xf32>,
    %gather3A_863 = tpu.vector_load_idx %arg11[%broadcast_in_dim3A_844, %get3A_84] : memref<32x2048xf32, #tpu.memory_space<vmem>>[vector<16xi32>, vector<16xi32>], vector<16xf32>,
    %swap3A_864 = arith.constant 3680 : index
    %swap3A_865 = tpu.vector_load %arg12[%swap3A_864] {strides = array<i32>} : memref<4096xf32, #tpu.memory_space<vmem>>, vector<16xf32>,
    tpu.vector_store %arg12[%swap3A_864], %gather3A_863 {strides = array<i32>} : memref<4096xf32, #tpu.memory_space<vmem>>, vector<16xf32>,
    %gather3A_866 = tpu.vector_load_idx %arg11[%broadcast_in_dim3A_844, %get3A_86] : memref<32x2048xf32, #tpu.memory_space<vmem>>[vector<16xi32>, vector<16xi32>], vector<16xf32>,
    %swap3A_867 = arith.constant 3696 : index
    %swap3A_868 = tpu.vector_load %arg12[%swap3A_867] {strides = array<i32>} : memref<4096xf32, #tpu.memory_space<vmem>>, vector<16xf32>,
    tpu.vector_store %arg12[%swap3A_867], %gather3A_866 {strides = array<i32>} : memref<4096xf32, #tpu.memory_space<vmem>>, vector<16xf32>,
    %broadcast_in_dim3A_869 = arith.constant 29 : i32
    %broadcast_in_dim3A_870 = vector.broadcast %broadcast_in_dim3A_869 : i32 to vector<16xi32>
    %gather3A_871 = tpu.vector_load_idx %arg11[%broadcast_in_dim3A_870, %get3A_72] : memref<32x2048xf32, #tpu.memory_space<vmem>>[vector<16xi32>, vector<16xi32>], vector<16xf32>,
    %swap3A_872 = arith.constant 3712 : index
    %swap3A_873 = tpu.vector_load %arg12[%swap3A_872] {strides = array<i32>} : memref<4096xf32, #tpu.memory_space<vmem>>, vector<16xf32>,
    tpu.vector_store %arg12[%swap3A_872], %gather3A_871 {strides = array<i32>} : memref<4096xf32, #tpu.memory_space<vmem>>, vector<16xf32>,
    %gather3A_874 = tpu.vector_load_idx %arg11[%broadcast_in_dim3A_870, %get3A_74] : memref<32x2048xf32, #tpu.memory_space<vmem>>[vector<16xi32>, vector<16xi32>], vector<16xf32>,
    %swap3A_875 = arith.constant 3728 : index
    %swap3A_876 = tpu.vector_load %arg12[%swap3A_875] {strides = array<i32>} : memref<4096xf32, #tpu.memory_space<vmem>>, vector<16xf32>,
    tpu.vector_store %arg12[%swap3A_875], %gather3A_874 {strides = array<i32>} : memref<4096xf32, #tpu.memory_space<vmem>>, vector<16xf32>,
    %gather3A_877 = tpu.vector_load_idx %arg11[%broadcast_in_dim3A_870, %get3A_76] : memref<32x2048xf32, #tpu.memory_space<vmem>>[vector<16xi32>, vector<16xi32>], vector<16xf32>,
    %swap3A_878 = arith.constant 3744 : index
    %swap3A_879 = tpu.vector_load %arg12[%swap3A_878] {strides = array<i32>} : memref<4096xf32, #tpu.memory_space<vmem>>, vector<16xf32>,
    tpu.vector_store %arg12[%swap3A_878], %gather3A_877 {strides = array<i32>} : memref<4096xf32, #tpu.memory_space<vmem>>, vector<16xf32>,
    %gather3A_880 = tpu.vector_load_idx %arg11[%broadcast_in_dim3A_870, %get3A_78] : memref<32x2048xf32, #tpu.memory_space<vmem>>[vector<16xi32>, vector<16xi32>], vector<16xf32>,
    %swap3A_881 = arith.constant 3760 : index
    %swap3A_882 = tpu.vector_load %arg12[%swap3A_881] {strides = array<i32>} : memref<4096xf32, #tpu.memory_space<vmem>>, vector<16xf32>,
    tpu.vector_store %arg12[%swap3A_881], %gather3A_880 {strides = array<i32>} : memref<4096xf32, #tpu.memory_space<vmem>>, vector<16xf32>,
    %gather3A_883 = tpu.vector_load_idx %arg11[%broadcast_in_dim3A_870, %get3A_80] : memref<32x2048xf32, #tpu.memory_space<vmem>>[vector<16xi32>, vector<16xi32>], vector<16xf32>,
    %swap3A_884 = arith.constant 3776 : index
    %swap3A_885 = tpu.vector_load %arg12[%swap3A_884] {strides = array<i32>} : memref<4096xf32, #tpu.memory_space<vmem>>, vector<16xf32>,
    tpu.vector_store %arg12[%swap3A_884], %gather3A_883 {strides = array<i32>} : memref<4096xf32, #tpu.memory_space<vmem>>, vector<16xf32>,
    %gather3A_886 = tpu.vector_load_idx %arg11[%broadcast_in_dim3A_870, %get3A_82] : memref<32x2048xf32, #tpu.memory_space<vmem>>[vector<16xi32>, vector<16xi32>], vector<16xf32>,
    %swap3A_887 = arith.constant 3792 : index
    %swap3A_888 = tpu.vector_load %arg12[%swap3A_887] {strides = array<i32>} : memref<4096xf32, #tpu.memory_space<vmem>>, vector<16xf32>,
    tpu.vector_store %arg12[%swap3A_887], %gather3A_886 {strides = array<i32>} : memref<4096xf32, #tpu.memory_space<vmem>>, vector<16xf32>,
    %gather3A_889 = tpu.vector_load_idx %arg11[%broadcast_in_dim3A_870, %get3A_84] : memref<32x2048xf32, #tpu.memory_space<vmem>>[vector<16xi32>, vector<16xi32>], vector<16xf32>,
    %swap3A_890 = arith.constant 3808 : index
    %swap3A_891 = tpu.vector_load %arg12[%swap3A_890] {strides = array<i32>} : memref<4096xf32, #tpu.memory_space<vmem>>, vector<16xf32>,
    tpu.vector_store %arg12[%swap3A_890], %gather3A_889 {strides = array<i32>} : memref<4096xf32, #tpu.memory_space<vmem>>, vector<16xf32>,
    %gather3A_892 = tpu.vector_load_idx %arg11[%broadcast_in_dim3A_870, %get3A_86] : memref<32x2048xf32, #tpu.memory_space<vmem>>[vector<16xi32>, vector<16xi32>], vector<16xf32>,
    %swap3A_893 = arith.constant 3824 : index
    %swap3A_894 = tpu.vector_load %arg12[%swap3A_893] {strides = array<i32>} : memref<4096xf32, #tpu.memory_space<vmem>>, vector<16xf32>,
    tpu.vector_store %arg12[%swap3A_893], %gather3A_892 {strides = array<i32>} : memref<4096xf32, #tpu.memory_space<vmem>>, vector<16xf32>,
    %broadcast_in_dim3A_895 = arith.constant 30 : i32
    %broadcast_in_dim3A_896 = vector.broadcast %broadcast_in_dim3A_895 : i32 to vector<16xi32>
    %gather3A_897 = tpu.vector_load_idx %arg11[%broadcast_in_dim3A_896, %get3A_72] : memref<32x2048xf32, #tpu.memory_space<vmem>>[vector<16xi32>, vector<16xi32>], vector<16xf32>,
    %swap3A_898 = arith.constant 3840 : index
    %swap3A_899 = tpu.vector_load %arg12[%swap3A_898] {strides = array<i32>} : memref<4096xf32, #tpu.memory_space<vmem>>, vector<16xf32>,
    tpu.vector_store %arg12[%swap3A_898], %gather3A_897 {strides = array<i32>} : memref<4096xf32, #tpu.memory_space<vmem>>, vector<16xf32>,
    %gather3A_900 = tpu.vector_load_idx %arg11[%broadcast_in_dim3A_896, %get3A_74] : memref<32x2048xf32, #tpu.memory_space<vmem>>[vector<16xi32>, vector<16xi32>], vector<16xf32>,
    %swap3A_901 = arith.constant 3856 : index
    %swap3A_902 = tpu.vector_load %arg12[%swap3A_901] {strides = array<i32>} : memref<4096xf32, #tpu.memory_space<vmem>>, vector<16xf32>,
    tpu.vector_store %arg12[%swap3A_901], %gather3A_900 {strides = array<i32>} : memref<4096xf32, #tpu.memory_space<vmem>>, vector<16xf32>,
    %gather3A_903 = tpu.vector_load_idx %arg11[%broadcast_in_dim3A_896, %get3A_76] : memref<32x2048xf32, #tpu.memory_space<vmem>>[vector<16xi32>, vector<16xi32>], vector<16xf32>,
    %swap3A_904 = arith.constant 3872 : index
    %swap3A_905 = tpu.vector_load %arg12[%swap3A_904] {strides = array<i32>} : memref<4096xf32, #tpu.memory_space<vmem>>, vector<16xf32>,
    tpu.vector_store %arg12[%swap3A_904], %gather3A_903 {strides = array<i32>} : memref<4096xf32, #tpu.memory_space<vmem>>, vector<16xf32>,
    %gather3A_906 = tpu.vector_load_idx %arg11[%broadcast_in_dim3A_896, %get3A_78] : memref<32x2048xf32, #tpu.memory_space<vmem>>[vector<16xi32>, vector<16xi32>], vector<16xf32>,
    %swap3A_907 = arith.constant 3888 : index
    %swap3A_908 = tpu.vector_load %arg12[%swap3A_907] {strides = array<i32>} : memref<4096xf32, #tpu.memory_space<vmem>>, vector<16xf32>,
    tpu.vector_store %arg12[%swap3A_907], %gather3A_906 {strides = array<i32>} : memref<4096xf32, #tpu.memory_space<vmem>>, vector<16xf32>,
    %gather3A_909 = tpu.vector_load_idx %arg11[%broadcast_in_dim3A_896, %get3A_80] : memref<32x2048xf32, #tpu.memory_space<vmem>>[vector<16xi32>, vector<16xi32>], vector<16xf32>,
    %swap3A_910 = arith.constant 3904 : index
    %swap3A_911 = tpu.vector_load %arg12[%swap3A_910] {strides = array<i32>} : memref<4096xf32, #tpu.memory_space<vmem>>, vector<16xf32>,
    tpu.vector_store %arg12[%swap3A_910], %gather3A_909 {strides = array<i32>} : memref<4096xf32, #tpu.memory_space<vmem>>, vector<16xf32>,
    %gather3A_912 = tpu.vector_load_idx %arg11[%broadcast_in_dim3A_896, %get3A_82] : memref<32x2048xf32, #tpu.memory_space<vmem>>[vector<16xi32>, vector<16xi32>], vector<16xf32>,
    %swap3A_913 = arith.constant 3920 : index
    %swap3A_914 = tpu.vector_load %arg12[%swap3A_913] {strides = array<i32>} : memref<4096xf32, #tpu.memory_space<vmem>>, vector<16xf32>,
    tpu.vector_store %arg12[%swap3A_913], %gather3A_912 {strides = array<i32>} : memref<4096xf32, #tpu.memory_space<vmem>>, vector<16xf32>,
    %gather3A_915 = tpu.vector_load_idx %arg11[%broadcast_in_dim3A_896, %get3A_84] : memref<32x2048xf32, #tpu.memory_space<vmem>>[vector<16xi32>, vector<16xi32>], vector<16xf32>,
    %swap3A_916 = arith.constant 3936 : index
    %swap3A_917 = tpu.vector_load %arg12[%swap3A_916] {strides = array<i32>} : memref<4096xf32, #tpu.memory_space<vmem>>, vector<16xf32>,
    tpu.vector_store %arg12[%swap3A_916], %gather3A_915 {strides = array<i32>} : memref<4096xf32, #tpu.memory_space<vmem>>, vector<16xf32>,
    %gather3A_918 = tpu.vector_load_idx %arg11[%broadcast_in_dim3A_896, %get3A_86] : memref<32x2048xf32, #tpu.memory_space<vmem>>[vector<16xi32>, vector<16xi32>], vector<16xf32>,
    %swap3A_919 = arith.constant 3952 : index
    %swap3A_920 = tpu.vector_load %arg12[%swap3A_919] {strides = array<i32>} : memref<4096xf32, #tpu.memory_space<vmem>>, vector<16xf32>,
    tpu.vector_store %arg12[%swap3A_919], %gather3A_918 {strides = array<i32>} : memref<4096xf32, #tpu.memory_space<vmem>>, vector<16xf32>,
    %broadcast_in_dim3A_921 = arith.constant 31 : i32
    %broadcast_in_dim3A_922 = vector.broadcast %broadcast_in_dim3A_921 : i32 to vector<16xi32>
    %gather3A_923 = tpu.vector_load_idx %arg11[%broadcast_in_dim3A_922, %get3A_72] : memref<32x2048xf32, #tpu.memory_space<vmem>>[vector<16xi32>, vector<16xi32>], vector<16xf32>,
    %swap3A_924 = arith.constant 3968 : index
    %swap3A_925 = tpu.vector_load %arg12[%swap3A_924] {strides = array<i32>} : memref<4096xf32, #tpu.memory_space<vmem>>, vector<16xf32>,
    tpu.vector_store %arg12[%swap3A_924], %gather3A_923 {strides = array<i32>} : memref<4096xf32, #tpu.memory_space<vmem>>, vector<16xf32>,
    %gather3A_926 = tpu.vector_load_idx %arg11[%broadcast_in_dim3A_922, %get3A_74] : memref<32x2048xf32, #tpu.memory_space<vmem>>[vector<16xi32>, vector<16xi32>], vector<16xf32>,
    %swap3A_927 = arith.constant 3984 : index
    %swap3A_928 = tpu.vector_load %arg12[%swap3A_927] {strides = array<i32>} : memref<4096xf32, #tpu.memory_space<vmem>>, vector<16xf32>,
    tpu.vector_store %arg12[%swap3A_927], %gather3A_926 {strides = array<i32>} : memref<4096xf32, #tpu.memory_space<vmem>>, vector<16xf32>,
    %gather3A_929 = tpu.vector_load_idx %arg11[%broadcast_in_dim3A_922, %get3A_76] : memref<32x2048xf32, #tpu.memory_space<vmem>>[vector<16xi32>, vector<16xi32>], vector<16xf32>,
    %swap3A_930 = arith.constant 4000 : index
    %swap3A_931 = tpu.vector_load %arg12[%swap3A_930] {strides = array<i32>} : memref<4096xf32, #tpu.memory_space<vmem>>, vector<16xf32>,
    tpu.vector_store %arg12[%swap3A_930], %gather3A_929 {strides = array<i32>} : memref<4096xf32, #tpu.memory_space<vmem>>, vector<16xf32>,
    %gather3A_932 = tpu.vector_load_idx %arg11[%broadcast_in_dim3A_922, %get3A_78] : memref<32x2048xf32, #tpu.memory_space<vmem>>[vector<16xi32>, vector<16xi32>], vector<16xf32>,
    %swap3A_933 = arith.constant 4016 : index
    %swap3A_934 = tpu.vector_load %arg12[%swap3A_933] {strides = array<i32>} : memref<4096xf32, #tpu.memory_space<vmem>>, vector<16xf32>,
    tpu.vector_store %arg12[%swap3A_933], %gather3A_932 {strides = array<i32>} : memref<4096xf32, #tpu.memory_space<vmem>>, vector<16xf32>,
    %gather3A_935 = tpu.vector_load_idx %arg11[%broadcast_in_dim3A_922, %get3A_80] : memref<32x2048xf32, #tpu.memory_space<vmem>>[vector<16xi32>, vector<16xi32>], vector<16xf32>,
    %swap3A_936 = arith.constant 4032 : index
    %swap3A_937 = tpu.vector_load %arg12[%swap3A_936] {strides = array<i32>} : memref<4096xf32, #tpu.memory_space<vmem>>, vector<16xf32>,
    tpu.vector_store %arg12[%swap3A_936], %gather3A_935 {strides = array<i32>} : memref<4096xf32, #tpu.memory_space<vmem>>, vector<16xf32>,
    %gather3A_938 = tpu.vector_load_idx %arg11[%broadcast_in_dim3A_922, %get3A_82] : memref<32x2048xf32, #tpu.memory_space<vmem>>[vector<16xi32>, vector<16xi32>], vector<16xf32>,
    %swap3A_939 = arith.constant 4048 : index
    %swap3A_940 = tpu.vector_load %arg12[%swap3A_939] {strides = array<i32>} : memref<4096xf32, #tpu.memory_space<vmem>>, vector<16xf32>,
    tpu.vector_store %arg12[%swap3A_939], %gather3A_938 {strides = array<i32>} : memref<4096xf32, #tpu.memory_space<vmem>>, vector<16xf32>,
    %gather3A_941 = tpu.vector_load_idx %arg11[%broadcast_in_dim3A_922, %get3A_84] : memref<32x2048xf32, #tpu.memory_space<vmem>>[vector<16xi32>, vector<16xi32>], vector<16xf32>,
    %swap3A_942 = arith.constant 4064 : index
    %swap3A_943 = tpu.vector_load %arg12[%swap3A_942] {strides = array<i32>} : memref<4096xf32, #tpu.memory_space<vmem>>, vector<16xf32>,
    tpu.vector_store %arg12[%swap3A_942], %gather3A_941 {strides = array<i32>} : memref<4096xf32, #tpu.memory_space<vmem>>, vector<16xf32>,
    %gather3A_944 = tpu.vector_load_idx %arg11[%broadcast_in_dim3A_922, %get3A_86] : memref<32x2048xf32, #tpu.memory_space<vmem>>[vector<16xi32>, vector<16xi32>], vector<16xf32>,
    %swap3A_945 = arith.constant 4080 : index
    %swap3A_946 = tpu.vector_load %arg12[%swap3A_945] {strides = array<i32>} : memref<4096xf32, #tpu.memory_space<vmem>>, vector<16xf32>,
    tpu.vector_store %arg12[%swap3A_945], %gather3A_944 {strides = array<i32>} : memref<4096xf32, #tpu.memory_space<vmem>>, vector<16xf32>,
    %dma_wait3A_947 = arith.constant 0 : i32
    %dma_wait3A_948 = arith.constant 0 : i32
    %dma_wait3A_949 = tpu.memref_slice %arg4[%dma_wait3A_947, %dma_wait3A_948] : memref<16384x256xf32, #tpu.memory_space<hbm>> -> memref<16384x256xf32, #tpu.memory_space<hbm>>
    tpu.wait_indirect_dma semaphore(%arg13 : memref<!tpu.dma_semaphore, #tpu.memory_space<semaphore_mem>>) src(%dma_wait3A_949 : memref<16384x256xf32, #tpu.memory_space<hbm>>) dst(%arg10 : memref<32x256xf32, #tpu.memory_space<vmem>>)
    "tpu.region"() ({
      %run_scoped3A = tpu.sem_alloc : memref<!tpu.dma_semaphore, #tpu.memory_space<semaphore_mem>>
      %dma_start3A_952 = arith.constant 0 : i32
      %dma_start3A_953 = tpu.memref_slice %arg6[%add3A_35, %dma_start3A_952] : memref<1024x256xf32, #tpu.memory_space<hbm>> -> memref<32x256xf32, #tpu.memory_space<hbm>>
      %dma_start3A_954 = arith.constant 0 : i32
      %dma_start3A_955 = tpu.memref_slice %arg6[%add3A_35, %dma_start3A_954] : memref<1024x256xf32, #tpu.memory_space<hbm>> -> memref<32x256xf32, #tpu.memory_space<hbm>>
      tpu.enqueue_dma source(%arg10 : memref<32x256xf32, #tpu.memory_space<vmem>>) target(%dma_start3A_955 : memref<32x256xf32, #tpu.memory_space<hbm>>) target_semaphore(%run_scoped3A : memref<!tpu.dma_semaphore, #tpu.memory_space<semaphore_mem>>)
      %dma_wait3A_956 = arith.constant 0 : i32
      %dma_wait3A_957 = tpu.memref_slice %arg6[%add3A_35, %dma_wait3A_956] : memref<1024x256xf32, #tpu.memory_space<hbm>> -> memref<32x256xf32, #tpu.memory_space<hbm>>
      %dma_wait3A_958 = arith.constant 0 : i32
      %dma_wait3A_959 = tpu.memref_slice %arg6[%add3A_35, %dma_wait3A_958] : memref<1024x256xf32, #tpu.memory_space<hbm>> -> memref<32x256xf32, #tpu.memory_space<hbm>>
      tpu.wait_dma2 semaphore(%run_scoped3A : memref<!tpu.dma_semaphore, #tpu.memory_space<semaphore_mem>>) src(%arg10 : memref<32x256xf32, #tpu.memory_space<vmem>>) dst(%dma_wait3A_959 : memref<32x256xf32, #tpu.memory_space<hbm>>)
      tpu.yield
    }) : () -> ()
    %mul3A_950 = arith.constant 128 : i32
    %mul3A_951 = arith.muli %add3A_35, %mul3A_950 : i32
    "tpu.region"() ({
      %run_scoped3A = tpu.sem_alloc : memref<!tpu.dma_semaphore, #tpu.memory_space<semaphore_mem>>
      %dma_start3A_952 = tpu.memref_slice %arg7[%mul3A_951] : memref<131072xf32, #tpu.memory_space<hbm>> -> memref<4096xf32, #tpu.memory_space<hbm>>
      %dma_start3A_953 = tpu.memref_slice %arg7[%mul3A_951] : memref<131072xf32, #tpu.memory_space<hbm>> -> memref<4096xf32, #tpu.memory_space<hbm>>
      tpu.enqueue_dma source(%arg12 : memref<4096xf32, #tpu.memory_space<vmem>>) target(%dma_start3A_953 : memref<4096xf32, #tpu.memory_space<hbm>>) target_semaphore(%run_scoped3A : memref<!tpu.dma_semaphore, #tpu.memory_space<semaphore_mem>>)
      %dma_wait3A_954 = tpu.memref_slice %arg7[%mul3A_951] : memref<131072xf32, #tpu.memory_space<hbm>> -> memref<4096xf32, #tpu.memory_space<hbm>>
      %dma_wait3A_955 = tpu.memref_slice %arg7[%mul3A_951] : memref<131072xf32, #tpu.memory_space<hbm>> -> memref<4096xf32, #tpu.memory_space<hbm>>
      tpu.wait_dma2 semaphore(%run_scoped3A : memref<!tpu.dma_semaphore, #tpu.memory_space<semaphore_mem>>) src(%arg12 : memref<4096xf32, #tpu.memory_space<vmem>>) dst(%dma_wait3A_955 : memref<4096xf32, #tpu.memory_space<hbm>>)
      tpu.yield
    }) : () -> ()
    return
  }
}

module attributes {stable_mosaic.version = 14 : i64} {
  func.func @_k4_body(%arg0: i32, %arg1: memref<1x128x256xf32, #tpu.memory_space<vmem>>, %arg2: memref<1x128x128xf32, #tpu.memory_space<vmem>>, %arg3: memref<1x1x128xf32, #tpu.memory_space<vmem>>, %arg4: memref<1x20x256xf32, #tpu.memory_space<vmem>>, %arg5: memref<1x1x256xf32, #tpu.memory_space<vmem>>, %arg6: memref<128x128xf32, #tpu.memory_space<vmem>>, %arg7: memref<128x128xf32, #tpu.memory_space<vmem>>, %arg8: memref<128x128xf32, #tpu.memory_space<vmem>>, %arg9: memref<128x128xf32, #tpu.memory_space<vmem>>, %arg10: memref<128x128xf32, #tpu.memory_space<vmem>>, %arg11: memref<128x128xf32, #tpu.memory_space<vmem>>, %arg12: memref<128x128xf32, #tpu.memory_space<vmem>>, %arg13: memref<128x128xf32, #tpu.memory_space<vmem>>, %arg14: memref<128x128xf32, #tpu.memory_space<vmem>>, %arg15: memref<128x128xf32, #tpu.memory_space<vmem>>, %arg16: memref<1x256xf32, #tpu.memory_space<vmem>>, %arg17: memref<1x128x256xf32, #tpu.memory_space<vmem>>) attributes {dimension_semantics = [#tpu.dimension_semantics<arbitrary>], iteration_bounds = array<i64: 8>, scalar_prefetch = 0 : i64, scratch_operands = 0 : i64, tpu.core_type = #tpu.core_type<tc>, window_params = [{transform_indices = @transform_0, window_bounds = array<i64: 1, 128, 256>}, {transform_indices = @transform_1, window_bounds = array<i64: 1, 128, 128>}, {transform_indices = @transform_2, window_bounds = array<i64: 1, 1, 128>}, {transform_indices = @transform_3, window_bounds = array<i64: 1, 20, 256>}, {transform_indices = @transform_4, window_bounds = array<i64: 1, 1, 256>}, {pipeline_mode = #tpu.pipeline_mode<synchronous>, transform_indices = @transform_5, window_bounds = array<i64: 128, 128>}, {pipeline_mode = #tpu.pipeline_mode<synchronous>, transform_indices = @transform_6, window_bounds = array<i64: 128, 128>}, {pipeline_mode = #tpu.pipeline_mode<synchronous>, transform_indices = @transform_7, window_bounds = array<i64: 128, 128>}, {pipeline_mode = #tpu.pipeline_mode<synchronous>, transform_indices = @transform_8, window_bounds = array<i64: 128, 128>}, {pipeline_mode = #tpu.pipeline_mode<synchronous>, transform_indices = @transform_9, window_bounds = array<i64: 128, 128>}, {pipeline_mode = #tpu.pipeline_mode<synchronous>, transform_indices = @transform_10, window_bounds = array<i64: 128, 128>}, {pipeline_mode = #tpu.pipeline_mode<synchronous>, transform_indices = @transform_11, window_bounds = array<i64: 128, 128>}, {pipeline_mode = #tpu.pipeline_mode<synchronous>, transform_indices = @transform_12, window_bounds = array<i64: 128, 128>}, {pipeline_mode = #tpu.pipeline_mode<synchronous>, transform_indices = @transform_13, window_bounds = array<i64: 128, 128>}, {pipeline_mode = #tpu.pipeline_mode<synchronous>, transform_indices = @transform_14, window_bounds = array<i64: 128, 128>}, {pipeline_mode = #tpu.pipeline_mode<synchronous>, transform_indices = @transform_15, window_bounds = array<i64: 1, 256>}, {transform_indices = @transform_16, window_bounds = array<i64: 1, 128, 256>}]} {
    %get3A = arith.constant 0 : index
    %get3A_0 = arith.constant 0 : index
    %get3A_1 = arith.constant 0 : index
    %get3A_2 = vector.load %arg1[%get3A, %get3A_0, %get3A_1] : memref<1x128x256xf32, #tpu.memory_space<vmem>>, vector<1x128x256xf32>
    %get3A_3 = vector.shape_cast %get3A_2 : vector<1x128x256xf32> to vector<128x256xf32>
    %slice3A = vector.extract_strided_slice %get3A_3 {offsets = [0, 0], sizes = [128, 128], strides = [1, 1]} : vector<128x256xf32> to vector<128x128xf32>
    %get3A_4 = arith.constant 0 : index
    %get3A_5 = arith.constant 0 : index
    %get3A_6 = arith.constant 0 : index
    %get3A_7 = vector.load %arg3[%get3A_4, %get3A_5, %get3A_6] : memref<1x1x128xf32, #tpu.memory_space<vmem>>, vector<1x1x128xf32>
    %get3A_8 = vector.shape_cast %get3A_7 : vector<1x1x128xf32> to vector<1x128xf32>
    %tanh3A = math.tanh %get3A_8 : vector<1x128xf32>
    %get3A_9 = arith.constant 0 : index
    %get3A_10 = arith.constant 0 : index
    %get3A_11 = vector.load %arg15[%get3A_9, %get3A_10] : memref<128x128xf32, #tpu.memory_space<vmem>>, vector<128x128xf32>
    %get3A_12 = arith.constant 0 : index
    %get3A_13 = arith.constant 0 : index
    %get3A_14 = vector.load %arg7[%get3A_12, %get3A_13] : memref<128x128xf32, #tpu.memory_space<vmem>>, vector<128x128xf32>
    %dot_general3A = arith.constant dense<0.000000e+00> : vector<128x128xf32>
    %dot_general3A_15 = tpu.matmul %get3A_14, %get3A_11, %dot_general3A {dimension_numbers = #tpu.dot_dimension_numbers<[1], [0], [0], [1], [0, 0, 1, 1], [], []>, transpose_lhs_hint = false} : vector<128x128xf32>, vector<128x128xf32>, vector<128x128xf32> -> vector<128x128xf32>
    %get3A_16 = arith.constant 0 : index
    %get3A_17 = arith.constant 0 : index
    %get3A_18 = vector.load %arg8[%get3A_16, %get3A_17] : memref<128x128xf32, #tpu.memory_space<vmem>>, vector<128x128xf32>
    %add3A = arith.addf %dot_general3A_15, %get3A_18 : vector<128x128xf32>
    %get3A_19 = arith.constant 0 : index
    %get3A_20 = arith.constant 0 : index
    %get3A_21 = vector.load %arg10[%get3A_19, %get3A_20] : memref<128x128xf32, #tpu.memory_space<vmem>>, vector<128x128xf32>
    %dot_general3A_22 = arith.constant dense<0.000000e+00> : vector<128x128xf32>
    %dot_general3A_23 = tpu.matmul %get3A_21, %get3A_11, %dot_general3A_22 {dimension_numbers = #tpu.dot_dimension_numbers<[1], [0], [0], [1], [0, 0, 1, 1], [], []>, transpose_lhs_hint = false} : vector<128x128xf32>, vector<128x128xf32>, vector<128x128xf32> -> vector<128x128xf32>
    %get3A_24 = arith.constant 0 : index
    %get3A_25 = arith.constant 0 : index
    %get3A_26 = vector.load %arg11[%get3A_24, %get3A_25] : memref<128x128xf32, #tpu.memory_space<vmem>>, vector<128x128xf32>
    %add3A_27 = arith.addf %dot_general3A_23, %get3A_26 : vector<128x128xf32>
    %get3A_28 = arith.constant 0 : index
    %get3A_29 = arith.constant 0 : index
    %get3A_30 = vector.load %arg6[%get3A_28, %get3A_29] : memref<128x128xf32, #tpu.memory_space<vmem>>, vector<128x128xf32>
    %dot_general3A_31 = arith.constant dense<0.000000e+00> : vector<128x128xf32>
    %dot_general3A_32 = tpu.matmul %get3A_30, %slice3A, %dot_general3A_31 {dimension_numbers = #tpu.dot_dimension_numbers<[1], [1], [0], [0], [0, 0, 1, 0], [], []>, transpose_lhs_hint = false} : vector<128x128xf32>, vector<128x128xf32>, vector<128x128xf32> -> vector<128x128xf32>
    %mul3A = vector.broadcast %tanh3A : vector<1x128xf32> to vector<128x128xf32>
    %mul3A_33 = arith.mulf %dot_general3A_32, %mul3A : vector<128x128xf32>
    %get3A_34 = arith.constant 0 : index
    %get3A_35 = arith.constant 0 : index
    %get3A_36 = vector.load %arg9[%get3A_34, %get3A_35] : memref<128x128xf32, #tpu.memory_space<vmem>>, vector<128x128xf32>
    %dot_general3A_37 = arith.constant dense<0.000000e+00> : vector<128x128xf32>
    %dot_general3A_38 = tpu.matmul %get3A_36, %slice3A, %dot_general3A_37 {dimension_numbers = #tpu.dot_dimension_numbers<[1], [1], [0], [0], [0, 0, 1, 0], [], []>, transpose_lhs_hint = false} : vector<128x128xf32>, vector<128x128xf32>, vector<128x128xf32> -> vector<128x128xf32>
    %mul3A_39 = vector.broadcast %tanh3A : vector<1x128xf32> to vector<128x128xf32>
    %mul3A_40 = arith.mulf %dot_general3A_38, %mul3A_39 : vector<128x128xf32>
    %get3A_41 = arith.constant 0 : index
    %get3A_42 = arith.constant 0 : index
    %get3A_43 = vector.load %arg12[%get3A_41, %get3A_42] : memref<128x128xf32, #tpu.memory_space<vmem>>, vector<128x128xf32>
    %dot_general3A_44 = arith.constant dense<0.000000e+00> : vector<128x128xf32>
    %dot_general3A_45 = tpu.matmul %get3A_43, %slice3A, %dot_general3A_44 {dimension_numbers = #tpu.dot_dimension_numbers<[1], [1], [0], [0], [0, 0, 1, 0], [], []>, transpose_lhs_hint = false} : vector<128x128xf32>, vector<128x128xf32>, vector<128x128xf32> -> vector<128x128xf32>
    %mul3A_46 = vector.broadcast %tanh3A : vector<1x128xf32> to vector<128x128xf32>
    %mul3A_47 = arith.mulf %dot_general3A_45, %mul3A_46 : vector<128x128xf32>
    %add3A_48 = arith.addf %mul3A_33, %add3A : vector<128x128xf32>
    %logistic3A = arith.negf %add3A_48 : vector<128x128xf32>
    %logistic3A_49 = math.exp %logistic3A : vector<128x128xf32>
    %logistic3A_50 = arith.constant 1.000000e+00 : f32
    %logistic3A_51 = vector.broadcast %logistic3A_50 : f32 to vector<128x128xf32>
    %logistic3A_52 = arith.addf %logistic3A_51, %logistic3A_49 : vector<128x128xf32>
    %logistic3A_53 = arith.divf %logistic3A_51, %logistic3A_52 : vector<128x128xf32>
    %add3A_54 = arith.addf %mul3A_40, %add3A_27 : vector<128x128xf32>
    %logistic3A_55 = arith.negf %add3A_54 : vector<128x128xf32>
    %logistic3A_56 = math.exp %logistic3A_55 : vector<128x128xf32>
    %logistic3A_57 = arith.constant 1.000000e+00 : f32
    %logistic3A_58 = vector.broadcast %logistic3A_57 : f32 to vector<128x128xf32>
    %logistic3A_59 = arith.addf %logistic3A_58, %logistic3A_56 : vector<128x128xf32>
    %logistic3A_60 = arith.divf %logistic3A_58, %logistic3A_59 : vector<128x128xf32>
    %mul3A_61 = arith.mulf %logistic3A_60, %get3A_11 : vector<128x128xf32>
    %get3A_62 = arith.constant 0 : index
    %get3A_63 = arith.constant 0 : index
    %get3A_64 = vector.load %arg13[%get3A_62, %get3A_63] : memref<128x128xf32, #tpu.memory_space<vmem>>, vector<128x128xf32>
    %dot_general3A_65 = arith.constant dense<0.000000e+00> : vector<128x128xf32>
    %dot_general3A_66 = tpu.matmul %get3A_64, %mul3A_61, %dot_general3A_65 {dimension_numbers = #tpu.dot_dimension_numbers<[1], [0], [0], [1], [0, 0, 1, 1], [], []>, transpose_lhs_hint = false} : vector<128x128xf32>, vector<128x128xf32>, vector<128x128xf32> -> vector<128x128xf32>
    %add3A_67 = arith.addf %mul3A_47, %dot_general3A_66 : vector<128x128xf32>
    %get3A_68 = arith.constant 0 : index
    %get3A_69 = arith.constant 0 : index
    %get3A_70 = vector.load %arg14[%get3A_68, %get3A_69] : memref<128x128xf32, #tpu.memory_space<vmem>>, vector<128x128xf32>
    %add3A_71 = arith.addf %add3A_67, %get3A_70 : vector<128x128xf32>
    %tanh3A_72 = math.tanh %add3A_71 : vector<128x128xf32>
    %sub3A = arith.constant 1.000000e+00 : f32
    %sub3A_73 = vector.broadcast %sub3A : f32 to vector<128x128xf32>
    %sub3A_74 = arith.subf %sub3A_73, %logistic3A_53 : vector<128x128xf32>
    %mul3A_75 = arith.mulf %sub3A_74, %get3A_11 : vector<128x128xf32>
    %mul3A_76 = arith.mulf %logistic3A_53, %tanh3A_72 : vector<128x128xf32>
    %add3A_77 = arith.addf %mul3A_75, %mul3A_76 : vector<128x128xf32>
    %get3A_78 = arith.constant 0 : index
    %get3A_79 = arith.constant 0 : index
    %get3A_80 = arith.constant 0 : index
    %get3A_81 = vector.load %arg4[%get3A_78, %get3A_79, %get3A_80] : memref<1x20x256xf32, #tpu.memory_space<vmem>>, vector<1x20x256xf32>
    %get3A_82 = vector.shape_cast %get3A_81 : vector<1x20x256xf32> to vector<20x256xf32>
    %dot_general3A_83 = arith.constant dense<0.000000e+00> : vector<128x20xf32>
    %dot_general3A_84 = tpu.matmul %get3A_3, %get3A_82, %dot_general3A_83 {dimension_numbers = #tpu.dot_dimension_numbers<[1], [1], [0], [0], [0, 0, 1, 0], [], []>, transpose_lhs_hint = false} : vector<128x256xf32>, vector<20x256xf32>, vector<128x20xf32> -> vector<128x20xf32>
    %dot_general3A_85 = arith.constant dense<0.000000e+00> : vector<128x128xf32>
    %dot_general3A_86 = tpu.matmul %dot_general3A_84, %dot_general3A_84, %dot_general3A_85 {dimension_numbers = #tpu.dot_dimension_numbers<[1], [1], [0], [0], [0, 0, 1, 0], [], []>, transpose_lhs_hint = false} : vector<128x20xf32>, vector<128x20xf32>, vector<128x128xf32> -> vector<128x128xf32>
    %get3A_87 = arith.constant 0 : index
    %get3A_88 = arith.constant 0 : index
    %get3A_89 = arith.constant 0 : index
    %get3A_90 = vector.load %arg2[%get3A_87, %get3A_88, %get3A_89] : memref<1x128x128xf32, #tpu.memory_space<vmem>>, vector<1x128x128xf32>
    %get3A_91 = vector.shape_cast %get3A_90 : vector<1x128x128xf32> to vector<128x128xf32>
    %reduce_sum3A = arith.constant dense<0.000000e+00> : vector<128xf32>
    %reduce_sum3A_92 = vector.multi_reduction <add>, %get3A_91, %reduce_sum3A [0] : vector<128x128xf32> to vector<128xf32>
    %rsqrt3A = math.rsqrt %reduce_sum3A_92 : vector<128xf32>
    %broadcast_in_dim3A = vector.shape_cast %rsqrt3A : vector<128xf32> to vector<1x128xf32>
    %mul3A_93 = vector.broadcast %broadcast_in_dim3A : vector<1x128xf32> to vector<128x128xf32>
    %mul3A_94 = arith.mulf %get3A_91, %mul3A_93 : vector<128x128xf32>
    %broadcast_in_dim3A_95 = vector.shape_cast %rsqrt3A : vector<128xf32> to vector<128x1xf32>
    %mul3A_96 = vector.broadcast %broadcast_in_dim3A_95 : vector<128x1xf32> to vector<128x128xf32>
    %mul3A_97 = arith.mulf %mul3A_94, %mul3A_96 : vector<128x128xf32>
    %add3A_98 = arith.addf %add3A_77, %mul3A_97 : vector<128x128xf32>
    %add3A_99 = arith.addf %add3A_98, %dot_general3A_86 : vector<128x128xf32>
    %get3A_100 = arith.constant 0 : index
    %get3A_101 = arith.constant 0 : index
    %get3A_102 = arith.constant 0 : index
    %get3A_103 = vector.load %arg5[%get3A_100, %get3A_101, %get3A_102] : memref<1x1x256xf32, #tpu.memory_space<vmem>>, vector<1x1x256xf32>
    %get3A_104 = vector.shape_cast %get3A_103 : vector<1x1x256xf32> to vector<1x256xf32>
    %mul3A_105 = vector.broadcast %get3A_104 : vector<1x256xf32> to vector<128x256xf32>
    %mul3A_106 = arith.mulf %get3A_3, %mul3A_105 : vector<128x256xf32>
    %reduce_sum3A_107 = arith.constant dense<0.000000e+00> : vector<128xf32>
    %reduce_sum3A_108 = vector.multi_reduction <add>, %mul3A_106, %reduce_sum3A_107 [1] : vector<128x256xf32> to vector<128xf32>
    %broadcast_in_dim3A_109 = vector.shape_cast %reduce_sum3A_108 : vector<128xf32> to vector<1x128xf32>
    %mul3A_110 = vector.broadcast %broadcast_in_dim3A_109 : vector<1x128xf32> to vector<128x128xf32>
    %mul3A_111 = arith.mulf %add3A_99, %mul3A_110 : vector<128x128xf32>
    %reduce_sum3A_112 = arith.constant dense<0.000000e+00> : vector<128xf32>
    %reduce_sum3A_113 = vector.multi_reduction <add>, %mul3A_111, %reduce_sum3A_112 [1] : vector<128x128xf32> to vector<128xf32>
    %broadcast_in_dim3A_114 = vector.shape_cast %reduce_sum3A_113 : vector<128xf32> to vector<128x1xf32>
    %get3A_115 = arith.constant 0 : index
    %get3A_116 = arith.constant 0 : index
    %get3A_117 = vector.load %arg16[%get3A_115, %get3A_116] : memref<1x256xf32, #tpu.memory_space<vmem>>, vector<1x256xf32>
    %mul3A_118 = vector.broadcast %broadcast_in_dim3A_114 : vector<128x1xf32> to vector<128x256xf32>
    %mul3A_119 = vector.broadcast %get3A_117 : vector<1x256xf32> to vector<128x256xf32>
    %mul3A_120 = arith.mulf %mul3A_118, %mul3A_119 : vector<128x256xf32>
    %max3A = arith.constant 0.000000e+00 : f32
    %max3A_121 = vector.broadcast %max3A : f32 to vector<128x256xf32>
    %max3A_122 = arith.maximumf %mul3A_120, %max3A_121 : vector<128x256xf32>
    %swap3A = arith.constant 0 : index
    %swap3A_123 = arith.constant 0 : index
    %swap3A_124 = arith.constant 0 : index
    %swap3A_125 = vector.load %arg17[%swap3A, %swap3A_123, %swap3A_124] : memref<1x128x256xf32, #tpu.memory_space<vmem>>, vector<1x128x256xf32>
    %swap3A_126 = vector.shape_cast %swap3A_125 : vector<1x128x256xf32> to vector<128x256xf32>
    %swap3A_127 = vector.shape_cast %max3A_122 : vector<128x256xf32> to vector<1x128x256xf32>
    tpu.vector_store %arg17[%swap3A, %swap3A_123, %swap3A_124], %swap3A_127 {strides = array<i32>} : memref<1x128x256xf32, #tpu.memory_space<vmem>>, vector<1x128x256xf32>,
    return
  }
  func.func @transform_0(%arg0: i32) -> (i32, i32, i32) {
    %c0_i32 = arith.constant 0 : i32
    %c0_i32_0 = arith.constant 0 : i32
    %c0_i32_1 = arith.constant 0 : i32
    return %arg0, %c0_i32, %c0_i32_0 : i32, i32, i32
  }
  func.func @transform_1(%arg0: i32) -> (i32, i32, i32) {
    %c0_i32 = arith.constant 0 : i32
    %c0_i32_0 = arith.constant 0 : i32
    %c0_i32_1 = arith.constant 0 : i32
    return %arg0, %c0_i32, %c0_i32_0 : i32, i32, i32
  }
  func.func @transform_2(%arg0: i32) -> (i32, i32, i32) {
    %c0_i32 = arith.constant 0 : i32
    %c0_i32_0 = arith.constant 0 : i32
    %c0_i32_1 = arith.constant 0 : i32
    return %arg0, %c0_i32, %c0_i32_0 : i32, i32, i32
  }
  func.func @transform_3(%arg0: i32) -> (i32, i32, i32) {
    %c0_i32 = arith.constant 0 : i32
    %c0_i32_0 = arith.constant 0 : i32
    %c0_i32_1 = arith.constant 0 : i32
    return %arg0, %c0_i32, %c0_i32_0 : i32, i32, i32
  }
  func.func @transform_4(%arg0: i32) -> (i32, i32, i32) {
    %c0_i32 = arith.constant 0 : i32
    %c0_i32_0 = arith.constant 0 : i32
    %c0_i32_1 = arith.constant 0 : i32
    return %arg0, %c0_i32, %c0_i32_0 : i32, i32, i32
  }
  func.func @transform_5(%arg0: i32) -> (i32, i32) {
    %c0_i32 = arith.constant 0 : i32
    %c0_i32_0 = arith.constant 0 : i32
    %c0_i32_1 = arith.constant 0 : i32
    return %c0_i32, %c0_i32_0 : i32, i32
  }
  func.func @transform_6(%arg0: i32) -> (i32, i32) {
    %c0_i32 = arith.constant 0 : i32
    %c0_i32_0 = arith.constant 0 : i32
    %c0_i32_1 = arith.constant 0 : i32
    return %c0_i32, %c0_i32_0 : i32, i32
  }
  func.func @transform_7(%arg0: i32) -> (i32, i32) {
    %c0_i32 = arith.constant 0 : i32
    %c0_i32_0 = arith.constant 0 : i32
    %c0_i32_1 = arith.constant 0 : i32
    return %c0_i32, %c0_i32_0 : i32, i32
  }
  func.func @transform_8(%arg0: i32) -> (i32, i32) {
    %c0_i32 = arith.constant 0 : i32
    %c0_i32_0 = arith.constant 0 : i32
    %c0_i32_1 = arith.constant 0 : i32
    return %c0_i32, %c0_i32_0 : i32, i32
  }
  func.func @transform_9(%arg0: i32) -> (i32, i32) {
    %c0_i32 = arith.constant 0 : i32
    %c0_i32_0 = arith.constant 0 : i32
    %c0_i32_1 = arith.constant 0 : i32
    return %c0_i32, %c0_i32_0 : i32, i32
  }
  func.func @transform_10(%arg0: i32) -> (i32, i32) {
    %c0_i32 = arith.constant 0 : i32
    %c0_i32_0 = arith.constant 0 : i32
    %c0_i32_1 = arith.constant 0 : i32
    return %c0_i32, %c0_i32_0 : i32, i32
  }
  func.func @transform_11(%arg0: i32) -> (i32, i32) {
    %c0_i32 = arith.constant 0 : i32
    %c0_i32_0 = arith.constant 0 : i32
    %c0_i32_1 = arith.constant 0 : i32
    return %c0_i32, %c0_i32_0 : i32, i32
  }
  func.func @transform_12(%arg0: i32) -> (i32, i32) {
    %c0_i32 = arith.constant 0 : i32
    %c0_i32_0 = arith.constant 0 : i32
    %c0_i32_1 = arith.constant 0 : i32
    return %c0_i32, %c0_i32_0 : i32, i32
  }
  func.func @transform_13(%arg0: i32) -> (i32, i32) {
    %c0_i32 = arith.constant 0 : i32
    %c0_i32_0 = arith.constant 0 : i32
    %c0_i32_1 = arith.constant 0 : i32
    return %c0_i32, %c0_i32_0 : i32, i32
  }
  func.func @transform_14(%arg0: i32) -> (i32, i32) {
    %c0_i32 = arith.constant 0 : i32
    %c0_i32_0 = arith.constant 0 : i32
    %c0_i32_1 = arith.constant 0 : i32
    return %c0_i32, %c0_i32_0 : i32, i32
  }
  func.func @transform_15(%arg0: i32) -> (i32, i32) {
    %c0_i32 = arith.constant 0 : i32
    %c0_i32_0 = arith.constant 0 : i32
    %c0_i32_1 = arith.constant 0 : i32
    return %c0_i32, %c0_i32_0 : i32, i32
  }
  func.func @transform_16(%arg0: i32) -> (i32, i32, i32) {
    %c0_i32 = arith.constant 0 : i32
    %c0_i32_0 = arith.constant 0 : i32
    %c0_i32_1 = arith.constant 0 : i32
    return %arg0, %c0_i32, %c0_i32_0 : i32, i32, i32
  }
}

module attributes {stable_mosaic.version = 14 : i64} {
  func.func @_k1_body(%arg0: i32, %arg1: memref<1x2048x256xf32, #tpu.memory_space<vmem>>, %arg2: memref<1x1x512xf32, #tpu.memory_space<vmem>>, %arg3: memref<256x512xf32, #tpu.memory_space<vmem>>, %arg4: memref<1x256xf32, #tpu.memory_space<vmem>>, %arg5: memref<256x512xf32, #tpu.memory_space<vmem>>, %arg6: memref<1x256xf32, #tpu.memory_space<vmem>>, %arg7: memref<1x1x256xf32, #tpu.memory_space<vmem>>, %arg8: memref<1x1x256xf32, #tpu.memory_space<vmem>>, %arg9: memref<1x1x128xf32, #tpu.memory_space<vmem>>, %arg10: memref<8x128xf32, #tpu.memory_space<vmem>>, %arg11: memref<8x128xi32, #tpu.memory_space<vmem>>, %arg12: memref<8x128xi32, #tpu.memory_space<vmem>>, %arg13: memref<8x128xf32, #tpu.memory_space<vmem>>, %arg14: memref<8x2048xf32, #tpu.memory_space<vmem>>, %arg15: memref<8x128xf32, #tpu.memory_space<vmem>>) attributes {dimension_semantics = [#tpu.dimension_semantics<arbitrary>], iteration_bounds = array<i64: 9>, scalar_prefetch = 0 : i64, scratch_operands = 2 : i64, tpu.core_type = #tpu.core_type<tc>, window_params = [{transform_indices = @transform_0, window_bounds = array<i64: 1, 2048, 256>}, {transform_indices = @transform_1, window_bounds = array<i64: 1, 1, 512>}, {pipeline_mode = #tpu.pipeline_mode<synchronous>, transform_indices = @transform_2, window_bounds = array<i64: 256, 512>}, {pipeline_mode = #tpu.pipeline_mode<synchronous>, transform_indices = @transform_3, window_bounds = array<i64: 1, 256>}, {pipeline_mode = #tpu.pipeline_mode<synchronous>, transform_indices = @transform_4, window_bounds = array<i64: 256, 512>}, {pipeline_mode = #tpu.pipeline_mode<synchronous>, transform_indices = @transform_5, window_bounds = array<i64: 1, 256>}, {transform_indices = @transform_6, window_bounds = array<i64: 1, 1, 256>}, {transform_indices = @transform_7, window_bounds = array<i64: 1, 1, 256>}, {transform_indices = @transform_8, window_bounds = array<i64: 1, 1, 128>}, {pipeline_mode = #tpu.pipeline_mode<synchronous>, transform_indices = @transform_9, window_bounds = array<i64: 8, 128>}, {pipeline_mode = #tpu.pipeline_mode<synchronous>, transform_indices = @transform_10, window_bounds = array<i64: 8, 128>}, {pipeline_mode = #tpu.pipeline_mode<synchronous>, transform_indices = @transform_11, window_bounds = array<i64: 8, 128>}, {pipeline_mode = #tpu.pipeline_mode<synchronous>, transform_indices = @transform_12, window_bounds = array<i64: 8, 128>}]} {
    %lt3A = arith.constant 8 : i32
    %lt3A_0 = arith.cmpi slt, %arg0, %lt3A : i32
    %convert_element_type3A = arith.extui %lt3A_0 : i1 to i32
    %cond3A = arith.constant 0 : i32
    %cond3A_1 = arith.cmpi ne, %convert_element_type3A, %cond3A : i32
    scf.if %cond3A_1 {
      %get3A = arith.constant 0 : index
      %get3A_6 = arith.constant 0 : index
      %get3A_7 = arith.constant 0 : index
      %get3A_8 = vector.load %arg2[%get3A, %get3A_6, %get3A_7] : memref<1x1x512xf32, #tpu.memory_space<vmem>>, vector<1x1x512xf32>
      %get3A_9 = vector.shape_cast %get3A_8 : vector<1x1x512xf32> to vector<1x512xf32>
      %convert_element_type3A_10 = arith.truncf %get3A_9 : vector<1x512xf32> to vector<1x512xbf16>
      %convert_element_type3A_11 = arith.extf %convert_element_type3A_10 : vector<1x512xbf16> to vector<1x512xf32>
      %get3A_12 = arith.constant 0 : index
      %get3A_13 = arith.constant 0 : index
      %get3A_14 = vector.load %arg3[%get3A_12, %get3A_13] : memref<256x512xf32, #tpu.memory_space<vmem>>, vector<256x512xf32>
      %convert_element_type3A_15 = arith.truncf %get3A_14 : vector<256x512xf32> to vector<256x512xbf16>
      %convert_element_type3A_16 = arith.extf %convert_element_type3A_15 : vector<256x512xbf16> to vector<256x512xf32>
      %dot_general3A = arith.constant dense<0.000000e+00> : vector<1x256xf32>
      %dot_general3A_17 = tpu.matmul %convert_element_type3A_11, %convert_element_type3A_16, %dot_general3A {dimension_numbers = #tpu.dot_dimension_numbers<[1], [1], [0], [0], [0, 0, 1, 0], [], []>, transpose_lhs_hint = false} : vector<1x512xf32>, vector<256x512xf32>, vector<1x256xf32> -> vector<1x256xf32>
      %get3A_18 = arith.constant 0 : index
      %get3A_19 = arith.constant 0 : index
      %get3A_20 = vector.load %arg4[%get3A_18, %get3A_19] : memref<1x256xf32, #tpu.memory_space<vmem>>, vector<1x256xf32>
      %add3A = arith.addf %dot_general3A_17, %get3A_20 : vector<1x256xf32>
      %tanh3A = math.tanh %add3A : vector<1x256xf32>
      %swap3A = arith.constant 0 : index
      %swap3A_21 = arith.constant 0 : index
      %swap3A_22 = arith.constant 0 : index
      %swap3A_23 = vector.load %arg7[%swap3A, %swap3A_21, %swap3A_22] : memref<1x1x256xf32, #tpu.memory_space<vmem>>, vector<1x1x256xf32>
      %swap3A_24 = vector.shape_cast %swap3A_23 : vector<1x1x256xf32> to vector<1x256xf32>
      %swap3A_25 = vector.shape_cast %tanh3A : vector<1x256xf32> to vector<1x1x256xf32>
      tpu.vector_store %arg7[%swap3A, %swap3A_21, %swap3A_22], %swap3A_25 {strides = array<i32>} : memref<1x1x256xf32, #tpu.memory_space<vmem>>, vector<1x1x256xf32>,
      %get3A_26 = arith.constant 0 : index
      %get3A_27 = arith.constant 0 : index
      %get3A_28 = vector.load %arg5[%get3A_26, %get3A_27] : memref<256x512xf32, #tpu.memory_space<vmem>>, vector<256x512xf32>
      %convert_element_type3A_29 = arith.truncf %get3A_28 : vector<256x512xf32> to vector<256x512xbf16>
      %convert_element_type3A_30 = arith.extf %convert_element_type3A_29 : vector<256x512xbf16> to vector<256x512xf32>
      %dot_general3A_31 = arith.constant dense<0.000000e+00> : vector<1x256xf32>
      %dot_general3A_32 = tpu.matmul %convert_element_type3A_11, %convert_element_type3A_30, %dot_general3A_31 {dimension_numbers = #tpu.dot_dimension_numbers<[1], [1], [0], [0], [0, 0, 1, 0], [], []>, transpose_lhs_hint = false} : vector<1x512xf32>, vector<256x512xf32>, vector<1x256xf32> -> vector<1x256xf32>
      %get3A_33 = arith.constant 0 : index
      %get3A_34 = arith.constant 0 : index
      %get3A_35 = vector.load %arg6[%get3A_33, %get3A_34] : memref<1x256xf32, #tpu.memory_space<vmem>>, vector<1x256xf32>
      %add3A_36 = arith.addf %dot_general3A_32, %get3A_35 : vector<1x256xf32>
      %tanh3A_37 = math.tanh %add3A_36 : vector<1x256xf32>
      %swap3A_38 = arith.constant 0 : index
      %swap3A_39 = arith.constant 0 : index
      %swap3A_40 = arith.constant 0 : index
      %swap3A_41 = vector.load %arg8[%swap3A_38, %swap3A_39, %swap3A_40] : memref<1x1x256xf32, #tpu.memory_space<vmem>>, vector<1x1x256xf32>
      %swap3A_42 = vector.shape_cast %swap3A_41 : vector<1x1x256xf32> to vector<1x256xf32>
      %swap3A_43 = vector.shape_cast %tanh3A_37 : vector<1x256xf32> to vector<1x1x256xf32>
      tpu.vector_store %arg8[%swap3A_38, %swap3A_39, %swap3A_40], %swap3A_43 {strides = array<i32>} : memref<1x1x256xf32, #tpu.memory_space<vmem>>, vector<1x1x256xf32>,
      %mul3A = arith.mulf %tanh3A, %tanh3A : vector<1x256xf32>
      %reduce_sum3A = vector.shape_cast %mul3A : vector<1x256xf32> to vector<1x1x256xf32>
      %reduce_sum3A_44 = arith.constant dense<0.000000e+00> : vector<1xf32>
      %reduce_sum3A_45 = vector.multi_reduction <add>, %reduce_sum3A, %reduce_sum3A_44 [1, 2] : vector<1x1x256xf32> to vector<1xf32>
      %reduce_sum3A_46 = vector.shape_cast %reduce_sum3A_45 : vector<1xf32> to vector<1x1x1xf32>
      %reduce_sum3A_47 = vector.extract %reduce_sum3A_46[0, 0, 0] : f32 from vector<1x1x1xf32>
      %sqrt3A = math.sqrt %reduce_sum3A_47 : f32
      %get3A_48 = arith.constant 0 : index
      %get3A_49 = arith.constant 0 : index
      %get3A_50 = arith.constant 0 : index
      %get3A_51 = vector.load %arg1[%get3A_48, %get3A_49, %get3A_50] : memref<1x2048x256xf32, #tpu.memory_space<vmem>>, vector<1x2048x256xf32>
      %get3A_52 = vector.shape_cast %get3A_51 : vector<1x2048x256xf32> to vector<2048x256xf32>
      %convert_element_type3A_53 = arith.truncf %tanh3A : vector<1x256xf32> to vector<1x256xbf16>
      %convert_element_type3A_54 = arith.extf %convert_element_type3A_53 : vector<1x256xbf16> to vector<1x256xf32>
      %convert_element_type3A_55 = arith.truncf %get3A_52 : vector<2048x256xf32> to vector<2048x256xbf16>
      %convert_element_type3A_56 = arith.extf %convert_element_type3A_55 : vector<2048x256xbf16> to vector<2048x256xf32>
      %dot_general3A_57 = arith.constant dense<0.000000e+00> : vector<1x2048xf32>
      %dot_general3A_58 = tpu.matmul %convert_element_type3A_54, %convert_element_type3A_56, %dot_general3A_57 {dimension_numbers = #tpu.dot_dimension_numbers<[1], [1], [0], [0], [0, 0, 1, 0], [], []>, transpose_lhs_hint = false} : vector<1x256xf32>, vector<2048x256xf32>, vector<1x2048xf32> -> vector<1x2048xf32>
      %squeeze3A = vector.shape_cast %dot_general3A_58 : vector<1x2048xf32> to vector<2048xf32>
      %div3A = vector.broadcast %sqrt3A : f32 to vector<2048xf32>
      %div3A_59 = arith.divf %squeeze3A, %div3A : vector<2048xf32>
      %swap3A_60 = arith.index_cast %arg0 : i32 to index
      %swap3A_61 = arith.constant 0 : index
      %swap3A_62 = vector.load %arg14[%swap3A_60, %swap3A_61] : memref<8x2048xf32, #tpu.memory_space<vmem>>, vector<1x2048xf32>
      %swap3A_63 = vector.shape_cast %swap3A_62 : vector<1x2048xf32> to vector<2048xf32>
      %swap3A_64 = vector.shape_cast %div3A_59 : vector<2048xf32> to vector<1x2048xf32>
      tpu.vector_store %arg14[%swap3A_60, %swap3A_61], %swap3A_64 {strides = array<i32>} : memref<8x2048xf32, #tpu.memory_space<vmem>>, vector<1x2048xf32>,
      %reduce_max3A = vector.shape_cast %div3A_59 : vector<2048xf32> to vector<1x2048xf32>
      %reduce_max3A_65 = arith.constant dense<0xFF800000> : vector<1xf32>
      %reduce_max3A_66 = vector.multi_reduction <maximumf>, %reduce_max3A, %reduce_max3A_65 [1] : vector<1x2048xf32> to vector<1xf32>
      %reduce_max3A_67 = vector.shape_cast %reduce_max3A_66 : vector<1xf32> to vector<1x1xf32>
      %reduce_max3A_68 = vector.extract %reduce_max3A_67[0, 0] : f32 from vector<1x1xf32>
      %sub3A = vector.broadcast %reduce_max3A_68 : f32 to vector<2048xf32>
      %sub3A_69 = arith.subf %div3A_59, %sub3A : vector<2048xf32>
      %exp3A = math.exp %sub3A_69 : vector<2048xf32>
      %reduce_sum3A_70 = vector.shape_cast %exp3A : vector<2048xf32> to vector<1x2048xf32>
      %reduce_sum3A_71 = arith.constant dense<0.000000e+00> : vector<1xf32>
      %reduce_sum3A_72 = vector.multi_reduction <add>, %reduce_sum3A_70, %reduce_sum3A_71 [1] : vector<1x2048xf32> to vector<1xf32>
      %reduce_sum3A_73 = vector.shape_cast %reduce_sum3A_72 : vector<1xf32> to vector<1x1xf32>
      %reduce_sum3A_74 = vector.extract %reduce_sum3A_73[0, 0] : f32 from vector<1x1xf32>
      %log3A = math.log %reduce_sum3A_74 : f32
      %add3A_75 = arith.addf %log3A, %reduce_max3A_68 : f32
      %mul3A_76 = arith.mulf %exp3A, %div3A_59 : vector<2048xf32>
      %reduce_sum3A_77 = vector.shape_cast %mul3A_76 : vector<2048xf32> to vector<1x2048xf32>
      %reduce_sum3A_78 = arith.constant dense<0.000000e+00> : vector<1xf32>
      %reduce_sum3A_79 = vector.multi_reduction <add>, %reduce_sum3A_77, %reduce_sum3A_78 [1] : vector<1x2048xf32> to vector<1xf32>
      %reduce_sum3A_80 = vector.shape_cast %reduce_sum3A_79 : vector<1xf32> to vector<1x1xf32>
      %reduce_sum3A_81 = vector.extract %reduce_sum3A_80[0, 0] : f32 from vector<1x1xf32>
      %div3A_82 = arith.divf %reduce_sum3A_81, %reduce_sum3A_74 : f32
      %sub3A_83 = arith.subf %add3A_75, %div3A_82 : f32
      %broadcast_in_dim3A = vector.broadcast %add3A_75 : f32 to vector<128xf32>
      %swap3A_84 = arith.index_cast %arg0 : i32 to index
      %swap3A_85 = arith.constant 0 : index
      %swap3A_86 = vector.load %arg15[%swap3A_84, %swap3A_85] : memref<8x128xf32, #tpu.memory_space<vmem>>, vector<1x128xf32>
      %swap3A_87 = vector.shape_cast %swap3A_86 : vector<1x128xf32> to vector<128xf32>
      %swap3A_88 = vector.shape_cast %broadcast_in_dim3A : vector<128xf32> to vector<1x128xf32>
      tpu.vector_store %arg15[%swap3A_84, %swap3A_85], %swap3A_88 {strides = array<i32>} : memref<8x128xf32, #tpu.memory_space<vmem>>, vector<1x128xf32>,
      %broadcast_in_dim3A_89 = vector.broadcast %sub3A_83 : f32 to vector<1x1x128xf32>
      %swap3A_90 = arith.constant 0 : index
      %swap3A_91 = arith.constant 0 : index
      %swap3A_92 = arith.constant 0 : index
      %swap3A_93 = vector.load %arg9[%swap3A_90, %swap3A_91, %swap3A_92] : memref<1x1x128xf32, #tpu.memory_space<vmem>>, vector<1x1x128xf32>
      tpu.vector_store %arg9[%swap3A_90, %swap3A_91, %swap3A_92], %broadcast_in_dim3A_89 {strides = array<i32>} : memref<1x1x128xf32, #tpu.memory_space<vmem>>, vector<1x1x128xf32>,
    } else {
    }
    %eq3A = arith.constant 8 : i32
    %eq3A_2 = arith.cmpi eq, %arg0, %eq3A : i32
    %convert_element_type3A_3 = arith.extui %eq3A_2 : i1 to i32
    %cond3A_4 = arith.constant 0 : i32
    %cond3A_5 = arith.cmpi ne, %convert_element_type3A_3, %cond3A_4 : i32
    scf.if %cond3A_5 {
      %iota3A = tpu.iota {dimensions = array<i32: 1>} : vector<8x2048xi32>
      %get3A = arith.constant 0 : index
      %get3A_6 = arith.constant 0 : index
      %get3A_7 = vector.load %arg14[%get3A, %get3A_6] : memref<8x2048xf32, #tpu.memory_space<vmem>>, vector<8x2048xf32>
      %shift_right_arithmetic3A = arith.constant 1 : i32
      %shift_right_arithmetic3A_8 = vector.broadcast %shift_right_arithmetic3A : i32 to vector<8x2048xi32>
      %shift_right_arithmetic3A_9 = arith.shrsi %iota3A, %shift_right_arithmetic3A_8 : vector<8x2048xi32>
      %and3A = arith.constant 1 : i32
      %and3A_10 = vector.broadcast %and3A : i32 to vector<8x2048xi32>
      %and3A_11 = arith.andi %shift_right_arithmetic3A_9, %and3A_10 : vector<8x2048xi32>
      %eq3A_12 = arith.constant 0 : i32
      %eq3A_13 = vector.broadcast %eq3A_12 : i32 to vector<8x2048xi32>
      %eq3A_14 = arith.cmpi eq, %and3A_11, %eq3A_13 : vector<8x2048xi32>
      %and3A_15 = arith.constant 1 : i32
      %and3A_16 = vector.broadcast %and3A_15 : i32 to vector<8x2048xi32>
      %and3A_17 = arith.andi %iota3A, %and3A_16 : vector<8x2048xi32>
      %eq3A_18 = arith.constant 0 : i32
      %eq3A_19 = vector.broadcast %eq3A_18 : i32 to vector<8x2048xi32>
      %eq3A_20 = arith.cmpi eq, %and3A_17, %eq3A_19 : vector<8x2048xi32>
      %slice3A = vector.extract_strided_slice %get3A_7 {offsets = [0, 1], sizes = [8, 2047], strides = [1, 1]} : vector<8x2048xf32> to vector<8x2047xf32>
      %slice3A_21 = vector.extract_strided_slice %get3A_7 {offsets = [0, 0], sizes = [8, 1], strides = [1, 1]} : vector<8x2048xf32> to vector<8x1xf32>
      %concatenate3A = tpu.concatenate %slice3A, %slice3A_21 in 1 : vector<8x2047xf32>, vector<8x1xf32> -> vector<8x2048xf32>
      %slice3A_22 = vector.extract_strided_slice %get3A_7 {offsets = [0, 2047], sizes = [8, 1], strides = [1, 1]} : vector<8x2048xf32> to vector<8x1xf32>
      %slice3A_23 = vector.extract_strided_slice %get3A_7 {offsets = [0, 0], sizes = [8, 2047], strides = [1, 1]} : vector<8x2048xf32> to vector<8x2047xf32>
      %concatenate3A_24 = tpu.concatenate %slice3A_22, %slice3A_23 in 1 : vector<8x1xf32>, vector<8x2047xf32> -> vector<8x2048xf32>
      %select_n3A = arith.select %eq3A_20, %concatenate3A, %concatenate3A_24 : vector<8x2048xi1>, vector<8x2048xf32>
      %slice3A_25 = vector.extract_strided_slice %iota3A {offsets = [0, 1], sizes = [8, 2047], strides = [1, 1]} : vector<8x2048xi32> to vector<8x2047xi32>
      %slice3A_26 = vector.extract_strided_slice %iota3A {offsets = [0, 0], sizes = [8, 1], strides = [1, 1]} : vector<8x2048xi32> to vector<8x1xi32>
      %concatenate3A_27 = tpu.concatenate %slice3A_25, %slice3A_26 in 1 : vector<8x2047xi32>, vector<8x1xi32> -> vector<8x2048xi32>
      %slice3A_28 = vector.extract_strided_slice %iota3A {offsets = [0, 2047], sizes = [8, 1], strides = [1, 1]} : vector<8x2048xi32> to vector<8x1xi32>
      %slice3A_29 = vector.extract_strided_slice %iota3A {offsets = [0, 0], sizes = [8, 2047], strides = [1, 1]} : vector<8x2048xi32> to vector<8x2047xi32>
      %concatenate3A_30 = tpu.concatenate %slice3A_28, %slice3A_29 in 1 : vector<8x1xi32>, vector<8x2047xi32> -> vector<8x2048xi32>
      %select_n3A_31 = arith.select %eq3A_20, %concatenate3A_27, %concatenate3A_30 : vector<8x2048xi1>, vector<8x2048xi32>
      %gt3A = arith.cmpf ogt, %get3A_7, %select_n3A : vector<8x2048xf32>
      %eq3A_32 = arith.cmpf oeq, %get3A_7, %select_n3A : vector<8x2048xf32>
      %lt3A_33 = arith.cmpi slt, %iota3A, %select_n3A_31 : vector<8x2048xi32>
      %and3A_34 = arith.andi %eq3A_32, %lt3A_33 : vector<8x2048xi1>
      %or3A = arith.ori %gt3A, %and3A_34 : vector<8x2048xi1>
      %eq3A_35 = arith.xori %eq3A_20, %eq3A_14 : vector<8x2048xi1>
      %eq3A_36 = arith.constant dense<true> : vector<8x2048xi1>
      %eq3A_37 = arith.xori %eq3A_35, %eq3A_36 : vector<8x2048xi1>
      %eq3A_38 = arith.xori %or3A, %eq3A_37 : vector<8x2048xi1>
      %eq3A_39 = arith.constant dense<true> : vector<8x2048xi1>
      %eq3A_40 = arith.xori %eq3A_38, %eq3A_39 : vector<8x2048xi1>
      %select_n3A_41 = arith.select %eq3A_40, %get3A_7, %select_n3A : vector<8x2048xi1>, vector<8x2048xf32>
      %select_n3A_42 = arith.select %eq3A_40, %iota3A, %select_n3A_31 : vector<8x2048xi1>, vector<8x2048xi32>
      %shift_right_arithmetic3A_43 = arith.constant 2 : i32
      %shift_right_arithmetic3A_44 = vector.broadcast %shift_right_arithmetic3A_43 : i32 to vector<8x2048xi32>
      %shift_right_arithmetic3A_45 = arith.shrsi %iota3A, %shift_right_arithmetic3A_44 : vector<8x2048xi32>
      %and3A_46 = arith.constant 1 : i32
      %and3A_47 = vector.broadcast %and3A_46 : i32 to vector<8x2048xi32>
      %and3A_48 = arith.andi %shift_right_arithmetic3A_45, %and3A_47 : vector<8x2048xi32>
      %eq3A_49 = arith.constant 0 : i32
      %eq3A_50 = vector.broadcast %eq3A_49 : i32 to vector<8x2048xi32>
      %eq3A_51 = arith.cmpi eq, %and3A_48, %eq3A_50 : vector<8x2048xi32>
      %and3A_52 = arith.constant 2 : i32
      %and3A_53 = vector.broadcast %and3A_52 : i32 to vector<8x2048xi32>
      %and3A_54 = arith.andi %iota3A, %and3A_53 : vector<8x2048xi32>
      %eq3A_55 = arith.constant 0 : i32
      %eq3A_56 = vector.broadcast %eq3A_55 : i32 to vector<8x2048xi32>
      %eq3A_57 = arith.cmpi eq, %and3A_54, %eq3A_56 : vector<8x2048xi32>
      %slice3A_58 = vector.extract_strided_slice %select_n3A_41 {offsets = [0, 2], sizes = [8, 2046], strides = [1, 1]} : vector<8x2048xf32> to vector<8x2046xf32>
      %slice3A_59 = vector.extract_strided_slice %select_n3A_41 {offsets = [0, 0], sizes = [8, 2], strides = [1, 1]} : vector<8x2048xf32> to vector<8x2xf32>
      %concatenate3A_60 = tpu.concatenate %slice3A_58, %slice3A_59 in 1 : vector<8x2046xf32>, vector<8x2xf32> -> vector<8x2048xf32>
      %slice3A_61 = vector.extract_strided_slice %select_n3A_41 {offsets = [0, 2046], sizes = [8, 2], strides = [1, 1]} : vector<8x2048xf32> to vector<8x2xf32>
      %slice3A_62 = vector.extract_strided_slice %select_n3A_41 {offsets = [0, 0], sizes = [8, 2046], strides = [1, 1]} : vector<8x2048xf32> to vector<8x2046xf32>
      %concatenate3A_63 = tpu.concatenate %slice3A_61, %slice3A_62 in 1 : vector<8x2xf32>, vector<8x2046xf32> -> vector<8x2048xf32>
      %select_n3A_64 = arith.select %eq3A_57, %concatenate3A_60, %concatenate3A_63 : vector<8x2048xi1>, vector<8x2048xf32>
      %slice3A_65 = vector.extract_strided_slice %select_n3A_42 {offsets = [0, 2], sizes = [8, 2046], strides = [1, 1]} : vector<8x2048xi32> to vector<8x2046xi32>
      %slice3A_66 = vector.extract_strided_slice %select_n3A_42 {offsets = [0, 0], sizes = [8, 2], strides = [1, 1]} : vector<8x2048xi32> to vector<8x2xi32>
      %concatenate3A_67 = tpu.concatenate %slice3A_65, %slice3A_66 in 1 : vector<8x2046xi32>, vector<8x2xi32> -> vector<8x2048xi32>
      %slice3A_68 = vector.extract_strided_slice %select_n3A_42 {offsets = [0, 2046], sizes = [8, 2], strides = [1, 1]} : vector<8x2048xi32> to vector<8x2xi32>
      %slice3A_69 = vector.extract_strided_slice %select_n3A_42 {offsets = [0, 0], sizes = [8, 2046], strides = [1, 1]} : vector<8x2048xi32> to vector<8x2046xi32>
      %concatenate3A_70 = tpu.concatenate %slice3A_68, %slice3A_69 in 1 : vector<8x2xi32>, vector<8x2046xi32> -> vector<8x2048xi32>
      %select_n3A_71 = arith.select %eq3A_57, %concatenate3A_67, %concatenate3A_70 : vector<8x2048xi1>, vector<8x2048xi32>
      %gt3A_72 = arith.cmpf ogt, %select_n3A_41, %select_n3A_64 : vector<8x2048xf32>
      %eq3A_73 = arith.cmpf oeq, %select_n3A_41, %select_n3A_64 : vector<8x2048xf32>
      %lt3A_74 = arith.cmpi slt, %select_n3A_42, %select_n3A_71 : vector<8x2048xi32>
      %and3A_75 = arith.andi %eq3A_73, %lt3A_74 : vector<8x2048xi1>
      %or3A_76 = arith.ori %gt3A_72, %and3A_75 : vector<8x2048xi1>
      %eq3A_77 = arith.xori %eq3A_57, %eq3A_51 : vector<8x2048xi1>
      %eq3A_78 = arith.constant dense<true> : vector<8x2048xi1>
      %eq3A_79 = arith.xori %eq3A_77, %eq3A_78 : vector<8x2048xi1>
      %eq3A_80 = arith.xori %or3A_76, %eq3A_79 : vector<8x2048xi1>
      %eq3A_81 = arith.constant dense<true> : vector<8x2048xi1>
      %eq3A_82 = arith.xori %eq3A_80, %eq3A_81 : vector<8x2048xi1>
      %select_n3A_83 = arith.select %eq3A_82, %select_n3A_41, %select_n3A_64 : vector<8x2048xi1>, vector<8x2048xf32>
      %select_n3A_84 = arith.select %eq3A_82, %select_n3A_42, %select_n3A_71 : vector<8x2048xi1>, vector<8x2048xi32>
      %and3A_85 = arith.constant 1 : i32
      %and3A_86 = vector.broadcast %and3A_85 : i32 to vector<8x2048xi32>
      %and3A_87 = arith.andi %iota3A, %and3A_86 : vector<8x2048xi32>
      %eq3A_88 = arith.constant 0 : i32
      %eq3A_89 = vector.broadcast %eq3A_88 : i32 to vector<8x2048xi32>
      %eq3A_90 = arith.cmpi eq, %and3A_87, %eq3A_89 : vector<8x2048xi32>
      %slice3A_91 = vector.extract_strided_slice %select_n3A_83 {offsets = [0, 1], sizes = [8, 2047], strides = [1, 1]} : vector<8x2048xf32> to vector<8x2047xf32>
      %slice3A_92 = vector.extract_strided_slice %select_n3A_83 {offsets = [0, 0], sizes = [8, 1], strides = [1, 1]} : vector<8x2048xf32> to vector<8x1xf32>
      %concatenate3A_93 = tpu.concatenate %slice3A_91, %slice3A_92 in 1 : vector<8x2047xf32>, vector<8x1xf32> -> vector<8x2048xf32>
      %slice3A_94 = vector.extract_strided_slice %select_n3A_83 {offsets = [0, 2047], sizes = [8, 1], strides = [1, 1]} : vector<8x2048xf32> to vector<8x1xf32>
      %slice3A_95 = vector.extract_strided_slice %select_n3A_83 {offsets = [0, 0], sizes = [8, 2047], strides = [1, 1]} : vector<8x2048xf32> to vector<8x2047xf32>
      %concatenate3A_96 = tpu.concatenate %slice3A_94, %slice3A_95 in 1 : vector<8x1xf32>, vector<8x2047xf32> -> vector<8x2048xf32>
      %select_n3A_97 = arith.select %eq3A_90, %concatenate3A_93, %concatenate3A_96 : vector<8x2048xi1>, vector<8x2048xf32>
      %slice3A_98 = vector.extract_strided_slice %select_n3A_84 {offsets = [0, 1], sizes = [8, 2047], strides = [1, 1]} : vector<8x2048xi32> to vector<8x2047xi32>
      %slice3A_99 = vector.extract_strided_slice %select_n3A_84 {offsets = [0, 0], sizes = [8, 1], strides = [1, 1]} : vector<8x2048xi32> to vector<8x1xi32>
      %concatenate3A_100 = tpu.concatenate %slice3A_98, %slice3A_99 in 1 : vector<8x2047xi32>, vector<8x1xi32> -> vector<8x2048xi32>
      %slice3A_101 = vector.extract_strided_slice %select_n3A_84 {offsets = [0, 2047], sizes = [8, 1], strides = [1, 1]} : vector<8x2048xi32> to vector<8x1xi32>
      %slice3A_102 = vector.extract_strided_slice %select_n3A_84 {offsets = [0, 0], sizes = [8, 2047], strides = [1, 1]} : vector<8x2048xi32> to vector<8x2047xi32>
      %concatenate3A_103 = tpu.concatenate %slice3A_101, %slice3A_102 in 1 : vector<8x1xi32>, vector<8x2047xi32> -> vector<8x2048xi32>
      %select_n3A_104 = arith.select %eq3A_90, %concatenate3A_100, %concatenate3A_103 : vector<8x2048xi1>, vector<8x2048xi32>
      %gt3A_105 = arith.cmpf ogt, %select_n3A_83, %select_n3A_97 : vector<8x2048xf32>
      %eq3A_106 = arith.cmpf oeq, %select_n3A_83, %select_n3A_97 : vector<8x2048xf32>
      %lt3A_107 = arith.cmpi slt, %select_n3A_84, %select_n3A_104 : vector<8x2048xi32>
      %and3A_108 = arith.andi %eq3A_106, %lt3A_107 : vector<8x2048xi1>
      %or3A_109 = arith.ori %gt3A_105, %and3A_108 : vector<8x2048xi1>
      %eq3A_110 = arith.xori %eq3A_90, %eq3A_51 : vector<8x2048xi1>
      %eq3A_111 = arith.constant dense<true> : vector<8x2048xi1>
      %eq3A_112 = arith.xori %eq3A_110, %eq3A_111 : vector<8x2048xi1>
      %eq3A_113 = arith.xori %or3A_109, %eq3A_112 : vector<8x2048xi1>
      %eq3A_114 = arith.constant dense<true> : vector<8x2048xi1>
      %eq3A_115 = arith.xori %eq3A_113, %eq3A_114 : vector<8x2048xi1>
      %select_n3A_116 = arith.select %eq3A_115, %select_n3A_83, %select_n3A_97 : vector<8x2048xi1>, vector<8x2048xf32>
      %select_n3A_117 = arith.select %eq3A_115, %select_n3A_84, %select_n3A_104 : vector<8x2048xi1>, vector<8x2048xi32>
      %shift_right_arithmetic3A_118 = arith.constant 3 : i32
      %shift_right_arithmetic3A_119 = vector.broadcast %shift_right_arithmetic3A_118 : i32 to vector<8x2048xi32>
      %shift_right_arithmetic3A_120 = arith.shrsi %iota3A, %shift_right_arithmetic3A_119 : vector<8x2048xi32>
      %and3A_121 = arith.constant 1 : i32
      %and3A_122 = vector.broadcast %and3A_121 : i32 to vector<8x2048xi32>
      %and3A_123 = arith.andi %shift_right_arithmetic3A_120, %and3A_122 : vector<8x2048xi32>
      %eq3A_124 = arith.constant 0 : i32
      %eq3A_125 = vector.broadcast %eq3A_124 : i32 to vector<8x2048xi32>
      %eq3A_126 = arith.cmpi eq, %and3A_123, %eq3A_125 : vector<8x2048xi32>
      %and3A_127 = arith.constant 4 : i32
      %and3A_128 = vector.broadcast %and3A_127 : i32 to vector<8x2048xi32>
      %and3A_129 = arith.andi %iota3A, %and3A_128 : vector<8x2048xi32>
      %eq3A_130 = arith.constant 0 : i32
      %eq3A_131 = vector.broadcast %eq3A_130 : i32 to vector<8x2048xi32>
      %eq3A_132 = arith.cmpi eq, %and3A_129, %eq3A_131 : vector<8x2048xi32>
      %slice3A_133 = vector.extract_strided_slice %select_n3A_116 {offsets = [0, 4], sizes = [8, 2044], strides = [1, 1]} : vector<8x2048xf32> to vector<8x2044xf32>
      %slice3A_134 = vector.extract_strided_slice %select_n3A_116 {offsets = [0, 0], sizes = [8, 4], strides = [1, 1]} : vector<8x2048xf32> to vector<8x4xf32>
      %concatenate3A_135 = tpu.concatenate %slice3A_133, %slice3A_134 in 1 : vector<8x2044xf32>, vector<8x4xf32> -> vector<8x2048xf32>
      %slice3A_136 = vector.extract_strided_slice %select_n3A_116 {offsets = [0, 2044], sizes = [8, 4], strides = [1, 1]} : vector<8x2048xf32> to vector<8x4xf32>
      %slice3A_137 = vector.extract_strided_slice %select_n3A_116 {offsets = [0, 0], sizes = [8, 2044], strides = [1, 1]} : vector<8x2048xf32> to vector<8x2044xf32>
      %concatenate3A_138 = tpu.concatenate %slice3A_136, %slice3A_137 in 1 : vector<8x4xf32>, vector<8x2044xf32> -> vector<8x2048xf32>
      %select_n3A_139 = arith.select %eq3A_132, %concatenate3A_135, %concatenate3A_138 : vector<8x2048xi1>, vector<8x2048xf32>
      %slice3A_140 = vector.extract_strided_slice %select_n3A_117 {offsets = [0, 4], sizes = [8, 2044], strides = [1, 1]} : vector<8x2048xi32> to vector<8x2044xi32>
      %slice3A_141 = vector.extract_strided_slice %select_n3A_117 {offsets = [0, 0], sizes = [8, 4], strides = [1, 1]} : vector<8x2048xi32> to vector<8x4xi32>
      %concatenate3A_142 = tpu.concatenate %slice3A_140, %slice3A_141 in 1 : vector<8x2044xi32>, vector<8x4xi32> -> vector<8x2048xi32>
      %slice3A_143 = vector.extract_strided_slice %select_n3A_117 {offsets = [0, 2044], sizes = [8, 4], strides = [1, 1]} : vector<8x2048xi32> to vector<8x4xi32>
      %slice3A_144 = vector.extract_strided_slice %select_n3A_117 {offsets = [0, 0], sizes = [8, 2044], strides = [1, 1]} : vector<8x2048xi32> to vector<8x2044xi32>
      %concatenate3A_145 = tpu.concatenate %slice3A_143, %slice3A_144 in 1 : vector<8x4xi32>, vector<8x2044xi32> -> vector<8x2048xi32>
      %select_n3A_146 = arith.select %eq3A_132, %concatenate3A_142, %concatenate3A_145 : vector<8x2048xi1>, vector<8x2048xi32>
      %gt3A_147 = arith.cmpf ogt, %select_n3A_116, %select_n3A_139 : vector<8x2048xf32>
      %eq3A_148 = arith.cmpf oeq, %select_n3A_116, %select_n3A_139 : vector<8x2048xf32>
      %lt3A_149 = arith.cmpi slt, %select_n3A_117, %select_n3A_146 : vector<8x2048xi32>
      %and3A_150 = arith.andi %eq3A_148, %lt3A_149 : vector<8x2048xi1>
      %or3A_151 = arith.ori %gt3A_147, %and3A_150 : vector<8x2048xi1>
      %eq3A_152 = arith.xori %eq3A_132, %eq3A_126 : vector<8x2048xi1>
      %eq3A_153 = arith.constant dense<true> : vector<8x2048xi1>
      %eq3A_154 = arith.xori %eq3A_152, %eq3A_153 : vector<8x2048xi1>
      %eq3A_155 = arith.xori %or3A_151, %eq3A_154 : vector<8x2048xi1>
      %eq3A_156 = arith.constant dense<true> : vector<8x2048xi1>
      %eq3A_157 = arith.xori %eq3A_155, %eq3A_156 : vector<8x2048xi1>
      %select_n3A_158 = arith.select %eq3A_157, %select_n3A_116, %select_n3A_139 : vector<8x2048xi1>, vector<8x2048xf32>
      %select_n3A_159 = arith.select %eq3A_157, %select_n3A_117, %select_n3A_146 : vector<8x2048xi1>, vector<8x2048xi32>
      %and3A_160 = arith.constant 2 : i32
      %and3A_161 = vector.broadcast %and3A_160 : i32 to vector<8x2048xi32>
      %and3A_162 = arith.andi %iota3A, %and3A_161 : vector<8x2048xi32>
      %eq3A_163 = arith.constant 0 : i32
      %eq3A_164 = vector.broadcast %eq3A_163 : i32 to vector<8x2048xi32>
      %eq3A_165 = arith.cmpi eq, %and3A_162, %eq3A_164 : vector<8x2048xi32>
      %slice3A_166 = vector.extract_strided_slice %select_n3A_158 {offsets = [0, 2], sizes = [8, 2046], strides = [1, 1]} : vector<8x2048xf32> to vector<8x2046xf32>
      %slice3A_167 = vector.extract_strided_slice %select_n3A_158 {offsets = [0, 0], sizes = [8, 2], strides = [1, 1]} : vector<8x2048xf32> to vector<8x2xf32>
      %concatenate3A_168 = tpu.concatenate %slice3A_166, %slice3A_167 in 1 : vector<8x2046xf32>, vector<8x2xf32> -> vector<8x2048xf32>
      %slice3A_169 = vector.extract_strided_slice %select_n3A_158 {offsets = [0, 2046], sizes = [8, 2], strides = [1, 1]} : vector<8x2048xf32> to vector<8x2xf32>
      %slice3A_170 = vector.extract_strided_slice %select_n3A_158 {offsets = [0, 0], sizes = [8, 2046], strides = [1, 1]} : vector<8x2048xf32> to vector<8x2046xf32>
      %concatenate3A_171 = tpu.concatenate %slice3A_169, %slice3A_170 in 1 : vector<8x2xf32>, vector<8x2046xf32> -> vector<8x2048xf32>
      %select_n3A_172 = arith.select %eq3A_165, %concatenate3A_168, %concatenate3A_171 : vector<8x2048xi1>, vector<8x2048xf32>
      %slice3A_173 = vector.extract_strided_slice %select_n3A_159 {offsets = [0, 2], sizes = [8, 2046], strides = [1, 1]} : vector<8x2048xi32> to vector<8x2046xi32>
      %slice3A_174 = vector.extract_strided_slice %select_n3A_159 {offsets = [0, 0], sizes = [8, 2], strides = [1, 1]} : vector<8x2048xi32> to vector<8x2xi32>
      %concatenate3A_175 = tpu.concatenate %slice3A_173, %slice3A_174 in 1 : vector<8x2046xi32>, vector<8x2xi32> -> vector<8x2048xi32>
      %slice3A_176 = vector.extract_strided_slice %select_n3A_159 {offsets = [0, 2046], sizes = [8, 2], strides = [1, 1]} : vector<8x2048xi32> to vector<8x2xi32>
      %slice3A_177 = vector.extract_strided_slice %select_n3A_159 {offsets = [0, 0], sizes = [8, 2046], strides = [1, 1]} : vector<8x2048xi32> to vector<8x2046xi32>
      %concatenate3A_178 = tpu.concatenate %slice3A_176, %slice3A_177 in 1 : vector<8x2xi32>, vector<8x2046xi32> -> vector<8x2048xi32>
      %select_n3A_179 = arith.select %eq3A_165, %concatenate3A_175, %concatenate3A_178 : vector<8x2048xi1>, vector<8x2048xi32>
      %gt3A_180 = arith.cmpf ogt, %select_n3A_158, %select_n3A_172 : vector<8x2048xf32>
      %eq3A_181 = arith.cmpf oeq, %select_n3A_158, %select_n3A_172 : vector<8x2048xf32>
      %lt3A_182 = arith.cmpi slt, %select_n3A_159, %select_n3A_179 : vector<8x2048xi32>
      %and3A_183 = arith.andi %eq3A_181, %lt3A_182 : vector<8x2048xi1>
      %or3A_184 = arith.ori %gt3A_180, %and3A_183 : vector<8x2048xi1>
      %eq3A_185 = arith.xori %eq3A_165, %eq3A_126 : vector<8x2048xi1>
      %eq3A_186 = arith.constant dense<true> : vector<8x2048xi1>
      %eq3A_187 = arith.xori %eq3A_185, %eq3A_186 : vector<8x2048xi1>
      %eq3A_188 = arith.xori %or3A_184, %eq3A_187 : vector<8x2048xi1>
      %eq3A_189 = arith.constant dense<true> : vector<8x2048xi1>
      %eq3A_190 = arith.xori %eq3A_188, %eq3A_189 : vector<8x2048xi1>
      %select_n3A_191 = arith.select %eq3A_190, %select_n3A_158, %select_n3A_172 : vector<8x2048xi1>, vector<8x2048xf32>
      %select_n3A_192 = arith.select %eq3A_190, %select_n3A_159, %select_n3A_179 : vector<8x2048xi1>, vector<8x2048xi32>
      %and3A_193 = arith.constant 1 : i32
      %and3A_194 = vector.broadcast %and3A_193 : i32 to vector<8x2048xi32>
      %and3A_195 = arith.andi %iota3A, %and3A_194 : vector<8x2048xi32>
      %eq3A_196 = arith.constant 0 : i32
      %eq3A_197 = vector.broadcast %eq3A_196 : i32 to vector<8x2048xi32>
      %eq3A_198 = arith.cmpi eq, %and3A_195, %eq3A_197 : vector<8x2048xi32>
      %slice3A_199 = vector.extract_strided_slice %select_n3A_191 {offsets = [0, 1], sizes = [8, 2047], strides = [1, 1]} : vector<8x2048xf32> to vector<8x2047xf32>
      %slice3A_200 = vector.extract_strided_slice %select_n3A_191 {offsets = [0, 0], sizes = [8, 1], strides = [1, 1]} : vector<8x2048xf32> to vector<8x1xf32>
      %concatenate3A_201 = tpu.concatenate %slice3A_199, %slice3A_200 in 1 : vector<8x2047xf32>, vector<8x1xf32> -> vector<8x2048xf32>
      %slice3A_202 = vector.extract_strided_slice %select_n3A_191 {offsets = [0, 2047], sizes = [8, 1], strides = [1, 1]} : vector<8x2048xf32> to vector<8x1xf32>
      %slice3A_203 = vector.extract_strided_slice %select_n3A_191 {offsets = [0, 0], sizes = [8, 2047], strides = [1, 1]} : vector<8x2048xf32> to vector<8x2047xf32>
      %concatenate3A_204 = tpu.concatenate %slice3A_202, %slice3A_203 in 1 : vector<8x1xf32>, vector<8x2047xf32> -> vector<8x2048xf32>
      %select_n3A_205 = arith.select %eq3A_198, %concatenate3A_201, %concatenate3A_204 : vector<8x2048xi1>, vector<8x2048xf32>
      %slice3A_206 = vector.extract_strided_slice %select_n3A_192 {offsets = [0, 1], sizes = [8, 2047], strides = [1, 1]} : vector<8x2048xi32> to vector<8x2047xi32>
      %slice3A_207 = vector.extract_strided_slice %select_n3A_192 {offsets = [0, 0], sizes = [8, 1], strides = [1, 1]} : vector<8x2048xi32> to vector<8x1xi32>
      %concatenate3A_208 = tpu.concatenate %slice3A_206, %slice3A_207 in 1 : vector<8x2047xi32>, vector<8x1xi32> -> vector<8x2048xi32>
      %slice3A_209 = vector.extract_strided_slice %select_n3A_192 {offsets = [0, 2047], sizes = [8, 1], strides = [1, 1]} : vector<8x2048xi32> to vector<8x1xi32>
      %slice3A_210 = vector.extract_strided_slice %select_n3A_192 {offsets = [0, 0], sizes = [8, 2047], strides = [1, 1]} : vector<8x2048xi32> to vector<8x2047xi32>
      %concatenate3A_211 = tpu.concatenate %slice3A_209, %slice3A_210 in 1 : vector<8x1xi32>, vector<8x2047xi32> -> vector<8x2048xi32>
      %select_n3A_212 = arith.select %eq3A_198, %concatenate3A_208, %concatenate3A_211 : vector<8x2048xi1>, vector<8x2048xi32>
      %gt3A_213 = arith.cmpf ogt, %select_n3A_191, %select_n3A_205 : vector<8x2048xf32>
      %eq3A_214 = arith.cmpf oeq, %select_n3A_191, %select_n3A_205 : vector<8x2048xf32>
      %lt3A_215 = arith.cmpi slt, %select_n3A_192, %select_n3A_212 : vector<8x2048xi32>
      %and3A_216 = arith.andi %eq3A_214, %lt3A_215 : vector<8x2048xi1>
      %or3A_217 = arith.ori %gt3A_213, %and3A_216 : vector<8x2048xi1>
      %eq3A_218 = arith.xori %eq3A_198, %eq3A_126 : vector<8x2048xi1>
      %eq3A_219 = arith.constant dense<true> : vector<8x2048xi1>
      %eq3A_220 = arith.xori %eq3A_218, %eq3A_219 : vector<8x2048xi1>
      %eq3A_221 = arith.xori %or3A_217, %eq3A_220 : vector<8x2048xi1>
      %eq3A_222 = arith.constant dense<true> : vector<8x2048xi1>
      %eq3A_223 = arith.xori %eq3A_221, %eq3A_222 : vector<8x2048xi1>
      %select_n3A_224 = arith.select %eq3A_223, %select_n3A_191, %select_n3A_205 : vector<8x2048xi1>, vector<8x2048xf32>
      %select_n3A_225 = arith.select %eq3A_223, %select_n3A_192, %select_n3A_212 : vector<8x2048xi1>, vector<8x2048xi32>
      %shift_right_arithmetic3A_226 = arith.constant 4 : i32
      %shift_right_arithmetic3A_227 = vector.broadcast %shift_right_arithmetic3A_226 : i32 to vector<8x2048xi32>
      %shift_right_arithmetic3A_228 = arith.shrsi %iota3A, %shift_right_arithmetic3A_227 : vector<8x2048xi32>
      %and3A_229 = arith.constant 1 : i32
      %and3A_230 = vector.broadcast %and3A_229 : i32 to vector<8x2048xi32>
      %and3A_231 = arith.andi %shift_right_arithmetic3A_228, %and3A_230 : vector<8x2048xi32>
      %eq3A_232 = arith.constant 0 : i32
      %eq3A_233 = vector.broadcast %eq3A_232 : i32 to vector<8x2048xi32>
      %eq3A_234 = arith.cmpi eq, %and3A_231, %eq3A_233 : vector<8x2048xi32>
      %and3A_235 = arith.constant 8 : i32
      %and3A_236 = vector.broadcast %and3A_235 : i32 to vector<8x2048xi32>
      %and3A_237 = arith.andi %iota3A, %and3A_236 : vector<8x2048xi32>
      %eq3A_238 = arith.constant 0 : i32
      %eq3A_239 = vector.broadcast %eq3A_238 : i32 to vector<8x2048xi32>
      %eq3A_240 = arith.cmpi eq, %and3A_237, %eq3A_239 : vector<8x2048xi32>
      %slice3A_241 = vector.extract_strided_slice %select_n3A_224 {offsets = [0, 8], sizes = [8, 2040], strides = [1, 1]} : vector<8x2048xf32> to vector<8x2040xf32>
      %slice3A_242 = vector.extract_strided_slice %select_n3A_224 {offsets = [0, 0], sizes = [8, 8], strides = [1, 1]} : vector<8x2048xf32> to vector<8x8xf32>
      %concatenate3A_243 = tpu.concatenate %slice3A_241, %slice3A_242 in 1 : vector<8x2040xf32>, vector<8x8xf32> -> vector<8x2048xf32>
      %slice3A_244 = vector.extract_strided_slice %select_n3A_224 {offsets = [0, 2040], sizes = [8, 8], strides = [1, 1]} : vector<8x2048xf32> to vector<8x8xf32>
      %slice3A_245 = vector.extract_strided_slice %select_n3A_224 {offsets = [0, 0], sizes = [8, 2040], strides = [1, 1]} : vector<8x2048xf32> to vector<8x2040xf32>
      %concatenate3A_246 = tpu.concatenate %slice3A_244, %slice3A_245 in 1 : vector<8x8xf32>, vector<8x2040xf32> -> vector<8x2048xf32>
      %select_n3A_247 = arith.select %eq3A_240, %concatenate3A_243, %concatenate3A_246 : vector<8x2048xi1>, vector<8x2048xf32>
      %slice3A_248 = vector.extract_strided_slice %select_n3A_225 {offsets = [0, 8], sizes = [8, 2040], strides = [1, 1]} : vector<8x2048xi32> to vector<8x2040xi32>
      %slice3A_249 = vector.extract_strided_slice %select_n3A_225 {offsets = [0, 0], sizes = [8, 8], strides = [1, 1]} : vector<8x2048xi32> to vector<8x8xi32>
      %concatenate3A_250 = tpu.concatenate %slice3A_248, %slice3A_249 in 1 : vector<8x2040xi32>, vector<8x8xi32> -> vector<8x2048xi32>
      %slice3A_251 = vector.extract_strided_slice %select_n3A_225 {offsets = [0, 2040], sizes = [8, 8], strides = [1, 1]} : vector<8x2048xi32> to vector<8x8xi32>
      %slice3A_252 = vector.extract_strided_slice %select_n3A_225 {offsets = [0, 0], sizes = [8, 2040], strides = [1, 1]} : vector<8x2048xi32> to vector<8x2040xi32>
      %concatenate3A_253 = tpu.concatenate %slice3A_251, %slice3A_252 in 1 : vector<8x8xi32>, vector<8x2040xi32> -> vector<8x2048xi32>
      %select_n3A_254 = arith.select %eq3A_240, %concatenate3A_250, %concatenate3A_253 : vector<8x2048xi1>, vector<8x2048xi32>
      %gt3A_255 = arith.cmpf ogt, %select_n3A_224, %select_n3A_247 : vector<8x2048xf32>
      %eq3A_256 = arith.cmpf oeq, %select_n3A_224, %select_n3A_247 : vector<8x2048xf32>
      %lt3A_257 = arith.cmpi slt, %select_n3A_225, %select_n3A_254 : vector<8x2048xi32>
      %and3A_258 = arith.andi %eq3A_256, %lt3A_257 : vector<8x2048xi1>
      %or3A_259 = arith.ori %gt3A_255, %and3A_258 : vector<8x2048xi1>
      %eq3A_260 = arith.xori %eq3A_240, %eq3A_234 : vector<8x2048xi1>
      %eq3A_261 = arith.constant dense<true> : vector<8x2048xi1>
      %eq3A_262 = arith.xori %eq3A_260, %eq3A_261 : vector<8x2048xi1>
      %eq3A_263 = arith.xori %or3A_259, %eq3A_262 : vector<8x2048xi1>
      %eq3A_264 = arith.constant dense<true> : vector<8x2048xi1>
      %eq3A_265 = arith.xori %eq3A_263, %eq3A_264 : vector<8x2048xi1>
      %select_n3A_266 = arith.select %eq3A_265, %select_n3A_224, %select_n3A_247 : vector<8x2048xi1>, vector<8x2048xf32>
      %select_n3A_267 = arith.select %eq3A_265, %select_n3A_225, %select_n3A_254 : vector<8x2048xi1>, vector<8x2048xi32>
      %and3A_268 = arith.constant 4 : i32
      %and3A_269 = vector.broadcast %and3A_268 : i32 to vector<8x2048xi32>
      %and3A_270 = arith.andi %iota3A, %and3A_269 : vector<8x2048xi32>
      %eq3A_271 = arith.constant 0 : i32
      %eq3A_272 = vector.broadcast %eq3A_271 : i32 to vector<8x2048xi32>
      %eq3A_273 = arith.cmpi eq, %and3A_270, %eq3A_272 : vector<8x2048xi32>
      %slice3A_274 = vector.extract_strided_slice %select_n3A_266 {offsets = [0, 4], sizes = [8, 2044], strides = [1, 1]} : vector<8x2048xf32> to vector<8x2044xf32>
      %slice3A_275 = vector.extract_strided_slice %select_n3A_266 {offsets = [0, 0], sizes = [8, 4], strides = [1, 1]} : vector<8x2048xf32> to vector<8x4xf32>
      %concatenate3A_276 = tpu.concatenate %slice3A_274, %slice3A_275 in 1 : vector<8x2044xf32>, vector<8x4xf32> -> vector<8x2048xf32>
      %slice3A_277 = vector.extract_strided_slice %select_n3A_266 {offsets = [0, 2044], sizes = [8, 4], strides = [1, 1]} : vector<8x2048xf32> to vector<8x4xf32>
      %slice3A_278 = vector.extract_strided_slice %select_n3A_266 {offsets = [0, 0], sizes = [8, 2044], strides = [1, 1]} : vector<8x2048xf32> to vector<8x2044xf32>
      %concatenate3A_279 = tpu.concatenate %slice3A_277, %slice3A_278 in 1 : vector<8x4xf32>, vector<8x2044xf32> -> vector<8x2048xf32>
      %select_n3A_280 = arith.select %eq3A_273, %concatenate3A_276, %concatenate3A_279 : vector<8x2048xi1>, vector<8x2048xf32>
      %slice3A_281 = vector.extract_strided_slice %select_n3A_267 {offsets = [0, 4], sizes = [8, 2044], strides = [1, 1]} : vector<8x2048xi32> to vector<8x2044xi32>
      %slice3A_282 = vector.extract_strided_slice %select_n3A_267 {offsets = [0, 0], sizes = [8, 4], strides = [1, 1]} : vector<8x2048xi32> to vector<8x4xi32>
      %concatenate3A_283 = tpu.concatenate %slice3A_281, %slice3A_282 in 1 : vector<8x2044xi32>, vector<8x4xi32> -> vector<8x2048xi32>
      %slice3A_284 = vector.extract_strided_slice %select_n3A_267 {offsets = [0, 2044], sizes = [8, 4], strides = [1, 1]} : vector<8x2048xi32> to vector<8x4xi32>
      %slice3A_285 = vector.extract_strided_slice %select_n3A_267 {offsets = [0, 0], sizes = [8, 2044], strides = [1, 1]} : vector<8x2048xi32> to vector<8x2044xi32>
      %concatenate3A_286 = tpu.concatenate %slice3A_284, %slice3A_285 in 1 : vector<8x4xi32>, vector<8x2044xi32> -> vector<8x2048xi32>
      %select_n3A_287 = arith.select %eq3A_273, %concatenate3A_283, %concatenate3A_286 : vector<8x2048xi1>, vector<8x2048xi32>
      %gt3A_288 = arith.cmpf ogt, %select_n3A_266, %select_n3A_280 : vector<8x2048xf32>
      %eq3A_289 = arith.cmpf oeq, %select_n3A_266, %select_n3A_280 : vector<8x2048xf32>
      %lt3A_290 = arith.cmpi slt, %select_n3A_267, %select_n3A_287 : vector<8x2048xi32>
      %and3A_291 = arith.andi %eq3A_289, %lt3A_290 : vector<8x2048xi1>
      %or3A_292 = arith.ori %gt3A_288, %and3A_291 : vector<8x2048xi1>
      %eq3A_293 = arith.xori %eq3A_273, %eq3A_234 : vector<8x2048xi1>
      %eq3A_294 = arith.constant dense<true> : vector<8x2048xi1>
      %eq3A_295 = arith.xori %eq3A_293, %eq3A_294 : vector<8x2048xi1>
      %eq3A_296 = arith.xori %or3A_292, %eq3A_295 : vector<8x2048xi1>
      %eq3A_297 = arith.constant dense<true> : vector<8x2048xi1>
      %eq3A_298 = arith.xori %eq3A_296, %eq3A_297 : vector<8x2048xi1>
      %select_n3A_299 = arith.select %eq3A_298, %select_n3A_266, %select_n3A_280 : vector<8x2048xi1>, vector<8x2048xf32>
      %select_n3A_300 = arith.select %eq3A_298, %select_n3A_267, %select_n3A_287 : vector<8x2048xi1>, vector<8x2048xi32>
      %and3A_301 = arith.constant 2 : i32
      %and3A_302 = vector.broadcast %and3A_301 : i32 to vector<8x2048xi32>
      %and3A_303 = arith.andi %iota3A, %and3A_302 : vector<8x2048xi32>
      %eq3A_304 = arith.constant 0 : i32
      %eq3A_305 = vector.broadcast %eq3A_304 : i32 to vector<8x2048xi32>
      %eq3A_306 = arith.cmpi eq, %and3A_303, %eq3A_305 : vector<8x2048xi32>
      %slice3A_307 = vector.extract_strided_slice %select_n3A_299 {offsets = [0, 2], sizes = [8, 2046], strides = [1, 1]} : vector<8x2048xf32> to vector<8x2046xf32>
      %slice3A_308 = vector.extract_strided_slice %select_n3A_299 {offsets = [0, 0], sizes = [8, 2], strides = [1, 1]} : vector<8x2048xf32> to vector<8x2xf32>
      %concatenate3A_309 = tpu.concatenate %slice3A_307, %slice3A_308 in 1 : vector<8x2046xf32>, vector<8x2xf32> -> vector<8x2048xf32>
      %slice3A_310 = vector.extract_strided_slice %select_n3A_299 {offsets = [0, 2046], sizes = [8, 2], strides = [1, 1]} : vector<8x2048xf32> to vector<8x2xf32>
      %slice3A_311 = vector.extract_strided_slice %select_n3A_299 {offsets = [0, 0], sizes = [8, 2046], strides = [1, 1]} : vector<8x2048xf32> to vector<8x2046xf32>
      %concatenate3A_312 = tpu.concatenate %slice3A_310, %slice3A_311 in 1 : vector<8x2xf32>, vector<8x2046xf32> -> vector<8x2048xf32>
      %select_n3A_313 = arith.select %eq3A_306, %concatenate3A_309, %concatenate3A_312 : vector<8x2048xi1>, vector<8x2048xf32>
      %slice3A_314 = vector.extract_strided_slice %select_n3A_300 {offsets = [0, 2], sizes = [8, 2046], strides = [1, 1]} : vector<8x2048xi32> to vector<8x2046xi32>
      %slice3A_315 = vector.extract_strided_slice %select_n3A_300 {offsets = [0, 0], sizes = [8, 2], strides = [1, 1]} : vector<8x2048xi32> to vector<8x2xi32>
      %concatenate3A_316 = tpu.concatenate %slice3A_314, %slice3A_315 in 1 : vector<8x2046xi32>, vector<8x2xi32> -> vector<8x2048xi32>
      %slice3A_317 = vector.extract_strided_slice %select_n3A_300 {offsets = [0, 2046], sizes = [8, 2], strides = [1, 1]} : vector<8x2048xi32> to vector<8x2xi32>
      %slice3A_318 = vector.extract_strided_slice %select_n3A_300 {offsets = [0, 0], sizes = [8, 2046], strides = [1, 1]} : vector<8x2048xi32> to vector<8x2046xi32>
      %concatenate3A_319 = tpu.concatenate %slice3A_317, %slice3A_318 in 1 : vector<8x2xi32>, vector<8x2046xi32> -> vector<8x2048xi32>
      %select_n3A_320 = arith.select %eq3A_306, %concatenate3A_316, %concatenate3A_319 : vector<8x2048xi1>, vector<8x2048xi32>
      %gt3A_321 = arith.cmpf ogt, %select_n3A_299, %select_n3A_313 : vector<8x2048xf32>
      %eq3A_322 = arith.cmpf oeq, %select_n3A_299, %select_n3A_313 : vector<8x2048xf32>
      %lt3A_323 = arith.cmpi slt, %select_n3A_300, %select_n3A_320 : vector<8x2048xi32>
      %and3A_324 = arith.andi %eq3A_322, %lt3A_323 : vector<8x2048xi1>
      %or3A_325 = arith.ori %gt3A_321, %and3A_324 : vector<8x2048xi1>
      %eq3A_326 = arith.xori %eq3A_306, %eq3A_234 : vector<8x2048xi1>
      %eq3A_327 = arith.constant dense<true> : vector<8x2048xi1>
      %eq3A_328 = arith.xori %eq3A_326, %eq3A_327 : vector<8x2048xi1>
      %eq3A_329 = arith.xori %or3A_325, %eq3A_328 : vector<8x2048xi1>
      %eq3A_330 = arith.constant dense<true> : vector<8x2048xi1>
      %eq3A_331 = arith.xori %eq3A_329, %eq3A_330 : vector<8x2048xi1>
      %select_n3A_332 = arith.select %eq3A_331, %select_n3A_299, %select_n3A_313 : vector<8x2048xi1>, vector<8x2048xf32>
      %select_n3A_333 = arith.select %eq3A_331, %select_n3A_300, %select_n3A_320 : vector<8x2048xi1>, vector<8x2048xi32>
      %and3A_334 = arith.constant 1 : i32
      %and3A_335 = vector.broadcast %and3A_334 : i32 to vector<8x2048xi32>
      %and3A_336 = arith.andi %iota3A, %and3A_335 : vector<8x2048xi32>
      %eq3A_337 = arith.constant 0 : i32
      %eq3A_338 = vector.broadcast %eq3A_337 : i32 to vector<8x2048xi32>
      %eq3A_339 = arith.cmpi eq, %and3A_336, %eq3A_338 : vector<8x2048xi32>
      %slice3A_340 = vector.extract_strided_slice %select_n3A_332 {offsets = [0, 1], sizes = [8, 2047], strides = [1, 1]} : vector<8x2048xf32> to vector<8x2047xf32>
      %slice3A_341 = vector.extract_strided_slice %select_n3A_332 {offsets = [0, 0], sizes = [8, 1], strides = [1, 1]} : vector<8x2048xf32> to vector<8x1xf32>
      %concatenate3A_342 = tpu.concatenate %slice3A_340, %slice3A_341 in 1 : vector<8x2047xf32>, vector<8x1xf32> -> vector<8x2048xf32>
      %slice3A_343 = vector.extract_strided_slice %select_n3A_332 {offsets = [0, 2047], sizes = [8, 1], strides = [1, 1]} : vector<8x2048xf32> to vector<8x1xf32>
      %slice3A_344 = vector.extract_strided_slice %select_n3A_332 {offsets = [0, 0], sizes = [8, 2047], strides = [1, 1]} : vector<8x2048xf32> to vector<8x2047xf32>
      %concatenate3A_345 = tpu.concatenate %slice3A_343, %slice3A_344 in 1 : vector<8x1xf32>, vector<8x2047xf32> -> vector<8x2048xf32>
      %select_n3A_346 = arith.select %eq3A_339, %concatenate3A_342, %concatenate3A_345 : vector<8x2048xi1>, vector<8x2048xf32>
      %slice3A_347 = vector.extract_strided_slice %select_n3A_333 {offsets = [0, 1], sizes = [8, 2047], strides = [1, 1]} : vector<8x2048xi32> to vector<8x2047xi32>
      %slice3A_348 = vector.extract_strided_slice %select_n3A_333 {offsets = [0, 0], sizes = [8, 1], strides = [1, 1]} : vector<8x2048xi32> to vector<8x1xi32>
      %concatenate3A_349 = tpu.concatenate %slice3A_347, %slice3A_348 in 1 : vector<8x2047xi32>, vector<8x1xi32> -> vector<8x2048xi32>
      %slice3A_350 = vector.extract_strided_slice %select_n3A_333 {offsets = [0, 2047], sizes = [8, 1], strides = [1, 1]} : vector<8x2048xi32> to vector<8x1xi32>
      %slice3A_351 = vector.extract_strided_slice %select_n3A_333 {offsets = [0, 0], sizes = [8, 2047], strides = [1, 1]} : vector<8x2048xi32> to vector<8x2047xi32>
      %concatenate3A_352 = tpu.concatenate %slice3A_350, %slice3A_351 in 1 : vector<8x1xi32>, vector<8x2047xi32> -> vector<8x2048xi32>
      %select_n3A_353 = arith.select %eq3A_339, %concatenate3A_349, %concatenate3A_352 : vector<8x2048xi1>, vector<8x2048xi32>
      %gt3A_354 = arith.cmpf ogt, %select_n3A_332, %select_n3A_346 : vector<8x2048xf32>
      %eq3A_355 = arith.cmpf oeq, %select_n3A_332, %select_n3A_346 : vector<8x2048xf32>
      %lt3A_356 = arith.cmpi slt, %select_n3A_333, %select_n3A_353 : vector<8x2048xi32>
      %and3A_357 = arith.andi %eq3A_355, %lt3A_356 : vector<8x2048xi1>
      %or3A_358 = arith.ori %gt3A_354, %and3A_357 : vector<8x2048xi1>
      %eq3A_359 = arith.xori %eq3A_339, %eq3A_234 : vector<8x2048xi1>
      %eq3A_360 = arith.constant dense<true> : vector<8x2048xi1>
      %eq3A_361 = arith.xori %eq3A_359, %eq3A_360 : vector<8x2048xi1>
      %eq3A_362 = arith.xori %or3A_358, %eq3A_361 : vector<8x2048xi1>
      %eq3A_363 = arith.constant dense<true> : vector<8x2048xi1>
      %eq3A_364 = arith.xori %eq3A_362, %eq3A_363 : vector<8x2048xi1>
      %select_n3A_365 = arith.select %eq3A_364, %select_n3A_332, %select_n3A_346 : vector<8x2048xi1>, vector<8x2048xf32>
      %select_n3A_366 = arith.select %eq3A_364, %select_n3A_333, %select_n3A_353 : vector<8x2048xi1>, vector<8x2048xi32>
      %shift_right_arithmetic3A_367 = arith.constant 5 : i32
      %shift_right_arithmetic3A_368 = vector.broadcast %shift_right_arithmetic3A_367 : i32 to vector<8x2048xi32>
      %shift_right_arithmetic3A_369 = arith.shrsi %iota3A, %shift_right_arithmetic3A_368 : vector<8x2048xi32>
      %and3A_370 = arith.constant 1 : i32
      %and3A_371 = vector.broadcast %and3A_370 : i32 to vector<8x2048xi32>
      %and3A_372 = arith.andi %shift_right_arithmetic3A_369, %and3A_371 : vector<8x2048xi32>
      %eq3A_373 = arith.constant 0 : i32
      %eq3A_374 = vector.broadcast %eq3A_373 : i32 to vector<8x2048xi32>
      %eq3A_375 = arith.cmpi eq, %and3A_372, %eq3A_374 : vector<8x2048xi32>
      %and3A_376 = arith.constant 16 : i32
      %and3A_377 = vector.broadcast %and3A_376 : i32 to vector<8x2048xi32>
      %and3A_378 = arith.andi %iota3A, %and3A_377 : vector<8x2048xi32>
      %eq3A_379 = arith.constant 0 : i32
      %eq3A_380 = vector.broadcast %eq3A_379 : i32 to vector<8x2048xi32>
      %eq3A_381 = arith.cmpi eq, %and3A_378, %eq3A_380 : vector<8x2048xi32>
      %slice3A_382 = vector.extract_strided_slice %select_n3A_365 {offsets = [0, 16], sizes = [8, 2032], strides = [1, 1]} : vector<8x2048xf32> to vector<8x2032xf32>
      %slice3A_383 = vector.extract_strided_slice %select_n3A_365 {offsets = [0, 0], sizes = [8, 16], strides = [1, 1]} : vector<8x2048xf32> to vector<8x16xf32>
      %concatenate3A_384 = tpu.concatenate %slice3A_382, %slice3A_383 in 1 : vector<8x2032xf32>, vector<8x16xf32> -> vector<8x2048xf32>
      %slice3A_385 = vector.extract_strided_slice %select_n3A_365 {offsets = [0, 2032], sizes = [8, 16], strides = [1, 1]} : vector<8x2048xf32> to vector<8x16xf32>
      %slice3A_386 = vector.extract_strided_slice %select_n3A_365 {offsets = [0, 0], sizes = [8, 2032], strides = [1, 1]} : vector<8x2048xf32> to vector<8x2032xf32>
      %concatenate3A_387 = tpu.concatenate %slice3A_385, %slice3A_386 in 1 : vector<8x16xf32>, vector<8x2032xf32> -> vector<8x2048xf32>
      %select_n3A_388 = arith.select %eq3A_381, %concatenate3A_384, %concatenate3A_387 : vector<8x2048xi1>, vector<8x2048xf32>
      %slice3A_389 = vector.extract_strided_slice %select_n3A_366 {offsets = [0, 16], sizes = [8, 2032], strides = [1, 1]} : vector<8x2048xi32> to vector<8x2032xi32>
      %slice3A_390 = vector.extract_strided_slice %select_n3A_366 {offsets = [0, 0], sizes = [8, 16], strides = [1, 1]} : vector<8x2048xi32> to vector<8x16xi32>
      %concatenate3A_391 = tpu.concatenate %slice3A_389, %slice3A_390 in 1 : vector<8x2032xi32>, vector<8x16xi32> -> vector<8x2048xi32>
      %slice3A_392 = vector.extract_strided_slice %select_n3A_366 {offsets = [0, 2032], sizes = [8, 16], strides = [1, 1]} : vector<8x2048xi32> to vector<8x16xi32>
      %slice3A_393 = vector.extract_strided_slice %select_n3A_366 {offsets = [0, 0], sizes = [8, 2032], strides = [1, 1]} : vector<8x2048xi32> to vector<8x2032xi32>
      %concatenate3A_394 = tpu.concatenate %slice3A_392, %slice3A_393 in 1 : vector<8x16xi32>, vector<8x2032xi32> -> vector<8x2048xi32>
      %select_n3A_395 = arith.select %eq3A_381, %concatenate3A_391, %concatenate3A_394 : vector<8x2048xi1>, vector<8x2048xi32>
      %gt3A_396 = arith.cmpf ogt, %select_n3A_365, %select_n3A_388 : vector<8x2048xf32>
      %eq3A_397 = arith.cmpf oeq, %select_n3A_365, %select_n3A_388 : vector<8x2048xf32>
      %lt3A_398 = arith.cmpi slt, %select_n3A_366, %select_n3A_395 : vector<8x2048xi32>
      %and3A_399 = arith.andi %eq3A_397, %lt3A_398 : vector<8x2048xi1>
      %or3A_400 = arith.ori %gt3A_396, %and3A_399 : vector<8x2048xi1>
      %eq3A_401 = arith.xori %eq3A_381, %eq3A_375 : vector<8x2048xi1>
      %eq3A_402 = arith.constant dense<true> : vector<8x2048xi1>
      %eq3A_403 = arith.xori %eq3A_401, %eq3A_402 : vector<8x2048xi1>
      %eq3A_404 = arith.xori %or3A_400, %eq3A_403 : vector<8x2048xi1>
      %eq3A_405 = arith.constant dense<true> : vector<8x2048xi1>
      %eq3A_406 = arith.xori %eq3A_404, %eq3A_405 : vector<8x2048xi1>
      %select_n3A_407 = arith.select %eq3A_406, %select_n3A_365, %select_n3A_388 : vector<8x2048xi1>, vector<8x2048xf32>
      %select_n3A_408 = arith.select %eq3A_406, %select_n3A_366, %select_n3A_395 : vector<8x2048xi1>, vector<8x2048xi32>
      %and3A_409 = arith.constant 8 : i32
      %and3A_410 = vector.broadcast %and3A_409 : i32 to vector<8x2048xi32>
      %and3A_411 = arith.andi %iota3A, %and3A_410 : vector<8x2048xi32>
      %eq3A_412 = arith.constant 0 : i32
      %eq3A_413 = vector.broadcast %eq3A_412 : i32 to vector<8x2048xi32>
      %eq3A_414 = arith.cmpi eq, %and3A_411, %eq3A_413 : vector<8x2048xi32>
      %slice3A_415 = vector.extract_strided_slice %select_n3A_407 {offsets = [0, 8], sizes = [8, 2040], strides = [1, 1]} : vector<8x2048xf32> to vector<8x2040xf32>
      %slice3A_416 = vector.extract_strided_slice %select_n3A_407 {offsets = [0, 0], sizes = [8, 8], strides = [1, 1]} : vector<8x2048xf32> to vector<8x8xf32>
      %concatenate3A_417 = tpu.concatenate %slice3A_415, %slice3A_416 in 1 : vector<8x2040xf32>, vector<8x8xf32> -> vector<8x2048xf32>
      %slice3A_418 = vector.extract_strided_slice %select_n3A_407 {offsets = [0, 2040], sizes = [8, 8], strides = [1, 1]} : vector<8x2048xf32> to vector<8x8xf32>
      %slice3A_419 = vector.extract_strided_slice %select_n3A_407 {offsets = [0, 0], sizes = [8, 2040], strides = [1, 1]} : vector<8x2048xf32> to vector<8x2040xf32>
      %concatenate3A_420 = tpu.concatenate %slice3A_418, %slice3A_419 in 1 : vector<8x8xf32>, vector<8x2040xf32> -> vector<8x2048xf32>
      %select_n3A_421 = arith.select %eq3A_414, %concatenate3A_417, %concatenate3A_420 : vector<8x2048xi1>, vector<8x2048xf32>
      %slice3A_422 = vector.extract_strided_slice %select_n3A_408 {offsets = [0, 8], sizes = [8, 2040], strides = [1, 1]} : vector<8x2048xi32> to vector<8x2040xi32>
      %slice3A_423 = vector.extract_strided_slice %select_n3A_408 {offsets = [0, 0], sizes = [8, 8], strides = [1, 1]} : vector<8x2048xi32> to vector<8x8xi32>
      %concatenate3A_424 = tpu.concatenate %slice3A_422, %slice3A_423 in 1 : vector<8x2040xi32>, vector<8x8xi32> -> vector<8x2048xi32>
      %slice3A_425 = vector.extract_strided_slice %select_n3A_408 {offsets = [0, 2040], sizes = [8, 8], strides = [1, 1]} : vector<8x2048xi32> to vector<8x8xi32>
      %slice3A_426 = vector.extract_strided_slice %select_n3A_408 {offsets = [0, 0], sizes = [8, 2040], strides = [1, 1]} : vector<8x2048xi32> to vector<8x2040xi32>
      %concatenate3A_427 = tpu.concatenate %slice3A_425, %slice3A_426 in 1 : vector<8x8xi32>, vector<8x2040xi32> -> vector<8x2048xi32>
      %select_n3A_428 = arith.select %eq3A_414, %concatenate3A_424, %concatenate3A_427 : vector<8x2048xi1>, vector<8x2048xi32>
      %gt3A_429 = arith.cmpf ogt, %select_n3A_407, %select_n3A_421 : vector<8x2048xf32>
      %eq3A_430 = arith.cmpf oeq, %select_n3A_407, %select_n3A_421 : vector<8x2048xf32>
      %lt3A_431 = arith.cmpi slt, %select_n3A_408, %select_n3A_428 : vector<8x2048xi32>
      %and3A_432 = arith.andi %eq3A_430, %lt3A_431 : vector<8x2048xi1>
      %or3A_433 = arith.ori %gt3A_429, %and3A_432 : vector<8x2048xi1>
      %eq3A_434 = arith.xori %eq3A_414, %eq3A_375 : vector<8x2048xi1>
      %eq3A_435 = arith.constant dense<true> : vector<8x2048xi1>
      %eq3A_436 = arith.xori %eq3A_434, %eq3A_435 : vector<8x2048xi1>
      %eq3A_437 = arith.xori %or3A_433, %eq3A_436 : vector<8x2048xi1>
      %eq3A_438 = arith.constant dense<true> : vector<8x2048xi1>
      %eq3A_439 = arith.xori %eq3A_437, %eq3A_438 : vector<8x2048xi1>
      %select_n3A_440 = arith.select %eq3A_439, %select_n3A_407, %select_n3A_421 : vector<8x2048xi1>, vector<8x2048xf32>
      %select_n3A_441 = arith.select %eq3A_439, %select_n3A_408, %select_n3A_428 : vector<8x2048xi1>, vector<8x2048xi32>
      %and3A_442 = arith.constant 4 : i32
      %and3A_443 = vector.broadcast %and3A_442 : i32 to vector<8x2048xi32>
      %and3A_444 = arith.andi %iota3A, %and3A_443 : vector<8x2048xi32>
      %eq3A_445 = arith.constant 0 : i32
      %eq3A_446 = vector.broadcast %eq3A_445 : i32 to vector<8x2048xi32>
      %eq3A_447 = arith.cmpi eq, %and3A_444, %eq3A_446 : vector<8x2048xi32>
      %slice3A_448 = vector.extract_strided_slice %select_n3A_440 {offsets = [0, 4], sizes = [8, 2044], strides = [1, 1]} : vector<8x2048xf32> to vector<8x2044xf32>
      %slice3A_449 = vector.extract_strided_slice %select_n3A_440 {offsets = [0, 0], sizes = [8, 4], strides = [1, 1]} : vector<8x2048xf32> to vector<8x4xf32>
      %concatenate3A_450 = tpu.concatenate %slice3A_448, %slice3A_449 in 1 : vector<8x2044xf32>, vector<8x4xf32> -> vector<8x2048xf32>
      %slice3A_451 = vector.extract_strided_slice %select_n3A_440 {offsets = [0, 2044], sizes = [8, 4], strides = [1, 1]} : vector<8x2048xf32> to vector<8x4xf32>
      %slice3A_452 = vector.extract_strided_slice %select_n3A_440 {offsets = [0, 0], sizes = [8, 2044], strides = [1, 1]} : vector<8x2048xf32> to vector<8x2044xf32>
      %concatenate3A_453 = tpu.concatenate %slice3A_451, %slice3A_452 in 1 : vector<8x4xf32>, vector<8x2044xf32> -> vector<8x2048xf32>
      %select_n3A_454 = arith.select %eq3A_447, %concatenate3A_450, %concatenate3A_453 : vector<8x2048xi1>, vector<8x2048xf32>
      %slice3A_455 = vector.extract_strided_slice %select_n3A_441 {offsets = [0, 4], sizes = [8, 2044], strides = [1, 1]} : vector<8x2048xi32> to vector<8x2044xi32>
      %slice3A_456 = vector.extract_strided_slice %select_n3A_441 {offsets = [0, 0], sizes = [8, 4], strides = [1, 1]} : vector<8x2048xi32> to vector<8x4xi32>
      %concatenate3A_457 = tpu.concatenate %slice3A_455, %slice3A_456 in 1 : vector<8x2044xi32>, vector<8x4xi32> -> vector<8x2048xi32>
      %slice3A_458 = vector.extract_strided_slice %select_n3A_441 {offsets = [0, 2044], sizes = [8, 4], strides = [1, 1]} : vector<8x2048xi32> to vector<8x4xi32>
      %slice3A_459 = vector.extract_strided_slice %select_n3A_441 {offsets = [0, 0], sizes = [8, 2044], strides = [1, 1]} : vector<8x2048xi32> to vector<8x2044xi32>
      %concatenate3A_460 = tpu.concatenate %slice3A_458, %slice3A_459 in 1 : vector<8x4xi32>, vector<8x2044xi32> -> vector<8x2048xi32>
      %select_n3A_461 = arith.select %eq3A_447, %concatenate3A_457, %concatenate3A_460 : vector<8x2048xi1>, vector<8x2048xi32>
      %gt3A_462 = arith.cmpf ogt, %select_n3A_440, %select_n3A_454 : vector<8x2048xf32>
      %eq3A_463 = arith.cmpf oeq, %select_n3A_440, %select_n3A_454 : vector<8x2048xf32>
      %lt3A_464 = arith.cmpi slt, %select_n3A_441, %select_n3A_461 : vector<8x2048xi32>
      %and3A_465 = arith.andi %eq3A_463, %lt3A_464 : vector<8x2048xi1>
      %or3A_466 = arith.ori %gt3A_462, %and3A_465 : vector<8x2048xi1>
      %eq3A_467 = arith.xori %eq3A_447, %eq3A_375 : vector<8x2048xi1>
      %eq3A_468 = arith.constant dense<true> : vector<8x2048xi1>
      %eq3A_469 = arith.xori %eq3A_467, %eq3A_468 : vector<8x2048xi1>
      %eq3A_470 = arith.xori %or3A_466, %eq3A_469 : vector<8x2048xi1>
      %eq3A_471 = arith.constant dense<true> : vector<8x2048xi1>
      %eq3A_472 = arith.xori %eq3A_470, %eq3A_471 : vector<8x2048xi1>
      %select_n3A_473 = arith.select %eq3A_472, %select_n3A_440, %select_n3A_454 : vector<8x2048xi1>, vector<8x2048xf32>
      %select_n3A_474 = arith.select %eq3A_472, %select_n3A_441, %select_n3A_461 : vector<8x2048xi1>, vector<8x2048xi32>
      %and3A_475 = arith.constant 2 : i32
      %and3A_476 = vector.broadcast %and3A_475 : i32 to vector<8x2048xi32>
      %and3A_477 = arith.andi %iota3A, %and3A_476 : vector<8x2048xi32>
      %eq3A_478 = arith.constant 0 : i32
      %eq3A_479 = vector.broadcast %eq3A_478 : i32 to vector<8x2048xi32>
      %eq3A_480 = arith.cmpi eq, %and3A_477, %eq3A_479 : vector<8x2048xi32>
      %slice3A_481 = vector.extract_strided_slice %select_n3A_473 {offsets = [0, 2], sizes = [8, 2046], strides = [1, 1]} : vector<8x2048xf32> to vector<8x2046xf32>
      %slice3A_482 = vector.extract_strided_slice %select_n3A_473 {offsets = [0, 0], sizes = [8, 2], strides = [1, 1]} : vector<8x2048xf32> to vector<8x2xf32>
      %concatenate3A_483 = tpu.concatenate %slice3A_481, %slice3A_482 in 1 : vector<8x2046xf32>, vector<8x2xf32> -> vector<8x2048xf32>
      %slice3A_484 = vector.extract_strided_slice %select_n3A_473 {offsets = [0, 2046], sizes = [8, 2], strides = [1, 1]} : vector<8x2048xf32> to vector<8x2xf32>
      %slice3A_485 = vector.extract_strided_slice %select_n3A_473 {offsets = [0, 0], sizes = [8, 2046], strides = [1, 1]} : vector<8x2048xf32> to vector<8x2046xf32>
      %concatenate3A_486 = tpu.concatenate %slice3A_484, %slice3A_485 in 1 : vector<8x2xf32>, vector<8x2046xf32> -> vector<8x2048xf32>
      %select_n3A_487 = arith.select %eq3A_480, %concatenate3A_483, %concatenate3A_486 : vector<8x2048xi1>, vector<8x2048xf32>
      %slice3A_488 = vector.extract_strided_slice %select_n3A_474 {offsets = [0, 2], sizes = [8, 2046], strides = [1, 1]} : vector<8x2048xi32> to vector<8x2046xi32>
      %slice3A_489 = vector.extract_strided_slice %select_n3A_474 {offsets = [0, 0], sizes = [8, 2], strides = [1, 1]} : vector<8x2048xi32> to vector<8x2xi32>
      %concatenate3A_490 = tpu.concatenate %slice3A_488, %slice3A_489 in 1 : vector<8x2046xi32>, vector<8x2xi32> -> vector<8x2048xi32>
      %slice3A_491 = vector.extract_strided_slice %select_n3A_474 {offsets = [0, 2046], sizes = [8, 2], strides = [1, 1]} : vector<8x2048xi32> to vector<8x2xi32>
      %slice3A_492 = vector.extract_strided_slice %select_n3A_474 {offsets = [0, 0], sizes = [8, 2046], strides = [1, 1]} : vector<8x2048xi32> to vector<8x2046xi32>
      %concatenate3A_493 = tpu.concatenate %slice3A_491, %slice3A_492 in 1 : vector<8x2xi32>, vector<8x2046xi32> -> vector<8x2048xi32>
      %select_n3A_494 = arith.select %eq3A_480, %concatenate3A_490, %concatenate3A_493 : vector<8x2048xi1>, vector<8x2048xi32>
      %gt3A_495 = arith.cmpf ogt, %select_n3A_473, %select_n3A_487 : vector<8x2048xf32>
      %eq3A_496 = arith.cmpf oeq, %select_n3A_473, %select_n3A_487 : vector<8x2048xf32>
      %lt3A_497 = arith.cmpi slt, %select_n3A_474, %select_n3A_494 : vector<8x2048xi32>
      %and3A_498 = arith.andi %eq3A_496, %lt3A_497 : vector<8x2048xi1>
      %or3A_499 = arith.ori %gt3A_495, %and3A_498 : vector<8x2048xi1>
      %eq3A_500 = arith.xori %eq3A_480, %eq3A_375 : vector<8x2048xi1>
      %eq3A_501 = arith.constant dense<true> : vector<8x2048xi1>
      %eq3A_502 = arith.xori %eq3A_500, %eq3A_501 : vector<8x2048xi1>
      %eq3A_503 = arith.xori %or3A_499, %eq3A_502 : vector<8x2048xi1>
      %eq3A_504 = arith.constant dense<true> : vector<8x2048xi1>
      %eq3A_505 = arith.xori %eq3A_503, %eq3A_504 : vector<8x2048xi1>
      %select_n3A_506 = arith.select %eq3A_505, %select_n3A_473, %select_n3A_487 : vector<8x2048xi1>, vector<8x2048xf32>
      %select_n3A_507 = arith.select %eq3A_505, %select_n3A_474, %select_n3A_494 : vector<8x2048xi1>, vector<8x2048xi32>
      %and3A_508 = arith.constant 1 : i32
      %and3A_509 = vector.broadcast %and3A_508 : i32 to vector<8x2048xi32>
      %and3A_510 = arith.andi %iota3A, %and3A_509 : vector<8x2048xi32>
      %eq3A_511 = arith.constant 0 : i32
      %eq3A_512 = vector.broadcast %eq3A_511 : i32 to vector<8x2048xi32>
      %eq3A_513 = arith.cmpi eq, %and3A_510, %eq3A_512 : vector<8x2048xi32>
      %slice3A_514 = vector.extract_strided_slice %select_n3A_506 {offsets = [0, 1], sizes = [8, 2047], strides = [1, 1]} : vector<8x2048xf32> to vector<8x2047xf32>
      %slice3A_515 = vector.extract_strided_slice %select_n3A_506 {offsets = [0, 0], sizes = [8, 1], strides = [1, 1]} : vector<8x2048xf32> to vector<8x1xf32>
      %concatenate3A_516 = tpu.concatenate %slice3A_514, %slice3A_515 in 1 : vector<8x2047xf32>, vector<8x1xf32> -> vector<8x2048xf32>
      %slice3A_517 = vector.extract_strided_slice %select_n3A_506 {offsets = [0, 2047], sizes = [8, 1], strides = [1, 1]} : vector<8x2048xf32> to vector<8x1xf32>
      %slice3A_518 = vector.extract_strided_slice %select_n3A_506 {offsets = [0, 0], sizes = [8, 2047], strides = [1, 1]} : vector<8x2048xf32> to vector<8x2047xf32>
      %concatenate3A_519 = tpu.concatenate %slice3A_517, %slice3A_518 in 1 : vector<8x1xf32>, vector<8x2047xf32> -> vector<8x2048xf32>
      %select_n3A_520 = arith.select %eq3A_513, %concatenate3A_516, %concatenate3A_519 : vector<8x2048xi1>, vector<8x2048xf32>
      %slice3A_521 = vector.extract_strided_slice %select_n3A_507 {offsets = [0, 1], sizes = [8, 2047], strides = [1, 1]} : vector<8x2048xi32> to vector<8x2047xi32>
      %slice3A_522 = vector.extract_strided_slice %select_n3A_507 {offsets = [0, 0], sizes = [8, 1], strides = [1, 1]} : vector<8x2048xi32> to vector<8x1xi32>
      %concatenate3A_523 = tpu.concatenate %slice3A_521, %slice3A_522 in 1 : vector<8x2047xi32>, vector<8x1xi32> -> vector<8x2048xi32>
      %slice3A_524 = vector.extract_strided_slice %select_n3A_507 {offsets = [0, 2047], sizes = [8, 1], strides = [1, 1]} : vector<8x2048xi32> to vector<8x1xi32>
      %slice3A_525 = vector.extract_strided_slice %select_n3A_507 {offsets = [0, 0], sizes = [8, 2047], strides = [1, 1]} : vector<8x2048xi32> to vector<8x2047xi32>
      %concatenate3A_526 = tpu.concatenate %slice3A_524, %slice3A_525 in 1 : vector<8x1xi32>, vector<8x2047xi32> -> vector<8x2048xi32>
      %select_n3A_527 = arith.select %eq3A_513, %concatenate3A_523, %concatenate3A_526 : vector<8x2048xi1>, vector<8x2048xi32>
      %gt3A_528 = arith.cmpf ogt, %select_n3A_506, %select_n3A_520 : vector<8x2048xf32>
      %eq3A_529 = arith.cmpf oeq, %select_n3A_506, %select_n3A_520 : vector<8x2048xf32>
      %lt3A_530 = arith.cmpi slt, %select_n3A_507, %select_n3A_527 : vector<8x2048xi32>
      %and3A_531 = arith.andi %eq3A_529, %lt3A_530 : vector<8x2048xi1>
      %or3A_532 = arith.ori %gt3A_528, %and3A_531 : vector<8x2048xi1>
      %eq3A_533 = arith.xori %eq3A_513, %eq3A_375 : vector<8x2048xi1>
      %eq3A_534 = arith.constant dense<true> : vector<8x2048xi1>
      %eq3A_535 = arith.xori %eq3A_533, %eq3A_534 : vector<8x2048xi1>
      %eq3A_536 = arith.xori %or3A_532, %eq3A_535 : vector<8x2048xi1>
      %eq3A_537 = arith.constant dense<true> : vector<8x2048xi1>
      %eq3A_538 = arith.xori %eq3A_536, %eq3A_537 : vector<8x2048xi1>
      %select_n3A_539 = arith.select %eq3A_538, %select_n3A_506, %select_n3A_520 : vector<8x2048xi1>, vector<8x2048xf32>
      %select_n3A_540 = arith.select %eq3A_538, %select_n3A_507, %select_n3A_527 : vector<8x2048xi1>, vector<8x2048xi32>
      %shift_right_arithmetic3A_541 = arith.constant 6 : i32
      %shift_right_arithmetic3A_542 = vector.broadcast %shift_right_arithmetic3A_541 : i32 to vector<8x2048xi32>
      %shift_right_arithmetic3A_543 = arith.shrsi %iota3A, %shift_right_arithmetic3A_542 : vector<8x2048xi32>
      %and3A_544 = arith.constant 1 : i32
      %and3A_545 = vector.broadcast %and3A_544 : i32 to vector<8x2048xi32>
      %and3A_546 = arith.andi %shift_right_arithmetic3A_543, %and3A_545 : vector<8x2048xi32>
      %eq3A_547 = arith.constant 0 : i32
      %eq3A_548 = vector.broadcast %eq3A_547 : i32 to vector<8x2048xi32>
      %eq3A_549 = arith.cmpi eq, %and3A_546, %eq3A_548 : vector<8x2048xi32>
      %and3A_550 = arith.constant 32 : i32
      %and3A_551 = vector.broadcast %and3A_550 : i32 to vector<8x2048xi32>
      %and3A_552 = arith.andi %iota3A, %and3A_551 : vector<8x2048xi32>
      %eq3A_553 = arith.constant 0 : i32
      %eq3A_554 = vector.broadcast %eq3A_553 : i32 to vector<8x2048xi32>
      %eq3A_555 = arith.cmpi eq, %and3A_552, %eq3A_554 : vector<8x2048xi32>
      %slice3A_556 = vector.extract_strided_slice %select_n3A_539 {offsets = [0, 32], sizes = [8, 2016], strides = [1, 1]} : vector<8x2048xf32> to vector<8x2016xf32>
      %slice3A_557 = vector.extract_strided_slice %select_n3A_539 {offsets = [0, 0], sizes = [8, 32], strides = [1, 1]} : vector<8x2048xf32> to vector<8x32xf32>
      %concatenate3A_558 = tpu.concatenate %slice3A_556, %slice3A_557 in 1 : vector<8x2016xf32>, vector<8x32xf32> -> vector<8x2048xf32>
      %slice3A_559 = vector.extract_strided_slice %select_n3A_539 {offsets = [0, 2016], sizes = [8, 32], strides = [1, 1]} : vector<8x2048xf32> to vector<8x32xf32>
      %slice3A_560 = vector.extract_strided_slice %select_n3A_539 {offsets = [0, 0], sizes = [8, 2016], strides = [1, 1]} : vector<8x2048xf32> to vector<8x2016xf32>
      %concatenate3A_561 = tpu.concatenate %slice3A_559, %slice3A_560 in 1 : vector<8x32xf32>, vector<8x2016xf32> -> vector<8x2048xf32>
      %select_n3A_562 = arith.select %eq3A_555, %concatenate3A_558, %concatenate3A_561 : vector<8x2048xi1>, vector<8x2048xf32>
      %slice3A_563 = vector.extract_strided_slice %select_n3A_540 {offsets = [0, 32], sizes = [8, 2016], strides = [1, 1]} : vector<8x2048xi32> to vector<8x2016xi32>
      %slice3A_564 = vector.extract_strided_slice %select_n3A_540 {offsets = [0, 0], sizes = [8, 32], strides = [1, 1]} : vector<8x2048xi32> to vector<8x32xi32>
      %concatenate3A_565 = tpu.concatenate %slice3A_563, %slice3A_564 in 1 : vector<8x2016xi32>, vector<8x32xi32> -> vector<8x2048xi32>
      %slice3A_566 = vector.extract_strided_slice %select_n3A_540 {offsets = [0, 2016], sizes = [8, 32], strides = [1, 1]} : vector<8x2048xi32> to vector<8x32xi32>
      %slice3A_567 = vector.extract_strided_slice %select_n3A_540 {offsets = [0, 0], sizes = [8, 2016], strides = [1, 1]} : vector<8x2048xi32> to vector<8x2016xi32>
      %concatenate3A_568 = tpu.concatenate %slice3A_566, %slice3A_567 in 1 : vector<8x32xi32>, vector<8x2016xi32> -> vector<8x2048xi32>
      %select_n3A_569 = arith.select %eq3A_555, %concatenate3A_565, %concatenate3A_568 : vector<8x2048xi1>, vector<8x2048xi32>
      %gt3A_570 = arith.cmpf ogt, %select_n3A_539, %select_n3A_562 : vector<8x2048xf32>
      %eq3A_571 = arith.cmpf oeq, %select_n3A_539, %select_n3A_562 : vector<8x2048xf32>
      %lt3A_572 = arith.cmpi slt, %select_n3A_540, %select_n3A_569 : vector<8x2048xi32>
      %and3A_573 = arith.andi %eq3A_571, %lt3A_572 : vector<8x2048xi1>
      %or3A_574 = arith.ori %gt3A_570, %and3A_573 : vector<8x2048xi1>
      %eq3A_575 = arith.xori %eq3A_555, %eq3A_549 : vector<8x2048xi1>
      %eq3A_576 = arith.constant dense<true> : vector<8x2048xi1>
      %eq3A_577 = arith.xori %eq3A_575, %eq3A_576 : vector<8x2048xi1>
      %eq3A_578 = arith.xori %or3A_574, %eq3A_577 : vector<8x2048xi1>
      %eq3A_579 = arith.constant dense<true> : vector<8x2048xi1>
      %eq3A_580 = arith.xori %eq3A_578, %eq3A_579 : vector<8x2048xi1>
      %select_n3A_581 = arith.select %eq3A_580, %select_n3A_539, %select_n3A_562 : vector<8x2048xi1>, vector<8x2048xf32>
      %select_n3A_582 = arith.select %eq3A_580, %select_n3A_540, %select_n3A_569 : vector<8x2048xi1>, vector<8x2048xi32>
      %and3A_583 = arith.constant 16 : i32
      %and3A_584 = vector.broadcast %and3A_583 : i32 to vector<8x2048xi32>
      %and3A_585 = arith.andi %iota3A, %and3A_584 : vector<8x2048xi32>
      %eq3A_586 = arith.constant 0 : i32
      %eq3A_587 = vector.broadcast %eq3A_586 : i32 to vector<8x2048xi32>
      %eq3A_588 = arith.cmpi eq, %and3A_585, %eq3A_587 : vector<8x2048xi32>
      %slice3A_589 = vector.extract_strided_slice %select_n3A_581 {offsets = [0, 16], sizes = [8, 2032], strides = [1, 1]} : vector<8x2048xf32> to vector<8x2032xf32>
      %slice3A_590 = vector.extract_strided_slice %select_n3A_581 {offsets = [0, 0], sizes = [8, 16], strides = [1, 1]} : vector<8x2048xf32> to vector<8x16xf32>
      %concatenate3A_591 = tpu.concatenate %slice3A_589, %slice3A_590 in 1 : vector<8x2032xf32>, vector<8x16xf32> -> vector<8x2048xf32>
      %slice3A_592 = vector.extract_strided_slice %select_n3A_581 {offsets = [0, 2032], sizes = [8, 16], strides = [1, 1]} : vector<8x2048xf32> to vector<8x16xf32>
      %slice3A_593 = vector.extract_strided_slice %select_n3A_581 {offsets = [0, 0], sizes = [8, 2032], strides = [1, 1]} : vector<8x2048xf32> to vector<8x2032xf32>
      %concatenate3A_594 = tpu.concatenate %slice3A_592, %slice3A_593 in 1 : vector<8x16xf32>, vector<8x2032xf32> -> vector<8x2048xf32>
      %select_n3A_595 = arith.select %eq3A_588, %concatenate3A_591, %concatenate3A_594 : vector<8x2048xi1>, vector<8x2048xf32>
      %slice3A_596 = vector.extract_strided_slice %select_n3A_582 {offsets = [0, 16], sizes = [8, 2032], strides = [1, 1]} : vector<8x2048xi32> to vector<8x2032xi32>
      %slice3A_597 = vector.extract_strided_slice %select_n3A_582 {offsets = [0, 0], sizes = [8, 16], strides = [1, 1]} : vector<8x2048xi32> to vector<8x16xi32>
      %concatenate3A_598 = tpu.concatenate %slice3A_596, %slice3A_597 in 1 : vector<8x2032xi32>, vector<8x16xi32> -> vector<8x2048xi32>
      %slice3A_599 = vector.extract_strided_slice %select_n3A_582 {offsets = [0, 2032], sizes = [8, 16], strides = [1, 1]} : vector<8x2048xi32> to vector<8x16xi32>
      %slice3A_600 = vector.extract_strided_slice %select_n3A_582 {offsets = [0, 0], sizes = [8, 2032], strides = [1, 1]} : vector<8x2048xi32> to vector<8x2032xi32>
      %concatenate3A_601 = tpu.concatenate %slice3A_599, %slice3A_600 in 1 : vector<8x16xi32>, vector<8x2032xi32> -> vector<8x2048xi32>
      %select_n3A_602 = arith.select %eq3A_588, %concatenate3A_598, %concatenate3A_601 : vector<8x2048xi1>, vector<8x2048xi32>
      %gt3A_603 = arith.cmpf ogt, %select_n3A_581, %select_n3A_595 : vector<8x2048xf32>
      %eq3A_604 = arith.cmpf oeq, %select_n3A_581, %select_n3A_595 : vector<8x2048xf32>
      %lt3A_605 = arith.cmpi slt, %select_n3A_582, %select_n3A_602 : vector<8x2048xi32>
      %and3A_606 = arith.andi %eq3A_604, %lt3A_605 : vector<8x2048xi1>
      %or3A_607 = arith.ori %gt3A_603, %and3A_606 : vector<8x2048xi1>
      %eq3A_608 = arith.xori %eq3A_588, %eq3A_549 : vector<8x2048xi1>
      %eq3A_609 = arith.constant dense<true> : vector<8x2048xi1>
      %eq3A_610 = arith.xori %eq3A_608, %eq3A_609 : vector<8x2048xi1>
      %eq3A_611 = arith.xori %or3A_607, %eq3A_610 : vector<8x2048xi1>
      %eq3A_612 = arith.constant dense<true> : vector<8x2048xi1>
      %eq3A_613 = arith.xori %eq3A_611, %eq3A_612 : vector<8x2048xi1>
      %select_n3A_614 = arith.select %eq3A_613, %select_n3A_581, %select_n3A_595 : vector<8x2048xi1>, vector<8x2048xf32>
      %select_n3A_615 = arith.select %eq3A_613, %select_n3A_582, %select_n3A_602 : vector<8x2048xi1>, vector<8x2048xi32>
      %and3A_616 = arith.constant 8 : i32
      %and3A_617 = vector.broadcast %and3A_616 : i32 to vector<8x2048xi32>
      %and3A_618 = arith.andi %iota3A, %and3A_617 : vector<8x2048xi32>
      %eq3A_619 = arith.constant 0 : i32
      %eq3A_620 = vector.broadcast %eq3A_619 : i32 to vector<8x2048xi32>
      %eq3A_621 = arith.cmpi eq, %and3A_618, %eq3A_620 : vector<8x2048xi32>
      %slice3A_622 = vector.extract_strided_slice %select_n3A_614 {offsets = [0, 8], sizes = [8, 2040], strides = [1, 1]} : vector<8x2048xf32> to vector<8x2040xf32>
      %slice3A_623 = vector.extract_strided_slice %select_n3A_614 {offsets = [0, 0], sizes = [8, 8], strides = [1, 1]} : vector<8x2048xf32> to vector<8x8xf32>
      %concatenate3A_624 = tpu.concatenate %slice3A_622, %slice3A_623 in 1 : vector<8x2040xf32>, vector<8x8xf32> -> vector<8x2048xf32>
      %slice3A_625 = vector.extract_strided_slice %select_n3A_614 {offsets = [0, 2040], sizes = [8, 8], strides = [1, 1]} : vector<8x2048xf32> to vector<8x8xf32>
      %slice3A_626 = vector.extract_strided_slice %select_n3A_614 {offsets = [0, 0], sizes = [8, 2040], strides = [1, 1]} : vector<8x2048xf32> to vector<8x2040xf32>
      %concatenate3A_627 = tpu.concatenate %slice3A_625, %slice3A_626 in 1 : vector<8x8xf32>, vector<8x2040xf32> -> vector<8x2048xf32>
      %select_n3A_628 = arith.select %eq3A_621, %concatenate3A_624, %concatenate3A_627 : vector<8x2048xi1>, vector<8x2048xf32>
      %slice3A_629 = vector.extract_strided_slice %select_n3A_615 {offsets = [0, 8], sizes = [8, 2040], strides = [1, 1]} : vector<8x2048xi32> to vector<8x2040xi32>
      %slice3A_630 = vector.extract_strided_slice %select_n3A_615 {offsets = [0, 0], sizes = [8, 8], strides = [1, 1]} : vector<8x2048xi32> to vector<8x8xi32>
      %concatenate3A_631 = tpu.concatenate %slice3A_629, %slice3A_630 in 1 : vector<8x2040xi32>, vector<8x8xi32> -> vector<8x2048xi32>
      %slice3A_632 = vector.extract_strided_slice %select_n3A_615 {offsets = [0, 2040], sizes = [8, 8], strides = [1, 1]} : vector<8x2048xi32> to vector<8x8xi32>
      %slice3A_633 = vector.extract_strided_slice %select_n3A_615 {offsets = [0, 0], sizes = [8, 2040], strides = [1, 1]} : vector<8x2048xi32> to vector<8x2040xi32>
      %concatenate3A_634 = tpu.concatenate %slice3A_632, %slice3A_633 in 1 : vector<8x8xi32>, vector<8x2040xi32> -> vector<8x2048xi32>
      %select_n3A_635 = arith.select %eq3A_621, %concatenate3A_631, %concatenate3A_634 : vector<8x2048xi1>, vector<8x2048xi32>
      %gt3A_636 = arith.cmpf ogt, %select_n3A_614, %select_n3A_628 : vector<8x2048xf32>
      %eq3A_637 = arith.cmpf oeq, %select_n3A_614, %select_n3A_628 : vector<8x2048xf32>
      %lt3A_638 = arith.cmpi slt, %select_n3A_615, %select_n3A_635 : vector<8x2048xi32>
      %and3A_639 = arith.andi %eq3A_637, %lt3A_638 : vector<8x2048xi1>
      %or3A_640 = arith.ori %gt3A_636, %and3A_639 : vector<8x2048xi1>
      %eq3A_641 = arith.xori %eq3A_621, %eq3A_549 : vector<8x2048xi1>
      %eq3A_642 = arith.constant dense<true> : vector<8x2048xi1>
      %eq3A_643 = arith.xori %eq3A_641, %eq3A_642 : vector<8x2048xi1>
      %eq3A_644 = arith.xori %or3A_640, %eq3A_643 : vector<8x2048xi1>
      %eq3A_645 = arith.constant dense<true> : vector<8x2048xi1>
      %eq3A_646 = arith.xori %eq3A_644, %eq3A_645 : vector<8x2048xi1>
      %select_n3A_647 = arith.select %eq3A_646, %select_n3A_614, %select_n3A_628 : vector<8x2048xi1>, vector<8x2048xf32>
      %select_n3A_648 = arith.select %eq3A_646, %select_n3A_615, %select_n3A_635 : vector<8x2048xi1>, vector<8x2048xi32>
      %and3A_649 = arith.constant 4 : i32
      %and3A_650 = vector.broadcast %and3A_649 : i32 to vector<8x2048xi32>
      %and3A_651 = arith.andi %iota3A, %and3A_650 : vector<8x2048xi32>
      %eq3A_652 = arith.constant 0 : i32
      %eq3A_653 = vector.broadcast %eq3A_652 : i32 to vector<8x2048xi32>
      %eq3A_654 = arith.cmpi eq, %and3A_651, %eq3A_653 : vector<8x2048xi32>
      %slice3A_655 = vector.extract_strided_slice %select_n3A_647 {offsets = [0, 4], sizes = [8, 2044], strides = [1, 1]} : vector<8x2048xf32> to vector<8x2044xf32>
      %slice3A_656 = vector.extract_strided_slice %select_n3A_647 {offsets = [0, 0], sizes = [8, 4], strides = [1, 1]} : vector<8x2048xf32> to vector<8x4xf32>
      %concatenate3A_657 = tpu.concatenate %slice3A_655, %slice3A_656 in 1 : vector<8x2044xf32>, vector<8x4xf32> -> vector<8x2048xf32>
      %slice3A_658 = vector.extract_strided_slice %select_n3A_647 {offsets = [0, 2044], sizes = [8, 4], strides = [1, 1]} : vector<8x2048xf32> to vector<8x4xf32>
      %slice3A_659 = vector.extract_strided_slice %select_n3A_647 {offsets = [0, 0], sizes = [8, 2044], strides = [1, 1]} : vector<8x2048xf32> to vector<8x2044xf32>
      %concatenate3A_660 = tpu.concatenate %slice3A_658, %slice3A_659 in 1 : vector<8x4xf32>, vector<8x2044xf32> -> vector<8x2048xf32>
      %select_n3A_661 = arith.select %eq3A_654, %concatenate3A_657, %concatenate3A_660 : vector<8x2048xi1>, vector<8x2048xf32>
      %slice3A_662 = vector.extract_strided_slice %select_n3A_648 {offsets = [0, 4], sizes = [8, 2044], strides = [1, 1]} : vector<8x2048xi32> to vector<8x2044xi32>
      %slice3A_663 = vector.extract_strided_slice %select_n3A_648 {offsets = [0, 0], sizes = [8, 4], strides = [1, 1]} : vector<8x2048xi32> to vector<8x4xi32>
      %concatenate3A_664 = tpu.concatenate %slice3A_662, %slice3A_663 in 1 : vector<8x2044xi32>, vector<8x4xi32> -> vector<8x2048xi32>
      %slice3A_665 = vector.extract_strided_slice %select_n3A_648 {offsets = [0, 2044], sizes = [8, 4], strides = [1, 1]} : vector<8x2048xi32> to vector<8x4xi32>
      %slice3A_666 = vector.extract_strided_slice %select_n3A_648 {offsets = [0, 0], sizes = [8, 2044], strides = [1, 1]} : vector<8x2048xi32> to vector<8x2044xi32>
      %concatenate3A_667 = tpu.concatenate %slice3A_665, %slice3A_666 in 1 : vector<8x4xi32>, vector<8x2044xi32> -> vector<8x2048xi32>
      %select_n3A_668 = arith.select %eq3A_654, %concatenate3A_664, %concatenate3A_667 : vector<8x2048xi1>, vector<8x2048xi32>
      %gt3A_669 = arith.cmpf ogt, %select_n3A_647, %select_n3A_661 : vector<8x2048xf32>
      %eq3A_670 = arith.cmpf oeq, %select_n3A_647, %select_n3A_661 : vector<8x2048xf32>
      %lt3A_671 = arith.cmpi slt, %select_n3A_648, %select_n3A_668 : vector<8x2048xi32>
      %and3A_672 = arith.andi %eq3A_670, %lt3A_671 : vector<8x2048xi1>
      %or3A_673 = arith.ori %gt3A_669, %and3A_672 : vector<8x2048xi1>
      %eq3A_674 = arith.xori %eq3A_654, %eq3A_549 : vector<8x2048xi1>
      %eq3A_675 = arith.constant dense<true> : vector<8x2048xi1>
      %eq3A_676 = arith.xori %eq3A_674, %eq3A_675 : vector<8x2048xi1>
      %eq3A_677 = arith.xori %or3A_673, %eq3A_676 : vector<8x2048xi1>
      %eq3A_678 = arith.constant dense<true> : vector<8x2048xi1>
      %eq3A_679 = arith.xori %eq3A_677, %eq3A_678 : vector<8x2048xi1>
      %select_n3A_680 = arith.select %eq3A_679, %select_n3A_647, %select_n3A_661 : vector<8x2048xi1>, vector<8x2048xf32>
      %select_n3A_681 = arith.select %eq3A_679, %select_n3A_648, %select_n3A_668 : vector<8x2048xi1>, vector<8x2048xi32>
      %and3A_682 = arith.constant 2 : i32
      %and3A_683 = vector.broadcast %and3A_682 : i32 to vector<8x2048xi32>
      %and3A_684 = arith.andi %iota3A, %and3A_683 : vector<8x2048xi32>
      %eq3A_685 = arith.constant 0 : i32
      %eq3A_686 = vector.broadcast %eq3A_685 : i32 to vector<8x2048xi32>
      %eq3A_687 = arith.cmpi eq, %and3A_684, %eq3A_686 : vector<8x2048xi32>
      %slice3A_688 = vector.extract_strided_slice %select_n3A_680 {offsets = [0, 2], sizes = [8, 2046], strides = [1, 1]} : vector<8x2048xf32> to vector<8x2046xf32>
      %slice3A_689 = vector.extract_strided_slice %select_n3A_680 {offsets = [0, 0], sizes = [8, 2], strides = [1, 1]} : vector<8x2048xf32> to vector<8x2xf32>
      %concatenate3A_690 = tpu.concatenate %slice3A_688, %slice3A_689 in 1 : vector<8x2046xf32>, vector<8x2xf32> -> vector<8x2048xf32>
      %slice3A_691 = vector.extract_strided_slice %select_n3A_680 {offsets = [0, 2046], sizes = [8, 2], strides = [1, 1]} : vector<8x2048xf32> to vector<8x2xf32>
      %slice3A_692 = vector.extract_strided_slice %select_n3A_680 {offsets = [0, 0], sizes = [8, 2046], strides = [1, 1]} : vector<8x2048xf32> to vector<8x2046xf32>
      %concatenate3A_693 = tpu.concatenate %slice3A_691, %slice3A_692 in 1 : vector<8x2xf32>, vector<8x2046xf32> -> vector<8x2048xf32>
      %select_n3A_694 = arith.select %eq3A_687, %concatenate3A_690, %concatenate3A_693 : vector<8x2048xi1>, vector<8x2048xf32>
      %slice3A_695 = vector.extract_strided_slice %select_n3A_681 {offsets = [0, 2], sizes = [8, 2046], strides = [1, 1]} : vector<8x2048xi32> to vector<8x2046xi32>
      %slice3A_696 = vector.extract_strided_slice %select_n3A_681 {offsets = [0, 0], sizes = [8, 2], strides = [1, 1]} : vector<8x2048xi32> to vector<8x2xi32>
      %concatenate3A_697 = tpu.concatenate %slice3A_695, %slice3A_696 in 1 : vector<8x2046xi32>, vector<8x2xi32> -> vector<8x2048xi32>
      %slice3A_698 = vector.extract_strided_slice %select_n3A_681 {offsets = [0, 2046], sizes = [8, 2], strides = [1, 1]} : vector<8x2048xi32> to vector<8x2xi32>
      %slice3A_699 = vector.extract_strided_slice %select_n3A_681 {offsets = [0, 0], sizes = [8, 2046], strides = [1, 1]} : vector<8x2048xi32> to vector<8x2046xi32>
      %concatenate3A_700 = tpu.concatenate %slice3A_698, %slice3A_699 in 1 : vector<8x2xi32>, vector<8x2046xi32> -> vector<8x2048xi32>
      %select_n3A_701 = arith.select %eq3A_687, %concatenate3A_697, %concatenate3A_700 : vector<8x2048xi1>, vector<8x2048xi32>
      %gt3A_702 = arith.cmpf ogt, %select_n3A_680, %select_n3A_694 : vector<8x2048xf32>
      %eq3A_703 = arith.cmpf oeq, %select_n3A_680, %select_n3A_694 : vector<8x2048xf32>
      %lt3A_704 = arith.cmpi slt, %select_n3A_681, %select_n3A_701 : vector<8x2048xi32>
      %and3A_705 = arith.andi %eq3A_703, %lt3A_704 : vector<8x2048xi1>
      %or3A_706 = arith.ori %gt3A_702, %and3A_705 : vector<8x2048xi1>
      %eq3A_707 = arith.xori %eq3A_687, %eq3A_549 : vector<8x2048xi1>
      %eq3A_708 = arith.constant dense<true> : vector<8x2048xi1>
      %eq3A_709 = arith.xori %eq3A_707, %eq3A_708 : vector<8x2048xi1>
      %eq3A_710 = arith.xori %or3A_706, %eq3A_709 : vector<8x2048xi1>
      %eq3A_711 = arith.constant dense<true> : vector<8x2048xi1>
      %eq3A_712 = arith.xori %eq3A_710, %eq3A_711 : vector<8x2048xi1>
      %select_n3A_713 = arith.select %eq3A_712, %select_n3A_680, %select_n3A_694 : vector<8x2048xi1>, vector<8x2048xf32>
      %select_n3A_714 = arith.select %eq3A_712, %select_n3A_681, %select_n3A_701 : vector<8x2048xi1>, vector<8x2048xi32>
      %and3A_715 = arith.constant 1 : i32
      %and3A_716 = vector.broadcast %and3A_715 : i32 to vector<8x2048xi32>
      %and3A_717 = arith.andi %iota3A, %and3A_716 : vector<8x2048xi32>
      %eq3A_718 = arith.constant 0 : i32
      %eq3A_719 = vector.broadcast %eq3A_718 : i32 to vector<8x2048xi32>
      %eq3A_720 = arith.cmpi eq, %and3A_717, %eq3A_719 : vector<8x2048xi32>
      %slice3A_721 = vector.extract_strided_slice %select_n3A_713 {offsets = [0, 1], sizes = [8, 2047], strides = [1, 1]} : vector<8x2048xf32> to vector<8x2047xf32>
      %slice3A_722 = vector.extract_strided_slice %select_n3A_713 {offsets = [0, 0], sizes = [8, 1], strides = [1, 1]} : vector<8x2048xf32> to vector<8x1xf32>
      %concatenate3A_723 = tpu.concatenate %slice3A_721, %slice3A_722 in 1 : vector<8x2047xf32>, vector<8x1xf32> -> vector<8x2048xf32>
      %slice3A_724 = vector.extract_strided_slice %select_n3A_713 {offsets = [0, 2047], sizes = [8, 1], strides = [1, 1]} : vector<8x2048xf32> to vector<8x1xf32>
      %slice3A_725 = vector.extract_strided_slice %select_n3A_713 {offsets = [0, 0], sizes = [8, 2047], strides = [1, 1]} : vector<8x2048xf32> to vector<8x2047xf32>
      %concatenate3A_726 = tpu.concatenate %slice3A_724, %slice3A_725 in 1 : vector<8x1xf32>, vector<8x2047xf32> -> vector<8x2048xf32>
      %select_n3A_727 = arith.select %eq3A_720, %concatenate3A_723, %concatenate3A_726 : vector<8x2048xi1>, vector<8x2048xf32>
      %slice3A_728 = vector.extract_strided_slice %select_n3A_714 {offsets = [0, 1], sizes = [8, 2047], strides = [1, 1]} : vector<8x2048xi32> to vector<8x2047xi32>
      %slice3A_729 = vector.extract_strided_slice %select_n3A_714 {offsets = [0, 0], sizes = [8, 1], strides = [1, 1]} : vector<8x2048xi32> to vector<8x1xi32>
      %concatenate3A_730 = tpu.concatenate %slice3A_728, %slice3A_729 in 1 : vector<8x2047xi32>, vector<8x1xi32> -> vector<8x2048xi32>
      %slice3A_731 = vector.extract_strided_slice %select_n3A_714 {offsets = [0, 2047], sizes = [8, 1], strides = [1, 1]} : vector<8x2048xi32> to vector<8x1xi32>
      %slice3A_732 = vector.extract_strided_slice %select_n3A_714 {offsets = [0, 0], sizes = [8, 2047], strides = [1, 1]} : vector<8x2048xi32> to vector<8x2047xi32>
      %concatenate3A_733 = tpu.concatenate %slice3A_731, %slice3A_732 in 1 : vector<8x1xi32>, vector<8x2047xi32> -> vector<8x2048xi32>
      %select_n3A_734 = arith.select %eq3A_720, %concatenate3A_730, %concatenate3A_733 : vector<8x2048xi1>, vector<8x2048xi32>
      %gt3A_735 = arith.cmpf ogt, %select_n3A_713, %select_n3A_727 : vector<8x2048xf32>
      %eq3A_736 = arith.cmpf oeq, %select_n3A_713, %select_n3A_727 : vector<8x2048xf32>
      %lt3A_737 = arith.cmpi slt, %select_n3A_714, %select_n3A_734 : vector<8x2048xi32>
      %and3A_738 = arith.andi %eq3A_736, %lt3A_737 : vector<8x2048xi1>
      %or3A_739 = arith.ori %gt3A_735, %and3A_738 : vector<8x2048xi1>
      %eq3A_740 = arith.xori %eq3A_720, %eq3A_549 : vector<8x2048xi1>
      %eq3A_741 = arith.constant dense<true> : vector<8x2048xi1>
      %eq3A_742 = arith.xori %eq3A_740, %eq3A_741 : vector<8x2048xi1>
      %eq3A_743 = arith.xori %or3A_739, %eq3A_742 : vector<8x2048xi1>
      %eq3A_744 = arith.constant dense<true> : vector<8x2048xi1>
      %eq3A_745 = arith.xori %eq3A_743, %eq3A_744 : vector<8x2048xi1>
      %select_n3A_746 = arith.select %eq3A_745, %select_n3A_713, %select_n3A_727 : vector<8x2048xi1>, vector<8x2048xf32>
      %select_n3A_747 = arith.select %eq3A_745, %select_n3A_714, %select_n3A_734 : vector<8x2048xi1>, vector<8x2048xi32>
      %shift_right_arithmetic3A_748 = arith.constant 7 : i32
      %shift_right_arithmetic3A_749 = vector.broadcast %shift_right_arithmetic3A_748 : i32 to vector<8x2048xi32>
      %shift_right_arithmetic3A_750 = arith.shrsi %iota3A, %shift_right_arithmetic3A_749 : vector<8x2048xi32>
      %and3A_751 = arith.constant 1 : i32
      %and3A_752 = vector.broadcast %and3A_751 : i32 to vector<8x2048xi32>
      %and3A_753 = arith.andi %shift_right_arithmetic3A_750, %and3A_752 : vector<8x2048xi32>
      %eq3A_754 = arith.constant 0 : i32
      %eq3A_755 = vector.broadcast %eq3A_754 : i32 to vector<8x2048xi32>
      %eq3A_756 = arith.cmpi eq, %and3A_753, %eq3A_755 : vector<8x2048xi32>
      %and3A_757 = arith.constant 64 : i32
      %and3A_758 = vector.broadcast %and3A_757 : i32 to vector<8x2048xi32>
      %and3A_759 = arith.andi %iota3A, %and3A_758 : vector<8x2048xi32>
      %eq3A_760 = arith.constant 0 : i32
      %eq3A_761 = vector.broadcast %eq3A_760 : i32 to vector<8x2048xi32>
      %eq3A_762 = arith.cmpi eq, %and3A_759, %eq3A_761 : vector<8x2048xi32>
      %slice3A_763 = vector.extract_strided_slice %select_n3A_746 {offsets = [0, 64], sizes = [8, 1984], strides = [1, 1]} : vector<8x2048xf32> to vector<8x1984xf32>
      %slice3A_764 = vector.extract_strided_slice %select_n3A_746 {offsets = [0, 0], sizes = [8, 64], strides = [1, 1]} : vector<8x2048xf32> to vector<8x64xf32>
      %concatenate3A_765 = tpu.concatenate %slice3A_763, %slice3A_764 in 1 : vector<8x1984xf32>, vector<8x64xf32> -> vector<8x2048xf32>
      %slice3A_766 = vector.extract_strided_slice %select_n3A_746 {offsets = [0, 1984], sizes = [8, 64], strides = [1, 1]} : vector<8x2048xf32> to vector<8x64xf32>
      %slice3A_767 = vector.extract_strided_slice %select_n3A_746 {offsets = [0, 0], sizes = [8, 1984], strides = [1, 1]} : vector<8x2048xf32> to vector<8x1984xf32>
      %concatenate3A_768 = tpu.concatenate %slice3A_766, %slice3A_767 in 1 : vector<8x64xf32>, vector<8x1984xf32> -> vector<8x2048xf32>
      %select_n3A_769 = arith.select %eq3A_762, %concatenate3A_765, %concatenate3A_768 : vector<8x2048xi1>, vector<8x2048xf32>
      %slice3A_770 = vector.extract_strided_slice %select_n3A_747 {offsets = [0, 64], sizes = [8, 1984], strides = [1, 1]} : vector<8x2048xi32> to vector<8x1984xi32>
      %slice3A_771 = vector.extract_strided_slice %select_n3A_747 {offsets = [0, 0], sizes = [8, 64], strides = [1, 1]} : vector<8x2048xi32> to vector<8x64xi32>
      %concatenate3A_772 = tpu.concatenate %slice3A_770, %slice3A_771 in 1 : vector<8x1984xi32>, vector<8x64xi32> -> vector<8x2048xi32>
      %slice3A_773 = vector.extract_strided_slice %select_n3A_747 {offsets = [0, 1984], sizes = [8, 64], strides = [1, 1]} : vector<8x2048xi32> to vector<8x64xi32>
      %slice3A_774 = vector.extract_strided_slice %select_n3A_747 {offsets = [0, 0], sizes = [8, 1984], strides = [1, 1]} : vector<8x2048xi32> to vector<8x1984xi32>
      %concatenate3A_775 = tpu.concatenate %slice3A_773, %slice3A_774 in 1 : vector<8x64xi32>, vector<8x1984xi32> -> vector<8x2048xi32>
      %select_n3A_776 = arith.select %eq3A_762, %concatenate3A_772, %concatenate3A_775 : vector<8x2048xi1>, vector<8x2048xi32>
      %gt3A_777 = arith.cmpf ogt, %select_n3A_746, %select_n3A_769 : vector<8x2048xf32>
      %eq3A_778 = arith.cmpf oeq, %select_n3A_746, %select_n3A_769 : vector<8x2048xf32>
      %lt3A_779 = arith.cmpi slt, %select_n3A_747, %select_n3A_776 : vector<8x2048xi32>
      %and3A_780 = arith.andi %eq3A_778, %lt3A_779 : vector<8x2048xi1>
      %or3A_781 = arith.ori %gt3A_777, %and3A_780 : vector<8x2048xi1>
      %eq3A_782 = arith.xori %eq3A_762, %eq3A_756 : vector<8x2048xi1>
      %eq3A_783 = arith.constant dense<true> : vector<8x2048xi1>
      %eq3A_784 = arith.xori %eq3A_782, %eq3A_783 : vector<8x2048xi1>
      %eq3A_785 = arith.xori %or3A_781, %eq3A_784 : vector<8x2048xi1>
      %eq3A_786 = arith.constant dense<true> : vector<8x2048xi1>
      %eq3A_787 = arith.xori %eq3A_785, %eq3A_786 : vector<8x2048xi1>
      %select_n3A_788 = arith.select %eq3A_787, %select_n3A_746, %select_n3A_769 : vector<8x2048xi1>, vector<8x2048xf32>
      %select_n3A_789 = arith.select %eq3A_787, %select_n3A_747, %select_n3A_776 : vector<8x2048xi1>, vector<8x2048xi32>
      %and3A_790 = arith.constant 32 : i32
      %and3A_791 = vector.broadcast %and3A_790 : i32 to vector<8x2048xi32>
      %and3A_792 = arith.andi %iota3A, %and3A_791 : vector<8x2048xi32>
      %eq3A_793 = arith.constant 0 : i32
      %eq3A_794 = vector.broadcast %eq3A_793 : i32 to vector<8x2048xi32>
      %eq3A_795 = arith.cmpi eq, %and3A_792, %eq3A_794 : vector<8x2048xi32>
      %slice3A_796 = vector.extract_strided_slice %select_n3A_788 {offsets = [0, 32], sizes = [8, 2016], strides = [1, 1]} : vector<8x2048xf32> to vector<8x2016xf32>
      %slice3A_797 = vector.extract_strided_slice %select_n3A_788 {offsets = [0, 0], sizes = [8, 32], strides = [1, 1]} : vector<8x2048xf32> to vector<8x32xf32>
      %concatenate3A_798 = tpu.concatenate %slice3A_796, %slice3A_797 in 1 : vector<8x2016xf32>, vector<8x32xf32> -> vector<8x2048xf32>
      %slice3A_799 = vector.extract_strided_slice %select_n3A_788 {offsets = [0, 2016], sizes = [8, 32], strides = [1, 1]} : vector<8x2048xf32> to vector<8x32xf32>
      %slice3A_800 = vector.extract_strided_slice %select_n3A_788 {offsets = [0, 0], sizes = [8, 2016], strides = [1, 1]} : vector<8x2048xf32> to vector<8x2016xf32>
      %concatenate3A_801 = tpu.concatenate %slice3A_799, %slice3A_800 in 1 : vector<8x32xf32>, vector<8x2016xf32> -> vector<8x2048xf32>
      %select_n3A_802 = arith.select %eq3A_795, %concatenate3A_798, %concatenate3A_801 : vector<8x2048xi1>, vector<8x2048xf32>
      %slice3A_803 = vector.extract_strided_slice %select_n3A_789 {offsets = [0, 32], sizes = [8, 2016], strides = [1, 1]} : vector<8x2048xi32> to vector<8x2016xi32>
      %slice3A_804 = vector.extract_strided_slice %select_n3A_789 {offsets = [0, 0], sizes = [8, 32], strides = [1, 1]} : vector<8x2048xi32> to vector<8x32xi32>
      %concatenate3A_805 = tpu.concatenate %slice3A_803, %slice3A_804 in 1 : vector<8x2016xi32>, vector<8x32xi32> -> vector<8x2048xi32>
      %slice3A_806 = vector.extract_strided_slice %select_n3A_789 {offsets = [0, 2016], sizes = [8, 32], strides = [1, 1]} : vector<8x2048xi32> to vector<8x32xi32>
      %slice3A_807 = vector.extract_strided_slice %select_n3A_789 {offsets = [0, 0], sizes = [8, 2016], strides = [1, 1]} : vector<8x2048xi32> to vector<8x2016xi32>
      %concatenate3A_808 = tpu.concatenate %slice3A_806, %slice3A_807 in 1 : vector<8x32xi32>, vector<8x2016xi32> -> vector<8x2048xi32>
      %select_n3A_809 = arith.select %eq3A_795, %concatenate3A_805, %concatenate3A_808 : vector<8x2048xi1>, vector<8x2048xi32>
      %gt3A_810 = arith.cmpf ogt, %select_n3A_788, %select_n3A_802 : vector<8x2048xf32>
      %eq3A_811 = arith.cmpf oeq, %select_n3A_788, %select_n3A_802 : vector<8x2048xf32>
      %lt3A_812 = arith.cmpi slt, %select_n3A_789, %select_n3A_809 : vector<8x2048xi32>
      %and3A_813 = arith.andi %eq3A_811, %lt3A_812 : vector<8x2048xi1>
      %or3A_814 = arith.ori %gt3A_810, %and3A_813 : vector<8x2048xi1>
      %eq3A_815 = arith.xori %eq3A_795, %eq3A_756 : vector<8x2048xi1>
      %eq3A_816 = arith.constant dense<true> : vector<8x2048xi1>
      %eq3A_817 = arith.xori %eq3A_815, %eq3A_816 : vector<8x2048xi1>
      %eq3A_818 = arith.xori %or3A_814, %eq3A_817 : vector<8x2048xi1>
      %eq3A_819 = arith.constant dense<true> : vector<8x2048xi1>
      %eq3A_820 = arith.xori %eq3A_818, %eq3A_819 : vector<8x2048xi1>
      %select_n3A_821 = arith.select %eq3A_820, %select_n3A_788, %select_n3A_802 : vector<8x2048xi1>, vector<8x2048xf32>
      %select_n3A_822 = arith.select %eq3A_820, %select_n3A_789, %select_n3A_809 : vector<8x2048xi1>, vector<8x2048xi32>
      %and3A_823 = arith.constant 16 : i32
      %and3A_824 = vector.broadcast %and3A_823 : i32 to vector<8x2048xi32>
      %and3A_825 = arith.andi %iota3A, %and3A_824 : vector<8x2048xi32>
      %eq3A_826 = arith.constant 0 : i32
      %eq3A_827 = vector.broadcast %eq3A_826 : i32 to vector<8x2048xi32>
      %eq3A_828 = arith.cmpi eq, %and3A_825, %eq3A_827 : vector<8x2048xi32>
      %slice3A_829 = vector.extract_strided_slice %select_n3A_821 {offsets = [0, 16], sizes = [8, 2032], strides = [1, 1]} : vector<8x2048xf32> to vector<8x2032xf32>
      %slice3A_830 = vector.extract_strided_slice %select_n3A_821 {offsets = [0, 0], sizes = [8, 16], strides = [1, 1]} : vector<8x2048xf32> to vector<8x16xf32>
      %concatenate3A_831 = tpu.concatenate %slice3A_829, %slice3A_830 in 1 : vector<8x2032xf32>, vector<8x16xf32> -> vector<8x2048xf32>
      %slice3A_832 = vector.extract_strided_slice %select_n3A_821 {offsets = [0, 2032], sizes = [8, 16], strides = [1, 1]} : vector<8x2048xf32> to vector<8x16xf32>
      %slice3A_833 = vector.extract_strided_slice %select_n3A_821 {offsets = [0, 0], sizes = [8, 2032], strides = [1, 1]} : vector<8x2048xf32> to vector<8x2032xf32>
      %concatenate3A_834 = tpu.concatenate %slice3A_832, %slice3A_833 in 1 : vector<8x16xf32>, vector<8x2032xf32> -> vector<8x2048xf32>
      %select_n3A_835 = arith.select %eq3A_828, %concatenate3A_831, %concatenate3A_834 : vector<8x2048xi1>, vector<8x2048xf32>
      %slice3A_836 = vector.extract_strided_slice %select_n3A_822 {offsets = [0, 16], sizes = [8, 2032], strides = [1, 1]} : vector<8x2048xi32> to vector<8x2032xi32>
      %slice3A_837 = vector.extract_strided_slice %select_n3A_822 {offsets = [0, 0], sizes = [8, 16], strides = [1, 1]} : vector<8x2048xi32> to vector<8x16xi32>
      %concatenate3A_838 = tpu.concatenate %slice3A_836, %slice3A_837 in 1 : vector<8x2032xi32>, vector<8x16xi32> -> vector<8x2048xi32>
      %slice3A_839 = vector.extract_strided_slice %select_n3A_822 {offsets = [0, 2032], sizes = [8, 16], strides = [1, 1]} : vector<8x2048xi32> to vector<8x16xi32>
      %slice3A_840 = vector.extract_strided_slice %select_n3A_822 {offsets = [0, 0], sizes = [8, 2032], strides = [1, 1]} : vector<8x2048xi32> to vector<8x2032xi32>
      %concatenate3A_841 = tpu.concatenate %slice3A_839, %slice3A_840 in 1 : vector<8x16xi32>, vector<8x2032xi32> -> vector<8x2048xi32>
      %select_n3A_842 = arith.select %eq3A_828, %concatenate3A_838, %concatenate3A_841 : vector<8x2048xi1>, vector<8x2048xi32>
      %gt3A_843 = arith.cmpf ogt, %select_n3A_821, %select_n3A_835 : vector<8x2048xf32>
      %eq3A_844 = arith.cmpf oeq, %select_n3A_821, %select_n3A_835 : vector<8x2048xf32>
      %lt3A_845 = arith.cmpi slt, %select_n3A_822, %select_n3A_842 : vector<8x2048xi32>
      %and3A_846 = arith.andi %eq3A_844, %lt3A_845 : vector<8x2048xi1>
      %or3A_847 = arith.ori %gt3A_843, %and3A_846 : vector<8x2048xi1>
      %eq3A_848 = arith.xori %eq3A_828, %eq3A_756 : vector<8x2048xi1>
      %eq3A_849 = arith.constant dense<true> : vector<8x2048xi1>
      %eq3A_850 = arith.xori %eq3A_848, %eq3A_849 : vector<8x2048xi1>
      %eq3A_851 = arith.xori %or3A_847, %eq3A_850 : vector<8x2048xi1>
      %eq3A_852 = arith.constant dense<true> : vector<8x2048xi1>
      %eq3A_853 = arith.xori %eq3A_851, %eq3A_852 : vector<8x2048xi1>
      %select_n3A_854 = arith.select %eq3A_853, %select_n3A_821, %select_n3A_835 : vector<8x2048xi1>, vector<8x2048xf32>
      %select_n3A_855 = arith.select %eq3A_853, %select_n3A_822, %select_n3A_842 : vector<8x2048xi1>, vector<8x2048xi32>
      %and3A_856 = arith.constant 8 : i32
      %and3A_857 = vector.broadcast %and3A_856 : i32 to vector<8x2048xi32>
      %and3A_858 = arith.andi %iota3A, %and3A_857 : vector<8x2048xi32>
      %eq3A_859 = arith.constant 0 : i32
      %eq3A_860 = vector.broadcast %eq3A_859 : i32 to vector<8x2048xi32>
      %eq3A_861 = arith.cmpi eq, %and3A_858, %eq3A_860 : vector<8x2048xi32>
      %slice3A_862 = vector.extract_strided_slice %select_n3A_854 {offsets = [0, 8], sizes = [8, 2040], strides = [1, 1]} : vector<8x2048xf32> to vector<8x2040xf32>
      %slice3A_863 = vector.extract_strided_slice %select_n3A_854 {offsets = [0, 0], sizes = [8, 8], strides = [1, 1]} : vector<8x2048xf32> to vector<8x8xf32>
      %concatenate3A_864 = tpu.concatenate %slice3A_862, %slice3A_863 in 1 : vector<8x2040xf32>, vector<8x8xf32> -> vector<8x2048xf32>
      %slice3A_865 = vector.extract_strided_slice %select_n3A_854 {offsets = [0, 2040], sizes = [8, 8], strides = [1, 1]} : vector<8x2048xf32> to vector<8x8xf32>
      %slice3A_866 = vector.extract_strided_slice %select_n3A_854 {offsets = [0, 0], sizes = [8, 2040], strides = [1, 1]} : vector<8x2048xf32> to vector<8x2040xf32>
      %concatenate3A_867 = tpu.concatenate %slice3A_865, %slice3A_866 in 1 : vector<8x8xf32>, vector<8x2040xf32> -> vector<8x2048xf32>
      %select_n3A_868 = arith.select %eq3A_861, %concatenate3A_864, %concatenate3A_867 : vector<8x2048xi1>, vector<8x2048xf32>
      %slice3A_869 = vector.extract_strided_slice %select_n3A_855 {offsets = [0, 8], sizes = [8, 2040], strides = [1, 1]} : vector<8x2048xi32> to vector<8x2040xi32>
      %slice3A_870 = vector.extract_strided_slice %select_n3A_855 {offsets = [0, 0], sizes = [8, 8], strides = [1, 1]} : vector<8x2048xi32> to vector<8x8xi32>
      %concatenate3A_871 = tpu.concatenate %slice3A_869, %slice3A_870 in 1 : vector<8x2040xi32>, vector<8x8xi32> -> vector<8x2048xi32>
      %slice3A_872 = vector.extract_strided_slice %select_n3A_855 {offsets = [0, 2040], sizes = [8, 8], strides = [1, 1]} : vector<8x2048xi32> to vector<8x8xi32>
      %slice3A_873 = vector.extract_strided_slice %select_n3A_855 {offsets = [0, 0], sizes = [8, 2040], strides = [1, 1]} : vector<8x2048xi32> to vector<8x2040xi32>
      %concatenate3A_874 = tpu.concatenate %slice3A_872, %slice3A_873 in 1 : vector<8x8xi32>, vector<8x2040xi32> -> vector<8x2048xi32>
      %select_n3A_875 = arith.select %eq3A_861, %concatenate3A_871, %concatenate3A_874 : vector<8x2048xi1>, vector<8x2048xi32>
      %gt3A_876 = arith.cmpf ogt, %select_n3A_854, %select_n3A_868 : vector<8x2048xf32>
      %eq3A_877 = arith.cmpf oeq, %select_n3A_854, %select_n3A_868 : vector<8x2048xf32>
      %lt3A_878 = arith.cmpi slt, %select_n3A_855, %select_n3A_875 : vector<8x2048xi32>
      %and3A_879 = arith.andi %eq3A_877, %lt3A_878 : vector<8x2048xi1>
      %or3A_880 = arith.ori %gt3A_876, %and3A_879 : vector<8x2048xi1>
      %eq3A_881 = arith.xori %eq3A_861, %eq3A_756 : vector<8x2048xi1>
      %eq3A_882 = arith.constant dense<true> : vector<8x2048xi1>
      %eq3A_883 = arith.xori %eq3A_881, %eq3A_882 : vector<8x2048xi1>
      %eq3A_884 = arith.xori %or3A_880, %eq3A_883 : vector<8x2048xi1>
      %eq3A_885 = arith.constant dense<true> : vector<8x2048xi1>
      %eq3A_886 = arith.xori %eq3A_884, %eq3A_885 : vector<8x2048xi1>
      %select_n3A_887 = arith.select %eq3A_886, %select_n3A_854, %select_n3A_868 : vector<8x2048xi1>, vector<8x2048xf32>
      %select_n3A_888 = arith.select %eq3A_886, %select_n3A_855, %select_n3A_875 : vector<8x2048xi1>, vector<8x2048xi32>
      %and3A_889 = arith.constant 4 : i32
      %and3A_890 = vector.broadcast %and3A_889 : i32 to vector<8x2048xi32>
      %and3A_891 = arith.andi %iota3A, %and3A_890 : vector<8x2048xi32>
      %eq3A_892 = arith.constant 0 : i32
      %eq3A_893 = vector.broadcast %eq3A_892 : i32 to vector<8x2048xi32>
      %eq3A_894 = arith.cmpi eq, %and3A_891, %eq3A_893 : vector<8x2048xi32>
      %slice3A_895 = vector.extract_strided_slice %select_n3A_887 {offsets = [0, 4], sizes = [8, 2044], strides = [1, 1]} : vector<8x2048xf32> to vector<8x2044xf32>
      %slice3A_896 = vector.extract_strided_slice %select_n3A_887 {offsets = [0, 0], sizes = [8, 4], strides = [1, 1]} : vector<8x2048xf32> to vector<8x4xf32>
      %concatenate3A_897 = tpu.concatenate %slice3A_895, %slice3A_896 in 1 : vector<8x2044xf32>, vector<8x4xf32> -> vector<8x2048xf32>
      %slice3A_898 = vector.extract_strided_slice %select_n3A_887 {offsets = [0, 2044], sizes = [8, 4], strides = [1, 1]} : vector<8x2048xf32> to vector<8x4xf32>
      %slice3A_899 = vector.extract_strided_slice %select_n3A_887 {offsets = [0, 0], sizes = [8, 2044], strides = [1, 1]} : vector<8x2048xf32> to vector<8x2044xf32>
      %concatenate3A_900 = tpu.concatenate %slice3A_898, %slice3A_899 in 1 : vector<8x4xf32>, vector<8x2044xf32> -> vector<8x2048xf32>
      %select_n3A_901 = arith.select %eq3A_894, %concatenate3A_897, %concatenate3A_900 : vector<8x2048xi1>, vector<8x2048xf32>
      %slice3A_902 = vector.extract_strided_slice %select_n3A_888 {offsets = [0, 4], sizes = [8, 2044], strides = [1, 1]} : vector<8x2048xi32> to vector<8x2044xi32>
      %slice3A_903 = vector.extract_strided_slice %select_n3A_888 {offsets = [0, 0], sizes = [8, 4], strides = [1, 1]} : vector<8x2048xi32> to vector<8x4xi32>
      %concatenate3A_904 = tpu.concatenate %slice3A_902, %slice3A_903 in 1 : vector<8x2044xi32>, vector<8x4xi32> -> vector<8x2048xi32>
      %slice3A_905 = vector.extract_strided_slice %select_n3A_888 {offsets = [0, 2044], sizes = [8, 4], strides = [1, 1]} : vector<8x2048xi32> to vector<8x4xi32>
      %slice3A_906 = vector.extract_strided_slice %select_n3A_888 {offsets = [0, 0], sizes = [8, 2044], strides = [1, 1]} : vector<8x2048xi32> to vector<8x2044xi32>
      %concatenate3A_907 = tpu.concatenate %slice3A_905, %slice3A_906 in 1 : vector<8x4xi32>, vector<8x2044xi32> -> vector<8x2048xi32>
      %select_n3A_908 = arith.select %eq3A_894, %concatenate3A_904, %concatenate3A_907 : vector<8x2048xi1>, vector<8x2048xi32>
      %gt3A_909 = arith.cmpf ogt, %select_n3A_887, %select_n3A_901 : vector<8x2048xf32>
      %eq3A_910 = arith.cmpf oeq, %select_n3A_887, %select_n3A_901 : vector<8x2048xf32>
      %lt3A_911 = arith.cmpi slt, %select_n3A_888, %select_n3A_908 : vector<8x2048xi32>
      %and3A_912 = arith.andi %eq3A_910, %lt3A_911 : vector<8x2048xi1>
      %or3A_913 = arith.ori %gt3A_909, %and3A_912 : vector<8x2048xi1>
      %eq3A_914 = arith.xori %eq3A_894, %eq3A_756 : vector<8x2048xi1>
      %eq3A_915 = arith.constant dense<true> : vector<8x2048xi1>
      %eq3A_916 = arith.xori %eq3A_914, %eq3A_915 : vector<8x2048xi1>
      %eq3A_917 = arith.xori %or3A_913, %eq3A_916 : vector<8x2048xi1>
      %eq3A_918 = arith.constant dense<true> : vector<8x2048xi1>
      %eq3A_919 = arith.xori %eq3A_917, %eq3A_918 : vector<8x2048xi1>
      %select_n3A_920 = arith.select %eq3A_919, %select_n3A_887, %select_n3A_901 : vector<8x2048xi1>, vector<8x2048xf32>
      %select_n3A_921 = arith.select %eq3A_919, %select_n3A_888, %select_n3A_908 : vector<8x2048xi1>, vector<8x2048xi32>
      %and3A_922 = arith.constant 2 : i32
      %and3A_923 = vector.broadcast %and3A_922 : i32 to vector<8x2048xi32>
      %and3A_924 = arith.andi %iota3A, %and3A_923 : vector<8x2048xi32>
      %eq3A_925 = arith.constant 0 : i32
      %eq3A_926 = vector.broadcast %eq3A_925 : i32 to vector<8x2048xi32>
      %eq3A_927 = arith.cmpi eq, %and3A_924, %eq3A_926 : vector<8x2048xi32>
      %slice3A_928 = vector.extract_strided_slice %select_n3A_920 {offsets = [0, 2], sizes = [8, 2046], strides = [1, 1]} : vector<8x2048xf32> to vector<8x2046xf32>
      %slice3A_929 = vector.extract_strided_slice %select_n3A_920 {offsets = [0, 0], sizes = [8, 2], strides = [1, 1]} : vector<8x2048xf32> to vector<8x2xf32>
      %concatenate3A_930 = tpu.concatenate %slice3A_928, %slice3A_929 in 1 : vector<8x2046xf32>, vector<8x2xf32> -> vector<8x2048xf32>
      %slice3A_931 = vector.extract_strided_slice %select_n3A_920 {offsets = [0, 2046], sizes = [8, 2], strides = [1, 1]} : vector<8x2048xf32> to vector<8x2xf32>
      %slice3A_932 = vector.extract_strided_slice %select_n3A_920 {offsets = [0, 0], sizes = [8, 2046], strides = [1, 1]} : vector<8x2048xf32> to vector<8x2046xf32>
      %concatenate3A_933 = tpu.concatenate %slice3A_931, %slice3A_932 in 1 : vector<8x2xf32>, vector<8x2046xf32> -> vector<8x2048xf32>
      %select_n3A_934 = arith.select %eq3A_927, %concatenate3A_930, %concatenate3A_933 : vector<8x2048xi1>, vector<8x2048xf32>
      %slice3A_935 = vector.extract_strided_slice %select_n3A_921 {offsets = [0, 2], sizes = [8, 2046], strides = [1, 1]} : vector<8x2048xi32> to vector<8x2046xi32>
      %slice3A_936 = vector.extract_strided_slice %select_n3A_921 {offsets = [0, 0], sizes = [8, 2], strides = [1, 1]} : vector<8x2048xi32> to vector<8x2xi32>
      %concatenate3A_937 = tpu.concatenate %slice3A_935, %slice3A_936 in 1 : vector<8x2046xi32>, vector<8x2xi32> -> vector<8x2048xi32>
      %slice3A_938 = vector.extract_strided_slice %select_n3A_921 {offsets = [0, 2046], sizes = [8, 2], strides = [1, 1]} : vector<8x2048xi32> to vector<8x2xi32>
      %slice3A_939 = vector.extract_strided_slice %select_n3A_921 {offsets = [0, 0], sizes = [8, 2046], strides = [1, 1]} : vector<8x2048xi32> to vector<8x2046xi32>
      %concatenate3A_940 = tpu.concatenate %slice3A_938, %slice3A_939 in 1 : vector<8x2xi32>, vector<8x2046xi32> -> vector<8x2048xi32>
      %select_n3A_941 = arith.select %eq3A_927, %concatenate3A_937, %concatenate3A_940 : vector<8x2048xi1>, vector<8x2048xi32>
      %gt3A_942 = arith.cmpf ogt, %select_n3A_920, %select_n3A_934 : vector<8x2048xf32>
      %eq3A_943 = arith.cmpf oeq, %select_n3A_920, %select_n3A_934 : vector<8x2048xf32>
      %lt3A_944 = arith.cmpi slt, %select_n3A_921, %select_n3A_941 : vector<8x2048xi32>
      %and3A_945 = arith.andi %eq3A_943, %lt3A_944 : vector<8x2048xi1>
      %or3A_946 = arith.ori %gt3A_942, %and3A_945 : vector<8x2048xi1>
      %eq3A_947 = arith.xori %eq3A_927, %eq3A_756 : vector<8x2048xi1>
      %eq3A_948 = arith.constant dense<true> : vector<8x2048xi1>
      %eq3A_949 = arith.xori %eq3A_947, %eq3A_948 : vector<8x2048xi1>
      %eq3A_950 = arith.xori %or3A_946, %eq3A_949 : vector<8x2048xi1>
      %eq3A_951 = arith.constant dense<true> : vector<8x2048xi1>
      %eq3A_952 = arith.xori %eq3A_950, %eq3A_951 : vector<8x2048xi1>
      %select_n3A_953 = arith.select %eq3A_952, %select_n3A_920, %select_n3A_934 : vector<8x2048xi1>, vector<8x2048xf32>
      %select_n3A_954 = arith.select %eq3A_952, %select_n3A_921, %select_n3A_941 : vector<8x2048xi1>, vector<8x2048xi32>
      %and3A_955 = arith.constant 1 : i32
      %and3A_956 = vector.broadcast %and3A_955 : i32 to vector<8x2048xi32>
      %and3A_957 = arith.andi %iota3A, %and3A_956 : vector<8x2048xi32>
      %eq3A_958 = arith.constant 0 : i32
      %eq3A_959 = vector.broadcast %eq3A_958 : i32 to vector<8x2048xi32>
      %eq3A_960 = arith.cmpi eq, %and3A_957, %eq3A_959 : vector<8x2048xi32>
      %slice3A_961 = vector.extract_strided_slice %select_n3A_953 {offsets = [0, 1], sizes = [8, 2047], strides = [1, 1]} : vector<8x2048xf32> to vector<8x2047xf32>
      %slice3A_962 = vector.extract_strided_slice %select_n3A_953 {offsets = [0, 0], sizes = [8, 1], strides = [1, 1]} : vector<8x2048xf32> to vector<8x1xf32>
      %concatenate3A_963 = tpu.concatenate %slice3A_961, %slice3A_962 in 1 : vector<8x2047xf32>, vector<8x1xf32> -> vector<8x2048xf32>
      %slice3A_964 = vector.extract_strided_slice %select_n3A_953 {offsets = [0, 2047], sizes = [8, 1], strides = [1, 1]} : vector<8x2048xf32> to vector<8x1xf32>
      %slice3A_965 = vector.extract_strided_slice %select_n3A_953 {offsets = [0, 0], sizes = [8, 2047], strides = [1, 1]} : vector<8x2048xf32> to vector<8x2047xf32>
      %concatenate3A_966 = tpu.concatenate %slice3A_964, %slice3A_965 in 1 : vector<8x1xf32>, vector<8x2047xf32> -> vector<8x2048xf32>
      %select_n3A_967 = arith.select %eq3A_960, %concatenate3A_963, %concatenate3A_966 : vector<8x2048xi1>, vector<8x2048xf32>
      %slice3A_968 = vector.extract_strided_slice %select_n3A_954 {offsets = [0, 1], sizes = [8, 2047], strides = [1, 1]} : vector<8x2048xi32> to vector<8x2047xi32>
      %slice3A_969 = vector.extract_strided_slice %select_n3A_954 {offsets = [0, 0], sizes = [8, 1], strides = [1, 1]} : vector<8x2048xi32> to vector<8x1xi32>
      %concatenate3A_970 = tpu.concatenate %slice3A_968, %slice3A_969 in 1 : vector<8x2047xi32>, vector<8x1xi32> -> vector<8x2048xi32>
      %slice3A_971 = vector.extract_strided_slice %select_n3A_954 {offsets = [0, 2047], sizes = [8, 1], strides = [1, 1]} : vector<8x2048xi32> to vector<8x1xi32>
      %slice3A_972 = vector.extract_strided_slice %select_n3A_954 {offsets = [0, 0], sizes = [8, 2047], strides = [1, 1]} : vector<8x2048xi32> to vector<8x2047xi32>
      %concatenate3A_973 = tpu.concatenate %slice3A_971, %slice3A_972 in 1 : vector<8x1xi32>, vector<8x2047xi32> -> vector<8x2048xi32>
      %select_n3A_974 = arith.select %eq3A_960, %concatenate3A_970, %concatenate3A_973 : vector<8x2048xi1>, vector<8x2048xi32>
      %gt3A_975 = arith.cmpf ogt, %select_n3A_953, %select_n3A_967 : vector<8x2048xf32>
      %eq3A_976 = arith.cmpf oeq, %select_n3A_953, %select_n3A_967 : vector<8x2048xf32>
      %lt3A_977 = arith.cmpi slt, %select_n3A_954, %select_n3A_974 : vector<8x2048xi32>
      %and3A_978 = arith.andi %eq3A_976, %lt3A_977 : vector<8x2048xi1>
      %or3A_979 = arith.ori %gt3A_975, %and3A_978 : vector<8x2048xi1>
      %eq3A_980 = arith.xori %eq3A_960, %eq3A_756 : vector<8x2048xi1>
      %eq3A_981 = arith.constant dense<true> : vector<8x2048xi1>
      %eq3A_982 = arith.xori %eq3A_980, %eq3A_981 : vector<8x2048xi1>
      %eq3A_983 = arith.xori %or3A_979, %eq3A_982 : vector<8x2048xi1>
      %eq3A_984 = arith.constant dense<true> : vector<8x2048xi1>
      %eq3A_985 = arith.xori %eq3A_983, %eq3A_984 : vector<8x2048xi1>
      %select_n3A_986 = arith.select %eq3A_985, %select_n3A_953, %select_n3A_967 : vector<8x2048xi1>, vector<8x2048xf32>
      %select_n3A_987 = arith.select %eq3A_985, %select_n3A_954, %select_n3A_974 : vector<8x2048xi1>, vector<8x2048xi32>
      %shift_right_arithmetic3A_988 = arith.constant 8 : i32
      %shift_right_arithmetic3A_989 = vector.broadcast %shift_right_arithmetic3A_988 : i32 to vector<8x2048xi32>
      %shift_right_arithmetic3A_990 = arith.shrsi %iota3A, %shift_right_arithmetic3A_989 : vector<8x2048xi32>
      %and3A_991 = arith.constant 1 : i32
      %and3A_992 = vector.broadcast %and3A_991 : i32 to vector<8x2048xi32>
      %and3A_993 = arith.andi %shift_right_arithmetic3A_990, %and3A_992 : vector<8x2048xi32>
      %eq3A_994 = arith.constant 0 : i32
      %eq3A_995 = vector.broadcast %eq3A_994 : i32 to vector<8x2048xi32>
      %eq3A_996 = arith.cmpi eq, %and3A_993, %eq3A_995 : vector<8x2048xi32>
      %and3A_997 = arith.constant 128 : i32
      %and3A_998 = vector.broadcast %and3A_997 : i32 to vector<8x2048xi32>
      %and3A_999 = arith.andi %iota3A, %and3A_998 : vector<8x2048xi32>
      %eq3A_1000 = arith.constant 0 : i32
      %eq3A_1001 = vector.broadcast %eq3A_1000 : i32 to vector<8x2048xi32>
      %eq3A_1002 = arith.cmpi eq, %and3A_999, %eq3A_1001 : vector<8x2048xi32>
      %slice3A_1003 = vector.extract_strided_slice %select_n3A_986 {offsets = [0, 128], sizes = [8, 1920], strides = [1, 1]} : vector<8x2048xf32> to vector<8x1920xf32>
      %slice3A_1004 = vector.extract_strided_slice %select_n3A_986 {offsets = [0, 0], sizes = [8, 128], strides = [1, 1]} : vector<8x2048xf32> to vector<8x128xf32>
      %concatenate3A_1005 = tpu.concatenate %slice3A_1003, %slice3A_1004 in 1 : vector<8x1920xf32>, vector<8x128xf32> -> vector<8x2048xf32>
      %slice3A_1006 = vector.extract_strided_slice %select_n3A_986 {offsets = [0, 1920], sizes = [8, 128], strides = [1, 1]} : vector<8x2048xf32> to vector<8x128xf32>
      %slice3A_1007 = vector.extract_strided_slice %select_n3A_986 {offsets = [0, 0], sizes = [8, 1920], strides = [1, 1]} : vector<8x2048xf32> to vector<8x1920xf32>
      %concatenate3A_1008 = tpu.concatenate %slice3A_1006, %slice3A_1007 in 1 : vector<8x128xf32>, vector<8x1920xf32> -> vector<8x2048xf32>
      %select_n3A_1009 = arith.select %eq3A_1002, %concatenate3A_1005, %concatenate3A_1008 : vector<8x2048xi1>, vector<8x2048xf32>
      %slice3A_1010 = vector.extract_strided_slice %select_n3A_987 {offsets = [0, 128], sizes = [8, 1920], strides = [1, 1]} : vector<8x2048xi32> to vector<8x1920xi32>
      %slice3A_1011 = vector.extract_strided_slice %select_n3A_987 {offsets = [0, 0], sizes = [8, 128], strides = [1, 1]} : vector<8x2048xi32> to vector<8x128xi32>
      %concatenate3A_1012 = tpu.concatenate %slice3A_1010, %slice3A_1011 in 1 : vector<8x1920xi32>, vector<8x128xi32> -> vector<8x2048xi32>
      %slice3A_1013 = vector.extract_strided_slice %select_n3A_987 {offsets = [0, 1920], sizes = [8, 128], strides = [1, 1]} : vector<8x2048xi32> to vector<8x128xi32>
      %slice3A_1014 = vector.extract_strided_slice %select_n3A_987 {offsets = [0, 0], sizes = [8, 1920], strides = [1, 1]} : vector<8x2048xi32> to vector<8x1920xi32>
      %concatenate3A_1015 = tpu.concatenate %slice3A_1013, %slice3A_1014 in 1 : vector<8x128xi32>, vector<8x1920xi32> -> vector<8x2048xi32>
      %select_n3A_1016 = arith.select %eq3A_1002, %concatenate3A_1012, %concatenate3A_1015 : vector<8x2048xi1>, vector<8x2048xi32>
      %gt3A_1017 = arith.cmpf ogt, %select_n3A_986, %select_n3A_1009 : vector<8x2048xf32>
      %eq3A_1018 = arith.cmpf oeq, %select_n3A_986, %select_n3A_1009 : vector<8x2048xf32>
      %lt3A_1019 = arith.cmpi slt, %select_n3A_987, %select_n3A_1016 : vector<8x2048xi32>
      %and3A_1020 = arith.andi %eq3A_1018, %lt3A_1019 : vector<8x2048xi1>
      %or3A_1021 = arith.ori %gt3A_1017, %and3A_1020 : vector<8x2048xi1>
      %eq3A_1022 = arith.xori %eq3A_1002, %eq3A_996 : vector<8x2048xi1>
      %eq3A_1023 = arith.constant dense<true> : vector<8x2048xi1>
      %eq3A_1024 = arith.xori %eq3A_1022, %eq3A_1023 : vector<8x2048xi1>
      %eq3A_1025 = arith.xori %or3A_1021, %eq3A_1024 : vector<8x2048xi1>
      %eq3A_1026 = arith.constant dense<true> : vector<8x2048xi1>
      %eq3A_1027 = arith.xori %eq3A_1025, %eq3A_1026 : vector<8x2048xi1>
      %select_n3A_1028 = arith.select %eq3A_1027, %select_n3A_986, %select_n3A_1009 : vector<8x2048xi1>, vector<8x2048xf32>
      %select_n3A_1029 = arith.select %eq3A_1027, %select_n3A_987, %select_n3A_1016 : vector<8x2048xi1>, vector<8x2048xi32>
      %and3A_1030 = arith.constant 64 : i32
      %and3A_1031 = vector.broadcast %and3A_1030 : i32 to vector<8x2048xi32>
      %and3A_1032 = arith.andi %iota3A, %and3A_1031 : vector<8x2048xi32>
      %eq3A_1033 = arith.constant 0 : i32
      %eq3A_1034 = vector.broadcast %eq3A_1033 : i32 to vector<8x2048xi32>
      %eq3A_1035 = arith.cmpi eq, %and3A_1032, %eq3A_1034 : vector<8x2048xi32>
      %slice3A_1036 = vector.extract_strided_slice %select_n3A_1028 {offsets = [0, 64], sizes = [8, 1984], strides = [1, 1]} : vector<8x2048xf32> to vector<8x1984xf32>
      %slice3A_1037 = vector.extract_strided_slice %select_n3A_1028 {offsets = [0, 0], sizes = [8, 64], strides = [1, 1]} : vector<8x2048xf32> to vector<8x64xf32>
      %concatenate3A_1038 = tpu.concatenate %slice3A_1036, %slice3A_1037 in 1 : vector<8x1984xf32>, vector<8x64xf32> -> vector<8x2048xf32>
      %slice3A_1039 = vector.extract_strided_slice %select_n3A_1028 {offsets = [0, 1984], sizes = [8, 64], strides = [1, 1]} : vector<8x2048xf32> to vector<8x64xf32>
      %slice3A_1040 = vector.extract_strided_slice %select_n3A_1028 {offsets = [0, 0], sizes = [8, 1984], strides = [1, 1]} : vector<8x2048xf32> to vector<8x1984xf32>
      %concatenate3A_1041 = tpu.concatenate %slice3A_1039, %slice3A_1040 in 1 : vector<8x64xf32>, vector<8x1984xf32> -> vector<8x2048xf32>
      %select_n3A_1042 = arith.select %eq3A_1035, %concatenate3A_1038, %concatenate3A_1041 : vector<8x2048xi1>, vector<8x2048xf32>
      %slice3A_1043 = vector.extract_strided_slice %select_n3A_1029 {offsets = [0, 64], sizes = [8, 1984], strides = [1, 1]} : vector<8x2048xi32> to vector<8x1984xi32>
      %slice3A_1044 = vector.extract_strided_slice %select_n3A_1029 {offsets = [0, 0], sizes = [8, 64], strides = [1, 1]} : vector<8x2048xi32> to vector<8x64xi32>
      %concatenate3A_1045 = tpu.concatenate %slice3A_1043, %slice3A_1044 in 1 : vector<8x1984xi32>, vector<8x64xi32> -> vector<8x2048xi32>
      %slice3A_1046 = vector.extract_strided_slice %select_n3A_1029 {offsets = [0, 1984], sizes = [8, 64], strides = [1, 1]} : vector<8x2048xi32> to vector<8x64xi32>
      %slice3A_1047 = vector.extract_strided_slice %select_n3A_1029 {offsets = [0, 0], sizes = [8, 1984], strides = [1, 1]} : vector<8x2048xi32> to vector<8x1984xi32>
      %concatenate3A_1048 = tpu.concatenate %slice3A_1046, %slice3A_1047 in 1 : vector<8x64xi32>, vector<8x1984xi32> -> vector<8x2048xi32>
      %select_n3A_1049 = arith.select %eq3A_1035, %concatenate3A_1045, %concatenate3A_1048 : vector<8x2048xi1>, vector<8x2048xi32>
      %gt3A_1050 = arith.cmpf ogt, %select_n3A_1028, %select_n3A_1042 : vector<8x2048xf32>
      %eq3A_1051 = arith.cmpf oeq, %select_n3A_1028, %select_n3A_1042 : vector<8x2048xf32>
      %lt3A_1052 = arith.cmpi slt, %select_n3A_1029, %select_n3A_1049 : vector<8x2048xi32>
      %and3A_1053 = arith.andi %eq3A_1051, %lt3A_1052 : vector<8x2048xi1>
      %or3A_1054 = arith.ori %gt3A_1050, %and3A_1053 : vector<8x2048xi1>
      %eq3A_1055 = arith.xori %eq3A_1035, %eq3A_996 : vector<8x2048xi1>
      %eq3A_1056 = arith.constant dense<true> : vector<8x2048xi1>
      %eq3A_1057 = arith.xori %eq3A_1055, %eq3A_1056 : vector<8x2048xi1>
      %eq3A_1058 = arith.xori %or3A_1054, %eq3A_1057 : vector<8x2048xi1>
      %eq3A_1059 = arith.constant dense<true> : vector<8x2048xi1>
      %eq3A_1060 = arith.xori %eq3A_1058, %eq3A_1059 : vector<8x2048xi1>
      %select_n3A_1061 = arith.select %eq3A_1060, %select_n3A_1028, %select_n3A_1042 : vector<8x2048xi1>, vector<8x2048xf32>
      %select_n3A_1062 = arith.select %eq3A_1060, %select_n3A_1029, %select_n3A_1049 : vector<8x2048xi1>, vector<8x2048xi32>
      %and3A_1063 = arith.constant 32 : i32
      %and3A_1064 = vector.broadcast %and3A_1063 : i32 to vector<8x2048xi32>
      %and3A_1065 = arith.andi %iota3A, %and3A_1064 : vector<8x2048xi32>
      %eq3A_1066 = arith.constant 0 : i32
      %eq3A_1067 = vector.broadcast %eq3A_1066 : i32 to vector<8x2048xi32>
      %eq3A_1068 = arith.cmpi eq, %and3A_1065, %eq3A_1067 : vector<8x2048xi32>
      %slice3A_1069 = vector.extract_strided_slice %select_n3A_1061 {offsets = [0, 32], sizes = [8, 2016], strides = [1, 1]} : vector<8x2048xf32> to vector<8x2016xf32>
      %slice3A_1070 = vector.extract_strided_slice %select_n3A_1061 {offsets = [0, 0], sizes = [8, 32], strides = [1, 1]} : vector<8x2048xf32> to vector<8x32xf32>
      %concatenate3A_1071 = tpu.concatenate %slice3A_1069, %slice3A_1070 in 1 : vector<8x2016xf32>, vector<8x32xf32> -> vector<8x2048xf32>
      %slice3A_1072 = vector.extract_strided_slice %select_n3A_1061 {offsets = [0, 2016], sizes = [8, 32], strides = [1, 1]} : vector<8x2048xf32> to vector<8x32xf32>
      %slice3A_1073 = vector.extract_strided_slice %select_n3A_1061 {offsets = [0, 0], sizes = [8, 2016], strides = [1, 1]} : vector<8x2048xf32> to vector<8x2016xf32>
      %concatenate3A_1074 = tpu.concatenate %slice3A_1072, %slice3A_1073 in 1 : vector<8x32xf32>, vector<8x2016xf32> -> vector<8x2048xf32>
      %select_n3A_1075 = arith.select %eq3A_1068, %concatenate3A_1071, %concatenate3A_1074 : vector<8x2048xi1>, vector<8x2048xf32>
      %slice3A_1076 = vector.extract_strided_slice %select_n3A_1062 {offsets = [0, 32], sizes = [8, 2016], strides = [1, 1]} : vector<8x2048xi32> to vector<8x2016xi32>
      %slice3A_1077 = vector.extract_strided_slice %select_n3A_1062 {offsets = [0, 0], sizes = [8, 32], strides = [1, 1]} : vector<8x2048xi32> to vector<8x32xi32>
      %concatenate3A_1078 = tpu.concatenate %slice3A_1076, %slice3A_1077 in 1 : vector<8x2016xi32>, vector<8x32xi32> -> vector<8x2048xi32>
      %slice3A_1079 = vector.extract_strided_slice %select_n3A_1062 {offsets = [0, 2016], sizes = [8, 32], strides = [1, 1]} : vector<8x2048xi32> to vector<8x32xi32>
      %slice3A_1080 = vector.extract_strided_slice %select_n3A_1062 {offsets = [0, 0], sizes = [8, 2016], strides = [1, 1]} : vector<8x2048xi32> to vector<8x2016xi32>
      %concatenate3A_1081 = tpu.concatenate %slice3A_1079, %slice3A_1080 in 1 : vector<8x32xi32>, vector<8x2016xi32> -> vector<8x2048xi32>
      %select_n3A_1082 = arith.select %eq3A_1068, %concatenate3A_1078, %concatenate3A_1081 : vector<8x2048xi1>, vector<8x2048xi32>
      %gt3A_1083 = arith.cmpf ogt, %select_n3A_1061, %select_n3A_1075 : vector<8x2048xf32>
      %eq3A_1084 = arith.cmpf oeq, %select_n3A_1061, %select_n3A_1075 : vector<8x2048xf32>
      %lt3A_1085 = arith.cmpi slt, %select_n3A_1062, %select_n3A_1082 : vector<8x2048xi32>
      %and3A_1086 = arith.andi %eq3A_1084, %lt3A_1085 : vector<8x2048xi1>
      %or3A_1087 = arith.ori %gt3A_1083, %and3A_1086 : vector<8x2048xi1>
      %eq3A_1088 = arith.xori %eq3A_1068, %eq3A_996 : vector<8x2048xi1>
      %eq3A_1089 = arith.constant dense<true> : vector<8x2048xi1>
      %eq3A_1090 = arith.xori %eq3A_1088, %eq3A_1089 : vector<8x2048xi1>
      %eq3A_1091 = arith.xori %or3A_1087, %eq3A_1090 : vector<8x2048xi1>
      %eq3A_1092 = arith.constant dense<true> : vector<8x2048xi1>
      %eq3A_1093 = arith.xori %eq3A_1091, %eq3A_1092 : vector<8x2048xi1>
      %select_n3A_1094 = arith.select %eq3A_1093, %select_n3A_1061, %select_n3A_1075 : vector<8x2048xi1>, vector<8x2048xf32>
      %select_n3A_1095 = arith.select %eq3A_1093, %select_n3A_1062, %select_n3A_1082 : vector<8x2048xi1>, vector<8x2048xi32>
      %and3A_1096 = arith.constant 16 : i32
      %and3A_1097 = vector.broadcast %and3A_1096 : i32 to vector<8x2048xi32>
      %and3A_1098 = arith.andi %iota3A, %and3A_1097 : vector<8x2048xi32>
      %eq3A_1099 = arith.constant 0 : i32
      %eq3A_1100 = vector.broadcast %eq3A_1099 : i32 to vector<8x2048xi32>
      %eq3A_1101 = arith.cmpi eq, %and3A_1098, %eq3A_1100 : vector<8x2048xi32>
      %slice3A_1102 = vector.extract_strided_slice %select_n3A_1094 {offsets = [0, 16], sizes = [8, 2032], strides = [1, 1]} : vector<8x2048xf32> to vector<8x2032xf32>
      %slice3A_1103 = vector.extract_strided_slice %select_n3A_1094 {offsets = [0, 0], sizes = [8, 16], strides = [1, 1]} : vector<8x2048xf32> to vector<8x16xf32>
      %concatenate3A_1104 = tpu.concatenate %slice3A_1102, %slice3A_1103 in 1 : vector<8x2032xf32>, vector<8x16xf32> -> vector<8x2048xf32>
      %slice3A_1105 = vector.extract_strided_slice %select_n3A_1094 {offsets = [0, 2032], sizes = [8, 16], strides = [1, 1]} : vector<8x2048xf32> to vector<8x16xf32>
      %slice3A_1106 = vector.extract_strided_slice %select_n3A_1094 {offsets = [0, 0], sizes = [8, 2032], strides = [1, 1]} : vector<8x2048xf32> to vector<8x2032xf32>
      %concatenate3A_1107 = tpu.concatenate %slice3A_1105, %slice3A_1106 in 1 : vector<8x16xf32>, vector<8x2032xf32> -> vector<8x2048xf32>
      %select_n3A_1108 = arith.select %eq3A_1101, %concatenate3A_1104, %concatenate3A_1107 : vector<8x2048xi1>, vector<8x2048xf32>
      %slice3A_1109 = vector.extract_strided_slice %select_n3A_1095 {offsets = [0, 16], sizes = [8, 2032], strides = [1, 1]} : vector<8x2048xi32> to vector<8x2032xi32>
      %slice3A_1110 = vector.extract_strided_slice %select_n3A_1095 {offsets = [0, 0], sizes = [8, 16], strides = [1, 1]} : vector<8x2048xi32> to vector<8x16xi32>
      %concatenate3A_1111 = tpu.concatenate %slice3A_1109, %slice3A_1110 in 1 : vector<8x2032xi32>, vector<8x16xi32> -> vector<8x2048xi32>
      %slice3A_1112 = vector.extract_strided_slice %select_n3A_1095 {offsets = [0, 2032], sizes = [8, 16], strides = [1, 1]} : vector<8x2048xi32> to vector<8x16xi32>
      %slice3A_1113 = vector.extract_strided_slice %select_n3A_1095 {offsets = [0, 0], sizes = [8, 2032], strides = [1, 1]} : vector<8x2048xi32> to vector<8x2032xi32>
      %concatenate3A_1114 = tpu.concatenate %slice3A_1112, %slice3A_1113 in 1 : vector<8x16xi32>, vector<8x2032xi32> -> vector<8x2048xi32>
      %select_n3A_1115 = arith.select %eq3A_1101, %concatenate3A_1111, %concatenate3A_1114 : vector<8x2048xi1>, vector<8x2048xi32>
      %gt3A_1116 = arith.cmpf ogt, %select_n3A_1094, %select_n3A_1108 : vector<8x2048xf32>
      %eq3A_1117 = arith.cmpf oeq, %select_n3A_1094, %select_n3A_1108 : vector<8x2048xf32>
      %lt3A_1118 = arith.cmpi slt, %select_n3A_1095, %select_n3A_1115 : vector<8x2048xi32>
      %and3A_1119 = arith.andi %eq3A_1117, %lt3A_1118 : vector<8x2048xi1>
      %or3A_1120 = arith.ori %gt3A_1116, %and3A_1119 : vector<8x2048xi1>
      %eq3A_1121 = arith.xori %eq3A_1101, %eq3A_996 : vector<8x2048xi1>
      %eq3A_1122 = arith.constant dense<true> : vector<8x2048xi1>
      %eq3A_1123 = arith.xori %eq3A_1121, %eq3A_1122 : vector<8x2048xi1>
      %eq3A_1124 = arith.xori %or3A_1120, %eq3A_1123 : vector<8x2048xi1>
      %eq3A_1125 = arith.constant dense<true> : vector<8x2048xi1>
      %eq3A_1126 = arith.xori %eq3A_1124, %eq3A_1125 : vector<8x2048xi1>
      %select_n3A_1127 = arith.select %eq3A_1126, %select_n3A_1094, %select_n3A_1108 : vector<8x2048xi1>, vector<8x2048xf32>
      %select_n3A_1128 = arith.select %eq3A_1126, %select_n3A_1095, %select_n3A_1115 : vector<8x2048xi1>, vector<8x2048xi32>
      %and3A_1129 = arith.constant 8 : i32
      %and3A_1130 = vector.broadcast %and3A_1129 : i32 to vector<8x2048xi32>
      %and3A_1131 = arith.andi %iota3A, %and3A_1130 : vector<8x2048xi32>
      %eq3A_1132 = arith.constant 0 : i32
      %eq3A_1133 = vector.broadcast %eq3A_1132 : i32 to vector<8x2048xi32>
      %eq3A_1134 = arith.cmpi eq, %and3A_1131, %eq3A_1133 : vector<8x2048xi32>
      %slice3A_1135 = vector.extract_strided_slice %select_n3A_1127 {offsets = [0, 8], sizes = [8, 2040], strides = [1, 1]} : vector<8x2048xf32> to vector<8x2040xf32>
      %slice3A_1136 = vector.extract_strided_slice %select_n3A_1127 {offsets = [0, 0], sizes = [8, 8], strides = [1, 1]} : vector<8x2048xf32> to vector<8x8xf32>
      %concatenate3A_1137 = tpu.concatenate %slice3A_1135, %slice3A_1136 in 1 : vector<8x2040xf32>, vector<8x8xf32> -> vector<8x2048xf32>
      %slice3A_1138 = vector.extract_strided_slice %select_n3A_1127 {offsets = [0, 2040], sizes = [8, 8], strides = [1, 1]} : vector<8x2048xf32> to vector<8x8xf32>
      %slice3A_1139 = vector.extract_strided_slice %select_n3A_1127 {offsets = [0, 0], sizes = [8, 2040], strides = [1, 1]} : vector<8x2048xf32> to vector<8x2040xf32>
      %concatenate3A_1140 = tpu.concatenate %slice3A_1138, %slice3A_1139 in 1 : vector<8x8xf32>, vector<8x2040xf32> -> vector<8x2048xf32>
      %select_n3A_1141 = arith.select %eq3A_1134, %concatenate3A_1137, %concatenate3A_1140 : vector<8x2048xi1>, vector<8x2048xf32>
      %slice3A_1142 = vector.extract_strided_slice %select_n3A_1128 {offsets = [0, 8], sizes = [8, 2040], strides = [1, 1]} : vector<8x2048xi32> to vector<8x2040xi32>
      %slice3A_1143 = vector.extract_strided_slice %select_n3A_1128 {offsets = [0, 0], sizes = [8, 8], strides = [1, 1]} : vector<8x2048xi32> to vector<8x8xi32>
      %concatenate3A_1144 = tpu.concatenate %slice3A_1142, %slice3A_1143 in 1 : vector<8x2040xi32>, vector<8x8xi32> -> vector<8x2048xi32>
      %slice3A_1145 = vector.extract_strided_slice %select_n3A_1128 {offsets = [0, 2040], sizes = [8, 8], strides = [1, 1]} : vector<8x2048xi32> to vector<8x8xi32>
      %slice3A_1146 = vector.extract_strided_slice %select_n3A_1128 {offsets = [0, 0], sizes = [8, 2040], strides = [1, 1]} : vector<8x2048xi32> to vector<8x2040xi32>
      %concatenate3A_1147 = tpu.concatenate %slice3A_1145, %slice3A_1146 in 1 : vector<8x8xi32>, vector<8x2040xi32> -> vector<8x2048xi32>
      %select_n3A_1148 = arith.select %eq3A_1134, %concatenate3A_1144, %concatenate3A_1147 : vector<8x2048xi1>, vector<8x2048xi32>
      %gt3A_1149 = arith.cmpf ogt, %select_n3A_1127, %select_n3A_1141 : vector<8x2048xf32>
      %eq3A_1150 = arith.cmpf oeq, %select_n3A_1127, %select_n3A_1141 : vector<8x2048xf32>
      %lt3A_1151 = arith.cmpi slt, %select_n3A_1128, %select_n3A_1148 : vector<8x2048xi32>
      %and3A_1152 = arith.andi %eq3A_1150, %lt3A_1151 : vector<8x2048xi1>
      %or3A_1153 = arith.ori %gt3A_1149, %and3A_1152 : vector<8x2048xi1>
      %eq3A_1154 = arith.xori %eq3A_1134, %eq3A_996 : vector<8x2048xi1>
      %eq3A_1155 = arith.constant dense<true> : vector<8x2048xi1>
      %eq3A_1156 = arith.xori %eq3A_1154, %eq3A_1155 : vector<8x2048xi1>
      %eq3A_1157 = arith.xori %or3A_1153, %eq3A_1156 : vector<8x2048xi1>
      %eq3A_1158 = arith.constant dense<true> : vector<8x2048xi1>
      %eq3A_1159 = arith.xori %eq3A_1157, %eq3A_1158 : vector<8x2048xi1>
      %select_n3A_1160 = arith.select %eq3A_1159, %select_n3A_1127, %select_n3A_1141 : vector<8x2048xi1>, vector<8x2048xf32>
      %select_n3A_1161 = arith.select %eq3A_1159, %select_n3A_1128, %select_n3A_1148 : vector<8x2048xi1>, vector<8x2048xi32>
      %and3A_1162 = arith.constant 4 : i32
      %and3A_1163 = vector.broadcast %and3A_1162 : i32 to vector<8x2048xi32>
      %and3A_1164 = arith.andi %iota3A, %and3A_1163 : vector<8x2048xi32>
      %eq3A_1165 = arith.constant 0 : i32
      %eq3A_1166 = vector.broadcast %eq3A_1165 : i32 to vector<8x2048xi32>
      %eq3A_1167 = arith.cmpi eq, %and3A_1164, %eq3A_1166 : vector<8x2048xi32>
      %slice3A_1168 = vector.extract_strided_slice %select_n3A_1160 {offsets = [0, 4], sizes = [8, 2044], strides = [1, 1]} : vector<8x2048xf32> to vector<8x2044xf32>
      %slice3A_1169 = vector.extract_strided_slice %select_n3A_1160 {offsets = [0, 0], sizes = [8, 4], strides = [1, 1]} : vector<8x2048xf32> to vector<8x4xf32>
      %concatenate3A_1170 = tpu.concatenate %slice3A_1168, %slice3A_1169 in 1 : vector<8x2044xf32>, vector<8x4xf32> -> vector<8x2048xf32>
      %slice3A_1171 = vector.extract_strided_slice %select_n3A_1160 {offsets = [0, 2044], sizes = [8, 4], strides = [1, 1]} : vector<8x2048xf32> to vector<8x4xf32>
      %slice3A_1172 = vector.extract_strided_slice %select_n3A_1160 {offsets = [0, 0], sizes = [8, 2044], strides = [1, 1]} : vector<8x2048xf32> to vector<8x2044xf32>
      %concatenate3A_1173 = tpu.concatenate %slice3A_1171, %slice3A_1172 in 1 : vector<8x4xf32>, vector<8x2044xf32> -> vector<8x2048xf32>
      %select_n3A_1174 = arith.select %eq3A_1167, %concatenate3A_1170, %concatenate3A_1173 : vector<8x2048xi1>, vector<8x2048xf32>
      %slice3A_1175 = vector.extract_strided_slice %select_n3A_1161 {offsets = [0, 4], sizes = [8, 2044], strides = [1, 1]} : vector<8x2048xi32> to vector<8x2044xi32>
      %slice3A_1176 = vector.extract_strided_slice %select_n3A_1161 {offsets = [0, 0], sizes = [8, 4], strides = [1, 1]} : vector<8x2048xi32> to vector<8x4xi32>
      %concatenate3A_1177 = tpu.concatenate %slice3A_1175, %slice3A_1176 in 1 : vector<8x2044xi32>, vector<8x4xi32> -> vector<8x2048xi32>
      %slice3A_1178 = vector.extract_strided_slice %select_n3A_1161 {offsets = [0, 2044], sizes = [8, 4], strides = [1, 1]} : vector<8x2048xi32> to vector<8x4xi32>
      %slice3A_1179 = vector.extract_strided_slice %select_n3A_1161 {offsets = [0, 0], sizes = [8, 2044], strides = [1, 1]} : vector<8x2048xi32> to vector<8x2044xi32>
      %concatenate3A_1180 = tpu.concatenate %slice3A_1178, %slice3A_1179 in 1 : vector<8x4xi32>, vector<8x2044xi32> -> vector<8x2048xi32>
      %select_n3A_1181 = arith.select %eq3A_1167, %concatenate3A_1177, %concatenate3A_1180 : vector<8x2048xi1>, vector<8x2048xi32>
      %gt3A_1182 = arith.cmpf ogt, %select_n3A_1160, %select_n3A_1174 : vector<8x2048xf32>
      %eq3A_1183 = arith.cmpf oeq, %select_n3A_1160, %select_n3A_1174 : vector<8x2048xf32>
      %lt3A_1184 = arith.cmpi slt, %select_n3A_1161, %select_n3A_1181 : vector<8x2048xi32>
      %and3A_1185 = arith.andi %eq3A_1183, %lt3A_1184 : vector<8x2048xi1>
      %or3A_1186 = arith.ori %gt3A_1182, %and3A_1185 : vector<8x2048xi1>
      %eq3A_1187 = arith.xori %eq3A_1167, %eq3A_996 : vector<8x2048xi1>
      %eq3A_1188 = arith.constant dense<true> : vector<8x2048xi1>
      %eq3A_1189 = arith.xori %eq3A_1187, %eq3A_1188 : vector<8x2048xi1>
      %eq3A_1190 = arith.xori %or3A_1186, %eq3A_1189 : vector<8x2048xi1>
      %eq3A_1191 = arith.constant dense<true> : vector<8x2048xi1>
      %eq3A_1192 = arith.xori %eq3A_1190, %eq3A_1191 : vector<8x2048xi1>
      %select_n3A_1193 = arith.select %eq3A_1192, %select_n3A_1160, %select_n3A_1174 : vector<8x2048xi1>, vector<8x2048xf32>
      %select_n3A_1194 = arith.select %eq3A_1192, %select_n3A_1161, %select_n3A_1181 : vector<8x2048xi1>, vector<8x2048xi32>
      %and3A_1195 = arith.constant 2 : i32
      %and3A_1196 = vector.broadcast %and3A_1195 : i32 to vector<8x2048xi32>
      %and3A_1197 = arith.andi %iota3A, %and3A_1196 : vector<8x2048xi32>
      %eq3A_1198 = arith.constant 0 : i32
      %eq3A_1199 = vector.broadcast %eq3A_1198 : i32 to vector<8x2048xi32>
      %eq3A_1200 = arith.cmpi eq, %and3A_1197, %eq3A_1199 : vector<8x2048xi32>
      %slice3A_1201 = vector.extract_strided_slice %select_n3A_1193 {offsets = [0, 2], sizes = [8, 2046], strides = [1, 1]} : vector<8x2048xf32> to vector<8x2046xf32>
      %slice3A_1202 = vector.extract_strided_slice %select_n3A_1193 {offsets = [0, 0], sizes = [8, 2], strides = [1, 1]} : vector<8x2048xf32> to vector<8x2xf32>
      %concatenate3A_1203 = tpu.concatenate %slice3A_1201, %slice3A_1202 in 1 : vector<8x2046xf32>, vector<8x2xf32> -> vector<8x2048xf32>
      %slice3A_1204 = vector.extract_strided_slice %select_n3A_1193 {offsets = [0, 2046], sizes = [8, 2], strides = [1, 1]} : vector<8x2048xf32> to vector<8x2xf32>
      %slice3A_1205 = vector.extract_strided_slice %select_n3A_1193 {offsets = [0, 0], sizes = [8, 2046], strides = [1, 1]} : vector<8x2048xf32> to vector<8x2046xf32>
      %concatenate3A_1206 = tpu.concatenate %slice3A_1204, %slice3A_1205 in 1 : vector<8x2xf32>, vector<8x2046xf32> -> vector<8x2048xf32>
      %select_n3A_1207 = arith.select %eq3A_1200, %concatenate3A_1203, %concatenate3A_1206 : vector<8x2048xi1>, vector<8x2048xf32>
      %slice3A_1208 = vector.extract_strided_slice %select_n3A_1194 {offsets = [0, 2], sizes = [8, 2046], strides = [1, 1]} : vector<8x2048xi32> to vector<8x2046xi32>
      %slice3A_1209 = vector.extract_strided_slice %select_n3A_1194 {offsets = [0, 0], sizes = [8, 2], strides = [1, 1]} : vector<8x2048xi32> to vector<8x2xi32>
      %concatenate3A_1210 = tpu.concatenate %slice3A_1208, %slice3A_1209 in 1 : vector<8x2046xi32>, vector<8x2xi32> -> vector<8x2048xi32>
      %slice3A_1211 = vector.extract_strided_slice %select_n3A_1194 {offsets = [0, 2046], sizes = [8, 2], strides = [1, 1]} : vector<8x2048xi32> to vector<8x2xi32>
      %slice3A_1212 = vector.extract_strided_slice %select_n3A_1194 {offsets = [0, 0], sizes = [8, 2046], strides = [1, 1]} : vector<8x2048xi32> to vector<8x2046xi32>
      %concatenate3A_1213 = tpu.concatenate %slice3A_1211, %slice3A_1212 in 1 : vector<8x2xi32>, vector<8x2046xi32> -> vector<8x2048xi32>
      %select_n3A_1214 = arith.select %eq3A_1200, %concatenate3A_1210, %concatenate3A_1213 : vector<8x2048xi1>, vector<8x2048xi32>
      %gt3A_1215 = arith.cmpf ogt, %select_n3A_1193, %select_n3A_1207 : vector<8x2048xf32>
      %eq3A_1216 = arith.cmpf oeq, %select_n3A_1193, %select_n3A_1207 : vector<8x2048xf32>
      %lt3A_1217 = arith.cmpi slt, %select_n3A_1194, %select_n3A_1214 : vector<8x2048xi32>
      %and3A_1218 = arith.andi %eq3A_1216, %lt3A_1217 : vector<8x2048xi1>
      %or3A_1219 = arith.ori %gt3A_1215, %and3A_1218 : vector<8x2048xi1>
      %eq3A_1220 = arith.xori %eq3A_1200, %eq3A_996 : vector<8x2048xi1>
      %eq3A_1221 = arith.constant dense<true> : vector<8x2048xi1>
      %eq3A_1222 = arith.xori %eq3A_1220, %eq3A_1221 : vector<8x2048xi1>
      %eq3A_1223 = arith.xori %or3A_1219, %eq3A_1222 : vector<8x2048xi1>
      %eq3A_1224 = arith.constant dense<true> : vector<8x2048xi1>
      %eq3A_1225 = arith.xori %eq3A_1223, %eq3A_1224 : vector<8x2048xi1>
      %select_n3A_1226 = arith.select %eq3A_1225, %select_n3A_1193, %select_n3A_1207 : vector<8x2048xi1>, vector<8x2048xf32>
      %select_n3A_1227 = arith.select %eq3A_1225, %select_n3A_1194, %select_n3A_1214 : vector<8x2048xi1>, vector<8x2048xi32>
      %and3A_1228 = arith.constant 1 : i32
      %and3A_1229 = vector.broadcast %and3A_1228 : i32 to vector<8x2048xi32>
      %and3A_1230 = arith.andi %iota3A, %and3A_1229 : vector<8x2048xi32>
      %eq3A_1231 = arith.constant 0 : i32
      %eq3A_1232 = vector.broadcast %eq3A_1231 : i32 to vector<8x2048xi32>
      %eq3A_1233 = arith.cmpi eq, %and3A_1230, %eq3A_1232 : vector<8x2048xi32>
      %slice3A_1234 = vector.extract_strided_slice %select_n3A_1226 {offsets = [0, 1], sizes = [8, 2047], strides = [1, 1]} : vector<8x2048xf32> to vector<8x2047xf32>
      %slice3A_1235 = vector.extract_strided_slice %select_n3A_1226 {offsets = [0, 0], sizes = [8, 1], strides = [1, 1]} : vector<8x2048xf32> to vector<8x1xf32>
      %concatenate3A_1236 = tpu.concatenate %slice3A_1234, %slice3A_1235 in 1 : vector<8x2047xf32>, vector<8x1xf32> -> vector<8x2048xf32>
      %slice3A_1237 = vector.extract_strided_slice %select_n3A_1226 {offsets = [0, 2047], sizes = [8, 1], strides = [1, 1]} : vector<8x2048xf32> to vector<8x1xf32>
      %slice3A_1238 = vector.extract_strided_slice %select_n3A_1226 {offsets = [0, 0], sizes = [8, 2047], strides = [1, 1]} : vector<8x2048xf32> to vector<8x2047xf32>
      %concatenate3A_1239 = tpu.concatenate %slice3A_1237, %slice3A_1238 in 1 : vector<8x1xf32>, vector<8x2047xf32> -> vector<8x2048xf32>
      %select_n3A_1240 = arith.select %eq3A_1233, %concatenate3A_1236, %concatenate3A_1239 : vector<8x2048xi1>, vector<8x2048xf32>
      %slice3A_1241 = vector.extract_strided_slice %select_n3A_1227 {offsets = [0, 1], sizes = [8, 2047], strides = [1, 1]} : vector<8x2048xi32> to vector<8x2047xi32>
      %slice3A_1242 = vector.extract_strided_slice %select_n3A_1227 {offsets = [0, 0], sizes = [8, 1], strides = [1, 1]} : vector<8x2048xi32> to vector<8x1xi32>
      %concatenate3A_1243 = tpu.concatenate %slice3A_1241, %slice3A_1242 in 1 : vector<8x2047xi32>, vector<8x1xi32> -> vector<8x2048xi32>
      %slice3A_1244 = vector.extract_strided_slice %select_n3A_1227 {offsets = [0, 2047], sizes = [8, 1], strides = [1, 1]} : vector<8x2048xi32> to vector<8x1xi32>
      %slice3A_1245 = vector.extract_strided_slice %select_n3A_1227 {offsets = [0, 0], sizes = [8, 2047], strides = [1, 1]} : vector<8x2048xi32> to vector<8x2047xi32>
      %concatenate3A_1246 = tpu.concatenate %slice3A_1244, %slice3A_1245 in 1 : vector<8x1xi32>, vector<8x2047xi32> -> vector<8x2048xi32>
      %select_n3A_1247 = arith.select %eq3A_1233, %concatenate3A_1243, %concatenate3A_1246 : vector<8x2048xi1>, vector<8x2048xi32>
      %gt3A_1248 = arith.cmpf ogt, %select_n3A_1226, %select_n3A_1240 : vector<8x2048xf32>
      %eq3A_1249 = arith.cmpf oeq, %select_n3A_1226, %select_n3A_1240 : vector<8x2048xf32>
      %lt3A_1250 = arith.cmpi slt, %select_n3A_1227, %select_n3A_1247 : vector<8x2048xi32>
      %and3A_1251 = arith.andi %eq3A_1249, %lt3A_1250 : vector<8x2048xi1>
      %or3A_1252 = arith.ori %gt3A_1248, %and3A_1251 : vector<8x2048xi1>
      %eq3A_1253 = arith.xori %eq3A_1233, %eq3A_996 : vector<8x2048xi1>
      %eq3A_1254 = arith.constant dense<true> : vector<8x2048xi1>
      %eq3A_1255 = arith.xori %eq3A_1253, %eq3A_1254 : vector<8x2048xi1>
      %eq3A_1256 = arith.xori %or3A_1252, %eq3A_1255 : vector<8x2048xi1>
      %eq3A_1257 = arith.constant dense<true> : vector<8x2048xi1>
      %eq3A_1258 = arith.xori %eq3A_1256, %eq3A_1257 : vector<8x2048xi1>
      %select_n3A_1259 = arith.select %eq3A_1258, %select_n3A_1226, %select_n3A_1240 : vector<8x2048xi1>, vector<8x2048xf32>
      %select_n3A_1260 = arith.select %eq3A_1258, %select_n3A_1227, %select_n3A_1247 : vector<8x2048xi1>, vector<8x2048xi32>
      %shift_right_arithmetic3A_1261 = arith.constant 9 : i32
      %shift_right_arithmetic3A_1262 = vector.broadcast %shift_right_arithmetic3A_1261 : i32 to vector<8x2048xi32>
      %shift_right_arithmetic3A_1263 = arith.shrsi %iota3A, %shift_right_arithmetic3A_1262 : vector<8x2048xi32>
      %and3A_1264 = arith.constant 1 : i32
      %and3A_1265 = vector.broadcast %and3A_1264 : i32 to vector<8x2048xi32>
      %and3A_1266 = arith.andi %shift_right_arithmetic3A_1263, %and3A_1265 : vector<8x2048xi32>
      %eq3A_1267 = arith.constant 0 : i32
      %eq3A_1268 = vector.broadcast %eq3A_1267 : i32 to vector<8x2048xi32>
      %eq3A_1269 = arith.cmpi eq, %and3A_1266, %eq3A_1268 : vector<8x2048xi32>
      %and3A_1270 = arith.constant 256 : i32
      %and3A_1271 = vector.broadcast %and3A_1270 : i32 to vector<8x2048xi32>
      %and3A_1272 = arith.andi %iota3A, %and3A_1271 : vector<8x2048xi32>
      %eq3A_1273 = arith.constant 0 : i32
      %eq3A_1274 = vector.broadcast %eq3A_1273 : i32 to vector<8x2048xi32>
      %eq3A_1275 = arith.cmpi eq, %and3A_1272, %eq3A_1274 : vector<8x2048xi32>
      %slice3A_1276 = vector.extract_strided_slice %select_n3A_1259 {offsets = [0, 256], sizes = [8, 1792], strides = [1, 1]} : vector<8x2048xf32> to vector<8x1792xf32>
      %slice3A_1277 = vector.extract_strided_slice %select_n3A_1259 {offsets = [0, 0], sizes = [8, 256], strides = [1, 1]} : vector<8x2048xf32> to vector<8x256xf32>
      %concatenate3A_1278 = tpu.concatenate %slice3A_1276, %slice3A_1277 in 1 : vector<8x1792xf32>, vector<8x256xf32> -> vector<8x2048xf32>
      %slice3A_1279 = vector.extract_strided_slice %select_n3A_1259 {offsets = [0, 1792], sizes = [8, 256], strides = [1, 1]} : vector<8x2048xf32> to vector<8x256xf32>
      %slice3A_1280 = vector.extract_strided_slice %select_n3A_1259 {offsets = [0, 0], sizes = [8, 1792], strides = [1, 1]} : vector<8x2048xf32> to vector<8x1792xf32>
      %concatenate3A_1281 = tpu.concatenate %slice3A_1279, %slice3A_1280 in 1 : vector<8x256xf32>, vector<8x1792xf32> -> vector<8x2048xf32>
      %select_n3A_1282 = arith.select %eq3A_1275, %concatenate3A_1278, %concatenate3A_1281 : vector<8x2048xi1>, vector<8x2048xf32>
      %slice3A_1283 = vector.extract_strided_slice %select_n3A_1260 {offsets = [0, 256], sizes = [8, 1792], strides = [1, 1]} : vector<8x2048xi32> to vector<8x1792xi32>
      %slice3A_1284 = vector.extract_strided_slice %select_n3A_1260 {offsets = [0, 0], sizes = [8, 256], strides = [1, 1]} : vector<8x2048xi32> to vector<8x256xi32>
      %concatenate3A_1285 = tpu.concatenate %slice3A_1283, %slice3A_1284 in 1 : vector<8x1792xi32>, vector<8x256xi32> -> vector<8x2048xi32>
      %slice3A_1286 = vector.extract_strided_slice %select_n3A_1260 {offsets = [0, 1792], sizes = [8, 256], strides = [1, 1]} : vector<8x2048xi32> to vector<8x256xi32>
      %slice3A_1287 = vector.extract_strided_slice %select_n3A_1260 {offsets = [0, 0], sizes = [8, 1792], strides = [1, 1]} : vector<8x2048xi32> to vector<8x1792xi32>
      %concatenate3A_1288 = tpu.concatenate %slice3A_1286, %slice3A_1287 in 1 : vector<8x256xi32>, vector<8x1792xi32> -> vector<8x2048xi32>
      %select_n3A_1289 = arith.select %eq3A_1275, %concatenate3A_1285, %concatenate3A_1288 : vector<8x2048xi1>, vector<8x2048xi32>
      %gt3A_1290 = arith.cmpf ogt, %select_n3A_1259, %select_n3A_1282 : vector<8x2048xf32>
      %eq3A_1291 = arith.cmpf oeq, %select_n3A_1259, %select_n3A_1282 : vector<8x2048xf32>
      %lt3A_1292 = arith.cmpi slt, %select_n3A_1260, %select_n3A_1289 : vector<8x2048xi32>
      %and3A_1293 = arith.andi %eq3A_1291, %lt3A_1292 : vector<8x2048xi1>
      %or3A_1294 = arith.ori %gt3A_1290, %and3A_1293 : vector<8x2048xi1>
      %eq3A_1295 = arith.xori %eq3A_1275, %eq3A_1269 : vector<8x2048xi1>
      %eq3A_1296 = arith.constant dense<true> : vector<8x2048xi1>
      %eq3A_1297 = arith.xori %eq3A_1295, %eq3A_1296 : vector<8x2048xi1>
      %eq3A_1298 = arith.xori %or3A_1294, %eq3A_1297 : vector<8x2048xi1>
      %eq3A_1299 = arith.constant dense<true> : vector<8x2048xi1>
      %eq3A_1300 = arith.xori %eq3A_1298, %eq3A_1299 : vector<8x2048xi1>
      %select_n3A_1301 = arith.select %eq3A_1300, %select_n3A_1259, %select_n3A_1282 : vector<8x2048xi1>, vector<8x2048xf32>
      %select_n3A_1302 = arith.select %eq3A_1300, %select_n3A_1260, %select_n3A_1289 : vector<8x2048xi1>, vector<8x2048xi32>
      %and3A_1303 = arith.constant 128 : i32
      %and3A_1304 = vector.broadcast %and3A_1303 : i32 to vector<8x2048xi32>
      %and3A_1305 = arith.andi %iota3A, %and3A_1304 : vector<8x2048xi32>
      %eq3A_1306 = arith.constant 0 : i32
      %eq3A_1307 = vector.broadcast %eq3A_1306 : i32 to vector<8x2048xi32>
      %eq3A_1308 = arith.cmpi eq, %and3A_1305, %eq3A_1307 : vector<8x2048xi32>
      %slice3A_1309 = vector.extract_strided_slice %select_n3A_1301 {offsets = [0, 128], sizes = [8, 1920], strides = [1, 1]} : vector<8x2048xf32> to vector<8x1920xf32>
      %slice3A_1310 = vector.extract_strided_slice %select_n3A_1301 {offsets = [0, 0], sizes = [8, 128], strides = [1, 1]} : vector<8x2048xf32> to vector<8x128xf32>
      %concatenate3A_1311 = tpu.concatenate %slice3A_1309, %slice3A_1310 in 1 : vector<8x1920xf32>, vector<8x128xf32> -> vector<8x2048xf32>
      %slice3A_1312 = vector.extract_strided_slice %select_n3A_1301 {offsets = [0, 1920], sizes = [8, 128], strides = [1, 1]} : vector<8x2048xf32> to vector<8x128xf32>
      %slice3A_1313 = vector.extract_strided_slice %select_n3A_1301 {offsets = [0, 0], sizes = [8, 1920], strides = [1, 1]} : vector<8x2048xf32> to vector<8x1920xf32>
      %concatenate3A_1314 = tpu.concatenate %slice3A_1312, %slice3A_1313 in 1 : vector<8x128xf32>, vector<8x1920xf32> -> vector<8x2048xf32>
      %select_n3A_1315 = arith.select %eq3A_1308, %concatenate3A_1311, %concatenate3A_1314 : vector<8x2048xi1>, vector<8x2048xf32>
      %slice3A_1316 = vector.extract_strided_slice %select_n3A_1302 {offsets = [0, 128], sizes = [8, 1920], strides = [1, 1]} : vector<8x2048xi32> to vector<8x1920xi32>
      %slice3A_1317 = vector.extract_strided_slice %select_n3A_1302 {offsets = [0, 0], sizes = [8, 128], strides = [1, 1]} : vector<8x2048xi32> to vector<8x128xi32>
      %concatenate3A_1318 = tpu.concatenate %slice3A_1316, %slice3A_1317 in 1 : vector<8x1920xi32>, vector<8x128xi32> -> vector<8x2048xi32>
      %slice3A_1319 = vector.extract_strided_slice %select_n3A_1302 {offsets = [0, 1920], sizes = [8, 128], strides = [1, 1]} : vector<8x2048xi32> to vector<8x128xi32>
      %slice3A_1320 = vector.extract_strided_slice %select_n3A_1302 {offsets = [0, 0], sizes = [8, 1920], strides = [1, 1]} : vector<8x2048xi32> to vector<8x1920xi32>
      %concatenate3A_1321 = tpu.concatenate %slice3A_1319, %slice3A_1320 in 1 : vector<8x128xi32>, vector<8x1920xi32> -> vector<8x2048xi32>
      %select_n3A_1322 = arith.select %eq3A_1308, %concatenate3A_1318, %concatenate3A_1321 : vector<8x2048xi1>, vector<8x2048xi32>
      %gt3A_1323 = arith.cmpf ogt, %select_n3A_1301, %select_n3A_1315 : vector<8x2048xf32>
      %eq3A_1324 = arith.cmpf oeq, %select_n3A_1301, %select_n3A_1315 : vector<8x2048xf32>
      %lt3A_1325 = arith.cmpi slt, %select_n3A_1302, %select_n3A_1322 : vector<8x2048xi32>
      %and3A_1326 = arith.andi %eq3A_1324, %lt3A_1325 : vector<8x2048xi1>
      %or3A_1327 = arith.ori %gt3A_1323, %and3A_1326 : vector<8x2048xi1>
      %eq3A_1328 = arith.xori %eq3A_1308, %eq3A_1269 : vector<8x2048xi1>
      %eq3A_1329 = arith.constant dense<true> : vector<8x2048xi1>
      %eq3A_1330 = arith.xori %eq3A_1328, %eq3A_1329 : vector<8x2048xi1>
      %eq3A_1331 = arith.xori %or3A_1327, %eq3A_1330 : vector<8x2048xi1>
      %eq3A_1332 = arith.constant dense<true> : vector<8x2048xi1>
      %eq3A_1333 = arith.xori %eq3A_1331, %eq3A_1332 : vector<8x2048xi1>
      %select_n3A_1334 = arith.select %eq3A_1333, %select_n3A_1301, %select_n3A_1315 : vector<8x2048xi1>, vector<8x2048xf32>
      %select_n3A_1335 = arith.select %eq3A_1333, %select_n3A_1302, %select_n3A_1322 : vector<8x2048xi1>, vector<8x2048xi32>
      %and3A_1336 = arith.constant 64 : i32
      %and3A_1337 = vector.broadcast %and3A_1336 : i32 to vector<8x2048xi32>
      %and3A_1338 = arith.andi %iota3A, %and3A_1337 : vector<8x2048xi32>
      %eq3A_1339 = arith.constant 0 : i32
      %eq3A_1340 = vector.broadcast %eq3A_1339 : i32 to vector<8x2048xi32>
      %eq3A_1341 = arith.cmpi eq, %and3A_1338, %eq3A_1340 : vector<8x2048xi32>
      %slice3A_1342 = vector.extract_strided_slice %select_n3A_1334 {offsets = [0, 64], sizes = [8, 1984], strides = [1, 1]} : vector<8x2048xf32> to vector<8x1984xf32>
      %slice3A_1343 = vector.extract_strided_slice %select_n3A_1334 {offsets = [0, 0], sizes = [8, 64], strides = [1, 1]} : vector<8x2048xf32> to vector<8x64xf32>
      %concatenate3A_1344 = tpu.concatenate %slice3A_1342, %slice3A_1343 in 1 : vector<8x1984xf32>, vector<8x64xf32> -> vector<8x2048xf32>
      %slice3A_1345 = vector.extract_strided_slice %select_n3A_1334 {offsets = [0, 1984], sizes = [8, 64], strides = [1, 1]} : vector<8x2048xf32> to vector<8x64xf32>
      %slice3A_1346 = vector.extract_strided_slice %select_n3A_1334 {offsets = [0, 0], sizes = [8, 1984], strides = [1, 1]} : vector<8x2048xf32> to vector<8x1984xf32>
      %concatenate3A_1347 = tpu.concatenate %slice3A_1345, %slice3A_1346 in 1 : vector<8x64xf32>, vector<8x1984xf32> -> vector<8x2048xf32>
      %select_n3A_1348 = arith.select %eq3A_1341, %concatenate3A_1344, %concatenate3A_1347 : vector<8x2048xi1>, vector<8x2048xf32>
      %slice3A_1349 = vector.extract_strided_slice %select_n3A_1335 {offsets = [0, 64], sizes = [8, 1984], strides = [1, 1]} : vector<8x2048xi32> to vector<8x1984xi32>
      %slice3A_1350 = vector.extract_strided_slice %select_n3A_1335 {offsets = [0, 0], sizes = [8, 64], strides = [1, 1]} : vector<8x2048xi32> to vector<8x64xi32>
      %concatenate3A_1351 = tpu.concatenate %slice3A_1349, %slice3A_1350 in 1 : vector<8x1984xi32>, vector<8x64xi32> -> vector<8x2048xi32>
      %slice3A_1352 = vector.extract_strided_slice %select_n3A_1335 {offsets = [0, 1984], sizes = [8, 64], strides = [1, 1]} : vector<8x2048xi32> to vector<8x64xi32>
      %slice3A_1353 = vector.extract_strided_slice %select_n3A_1335 {offsets = [0, 0], sizes = [8, 1984], strides = [1, 1]} : vector<8x2048xi32> to vector<8x1984xi32>
      %concatenate3A_1354 = tpu.concatenate %slice3A_1352, %slice3A_1353 in 1 : vector<8x64xi32>, vector<8x1984xi32> -> vector<8x2048xi32>
      %select_n3A_1355 = arith.select %eq3A_1341, %concatenate3A_1351, %concatenate3A_1354 : vector<8x2048xi1>, vector<8x2048xi32>
      %gt3A_1356 = arith.cmpf ogt, %select_n3A_1334, %select_n3A_1348 : vector<8x2048xf32>
      %eq3A_1357 = arith.cmpf oeq, %select_n3A_1334, %select_n3A_1348 : vector<8x2048xf32>
      %lt3A_1358 = arith.cmpi slt, %select_n3A_1335, %select_n3A_1355 : vector<8x2048xi32>
      %and3A_1359 = arith.andi %eq3A_1357, %lt3A_1358 : vector<8x2048xi1>
      %or3A_1360 = arith.ori %gt3A_1356, %and3A_1359 : vector<8x2048xi1>
      %eq3A_1361 = arith.xori %eq3A_1341, %eq3A_1269 : vector<8x2048xi1>
      %eq3A_1362 = arith.constant dense<true> : vector<8x2048xi1>
      %eq3A_1363 = arith.xori %eq3A_1361, %eq3A_1362 : vector<8x2048xi1>
      %eq3A_1364 = arith.xori %or3A_1360, %eq3A_1363 : vector<8x2048xi1>
      %eq3A_1365 = arith.constant dense<true> : vector<8x2048xi1>
      %eq3A_1366 = arith.xori %eq3A_1364, %eq3A_1365 : vector<8x2048xi1>
      %select_n3A_1367 = arith.select %eq3A_1366, %select_n3A_1334, %select_n3A_1348 : vector<8x2048xi1>, vector<8x2048xf32>
      %select_n3A_1368 = arith.select %eq3A_1366, %select_n3A_1335, %select_n3A_1355 : vector<8x2048xi1>, vector<8x2048xi32>
      %and3A_1369 = arith.constant 32 : i32
      %and3A_1370 = vector.broadcast %and3A_1369 : i32 to vector<8x2048xi32>
      %and3A_1371 = arith.andi %iota3A, %and3A_1370 : vector<8x2048xi32>
      %eq3A_1372 = arith.constant 0 : i32
      %eq3A_1373 = vector.broadcast %eq3A_1372 : i32 to vector<8x2048xi32>
      %eq3A_1374 = arith.cmpi eq, %and3A_1371, %eq3A_1373 : vector<8x2048xi32>
      %slice3A_1375 = vector.extract_strided_slice %select_n3A_1367 {offsets = [0, 32], sizes = [8, 2016], strides = [1, 1]} : vector<8x2048xf32> to vector<8x2016xf32>
      %slice3A_1376 = vector.extract_strided_slice %select_n3A_1367 {offsets = [0, 0], sizes = [8, 32], strides = [1, 1]} : vector<8x2048xf32> to vector<8x32xf32>
      %concatenate3A_1377 = tpu.concatenate %slice3A_1375, %slice3A_1376 in 1 : vector<8x2016xf32>, vector<8x32xf32> -> vector<8x2048xf32>
      %slice3A_1378 = vector.extract_strided_slice %select_n3A_1367 {offsets = [0, 2016], sizes = [8, 32], strides = [1, 1]} : vector<8x2048xf32> to vector<8x32xf32>
      %slice3A_1379 = vector.extract_strided_slice %select_n3A_1367 {offsets = [0, 0], sizes = [8, 2016], strides = [1, 1]} : vector<8x2048xf32> to vector<8x2016xf32>
      %concatenate3A_1380 = tpu.concatenate %slice3A_1378, %slice3A_1379 in 1 : vector<8x32xf32>, vector<8x2016xf32> -> vector<8x2048xf32>
      %select_n3A_1381 = arith.select %eq3A_1374, %concatenate3A_1377, %concatenate3A_1380 : vector<8x2048xi1>, vector<8x2048xf32>
      %slice3A_1382 = vector.extract_strided_slice %select_n3A_1368 {offsets = [0, 32], sizes = [8, 2016], strides = [1, 1]} : vector<8x2048xi32> to vector<8x2016xi32>
      %slice3A_1383 = vector.extract_strided_slice %select_n3A_1368 {offsets = [0, 0], sizes = [8, 32], strides = [1, 1]} : vector<8x2048xi32> to vector<8x32xi32>
      %concatenate3A_1384 = tpu.concatenate %slice3A_1382, %slice3A_1383 in 1 : vector<8x2016xi32>, vector<8x32xi32> -> vector<8x2048xi32>
      %slice3A_1385 = vector.extract_strided_slice %select_n3A_1368 {offsets = [0, 2016], sizes = [8, 32], strides = [1, 1]} : vector<8x2048xi32> to vector<8x32xi32>
      %slice3A_1386 = vector.extract_strided_slice %select_n3A_1368 {offsets = [0, 0], sizes = [8, 2016], strides = [1, 1]} : vector<8x2048xi32> to vector<8x2016xi32>
      %concatenate3A_1387 = tpu.concatenate %slice3A_1385, %slice3A_1386 in 1 : vector<8x32xi32>, vector<8x2016xi32> -> vector<8x2048xi32>
      %select_n3A_1388 = arith.select %eq3A_1374, %concatenate3A_1384, %concatenate3A_1387 : vector<8x2048xi1>, vector<8x2048xi32>
      %gt3A_1389 = arith.cmpf ogt, %select_n3A_1367, %select_n3A_1381 : vector<8x2048xf32>
      %eq3A_1390 = arith.cmpf oeq, %select_n3A_1367, %select_n3A_1381 : vector<8x2048xf32>
      %lt3A_1391 = arith.cmpi slt, %select_n3A_1368, %select_n3A_1388 : vector<8x2048xi32>
      %and3A_1392 = arith.andi %eq3A_1390, %lt3A_1391 : vector<8x2048xi1>
      %or3A_1393 = arith.ori %gt3A_1389, %and3A_1392 : vector<8x2048xi1>
      %eq3A_1394 = arith.xori %eq3A_1374, %eq3A_1269 : vector<8x2048xi1>
      %eq3A_1395 = arith.constant dense<true> : vector<8x2048xi1>
      %eq3A_1396 = arith.xori %eq3A_1394, %eq3A_1395 : vector<8x2048xi1>
      %eq3A_1397 = arith.xori %or3A_1393, %eq3A_1396 : vector<8x2048xi1>
      %eq3A_1398 = arith.constant dense<true> : vector<8x2048xi1>
      %eq3A_1399 = arith.xori %eq3A_1397, %eq3A_1398 : vector<8x2048xi1>
      %select_n3A_1400 = arith.select %eq3A_1399, %select_n3A_1367, %select_n3A_1381 : vector<8x2048xi1>, vector<8x2048xf32>
      %select_n3A_1401 = arith.select %eq3A_1399, %select_n3A_1368, %select_n3A_1388 : vector<8x2048xi1>, vector<8x2048xi32>
      %and3A_1402 = arith.constant 16 : i32
      %and3A_1403 = vector.broadcast %and3A_1402 : i32 to vector<8x2048xi32>
      %and3A_1404 = arith.andi %iota3A, %and3A_1403 : vector<8x2048xi32>
      %eq3A_1405 = arith.constant 0 : i32
      %eq3A_1406 = vector.broadcast %eq3A_1405 : i32 to vector<8x2048xi32>
      %eq3A_1407 = arith.cmpi eq, %and3A_1404, %eq3A_1406 : vector<8x2048xi32>
      %slice3A_1408 = vector.extract_strided_slice %select_n3A_1400 {offsets = [0, 16], sizes = [8, 2032], strides = [1, 1]} : vector<8x2048xf32> to vector<8x2032xf32>
      %slice3A_1409 = vector.extract_strided_slice %select_n3A_1400 {offsets = [0, 0], sizes = [8, 16], strides = [1, 1]} : vector<8x2048xf32> to vector<8x16xf32>
      %concatenate3A_1410 = tpu.concatenate %slice3A_1408, %slice3A_1409 in 1 : vector<8x2032xf32>, vector<8x16xf32> -> vector<8x2048xf32>
      %slice3A_1411 = vector.extract_strided_slice %select_n3A_1400 {offsets = [0, 2032], sizes = [8, 16], strides = [1, 1]} : vector<8x2048xf32> to vector<8x16xf32>
      %slice3A_1412 = vector.extract_strided_slice %select_n3A_1400 {offsets = [0, 0], sizes = [8, 2032], strides = [1, 1]} : vector<8x2048xf32> to vector<8x2032xf32>
      %concatenate3A_1413 = tpu.concatenate %slice3A_1411, %slice3A_1412 in 1 : vector<8x16xf32>, vector<8x2032xf32> -> vector<8x2048xf32>
      %select_n3A_1414 = arith.select %eq3A_1407, %concatenate3A_1410, %concatenate3A_1413 : vector<8x2048xi1>, vector<8x2048xf32>
      %slice3A_1415 = vector.extract_strided_slice %select_n3A_1401 {offsets = [0, 16], sizes = [8, 2032], strides = [1, 1]} : vector<8x2048xi32> to vector<8x2032xi32>
      %slice3A_1416 = vector.extract_strided_slice %select_n3A_1401 {offsets = [0, 0], sizes = [8, 16], strides = [1, 1]} : vector<8x2048xi32> to vector<8x16xi32>
      %concatenate3A_1417 = tpu.concatenate %slice3A_1415, %slice3A_1416 in 1 : vector<8x2032xi32>, vector<8x16xi32> -> vector<8x2048xi32>
      %slice3A_1418 = vector.extract_strided_slice %select_n3A_1401 {offsets = [0, 2032], sizes = [8, 16], strides = [1, 1]} : vector<8x2048xi32> to vector<8x16xi32>
      %slice3A_1419 = vector.extract_strided_slice %select_n3A_1401 {offsets = [0, 0], sizes = [8, 2032], strides = [1, 1]} : vector<8x2048xi32> to vector<8x2032xi32>
      %concatenate3A_1420 = tpu.concatenate %slice3A_1418, %slice3A_1419 in 1 : vector<8x16xi32>, vector<8x2032xi32> -> vector<8x2048xi32>
      %select_n3A_1421 = arith.select %eq3A_1407, %concatenate3A_1417, %concatenate3A_1420 : vector<8x2048xi1>, vector<8x2048xi32>
      %gt3A_1422 = arith.cmpf ogt, %select_n3A_1400, %select_n3A_1414 : vector<8x2048xf32>
      %eq3A_1423 = arith.cmpf oeq, %select_n3A_1400, %select_n3A_1414 : vector<8x2048xf32>
      %lt3A_1424 = arith.cmpi slt, %select_n3A_1401, %select_n3A_1421 : vector<8x2048xi32>
      %and3A_1425 = arith.andi %eq3A_1423, %lt3A_1424 : vector<8x2048xi1>
      %or3A_1426 = arith.ori %gt3A_1422, %and3A_1425 : vector<8x2048xi1>
      %eq3A_1427 = arith.xori %eq3A_1407, %eq3A_1269 : vector<8x2048xi1>
      %eq3A_1428 = arith.constant dense<true> : vector<8x2048xi1>
      %eq3A_1429 = arith.xori %eq3A_1427, %eq3A_1428 : vector<8x2048xi1>
      %eq3A_1430 = arith.xori %or3A_1426, %eq3A_1429 : vector<8x2048xi1>
      %eq3A_1431 = arith.constant dense<true> : vector<8x2048xi1>
      %eq3A_1432 = arith.xori %eq3A_1430, %eq3A_1431 : vector<8x2048xi1>
      %select_n3A_1433 = arith.select %eq3A_1432, %select_n3A_1400, %select_n3A_1414 : vector<8x2048xi1>, vector<8x2048xf32>
      %select_n3A_1434 = arith.select %eq3A_1432, %select_n3A_1401, %select_n3A_1421 : vector<8x2048xi1>, vector<8x2048xi32>
      %and3A_1435 = arith.constant 8 : i32
      %and3A_1436 = vector.broadcast %and3A_1435 : i32 to vector<8x2048xi32>
      %and3A_1437 = arith.andi %iota3A, %and3A_1436 : vector<8x2048xi32>
      %eq3A_1438 = arith.constant 0 : i32
      %eq3A_1439 = vector.broadcast %eq3A_1438 : i32 to vector<8x2048xi32>
      %eq3A_1440 = arith.cmpi eq, %and3A_1437, %eq3A_1439 : vector<8x2048xi32>
      %slice3A_1441 = vector.extract_strided_slice %select_n3A_1433 {offsets = [0, 8], sizes = [8, 2040], strides = [1, 1]} : vector<8x2048xf32> to vector<8x2040xf32>
      %slice3A_1442 = vector.extract_strided_slice %select_n3A_1433 {offsets = [0, 0], sizes = [8, 8], strides = [1, 1]} : vector<8x2048xf32> to vector<8x8xf32>
      %concatenate3A_1443 = tpu.concatenate %slice3A_1441, %slice3A_1442 in 1 : vector<8x2040xf32>, vector<8x8xf32> -> vector<8x2048xf32>
      %slice3A_1444 = vector.extract_strided_slice %select_n3A_1433 {offsets = [0, 2040], sizes = [8, 8], strides = [1, 1]} : vector<8x2048xf32> to vector<8x8xf32>
      %slice3A_1445 = vector.extract_strided_slice %select_n3A_1433 {offsets = [0, 0], sizes = [8, 2040], strides = [1, 1]} : vector<8x2048xf32> to vector<8x2040xf32>
      %concatenate3A_1446 = tpu.concatenate %slice3A_1444, %slice3A_1445 in 1 : vector<8x8xf32>, vector<8x2040xf32> -> vector<8x2048xf32>
      %select_n3A_1447 = arith.select %eq3A_1440, %concatenate3A_1443, %concatenate3A_1446 : vector<8x2048xi1>, vector<8x2048xf32>
      %slice3A_1448 = vector.extract_strided_slice %select_n3A_1434 {offsets = [0, 8], sizes = [8, 2040], strides = [1, 1]} : vector<8x2048xi32> to vector<8x2040xi32>
      %slice3A_1449 = vector.extract_strided_slice %select_n3A_1434 {offsets = [0, 0], sizes = [8, 8], strides = [1, 1]} : vector<8x2048xi32> to vector<8x8xi32>
      %concatenate3A_1450 = tpu.concatenate %slice3A_1448, %slice3A_1449 in 1 : vector<8x2040xi32>, vector<8x8xi32> -> vector<8x2048xi32>
      %slice3A_1451 = vector.extract_strided_slice %select_n3A_1434 {offsets = [0, 2040], sizes = [8, 8], strides = [1, 1]} : vector<8x2048xi32> to vector<8x8xi32>
      %slice3A_1452 = vector.extract_strided_slice %select_n3A_1434 {offsets = [0, 0], sizes = [8, 2040], strides = [1, 1]} : vector<8x2048xi32> to vector<8x2040xi32>
      %concatenate3A_1453 = tpu.concatenate %slice3A_1451, %slice3A_1452 in 1 : vector<8x8xi32>, vector<8x2040xi32> -> vector<8x2048xi32>
      %select_n3A_1454 = arith.select %eq3A_1440, %concatenate3A_1450, %concatenate3A_1453 : vector<8x2048xi1>, vector<8x2048xi32>
      %gt3A_1455 = arith.cmpf ogt, %select_n3A_1433, %select_n3A_1447 : vector<8x2048xf32>
      %eq3A_1456 = arith.cmpf oeq, %select_n3A_1433, %select_n3A_1447 : vector<8x2048xf32>
      %lt3A_1457 = arith.cmpi slt, %select_n3A_1434, %select_n3A_1454 : vector<8x2048xi32>
      %and3A_1458 = arith.andi %eq3A_1456, %lt3A_1457 : vector<8x2048xi1>
      %or3A_1459 = arith.ori %gt3A_1455, %and3A_1458 : vector<8x2048xi1>
      %eq3A_1460 = arith.xori %eq3A_1440, %eq3A_1269 : vector<8x2048xi1>
      %eq3A_1461 = arith.constant dense<true> : vector<8x2048xi1>
      %eq3A_1462 = arith.xori %eq3A_1460, %eq3A_1461 : vector<8x2048xi1>
      %eq3A_1463 = arith.xori %or3A_1459, %eq3A_1462 : vector<8x2048xi1>
      %eq3A_1464 = arith.constant dense<true> : vector<8x2048xi1>
      %eq3A_1465 = arith.xori %eq3A_1463, %eq3A_1464 : vector<8x2048xi1>
      %select_n3A_1466 = arith.select %eq3A_1465, %select_n3A_1433, %select_n3A_1447 : vector<8x2048xi1>, vector<8x2048xf32>
      %select_n3A_1467 = arith.select %eq3A_1465, %select_n3A_1434, %select_n3A_1454 : vector<8x2048xi1>, vector<8x2048xi32>
      %and3A_1468 = arith.constant 4 : i32
      %and3A_1469 = vector.broadcast %and3A_1468 : i32 to vector<8x2048xi32>
      %and3A_1470 = arith.andi %iota3A, %and3A_1469 : vector<8x2048xi32>
      %eq3A_1471 = arith.constant 0 : i32
      %eq3A_1472 = vector.broadcast %eq3A_1471 : i32 to vector<8x2048xi32>
      %eq3A_1473 = arith.cmpi eq, %and3A_1470, %eq3A_1472 : vector<8x2048xi32>
      %slice3A_1474 = vector.extract_strided_slice %select_n3A_1466 {offsets = [0, 4], sizes = [8, 2044], strides = [1, 1]} : vector<8x2048xf32> to vector<8x2044xf32>
      %slice3A_1475 = vector.extract_strided_slice %select_n3A_1466 {offsets = [0, 0], sizes = [8, 4], strides = [1, 1]} : vector<8x2048xf32> to vector<8x4xf32>
      %concatenate3A_1476 = tpu.concatenate %slice3A_1474, %slice3A_1475 in 1 : vector<8x2044xf32>, vector<8x4xf32> -> vector<8x2048xf32>
      %slice3A_1477 = vector.extract_strided_slice %select_n3A_1466 {offsets = [0, 2044], sizes = [8, 4], strides = [1, 1]} : vector<8x2048xf32> to vector<8x4xf32>
      %slice3A_1478 = vector.extract_strided_slice %select_n3A_1466 {offsets = [0, 0], sizes = [8, 2044], strides = [1, 1]} : vector<8x2048xf32> to vector<8x2044xf32>
      %concatenate3A_1479 = tpu.concatenate %slice3A_1477, %slice3A_1478 in 1 : vector<8x4xf32>, vector<8x2044xf32> -> vector<8x2048xf32>
      %select_n3A_1480 = arith.select %eq3A_1473, %concatenate3A_1476, %concatenate3A_1479 : vector<8x2048xi1>, vector<8x2048xf32>
      %slice3A_1481 = vector.extract_strided_slice %select_n3A_1467 {offsets = [0, 4], sizes = [8, 2044], strides = [1, 1]} : vector<8x2048xi32> to vector<8x2044xi32>
      %slice3A_1482 = vector.extract_strided_slice %select_n3A_1467 {offsets = [0, 0], sizes = [8, 4], strides = [1, 1]} : vector<8x2048xi32> to vector<8x4xi32>
      %concatenate3A_1483 = tpu.concatenate %slice3A_1481, %slice3A_1482 in 1 : vector<8x2044xi32>, vector<8x4xi32> -> vector<8x2048xi32>
      %slice3A_1484 = vector.extract_strided_slice %select_n3A_1467 {offsets = [0, 2044], sizes = [8, 4], strides = [1, 1]} : vector<8x2048xi32> to vector<8x4xi32>
      %slice3A_1485 = vector.extract_strided_slice %select_n3A_1467 {offsets = [0, 0], sizes = [8, 2044], strides = [1, 1]} : vector<8x2048xi32> to vector<8x2044xi32>
      %concatenate3A_1486 = tpu.concatenate %slice3A_1484, %slice3A_1485 in 1 : vector<8x4xi32>, vector<8x2044xi32> -> vector<8x2048xi32>
      %select_n3A_1487 = arith.select %eq3A_1473, %concatenate3A_1483, %concatenate3A_1486 : vector<8x2048xi1>, vector<8x2048xi32>
      %gt3A_1488 = arith.cmpf ogt, %select_n3A_1466, %select_n3A_1480 : vector<8x2048xf32>
      %eq3A_1489 = arith.cmpf oeq, %select_n3A_1466, %select_n3A_1480 : vector<8x2048xf32>
      %lt3A_1490 = arith.cmpi slt, %select_n3A_1467, %select_n3A_1487 : vector<8x2048xi32>
      %and3A_1491 = arith.andi %eq3A_1489, %lt3A_1490 : vector<8x2048xi1>
      %or3A_1492 = arith.ori %gt3A_1488, %and3A_1491 : vector<8x2048xi1>
      %eq3A_1493 = arith.xori %eq3A_1473, %eq3A_1269 : vector<8x2048xi1>
      %eq3A_1494 = arith.constant dense<true> : vector<8x2048xi1>
      %eq3A_1495 = arith.xori %eq3A_1493, %eq3A_1494 : vector<8x2048xi1>
      %eq3A_1496 = arith.xori %or3A_1492, %eq3A_1495 : vector<8x2048xi1>
      %eq3A_1497 = arith.constant dense<true> : vector<8x2048xi1>
      %eq3A_1498 = arith.xori %eq3A_1496, %eq3A_1497 : vector<8x2048xi1>
      %select_n3A_1499 = arith.select %eq3A_1498, %select_n3A_1466, %select_n3A_1480 : vector<8x2048xi1>, vector<8x2048xf32>
      %select_n3A_1500 = arith.select %eq3A_1498, %select_n3A_1467, %select_n3A_1487 : vector<8x2048xi1>, vector<8x2048xi32>
      %and3A_1501 = arith.constant 2 : i32
      %and3A_1502 = vector.broadcast %and3A_1501 : i32 to vector<8x2048xi32>
      %and3A_1503 = arith.andi %iota3A, %and3A_1502 : vector<8x2048xi32>
      %eq3A_1504 = arith.constant 0 : i32
      %eq3A_1505 = vector.broadcast %eq3A_1504 : i32 to vector<8x2048xi32>
      %eq3A_1506 = arith.cmpi eq, %and3A_1503, %eq3A_1505 : vector<8x2048xi32>
      %slice3A_1507 = vector.extract_strided_slice %select_n3A_1499 {offsets = [0, 2], sizes = [8, 2046], strides = [1, 1]} : vector<8x2048xf32> to vector<8x2046xf32>
      %slice3A_1508 = vector.extract_strided_slice %select_n3A_1499 {offsets = [0, 0], sizes = [8, 2], strides = [1, 1]} : vector<8x2048xf32> to vector<8x2xf32>
      %concatenate3A_1509 = tpu.concatenate %slice3A_1507, %slice3A_1508 in 1 : vector<8x2046xf32>, vector<8x2xf32> -> vector<8x2048xf32>
      %slice3A_1510 = vector.extract_strided_slice %select_n3A_1499 {offsets = [0, 2046], sizes = [8, 2], strides = [1, 1]} : vector<8x2048xf32> to vector<8x2xf32>
      %slice3A_1511 = vector.extract_strided_slice %select_n3A_1499 {offsets = [0, 0], sizes = [8, 2046], strides = [1, 1]} : vector<8x2048xf32> to vector<8x2046xf32>
      %concatenate3A_1512 = tpu.concatenate %slice3A_1510, %slice3A_1511 in 1 : vector<8x2xf32>, vector<8x2046xf32> -> vector<8x2048xf32>
      %select_n3A_1513 = arith.select %eq3A_1506, %concatenate3A_1509, %concatenate3A_1512 : vector<8x2048xi1>, vector<8x2048xf32>
      %slice3A_1514 = vector.extract_strided_slice %select_n3A_1500 {offsets = [0, 2], sizes = [8, 2046], strides = [1, 1]} : vector<8x2048xi32> to vector<8x2046xi32>
      %slice3A_1515 = vector.extract_strided_slice %select_n3A_1500 {offsets = [0, 0], sizes = [8, 2], strides = [1, 1]} : vector<8x2048xi32> to vector<8x2xi32>
      %concatenate3A_1516 = tpu.concatenate %slice3A_1514, %slice3A_1515 in 1 : vector<8x2046xi32>, vector<8x2xi32> -> vector<8x2048xi32>
      %slice3A_1517 = vector.extract_strided_slice %select_n3A_1500 {offsets = [0, 2046], sizes = [8, 2], strides = [1, 1]} : vector<8x2048xi32> to vector<8x2xi32>
      %slice3A_1518 = vector.extract_strided_slice %select_n3A_1500 {offsets = [0, 0], sizes = [8, 2046], strides = [1, 1]} : vector<8x2048xi32> to vector<8x2046xi32>
      %concatenate3A_1519 = tpu.concatenate %slice3A_1517, %slice3A_1518 in 1 : vector<8x2xi32>, vector<8x2046xi32> -> vector<8x2048xi32>
      %select_n3A_1520 = arith.select %eq3A_1506, %concatenate3A_1516, %concatenate3A_1519 : vector<8x2048xi1>, vector<8x2048xi32>
      %gt3A_1521 = arith.cmpf ogt, %select_n3A_1499, %select_n3A_1513 : vector<8x2048xf32>
      %eq3A_1522 = arith.cmpf oeq, %select_n3A_1499, %select_n3A_1513 : vector<8x2048xf32>
      %lt3A_1523 = arith.cmpi slt, %select_n3A_1500, %select_n3A_1520 : vector<8x2048xi32>
      %and3A_1524 = arith.andi %eq3A_1522, %lt3A_1523 : vector<8x2048xi1>
      %or3A_1525 = arith.ori %gt3A_1521, %and3A_1524 : vector<8x2048xi1>
      %eq3A_1526 = arith.xori %eq3A_1506, %eq3A_1269 : vector<8x2048xi1>
      %eq3A_1527 = arith.constant dense<true> : vector<8x2048xi1>
      %eq3A_1528 = arith.xori %eq3A_1526, %eq3A_1527 : vector<8x2048xi1>
      %eq3A_1529 = arith.xori %or3A_1525, %eq3A_1528 : vector<8x2048xi1>
      %eq3A_1530 = arith.constant dense<true> : vector<8x2048xi1>
      %eq3A_1531 = arith.xori %eq3A_1529, %eq3A_1530 : vector<8x2048xi1>
      %select_n3A_1532 = arith.select %eq3A_1531, %select_n3A_1499, %select_n3A_1513 : vector<8x2048xi1>, vector<8x2048xf32>
      %select_n3A_1533 = arith.select %eq3A_1531, %select_n3A_1500, %select_n3A_1520 : vector<8x2048xi1>, vector<8x2048xi32>
      %and3A_1534 = arith.constant 1 : i32
      %and3A_1535 = vector.broadcast %and3A_1534 : i32 to vector<8x2048xi32>
      %and3A_1536 = arith.andi %iota3A, %and3A_1535 : vector<8x2048xi32>
      %eq3A_1537 = arith.constant 0 : i32
      %eq3A_1538 = vector.broadcast %eq3A_1537 : i32 to vector<8x2048xi32>
      %eq3A_1539 = arith.cmpi eq, %and3A_1536, %eq3A_1538 : vector<8x2048xi32>
      %slice3A_1540 = vector.extract_strided_slice %select_n3A_1532 {offsets = [0, 1], sizes = [8, 2047], strides = [1, 1]} : vector<8x2048xf32> to vector<8x2047xf32>
      %slice3A_1541 = vector.extract_strided_slice %select_n3A_1532 {offsets = [0, 0], sizes = [8, 1], strides = [1, 1]} : vector<8x2048xf32> to vector<8x1xf32>
      %concatenate3A_1542 = tpu.concatenate %slice3A_1540, %slice3A_1541 in 1 : vector<8x2047xf32>, vector<8x1xf32> -> vector<8x2048xf32>
      %slice3A_1543 = vector.extract_strided_slice %select_n3A_1532 {offsets = [0, 2047], sizes = [8, 1], strides = [1, 1]} : vector<8x2048xf32> to vector<8x1xf32>
      %slice3A_1544 = vector.extract_strided_slice %select_n3A_1532 {offsets = [0, 0], sizes = [8, 2047], strides = [1, 1]} : vector<8x2048xf32> to vector<8x2047xf32>
      %concatenate3A_1545 = tpu.concatenate %slice3A_1543, %slice3A_1544 in 1 : vector<8x1xf32>, vector<8x2047xf32> -> vector<8x2048xf32>
      %select_n3A_1546 = arith.select %eq3A_1539, %concatenate3A_1542, %concatenate3A_1545 : vector<8x2048xi1>, vector<8x2048xf32>
      %slice3A_1547 = vector.extract_strided_slice %select_n3A_1533 {offsets = [0, 1], sizes = [8, 2047], strides = [1, 1]} : vector<8x2048xi32> to vector<8x2047xi32>
      %slice3A_1548 = vector.extract_strided_slice %select_n3A_1533 {offsets = [0, 0], sizes = [8, 1], strides = [1, 1]} : vector<8x2048xi32> to vector<8x1xi32>
      %concatenate3A_1549 = tpu.concatenate %slice3A_1547, %slice3A_1548 in 1 : vector<8x2047xi32>, vector<8x1xi32> -> vector<8x2048xi32>
      %slice3A_1550 = vector.extract_strided_slice %select_n3A_1533 {offsets = [0, 2047], sizes = [8, 1], strides = [1, 1]} : vector<8x2048xi32> to vector<8x1xi32>
      %slice3A_1551 = vector.extract_strided_slice %select_n3A_1533 {offsets = [0, 0], sizes = [8, 2047], strides = [1, 1]} : vector<8x2048xi32> to vector<8x2047xi32>
      %concatenate3A_1552 = tpu.concatenate %slice3A_1550, %slice3A_1551 in 1 : vector<8x1xi32>, vector<8x2047xi32> -> vector<8x2048xi32>
      %select_n3A_1553 = arith.select %eq3A_1539, %concatenate3A_1549, %concatenate3A_1552 : vector<8x2048xi1>, vector<8x2048xi32>
      %gt3A_1554 = arith.cmpf ogt, %select_n3A_1532, %select_n3A_1546 : vector<8x2048xf32>
      %eq3A_1555 = arith.cmpf oeq, %select_n3A_1532, %select_n3A_1546 : vector<8x2048xf32>
      %lt3A_1556 = arith.cmpi slt, %select_n3A_1533, %select_n3A_1553 : vector<8x2048xi32>
      %and3A_1557 = arith.andi %eq3A_1555, %lt3A_1556 : vector<8x2048xi1>
      %or3A_1558 = arith.ori %gt3A_1554, %and3A_1557 : vector<8x2048xi1>
      %eq3A_1559 = arith.xori %eq3A_1539, %eq3A_1269 : vector<8x2048xi1>
      %eq3A_1560 = arith.constant dense<true> : vector<8x2048xi1>
      %eq3A_1561 = arith.xori %eq3A_1559, %eq3A_1560 : vector<8x2048xi1>
      %eq3A_1562 = arith.xori %or3A_1558, %eq3A_1561 : vector<8x2048xi1>
      %eq3A_1563 = arith.constant dense<true> : vector<8x2048xi1>
      %eq3A_1564 = arith.xori %eq3A_1562, %eq3A_1563 : vector<8x2048xi1>
      %select_n3A_1565 = arith.select %eq3A_1564, %select_n3A_1532, %select_n3A_1546 : vector<8x2048xi1>, vector<8x2048xf32>
      %select_n3A_1566 = arith.select %eq3A_1564, %select_n3A_1533, %select_n3A_1553 : vector<8x2048xi1>, vector<8x2048xi32>
      %shift_right_arithmetic3A_1567 = arith.constant 10 : i32
      %shift_right_arithmetic3A_1568 = vector.broadcast %shift_right_arithmetic3A_1567 : i32 to vector<8x2048xi32>
      %shift_right_arithmetic3A_1569 = arith.shrsi %iota3A, %shift_right_arithmetic3A_1568 : vector<8x2048xi32>
      %and3A_1570 = arith.constant 1 : i32
      %and3A_1571 = vector.broadcast %and3A_1570 : i32 to vector<8x2048xi32>
      %and3A_1572 = arith.andi %shift_right_arithmetic3A_1569, %and3A_1571 : vector<8x2048xi32>
      %eq3A_1573 = arith.constant 0 : i32
      %eq3A_1574 = vector.broadcast %eq3A_1573 : i32 to vector<8x2048xi32>
      %eq3A_1575 = arith.cmpi eq, %and3A_1572, %eq3A_1574 : vector<8x2048xi32>
      %and3A_1576 = arith.constant 512 : i32
      %and3A_1577 = vector.broadcast %and3A_1576 : i32 to vector<8x2048xi32>
      %and3A_1578 = arith.andi %iota3A, %and3A_1577 : vector<8x2048xi32>
      %eq3A_1579 = arith.constant 0 : i32
      %eq3A_1580 = vector.broadcast %eq3A_1579 : i32 to vector<8x2048xi32>
      %eq3A_1581 = arith.cmpi eq, %and3A_1578, %eq3A_1580 : vector<8x2048xi32>
      %slice3A_1582 = vector.extract_strided_slice %select_n3A_1565 {offsets = [0, 512], sizes = [8, 1536], strides = [1, 1]} : vector<8x2048xf32> to vector<8x1536xf32>
      %slice3A_1583 = vector.extract_strided_slice %select_n3A_1565 {offsets = [0, 0], sizes = [8, 512], strides = [1, 1]} : vector<8x2048xf32> to vector<8x512xf32>
      %concatenate3A_1584 = tpu.concatenate %slice3A_1582, %slice3A_1583 in 1 : vector<8x1536xf32>, vector<8x512xf32> -> vector<8x2048xf32>
      %slice3A_1585 = vector.extract_strided_slice %select_n3A_1565 {offsets = [0, 1536], sizes = [8, 512], strides = [1, 1]} : vector<8x2048xf32> to vector<8x512xf32>
      %slice3A_1586 = vector.extract_strided_slice %select_n3A_1565 {offsets = [0, 0], sizes = [8, 1536], strides = [1, 1]} : vector<8x2048xf32> to vector<8x1536xf32>
      %concatenate3A_1587 = tpu.concatenate %slice3A_1585, %slice3A_1586 in 1 : vector<8x512xf32>, vector<8x1536xf32> -> vector<8x2048xf32>
      %select_n3A_1588 = arith.select %eq3A_1581, %concatenate3A_1584, %concatenate3A_1587 : vector<8x2048xi1>, vector<8x2048xf32>
      %slice3A_1589 = vector.extract_strided_slice %select_n3A_1566 {offsets = [0, 512], sizes = [8, 1536], strides = [1, 1]} : vector<8x2048xi32> to vector<8x1536xi32>
      %slice3A_1590 = vector.extract_strided_slice %select_n3A_1566 {offsets = [0, 0], sizes = [8, 512], strides = [1, 1]} : vector<8x2048xi32> to vector<8x512xi32>
      %concatenate3A_1591 = tpu.concatenate %slice3A_1589, %slice3A_1590 in 1 : vector<8x1536xi32>, vector<8x512xi32> -> vector<8x2048xi32>
      %slice3A_1592 = vector.extract_strided_slice %select_n3A_1566 {offsets = [0, 1536], sizes = [8, 512], strides = [1, 1]} : vector<8x2048xi32> to vector<8x512xi32>
      %slice3A_1593 = vector.extract_strided_slice %select_n3A_1566 {offsets = [0, 0], sizes = [8, 1536], strides = [1, 1]} : vector<8x2048xi32> to vector<8x1536xi32>
      %concatenate3A_1594 = tpu.concatenate %slice3A_1592, %slice3A_1593 in 1 : vector<8x512xi32>, vector<8x1536xi32> -> vector<8x2048xi32>
      %select_n3A_1595 = arith.select %eq3A_1581, %concatenate3A_1591, %concatenate3A_1594 : vector<8x2048xi1>, vector<8x2048xi32>
      %gt3A_1596 = arith.cmpf ogt, %select_n3A_1565, %select_n3A_1588 : vector<8x2048xf32>
      %eq3A_1597 = arith.cmpf oeq, %select_n3A_1565, %select_n3A_1588 : vector<8x2048xf32>
      %lt3A_1598 = arith.cmpi slt, %select_n3A_1566, %select_n3A_1595 : vector<8x2048xi32>
      %and3A_1599 = arith.andi %eq3A_1597, %lt3A_1598 : vector<8x2048xi1>
      %or3A_1600 = arith.ori %gt3A_1596, %and3A_1599 : vector<8x2048xi1>
      %eq3A_1601 = arith.xori %eq3A_1581, %eq3A_1575 : vector<8x2048xi1>
      %eq3A_1602 = arith.constant dense<true> : vector<8x2048xi1>
      %eq3A_1603 = arith.xori %eq3A_1601, %eq3A_1602 : vector<8x2048xi1>
      %eq3A_1604 = arith.xori %or3A_1600, %eq3A_1603 : vector<8x2048xi1>
      %eq3A_1605 = arith.constant dense<true> : vector<8x2048xi1>
      %eq3A_1606 = arith.xori %eq3A_1604, %eq3A_1605 : vector<8x2048xi1>
      %select_n3A_1607 = arith.select %eq3A_1606, %select_n3A_1565, %select_n3A_1588 : vector<8x2048xi1>, vector<8x2048xf32>
      %select_n3A_1608 = arith.select %eq3A_1606, %select_n3A_1566, %select_n3A_1595 : vector<8x2048xi1>, vector<8x2048xi32>
      %and3A_1609 = arith.constant 256 : i32
      %and3A_1610 = vector.broadcast %and3A_1609 : i32 to vector<8x2048xi32>
      %and3A_1611 = arith.andi %iota3A, %and3A_1610 : vector<8x2048xi32>
      %eq3A_1612 = arith.constant 0 : i32
      %eq3A_1613 = vector.broadcast %eq3A_1612 : i32 to vector<8x2048xi32>
      %eq3A_1614 = arith.cmpi eq, %and3A_1611, %eq3A_1613 : vector<8x2048xi32>
      %slice3A_1615 = vector.extract_strided_slice %select_n3A_1607 {offsets = [0, 256], sizes = [8, 1792], strides = [1, 1]} : vector<8x2048xf32> to vector<8x1792xf32>
      %slice3A_1616 = vector.extract_strided_slice %select_n3A_1607 {offsets = [0, 0], sizes = [8, 256], strides = [1, 1]} : vector<8x2048xf32> to vector<8x256xf32>
      %concatenate3A_1617 = tpu.concatenate %slice3A_1615, %slice3A_1616 in 1 : vector<8x1792xf32>, vector<8x256xf32> -> vector<8x2048xf32>
      %slice3A_1618 = vector.extract_strided_slice %select_n3A_1607 {offsets = [0, 1792], sizes = [8, 256], strides = [1, 1]} : vector<8x2048xf32> to vector<8x256xf32>
      %slice3A_1619 = vector.extract_strided_slice %select_n3A_1607 {offsets = [0, 0], sizes = [8, 1792], strides = [1, 1]} : vector<8x2048xf32> to vector<8x1792xf32>
      %concatenate3A_1620 = tpu.concatenate %slice3A_1618, %slice3A_1619 in 1 : vector<8x256xf32>, vector<8x1792xf32> -> vector<8x2048xf32>
      %select_n3A_1621 = arith.select %eq3A_1614, %concatenate3A_1617, %concatenate3A_1620 : vector<8x2048xi1>, vector<8x2048xf32>
      %slice3A_1622 = vector.extract_strided_slice %select_n3A_1608 {offsets = [0, 256], sizes = [8, 1792], strides = [1, 1]} : vector<8x2048xi32> to vector<8x1792xi32>
      %slice3A_1623 = vector.extract_strided_slice %select_n3A_1608 {offsets = [0, 0], sizes = [8, 256], strides = [1, 1]} : vector<8x2048xi32> to vector<8x256xi32>
      %concatenate3A_1624 = tpu.concatenate %slice3A_1622, %slice3A_1623 in 1 : vector<8x1792xi32>, vector<8x256xi32> -> vector<8x2048xi32>
      %slice3A_1625 = vector.extract_strided_slice %select_n3A_1608 {offsets = [0, 1792], sizes = [8, 256], strides = [1, 1]} : vector<8x2048xi32> to vector<8x256xi32>
      %slice3A_1626 = vector.extract_strided_slice %select_n3A_1608 {offsets = [0, 0], sizes = [8, 1792], strides = [1, 1]} : vector<8x2048xi32> to vector<8x1792xi32>
      %concatenate3A_1627 = tpu.concatenate %slice3A_1625, %slice3A_1626 in 1 : vector<8x256xi32>, vector<8x1792xi32> -> vector<8x2048xi32>
      %select_n3A_1628 = arith.select %eq3A_1614, %concatenate3A_1624, %concatenate3A_1627 : vector<8x2048xi1>, vector<8x2048xi32>
      %gt3A_1629 = arith.cmpf ogt, %select_n3A_1607, %select_n3A_1621 : vector<8x2048xf32>
      %eq3A_1630 = arith.cmpf oeq, %select_n3A_1607, %select_n3A_1621 : vector<8x2048xf32>
      %lt3A_1631 = arith.cmpi slt, %select_n3A_1608, %select_n3A_1628 : vector<8x2048xi32>
      %and3A_1632 = arith.andi %eq3A_1630, %lt3A_1631 : vector<8x2048xi1>
      %or3A_1633 = arith.ori %gt3A_1629, %and3A_1632 : vector<8x2048xi1>
      %eq3A_1634 = arith.xori %eq3A_1614, %eq3A_1575 : vector<8x2048xi1>
      %eq3A_1635 = arith.constant dense<true> : vector<8x2048xi1>
      %eq3A_1636 = arith.xori %eq3A_1634, %eq3A_1635 : vector<8x2048xi1>
      %eq3A_1637 = arith.xori %or3A_1633, %eq3A_1636 : vector<8x2048xi1>
      %eq3A_1638 = arith.constant dense<true> : vector<8x2048xi1>
      %eq3A_1639 = arith.xori %eq3A_1637, %eq3A_1638 : vector<8x2048xi1>
      %select_n3A_1640 = arith.select %eq3A_1639, %select_n3A_1607, %select_n3A_1621 : vector<8x2048xi1>, vector<8x2048xf32>
      %select_n3A_1641 = arith.select %eq3A_1639, %select_n3A_1608, %select_n3A_1628 : vector<8x2048xi1>, vector<8x2048xi32>
      %and3A_1642 = arith.constant 128 : i32
      %and3A_1643 = vector.broadcast %and3A_1642 : i32 to vector<8x2048xi32>
      %and3A_1644 = arith.andi %iota3A, %and3A_1643 : vector<8x2048xi32>
      %eq3A_1645 = arith.constant 0 : i32
      %eq3A_1646 = vector.broadcast %eq3A_1645 : i32 to vector<8x2048xi32>
      %eq3A_1647 = arith.cmpi eq, %and3A_1644, %eq3A_1646 : vector<8x2048xi32>
      %slice3A_1648 = vector.extract_strided_slice %select_n3A_1640 {offsets = [0, 128], sizes = [8, 1920], strides = [1, 1]} : vector<8x2048xf32> to vector<8x1920xf32>
      %slice3A_1649 = vector.extract_strided_slice %select_n3A_1640 {offsets = [0, 0], sizes = [8, 128], strides = [1, 1]} : vector<8x2048xf32> to vector<8x128xf32>
      %concatenate3A_1650 = tpu.concatenate %slice3A_1648, %slice3A_1649 in 1 : vector<8x1920xf32>, vector<8x128xf32> -> vector<8x2048xf32>
      %slice3A_1651 = vector.extract_strided_slice %select_n3A_1640 {offsets = [0, 1920], sizes = [8, 128], strides = [1, 1]} : vector<8x2048xf32> to vector<8x128xf32>
      %slice3A_1652 = vector.extract_strided_slice %select_n3A_1640 {offsets = [0, 0], sizes = [8, 1920], strides = [1, 1]} : vector<8x2048xf32> to vector<8x1920xf32>
      %concatenate3A_1653 = tpu.concatenate %slice3A_1651, %slice3A_1652 in 1 : vector<8x128xf32>, vector<8x1920xf32> -> vector<8x2048xf32>
      %select_n3A_1654 = arith.select %eq3A_1647, %concatenate3A_1650, %concatenate3A_1653 : vector<8x2048xi1>, vector<8x2048xf32>
      %slice3A_1655 = vector.extract_strided_slice %select_n3A_1641 {offsets = [0, 128], sizes = [8, 1920], strides = [1, 1]} : vector<8x2048xi32> to vector<8x1920xi32>
      %slice3A_1656 = vector.extract_strided_slice %select_n3A_1641 {offsets = [0, 0], sizes = [8, 128], strides = [1, 1]} : vector<8x2048xi32> to vector<8x128xi32>
      %concatenate3A_1657 = tpu.concatenate %slice3A_1655, %slice3A_1656 in 1 : vector<8x1920xi32>, vector<8x128xi32> -> vector<8x2048xi32>
      %slice3A_1658 = vector.extract_strided_slice %select_n3A_1641 {offsets = [0, 1920], sizes = [8, 128], strides = [1, 1]} : vector<8x2048xi32> to vector<8x128xi32>
      %slice3A_1659 = vector.extract_strided_slice %select_n3A_1641 {offsets = [0, 0], sizes = [8, 1920], strides = [1, 1]} : vector<8x2048xi32> to vector<8x1920xi32>
      %concatenate3A_1660 = tpu.concatenate %slice3A_1658, %slice3A_1659 in 1 : vector<8x128xi32>, vector<8x1920xi32> -> vector<8x2048xi32>
      %select_n3A_1661 = arith.select %eq3A_1647, %concatenate3A_1657, %concatenate3A_1660 : vector<8x2048xi1>, vector<8x2048xi32>
      %gt3A_1662 = arith.cmpf ogt, %select_n3A_1640, %select_n3A_1654 : vector<8x2048xf32>
      %eq3A_1663 = arith.cmpf oeq, %select_n3A_1640, %select_n3A_1654 : vector<8x2048xf32>
      %lt3A_1664 = arith.cmpi slt, %select_n3A_1641, %select_n3A_1661 : vector<8x2048xi32>
      %and3A_1665 = arith.andi %eq3A_1663, %lt3A_1664 : vector<8x2048xi1>
      %or3A_1666 = arith.ori %gt3A_1662, %and3A_1665 : vector<8x2048xi1>
      %eq3A_1667 = arith.xori %eq3A_1647, %eq3A_1575 : vector<8x2048xi1>
      %eq3A_1668 = arith.constant dense<true> : vector<8x2048xi1>
      %eq3A_1669 = arith.xori %eq3A_1667, %eq3A_1668 : vector<8x2048xi1>
      %eq3A_1670 = arith.xori %or3A_1666, %eq3A_1669 : vector<8x2048xi1>
      %eq3A_1671 = arith.constant dense<true> : vector<8x2048xi1>
      %eq3A_1672 = arith.xori %eq3A_1670, %eq3A_1671 : vector<8x2048xi1>
      %select_n3A_1673 = arith.select %eq3A_1672, %select_n3A_1640, %select_n3A_1654 : vector<8x2048xi1>, vector<8x2048xf32>
      %select_n3A_1674 = arith.select %eq3A_1672, %select_n3A_1641, %select_n3A_1661 : vector<8x2048xi1>, vector<8x2048xi32>
      %and3A_1675 = arith.constant 64 : i32
      %and3A_1676 = vector.broadcast %and3A_1675 : i32 to vector<8x2048xi32>
      %and3A_1677 = arith.andi %iota3A, %and3A_1676 : vector<8x2048xi32>
      %eq3A_1678 = arith.constant 0 : i32
      %eq3A_1679 = vector.broadcast %eq3A_1678 : i32 to vector<8x2048xi32>
      %eq3A_1680 = arith.cmpi eq, %and3A_1677, %eq3A_1679 : vector<8x2048xi32>
      %slice3A_1681 = vector.extract_strided_slice %select_n3A_1673 {offsets = [0, 64], sizes = [8, 1984], strides = [1, 1]} : vector<8x2048xf32> to vector<8x1984xf32>
      %slice3A_1682 = vector.extract_strided_slice %select_n3A_1673 {offsets = [0, 0], sizes = [8, 64], strides = [1, 1]} : vector<8x2048xf32> to vector<8x64xf32>
      %concatenate3A_1683 = tpu.concatenate %slice3A_1681, %slice3A_1682 in 1 : vector<8x1984xf32>, vector<8x64xf32> -> vector<8x2048xf32>
      %slice3A_1684 = vector.extract_strided_slice %select_n3A_1673 {offsets = [0, 1984], sizes = [8, 64], strides = [1, 1]} : vector<8x2048xf32> to vector<8x64xf32>
      %slice3A_1685 = vector.extract_strided_slice %select_n3A_1673 {offsets = [0, 0], sizes = [8, 1984], strides = [1, 1]} : vector<8x2048xf32> to vector<8x1984xf32>
      %concatenate3A_1686 = tpu.concatenate %slice3A_1684, %slice3A_1685 in 1 : vector<8x64xf32>, vector<8x1984xf32> -> vector<8x2048xf32>
      %select_n3A_1687 = arith.select %eq3A_1680, %concatenate3A_1683, %concatenate3A_1686 : vector<8x2048xi1>, vector<8x2048xf32>
      %slice3A_1688 = vector.extract_strided_slice %select_n3A_1674 {offsets = [0, 64], sizes = [8, 1984], strides = [1, 1]} : vector<8x2048xi32> to vector<8x1984xi32>
      %slice3A_1689 = vector.extract_strided_slice %select_n3A_1674 {offsets = [0, 0], sizes = [8, 64], strides = [1, 1]} : vector<8x2048xi32> to vector<8x64xi32>
      %concatenate3A_1690 = tpu.concatenate %slice3A_1688, %slice3A_1689 in 1 : vector<8x1984xi32>, vector<8x64xi32> -> vector<8x2048xi32>
      %slice3A_1691 = vector.extract_strided_slice %select_n3A_1674 {offsets = [0, 1984], sizes = [8, 64], strides = [1, 1]} : vector<8x2048xi32> to vector<8x64xi32>
      %slice3A_1692 = vector.extract_strided_slice %select_n3A_1674 {offsets = [0, 0], sizes = [8, 1984], strides = [1, 1]} : vector<8x2048xi32> to vector<8x1984xi32>
      %concatenate3A_1693 = tpu.concatenate %slice3A_1691, %slice3A_1692 in 1 : vector<8x64xi32>, vector<8x1984xi32> -> vector<8x2048xi32>
      %select_n3A_1694 = arith.select %eq3A_1680, %concatenate3A_1690, %concatenate3A_1693 : vector<8x2048xi1>, vector<8x2048xi32>
      %gt3A_1695 = arith.cmpf ogt, %select_n3A_1673, %select_n3A_1687 : vector<8x2048xf32>
      %eq3A_1696 = arith.cmpf oeq, %select_n3A_1673, %select_n3A_1687 : vector<8x2048xf32>
      %lt3A_1697 = arith.cmpi slt, %select_n3A_1674, %select_n3A_1694 : vector<8x2048xi32>
      %and3A_1698 = arith.andi %eq3A_1696, %lt3A_1697 : vector<8x2048xi1>
      %or3A_1699 = arith.ori %gt3A_1695, %and3A_1698 : vector<8x2048xi1>
      %eq3A_1700 = arith.xori %eq3A_1680, %eq3A_1575 : vector<8x2048xi1>
      %eq3A_1701 = arith.constant dense<true> : vector<8x2048xi1>
      %eq3A_1702 = arith.xori %eq3A_1700, %eq3A_1701 : vector<8x2048xi1>
      %eq3A_1703 = arith.xori %or3A_1699, %eq3A_1702 : vector<8x2048xi1>
      %eq3A_1704 = arith.constant dense<true> : vector<8x2048xi1>
      %eq3A_1705 = arith.xori %eq3A_1703, %eq3A_1704 : vector<8x2048xi1>
      %select_n3A_1706 = arith.select %eq3A_1705, %select_n3A_1673, %select_n3A_1687 : vector<8x2048xi1>, vector<8x2048xf32>
      %select_n3A_1707 = arith.select %eq3A_1705, %select_n3A_1674, %select_n3A_1694 : vector<8x2048xi1>, vector<8x2048xi32>
      %and3A_1708 = arith.constant 32 : i32
      %and3A_1709 = vector.broadcast %and3A_1708 : i32 to vector<8x2048xi32>
      %and3A_1710 = arith.andi %iota3A, %and3A_1709 : vector<8x2048xi32>
      %eq3A_1711 = arith.constant 0 : i32
      %eq3A_1712 = vector.broadcast %eq3A_1711 : i32 to vector<8x2048xi32>
      %eq3A_1713 = arith.cmpi eq, %and3A_1710, %eq3A_1712 : vector<8x2048xi32>
      %slice3A_1714 = vector.extract_strided_slice %select_n3A_1706 {offsets = [0, 32], sizes = [8, 2016], strides = [1, 1]} : vector<8x2048xf32> to vector<8x2016xf32>
      %slice3A_1715 = vector.extract_strided_slice %select_n3A_1706 {offsets = [0, 0], sizes = [8, 32], strides = [1, 1]} : vector<8x2048xf32> to vector<8x32xf32>
      %concatenate3A_1716 = tpu.concatenate %slice3A_1714, %slice3A_1715 in 1 : vector<8x2016xf32>, vector<8x32xf32> -> vector<8x2048xf32>
      %slice3A_1717 = vector.extract_strided_slice %select_n3A_1706 {offsets = [0, 2016], sizes = [8, 32], strides = [1, 1]} : vector<8x2048xf32> to vector<8x32xf32>
      %slice3A_1718 = vector.extract_strided_slice %select_n3A_1706 {offsets = [0, 0], sizes = [8, 2016], strides = [1, 1]} : vector<8x2048xf32> to vector<8x2016xf32>
      %concatenate3A_1719 = tpu.concatenate %slice3A_1717, %slice3A_1718 in 1 : vector<8x32xf32>, vector<8x2016xf32> -> vector<8x2048xf32>
      %select_n3A_1720 = arith.select %eq3A_1713, %concatenate3A_1716, %concatenate3A_1719 : vector<8x2048xi1>, vector<8x2048xf32>
      %slice3A_1721 = vector.extract_strided_slice %select_n3A_1707 {offsets = [0, 32], sizes = [8, 2016], strides = [1, 1]} : vector<8x2048xi32> to vector<8x2016xi32>
      %slice3A_1722 = vector.extract_strided_slice %select_n3A_1707 {offsets = [0, 0], sizes = [8, 32], strides = [1, 1]} : vector<8x2048xi32> to vector<8x32xi32>
      %concatenate3A_1723 = tpu.concatenate %slice3A_1721, %slice3A_1722 in 1 : vector<8x2016xi32>, vector<8x32xi32> -> vector<8x2048xi32>
      %slice3A_1724 = vector.extract_strided_slice %select_n3A_1707 {offsets = [0, 2016], sizes = [8, 32], strides = [1, 1]} : vector<8x2048xi32> to vector<8x32xi32>
      %slice3A_1725 = vector.extract_strided_slice %select_n3A_1707 {offsets = [0, 0], sizes = [8, 2016], strides = [1, 1]} : vector<8x2048xi32> to vector<8x2016xi32>
      %concatenate3A_1726 = tpu.concatenate %slice3A_1724, %slice3A_1725 in 1 : vector<8x32xi32>, vector<8x2016xi32> -> vector<8x2048xi32>
      %select_n3A_1727 = arith.select %eq3A_1713, %concatenate3A_1723, %concatenate3A_1726 : vector<8x2048xi1>, vector<8x2048xi32>
      %gt3A_1728 = arith.cmpf ogt, %select_n3A_1706, %select_n3A_1720 : vector<8x2048xf32>
      %eq3A_1729 = arith.cmpf oeq, %select_n3A_1706, %select_n3A_1720 : vector<8x2048xf32>
      %lt3A_1730 = arith.cmpi slt, %select_n3A_1707, %select_n3A_1727 : vector<8x2048xi32>
      %and3A_1731 = arith.andi %eq3A_1729, %lt3A_1730 : vector<8x2048xi1>
      %or3A_1732 = arith.ori %gt3A_1728, %and3A_1731 : vector<8x2048xi1>
      %eq3A_1733 = arith.xori %eq3A_1713, %eq3A_1575 : vector<8x2048xi1>
      %eq3A_1734 = arith.constant dense<true> : vector<8x2048xi1>
      %eq3A_1735 = arith.xori %eq3A_1733, %eq3A_1734 : vector<8x2048xi1>
      %eq3A_1736 = arith.xori %or3A_1732, %eq3A_1735 : vector<8x2048xi1>
      %eq3A_1737 = arith.constant dense<true> : vector<8x2048xi1>
      %eq3A_1738 = arith.xori %eq3A_1736, %eq3A_1737 : vector<8x2048xi1>
      %select_n3A_1739 = arith.select %eq3A_1738, %select_n3A_1706, %select_n3A_1720 : vector<8x2048xi1>, vector<8x2048xf32>
      %select_n3A_1740 = arith.select %eq3A_1738, %select_n3A_1707, %select_n3A_1727 : vector<8x2048xi1>, vector<8x2048xi32>
      %and3A_1741 = arith.constant 16 : i32
      %and3A_1742 = vector.broadcast %and3A_1741 : i32 to vector<8x2048xi32>
      %and3A_1743 = arith.andi %iota3A, %and3A_1742 : vector<8x2048xi32>
      %eq3A_1744 = arith.constant 0 : i32
      %eq3A_1745 = vector.broadcast %eq3A_1744 : i32 to vector<8x2048xi32>
      %eq3A_1746 = arith.cmpi eq, %and3A_1743, %eq3A_1745 : vector<8x2048xi32>
      %slice3A_1747 = vector.extract_strided_slice %select_n3A_1739 {offsets = [0, 16], sizes = [8, 2032], strides = [1, 1]} : vector<8x2048xf32> to vector<8x2032xf32>
      %slice3A_1748 = vector.extract_strided_slice %select_n3A_1739 {offsets = [0, 0], sizes = [8, 16], strides = [1, 1]} : vector<8x2048xf32> to vector<8x16xf32>
      %concatenate3A_1749 = tpu.concatenate %slice3A_1747, %slice3A_1748 in 1 : vector<8x2032xf32>, vector<8x16xf32> -> vector<8x2048xf32>
      %slice3A_1750 = vector.extract_strided_slice %select_n3A_1739 {offsets = [0, 2032], sizes = [8, 16], strides = [1, 1]} : vector<8x2048xf32> to vector<8x16xf32>
      %slice3A_1751 = vector.extract_strided_slice %select_n3A_1739 {offsets = [0, 0], sizes = [8, 2032], strides = [1, 1]} : vector<8x2048xf32> to vector<8x2032xf32>
      %concatenate3A_1752 = tpu.concatenate %slice3A_1750, %slice3A_1751 in 1 : vector<8x16xf32>, vector<8x2032xf32> -> vector<8x2048xf32>
      %select_n3A_1753 = arith.select %eq3A_1746, %concatenate3A_1749, %concatenate3A_1752 : vector<8x2048xi1>, vector<8x2048xf32>
      %slice3A_1754 = vector.extract_strided_slice %select_n3A_1740 {offsets = [0, 16], sizes = [8, 2032], strides = [1, 1]} : vector<8x2048xi32> to vector<8x2032xi32>
      %slice3A_1755 = vector.extract_strided_slice %select_n3A_1740 {offsets = [0, 0], sizes = [8, 16], strides = [1, 1]} : vector<8x2048xi32> to vector<8x16xi32>
      %concatenate3A_1756 = tpu.concatenate %slice3A_1754, %slice3A_1755 in 1 : vector<8x2032xi32>, vector<8x16xi32> -> vector<8x2048xi32>
      %slice3A_1757 = vector.extract_strided_slice %select_n3A_1740 {offsets = [0, 2032], sizes = [8, 16], strides = [1, 1]} : vector<8x2048xi32> to vector<8x16xi32>
      %slice3A_1758 = vector.extract_strided_slice %select_n3A_1740 {offsets = [0, 0], sizes = [8, 2032], strides = [1, 1]} : vector<8x2048xi32> to vector<8x2032xi32>
      %concatenate3A_1759 = tpu.concatenate %slice3A_1757, %slice3A_1758 in 1 : vector<8x16xi32>, vector<8x2032xi32> -> vector<8x2048xi32>
      %select_n3A_1760 = arith.select %eq3A_1746, %concatenate3A_1756, %concatenate3A_1759 : vector<8x2048xi1>, vector<8x2048xi32>
      %gt3A_1761 = arith.cmpf ogt, %select_n3A_1739, %select_n3A_1753 : vector<8x2048xf32>
      %eq3A_1762 = arith.cmpf oeq, %select_n3A_1739, %select_n3A_1753 : vector<8x2048xf32>
      %lt3A_1763 = arith.cmpi slt, %select_n3A_1740, %select_n3A_1760 : vector<8x2048xi32>
      %and3A_1764 = arith.andi %eq3A_1762, %lt3A_1763 : vector<8x2048xi1>
      %or3A_1765 = arith.ori %gt3A_1761, %and3A_1764 : vector<8x2048xi1>
      %eq3A_1766 = arith.xori %eq3A_1746, %eq3A_1575 : vector<8x2048xi1>
      %eq3A_1767 = arith.constant dense<true> : vector<8x2048xi1>
      %eq3A_1768 = arith.xori %eq3A_1766, %eq3A_1767 : vector<8x2048xi1>
      %eq3A_1769 = arith.xori %or3A_1765, %eq3A_1768 : vector<8x2048xi1>
      %eq3A_1770 = arith.constant dense<true> : vector<8x2048xi1>
      %eq3A_1771 = arith.xori %eq3A_1769, %eq3A_1770 : vector<8x2048xi1>
      %select_n3A_1772 = arith.select %eq3A_1771, %select_n3A_1739, %select_n3A_1753 : vector<8x2048xi1>, vector<8x2048xf32>
      %select_n3A_1773 = arith.select %eq3A_1771, %select_n3A_1740, %select_n3A_1760 : vector<8x2048xi1>, vector<8x2048xi32>
      %and3A_1774 = arith.constant 8 : i32
      %and3A_1775 = vector.broadcast %and3A_1774 : i32 to vector<8x2048xi32>
      %and3A_1776 = arith.andi %iota3A, %and3A_1775 : vector<8x2048xi32>
      %eq3A_1777 = arith.constant 0 : i32
      %eq3A_1778 = vector.broadcast %eq3A_1777 : i32 to vector<8x2048xi32>
      %eq3A_1779 = arith.cmpi eq, %and3A_1776, %eq3A_1778 : vector<8x2048xi32>
      %slice3A_1780 = vector.extract_strided_slice %select_n3A_1772 {offsets = [0, 8], sizes = [8, 2040], strides = [1, 1]} : vector<8x2048xf32> to vector<8x2040xf32>
      %slice3A_1781 = vector.extract_strided_slice %select_n3A_1772 {offsets = [0, 0], sizes = [8, 8], strides = [1, 1]} : vector<8x2048xf32> to vector<8x8xf32>
      %concatenate3A_1782 = tpu.concatenate %slice3A_1780, %slice3A_1781 in 1 : vector<8x2040xf32>, vector<8x8xf32> -> vector<8x2048xf32>
      %slice3A_1783 = vector.extract_strided_slice %select_n3A_1772 {offsets = [0, 2040], sizes = [8, 8], strides = [1, 1]} : vector<8x2048xf32> to vector<8x8xf32>
      %slice3A_1784 = vector.extract_strided_slice %select_n3A_1772 {offsets = [0, 0], sizes = [8, 2040], strides = [1, 1]} : vector<8x2048xf32> to vector<8x2040xf32>
      %concatenate3A_1785 = tpu.concatenate %slice3A_1783, %slice3A_1784 in 1 : vector<8x8xf32>, vector<8x2040xf32> -> vector<8x2048xf32>
      %select_n3A_1786 = arith.select %eq3A_1779, %concatenate3A_1782, %concatenate3A_1785 : vector<8x2048xi1>, vector<8x2048xf32>
      %slice3A_1787 = vector.extract_strided_slice %select_n3A_1773 {offsets = [0, 8], sizes = [8, 2040], strides = [1, 1]} : vector<8x2048xi32> to vector<8x2040xi32>
      %slice3A_1788 = vector.extract_strided_slice %select_n3A_1773 {offsets = [0, 0], sizes = [8, 8], strides = [1, 1]} : vector<8x2048xi32> to vector<8x8xi32>
      %concatenate3A_1789 = tpu.concatenate %slice3A_1787, %slice3A_1788 in 1 : vector<8x2040xi32>, vector<8x8xi32> -> vector<8x2048xi32>
      %slice3A_1790 = vector.extract_strided_slice %select_n3A_1773 {offsets = [0, 2040], sizes = [8, 8], strides = [1, 1]} : vector<8x2048xi32> to vector<8x8xi32>
      %slice3A_1791 = vector.extract_strided_slice %select_n3A_1773 {offsets = [0, 0], sizes = [8, 2040], strides = [1, 1]} : vector<8x2048xi32> to vector<8x2040xi32>
      %concatenate3A_1792 = tpu.concatenate %slice3A_1790, %slice3A_1791 in 1 : vector<8x8xi32>, vector<8x2040xi32> -> vector<8x2048xi32>
      %select_n3A_1793 = arith.select %eq3A_1779, %concatenate3A_1789, %concatenate3A_1792 : vector<8x2048xi1>, vector<8x2048xi32>
      %gt3A_1794 = arith.cmpf ogt, %select_n3A_1772, %select_n3A_1786 : vector<8x2048xf32>
      %eq3A_1795 = arith.cmpf oeq, %select_n3A_1772, %select_n3A_1786 : vector<8x2048xf32>
      %lt3A_1796 = arith.cmpi slt, %select_n3A_1773, %select_n3A_1793 : vector<8x2048xi32>
      %and3A_1797 = arith.andi %eq3A_1795, %lt3A_1796 : vector<8x2048xi1>
      %or3A_1798 = arith.ori %gt3A_1794, %and3A_1797 : vector<8x2048xi1>
      %eq3A_1799 = arith.xori %eq3A_1779, %eq3A_1575 : vector<8x2048xi1>
      %eq3A_1800 = arith.constant dense<true> : vector<8x2048xi1>
      %eq3A_1801 = arith.xori %eq3A_1799, %eq3A_1800 : vector<8x2048xi1>
      %eq3A_1802 = arith.xori %or3A_1798, %eq3A_1801 : vector<8x2048xi1>
      %eq3A_1803 = arith.constant dense<true> : vector<8x2048xi1>
      %eq3A_1804 = arith.xori %eq3A_1802, %eq3A_1803 : vector<8x2048xi1>
      %select_n3A_1805 = arith.select %eq3A_1804, %select_n3A_1772, %select_n3A_1786 : vector<8x2048xi1>, vector<8x2048xf32>
      %select_n3A_1806 = arith.select %eq3A_1804, %select_n3A_1773, %select_n3A_1793 : vector<8x2048xi1>, vector<8x2048xi32>
      %and3A_1807 = arith.constant 4 : i32
      %and3A_1808 = vector.broadcast %and3A_1807 : i32 to vector<8x2048xi32>
      %and3A_1809 = arith.andi %iota3A, %and3A_1808 : vector<8x2048xi32>
      %eq3A_1810 = arith.constant 0 : i32
      %eq3A_1811 = vector.broadcast %eq3A_1810 : i32 to vector<8x2048xi32>
      %eq3A_1812 = arith.cmpi eq, %and3A_1809, %eq3A_1811 : vector<8x2048xi32>
      %slice3A_1813 = vector.extract_strided_slice %select_n3A_1805 {offsets = [0, 4], sizes = [8, 2044], strides = [1, 1]} : vector<8x2048xf32> to vector<8x2044xf32>
      %slice3A_1814 = vector.extract_strided_slice %select_n3A_1805 {offsets = [0, 0], sizes = [8, 4], strides = [1, 1]} : vector<8x2048xf32> to vector<8x4xf32>
      %concatenate3A_1815 = tpu.concatenate %slice3A_1813, %slice3A_1814 in 1 : vector<8x2044xf32>, vector<8x4xf32> -> vector<8x2048xf32>
      %slice3A_1816 = vector.extract_strided_slice %select_n3A_1805 {offsets = [0, 2044], sizes = [8, 4], strides = [1, 1]} : vector<8x2048xf32> to vector<8x4xf32>
      %slice3A_1817 = vector.extract_strided_slice %select_n3A_1805 {offsets = [0, 0], sizes = [8, 2044], strides = [1, 1]} : vector<8x2048xf32> to vector<8x2044xf32>
      %concatenate3A_1818 = tpu.concatenate %slice3A_1816, %slice3A_1817 in 1 : vector<8x4xf32>, vector<8x2044xf32> -> vector<8x2048xf32>
      %select_n3A_1819 = arith.select %eq3A_1812, %concatenate3A_1815, %concatenate3A_1818 : vector<8x2048xi1>, vector<8x2048xf32>
      %slice3A_1820 = vector.extract_strided_slice %select_n3A_1806 {offsets = [0, 4], sizes = [8, 2044], strides = [1, 1]} : vector<8x2048xi32> to vector<8x2044xi32>
      %slice3A_1821 = vector.extract_strided_slice %select_n3A_1806 {offsets = [0, 0], sizes = [8, 4], strides = [1, 1]} : vector<8x2048xi32> to vector<8x4xi32>
      %concatenate3A_1822 = tpu.concatenate %slice3A_1820, %slice3A_1821 in 1 : vector<8x2044xi32>, vector<8x4xi32> -> vector<8x2048xi32>
      %slice3A_1823 = vector.extract_strided_slice %select_n3A_1806 {offsets = [0, 2044], sizes = [8, 4], strides = [1, 1]} : vector<8x2048xi32> to vector<8x4xi32>
      %slice3A_1824 = vector.extract_strided_slice %select_n3A_1806 {offsets = [0, 0], sizes = [8, 2044], strides = [1, 1]} : vector<8x2048xi32> to vector<8x2044xi32>
      %concatenate3A_1825 = tpu.concatenate %slice3A_1823, %slice3A_1824 in 1 : vector<8x4xi32>, vector<8x2044xi32> -> vector<8x2048xi32>
      %select_n3A_1826 = arith.select %eq3A_1812, %concatenate3A_1822, %concatenate3A_1825 : vector<8x2048xi1>, vector<8x2048xi32>
      %gt3A_1827 = arith.cmpf ogt, %select_n3A_1805, %select_n3A_1819 : vector<8x2048xf32>
      %eq3A_1828 = arith.cmpf oeq, %select_n3A_1805, %select_n3A_1819 : vector<8x2048xf32>
      %lt3A_1829 = arith.cmpi slt, %select_n3A_1806, %select_n3A_1826 : vector<8x2048xi32>
      %and3A_1830 = arith.andi %eq3A_1828, %lt3A_1829 : vector<8x2048xi1>
      %or3A_1831 = arith.ori %gt3A_1827, %and3A_1830 : vector<8x2048xi1>
      %eq3A_1832 = arith.xori %eq3A_1812, %eq3A_1575 : vector<8x2048xi1>
      %eq3A_1833 = arith.constant dense<true> : vector<8x2048xi1>
      %eq3A_1834 = arith.xori %eq3A_1832, %eq3A_1833 : vector<8x2048xi1>
      %eq3A_1835 = arith.xori %or3A_1831, %eq3A_1834 : vector<8x2048xi1>
      %eq3A_1836 = arith.constant dense<true> : vector<8x2048xi1>
      %eq3A_1837 = arith.xori %eq3A_1835, %eq3A_1836 : vector<8x2048xi1>
      %select_n3A_1838 = arith.select %eq3A_1837, %select_n3A_1805, %select_n3A_1819 : vector<8x2048xi1>, vector<8x2048xf32>
      %select_n3A_1839 = arith.select %eq3A_1837, %select_n3A_1806, %select_n3A_1826 : vector<8x2048xi1>, vector<8x2048xi32>
      %and3A_1840 = arith.constant 2 : i32
      %and3A_1841 = vector.broadcast %and3A_1840 : i32 to vector<8x2048xi32>
      %and3A_1842 = arith.andi %iota3A, %and3A_1841 : vector<8x2048xi32>
      %eq3A_1843 = arith.constant 0 : i32
      %eq3A_1844 = vector.broadcast %eq3A_1843 : i32 to vector<8x2048xi32>
      %eq3A_1845 = arith.cmpi eq, %and3A_1842, %eq3A_1844 : vector<8x2048xi32>
      %slice3A_1846 = vector.extract_strided_slice %select_n3A_1838 {offsets = [0, 2], sizes = [8, 2046], strides = [1, 1]} : vector<8x2048xf32> to vector<8x2046xf32>
      %slice3A_1847 = vector.extract_strided_slice %select_n3A_1838 {offsets = [0, 0], sizes = [8, 2], strides = [1, 1]} : vector<8x2048xf32> to vector<8x2xf32>
      %concatenate3A_1848 = tpu.concatenate %slice3A_1846, %slice3A_1847 in 1 : vector<8x2046xf32>, vector<8x2xf32> -> vector<8x2048xf32>
      %slice3A_1849 = vector.extract_strided_slice %select_n3A_1838 {offsets = [0, 2046], sizes = [8, 2], strides = [1, 1]} : vector<8x2048xf32> to vector<8x2xf32>
      %slice3A_1850 = vector.extract_strided_slice %select_n3A_1838 {offsets = [0, 0], sizes = [8, 2046], strides = [1, 1]} : vector<8x2048xf32> to vector<8x2046xf32>
      %concatenate3A_1851 = tpu.concatenate %slice3A_1849, %slice3A_1850 in 1 : vector<8x2xf32>, vector<8x2046xf32> -> vector<8x2048xf32>
      %select_n3A_1852 = arith.select %eq3A_1845, %concatenate3A_1848, %concatenate3A_1851 : vector<8x2048xi1>, vector<8x2048xf32>
      %slice3A_1853 = vector.extract_strided_slice %select_n3A_1839 {offsets = [0, 2], sizes = [8, 2046], strides = [1, 1]} : vector<8x2048xi32> to vector<8x2046xi32>
      %slice3A_1854 = vector.extract_strided_slice %select_n3A_1839 {offsets = [0, 0], sizes = [8, 2], strides = [1, 1]} : vector<8x2048xi32> to vector<8x2xi32>
      %concatenate3A_1855 = tpu.concatenate %slice3A_1853, %slice3A_1854 in 1 : vector<8x2046xi32>, vector<8x2xi32> -> vector<8x2048xi32>
      %slice3A_1856 = vector.extract_strided_slice %select_n3A_1839 {offsets = [0, 2046], sizes = [8, 2], strides = [1, 1]} : vector<8x2048xi32> to vector<8x2xi32>
      %slice3A_1857 = vector.extract_strided_slice %select_n3A_1839 {offsets = [0, 0], sizes = [8, 2046], strides = [1, 1]} : vector<8x2048xi32> to vector<8x2046xi32>
      %concatenate3A_1858 = tpu.concatenate %slice3A_1856, %slice3A_1857 in 1 : vector<8x2xi32>, vector<8x2046xi32> -> vector<8x2048xi32>
      %select_n3A_1859 = arith.select %eq3A_1845, %concatenate3A_1855, %concatenate3A_1858 : vector<8x2048xi1>, vector<8x2048xi32>
      %gt3A_1860 = arith.cmpf ogt, %select_n3A_1838, %select_n3A_1852 : vector<8x2048xf32>
      %eq3A_1861 = arith.cmpf oeq, %select_n3A_1838, %select_n3A_1852 : vector<8x2048xf32>
      %lt3A_1862 = arith.cmpi slt, %select_n3A_1839, %select_n3A_1859 : vector<8x2048xi32>
      %and3A_1863 = arith.andi %eq3A_1861, %lt3A_1862 : vector<8x2048xi1>
      %or3A_1864 = arith.ori %gt3A_1860, %and3A_1863 : vector<8x2048xi1>
      %eq3A_1865 = arith.xori %eq3A_1845, %eq3A_1575 : vector<8x2048xi1>
      %eq3A_1866 = arith.constant dense<true> : vector<8x2048xi1>
      %eq3A_1867 = arith.xori %eq3A_1865, %eq3A_1866 : vector<8x2048xi1>
      %eq3A_1868 = arith.xori %or3A_1864, %eq3A_1867 : vector<8x2048xi1>
      %eq3A_1869 = arith.constant dense<true> : vector<8x2048xi1>
      %eq3A_1870 = arith.xori %eq3A_1868, %eq3A_1869 : vector<8x2048xi1>
      %select_n3A_1871 = arith.select %eq3A_1870, %select_n3A_1838, %select_n3A_1852 : vector<8x2048xi1>, vector<8x2048xf32>
      %select_n3A_1872 = arith.select %eq3A_1870, %select_n3A_1839, %select_n3A_1859 : vector<8x2048xi1>, vector<8x2048xi32>
      %and3A_1873 = arith.constant 1 : i32
      %and3A_1874 = vector.broadcast %and3A_1873 : i32 to vector<8x2048xi32>
      %and3A_1875 = arith.andi %iota3A, %and3A_1874 : vector<8x2048xi32>
      %eq3A_1876 = arith.constant 0 : i32
      %eq3A_1877 = vector.broadcast %eq3A_1876 : i32 to vector<8x2048xi32>
      %eq3A_1878 = arith.cmpi eq, %and3A_1875, %eq3A_1877 : vector<8x2048xi32>
      %slice3A_1879 = vector.extract_strided_slice %select_n3A_1871 {offsets = [0, 1], sizes = [8, 2047], strides = [1, 1]} : vector<8x2048xf32> to vector<8x2047xf32>
      %slice3A_1880 = vector.extract_strided_slice %select_n3A_1871 {offsets = [0, 0], sizes = [8, 1], strides = [1, 1]} : vector<8x2048xf32> to vector<8x1xf32>
      %concatenate3A_1881 = tpu.concatenate %slice3A_1879, %slice3A_1880 in 1 : vector<8x2047xf32>, vector<8x1xf32> -> vector<8x2048xf32>
      %slice3A_1882 = vector.extract_strided_slice %select_n3A_1871 {offsets = [0, 2047], sizes = [8, 1], strides = [1, 1]} : vector<8x2048xf32> to vector<8x1xf32>
      %slice3A_1883 = vector.extract_strided_slice %select_n3A_1871 {offsets = [0, 0], sizes = [8, 2047], strides = [1, 1]} : vector<8x2048xf32> to vector<8x2047xf32>
      %concatenate3A_1884 = tpu.concatenate %slice3A_1882, %slice3A_1883 in 1 : vector<8x1xf32>, vector<8x2047xf32> -> vector<8x2048xf32>
      %select_n3A_1885 = arith.select %eq3A_1878, %concatenate3A_1881, %concatenate3A_1884 : vector<8x2048xi1>, vector<8x2048xf32>
      %slice3A_1886 = vector.extract_strided_slice %select_n3A_1872 {offsets = [0, 1], sizes = [8, 2047], strides = [1, 1]} : vector<8x2048xi32> to vector<8x2047xi32>
      %slice3A_1887 = vector.extract_strided_slice %select_n3A_1872 {offsets = [0, 0], sizes = [8, 1], strides = [1, 1]} : vector<8x2048xi32> to vector<8x1xi32>
      %concatenate3A_1888 = tpu.concatenate %slice3A_1886, %slice3A_1887 in 1 : vector<8x2047xi32>, vector<8x1xi32> -> vector<8x2048xi32>
      %slice3A_1889 = vector.extract_strided_slice %select_n3A_1872 {offsets = [0, 2047], sizes = [8, 1], strides = [1, 1]} : vector<8x2048xi32> to vector<8x1xi32>
      %slice3A_1890 = vector.extract_strided_slice %select_n3A_1872 {offsets = [0, 0], sizes = [8, 2047], strides = [1, 1]} : vector<8x2048xi32> to vector<8x2047xi32>
      %concatenate3A_1891 = tpu.concatenate %slice3A_1889, %slice3A_1890 in 1 : vector<8x1xi32>, vector<8x2047xi32> -> vector<8x2048xi32>
      %select_n3A_1892 = arith.select %eq3A_1878, %concatenate3A_1888, %concatenate3A_1891 : vector<8x2048xi1>, vector<8x2048xi32>
      %gt3A_1893 = arith.cmpf ogt, %select_n3A_1871, %select_n3A_1885 : vector<8x2048xf32>
      %eq3A_1894 = arith.cmpf oeq, %select_n3A_1871, %select_n3A_1885 : vector<8x2048xf32>
      %lt3A_1895 = arith.cmpi slt, %select_n3A_1872, %select_n3A_1892 : vector<8x2048xi32>
      %and3A_1896 = arith.andi %eq3A_1894, %lt3A_1895 : vector<8x2048xi1>
      %or3A_1897 = arith.ori %gt3A_1893, %and3A_1896 : vector<8x2048xi1>
      %eq3A_1898 = arith.xori %eq3A_1878, %eq3A_1575 : vector<8x2048xi1>
      %eq3A_1899 = arith.constant dense<true> : vector<8x2048xi1>
      %eq3A_1900 = arith.xori %eq3A_1898, %eq3A_1899 : vector<8x2048xi1>
      %eq3A_1901 = arith.xori %or3A_1897, %eq3A_1900 : vector<8x2048xi1>
      %eq3A_1902 = arith.constant dense<true> : vector<8x2048xi1>
      %eq3A_1903 = arith.xori %eq3A_1901, %eq3A_1902 : vector<8x2048xi1>
      %select_n3A_1904 = arith.select %eq3A_1903, %select_n3A_1871, %select_n3A_1885 : vector<8x2048xi1>, vector<8x2048xf32>
      %select_n3A_1905 = arith.select %eq3A_1903, %select_n3A_1872, %select_n3A_1892 : vector<8x2048xi1>, vector<8x2048xi32>
      %shift_right_arithmetic3A_1906 = arith.constant 11 : i32
      %shift_right_arithmetic3A_1907 = vector.broadcast %shift_right_arithmetic3A_1906 : i32 to vector<8x2048xi32>
      %shift_right_arithmetic3A_1908 = arith.shrsi %iota3A, %shift_right_arithmetic3A_1907 : vector<8x2048xi32>
      %and3A_1909 = arith.constant 1 : i32
      %and3A_1910 = vector.broadcast %and3A_1909 : i32 to vector<8x2048xi32>
      %and3A_1911 = arith.andi %shift_right_arithmetic3A_1908, %and3A_1910 : vector<8x2048xi32>
      %eq3A_1912 = arith.constant 0 : i32
      %eq3A_1913 = vector.broadcast %eq3A_1912 : i32 to vector<8x2048xi32>
      %eq3A_1914 = arith.cmpi eq, %and3A_1911, %eq3A_1913 : vector<8x2048xi32>
      %and3A_1915 = arith.constant 1024 : i32
      %and3A_1916 = vector.broadcast %and3A_1915 : i32 to vector<8x2048xi32>
      %and3A_1917 = arith.andi %iota3A, %and3A_1916 : vector<8x2048xi32>
      %eq3A_1918 = arith.constant 0 : i32
      %eq3A_1919 = vector.broadcast %eq3A_1918 : i32 to vector<8x2048xi32>
      %eq3A_1920 = arith.cmpi eq, %and3A_1917, %eq3A_1919 : vector<8x2048xi32>
      %slice3A_1921 = vector.extract_strided_slice %select_n3A_1904 {offsets = [0, 1024], sizes = [8, 1024], strides = [1, 1]} : vector<8x2048xf32> to vector<8x1024xf32>
      %slice3A_1922 = vector.extract_strided_slice %select_n3A_1904 {offsets = [0, 0], sizes = [8, 1024], strides = [1, 1]} : vector<8x2048xf32> to vector<8x1024xf32>
      %concatenate3A_1923 = tpu.concatenate %slice3A_1921, %slice3A_1922 in 1 : vector<8x1024xf32>, vector<8x1024xf32> -> vector<8x2048xf32>
      %slice3A_1924 = vector.extract_strided_slice %select_n3A_1904 {offsets = [0, 1024], sizes = [8, 1024], strides = [1, 1]} : vector<8x2048xf32> to vector<8x1024xf32>
      %slice3A_1925 = vector.extract_strided_slice %select_n3A_1904 {offsets = [0, 0], sizes = [8, 1024], strides = [1, 1]} : vector<8x2048xf32> to vector<8x1024xf32>
      %concatenate3A_1926 = tpu.concatenate %slice3A_1924, %slice3A_1925 in 1 : vector<8x1024xf32>, vector<8x1024xf32> -> vector<8x2048xf32>
      %select_n3A_1927 = arith.select %eq3A_1920, %concatenate3A_1923, %concatenate3A_1926 : vector<8x2048xi1>, vector<8x2048xf32>
      %slice3A_1928 = vector.extract_strided_slice %select_n3A_1905 {offsets = [0, 1024], sizes = [8, 1024], strides = [1, 1]} : vector<8x2048xi32> to vector<8x1024xi32>
      %slice3A_1929 = vector.extract_strided_slice %select_n3A_1905 {offsets = [0, 0], sizes = [8, 1024], strides = [1, 1]} : vector<8x2048xi32> to vector<8x1024xi32>
      %concatenate3A_1930 = tpu.concatenate %slice3A_1928, %slice3A_1929 in 1 : vector<8x1024xi32>, vector<8x1024xi32> -> vector<8x2048xi32>
      %slice3A_1931 = vector.extract_strided_slice %select_n3A_1905 {offsets = [0, 1024], sizes = [8, 1024], strides = [1, 1]} : vector<8x2048xi32> to vector<8x1024xi32>
      %slice3A_1932 = vector.extract_strided_slice %select_n3A_1905 {offsets = [0, 0], sizes = [8, 1024], strides = [1, 1]} : vector<8x2048xi32> to vector<8x1024xi32>
      %concatenate3A_1933 = tpu.concatenate %slice3A_1931, %slice3A_1932 in 1 : vector<8x1024xi32>, vector<8x1024xi32> -> vector<8x2048xi32>
      %select_n3A_1934 = arith.select %eq3A_1920, %concatenate3A_1930, %concatenate3A_1933 : vector<8x2048xi1>, vector<8x2048xi32>
      %gt3A_1935 = arith.cmpf ogt, %select_n3A_1904, %select_n3A_1927 : vector<8x2048xf32>
      %eq3A_1936 = arith.cmpf oeq, %select_n3A_1904, %select_n3A_1927 : vector<8x2048xf32>
      %lt3A_1937 = arith.cmpi slt, %select_n3A_1905, %select_n3A_1934 : vector<8x2048xi32>
      %and3A_1938 = arith.andi %eq3A_1936, %lt3A_1937 : vector<8x2048xi1>
      %or3A_1939 = arith.ori %gt3A_1935, %and3A_1938 : vector<8x2048xi1>
      %eq3A_1940 = arith.xori %eq3A_1920, %eq3A_1914 : vector<8x2048xi1>
      %eq3A_1941 = arith.constant dense<true> : vector<8x2048xi1>
      %eq3A_1942 = arith.xori %eq3A_1940, %eq3A_1941 : vector<8x2048xi1>
      %eq3A_1943 = arith.xori %or3A_1939, %eq3A_1942 : vector<8x2048xi1>
      %eq3A_1944 = arith.constant dense<true> : vector<8x2048xi1>
      %eq3A_1945 = arith.xori %eq3A_1943, %eq3A_1944 : vector<8x2048xi1>
      %select_n3A_1946 = arith.select %eq3A_1945, %select_n3A_1904, %select_n3A_1927 : vector<8x2048xi1>, vector<8x2048xf32>
      %select_n3A_1947 = arith.select %eq3A_1945, %select_n3A_1905, %select_n3A_1934 : vector<8x2048xi1>, vector<8x2048xi32>
      %and3A_1948 = arith.constant 512 : i32
      %and3A_1949 = vector.broadcast %and3A_1948 : i32 to vector<8x2048xi32>
      %and3A_1950 = arith.andi %iota3A, %and3A_1949 : vector<8x2048xi32>
      %eq3A_1951 = arith.constant 0 : i32
      %eq3A_1952 = vector.broadcast %eq3A_1951 : i32 to vector<8x2048xi32>
      %eq3A_1953 = arith.cmpi eq, %and3A_1950, %eq3A_1952 : vector<8x2048xi32>
      %slice3A_1954 = vector.extract_strided_slice %select_n3A_1946 {offsets = [0, 512], sizes = [8, 1536], strides = [1, 1]} : vector<8x2048xf32> to vector<8x1536xf32>
      %slice3A_1955 = vector.extract_strided_slice %select_n3A_1946 {offsets = [0, 0], sizes = [8, 512], strides = [1, 1]} : vector<8x2048xf32> to vector<8x512xf32>
      %concatenate3A_1956 = tpu.concatenate %slice3A_1954, %slice3A_1955 in 1 : vector<8x1536xf32>, vector<8x512xf32> -> vector<8x2048xf32>
      %slice3A_1957 = vector.extract_strided_slice %select_n3A_1946 {offsets = [0, 1536], sizes = [8, 512], strides = [1, 1]} : vector<8x2048xf32> to vector<8x512xf32>
      %slice3A_1958 = vector.extract_strided_slice %select_n3A_1946 {offsets = [0, 0], sizes = [8, 1536], strides = [1, 1]} : vector<8x2048xf32> to vector<8x1536xf32>
      %concatenate3A_1959 = tpu.concatenate %slice3A_1957, %slice3A_1958 in 1 : vector<8x512xf32>, vector<8x1536xf32> -> vector<8x2048xf32>
      %select_n3A_1960 = arith.select %eq3A_1953, %concatenate3A_1956, %concatenate3A_1959 : vector<8x2048xi1>, vector<8x2048xf32>
      %slice3A_1961 = vector.extract_strided_slice %select_n3A_1947 {offsets = [0, 512], sizes = [8, 1536], strides = [1, 1]} : vector<8x2048xi32> to vector<8x1536xi32>
      %slice3A_1962 = vector.extract_strided_slice %select_n3A_1947 {offsets = [0, 0], sizes = [8, 512], strides = [1, 1]} : vector<8x2048xi32> to vector<8x512xi32>
      %concatenate3A_1963 = tpu.concatenate %slice3A_1961, %slice3A_1962 in 1 : vector<8x1536xi32>, vector<8x512xi32> -> vector<8x2048xi32>
      %slice3A_1964 = vector.extract_strided_slice %select_n3A_1947 {offsets = [0, 1536], sizes = [8, 512], strides = [1, 1]} : vector<8x2048xi32> to vector<8x512xi32>
      %slice3A_1965 = vector.extract_strided_slice %select_n3A_1947 {offsets = [0, 0], sizes = [8, 1536], strides = [1, 1]} : vector<8x2048xi32> to vector<8x1536xi32>
      %concatenate3A_1966 = tpu.concatenate %slice3A_1964, %slice3A_1965 in 1 : vector<8x512xi32>, vector<8x1536xi32> -> vector<8x2048xi32>
      %select_n3A_1967 = arith.select %eq3A_1953, %concatenate3A_1963, %concatenate3A_1966 : vector<8x2048xi1>, vector<8x2048xi32>
      %gt3A_1968 = arith.cmpf ogt, %select_n3A_1946, %select_n3A_1960 : vector<8x2048xf32>
      %eq3A_1969 = arith.cmpf oeq, %select_n3A_1946, %select_n3A_1960 : vector<8x2048xf32>
      %lt3A_1970 = arith.cmpi slt, %select_n3A_1947, %select_n3A_1967 : vector<8x2048xi32>
      %and3A_1971 = arith.andi %eq3A_1969, %lt3A_1970 : vector<8x2048xi1>
      %or3A_1972 = arith.ori %gt3A_1968, %and3A_1971 : vector<8x2048xi1>
      %eq3A_1973 = arith.xori %eq3A_1953, %eq3A_1914 : vector<8x2048xi1>
      %eq3A_1974 = arith.constant dense<true> : vector<8x2048xi1>
      %eq3A_1975 = arith.xori %eq3A_1973, %eq3A_1974 : vector<8x2048xi1>
      %eq3A_1976 = arith.xori %or3A_1972, %eq3A_1975 : vector<8x2048xi1>
      %eq3A_1977 = arith.constant dense<true> : vector<8x2048xi1>
      %eq3A_1978 = arith.xori %eq3A_1976, %eq3A_1977 : vector<8x2048xi1>
      %select_n3A_1979 = arith.select %eq3A_1978, %select_n3A_1946, %select_n3A_1960 : vector<8x2048xi1>, vector<8x2048xf32>
      %select_n3A_1980 = arith.select %eq3A_1978, %select_n3A_1947, %select_n3A_1967 : vector<8x2048xi1>, vector<8x2048xi32>
      %and3A_1981 = arith.constant 256 : i32
      %and3A_1982 = vector.broadcast %and3A_1981 : i32 to vector<8x2048xi32>
      %and3A_1983 = arith.andi %iota3A, %and3A_1982 : vector<8x2048xi32>
      %eq3A_1984 = arith.constant 0 : i32
      %eq3A_1985 = vector.broadcast %eq3A_1984 : i32 to vector<8x2048xi32>
      %eq3A_1986 = arith.cmpi eq, %and3A_1983, %eq3A_1985 : vector<8x2048xi32>
      %slice3A_1987 = vector.extract_strided_slice %select_n3A_1979 {offsets = [0, 256], sizes = [8, 1792], strides = [1, 1]} : vector<8x2048xf32> to vector<8x1792xf32>
      %slice3A_1988 = vector.extract_strided_slice %select_n3A_1979 {offsets = [0, 0], sizes = [8, 256], strides = [1, 1]} : vector<8x2048xf32> to vector<8x256xf32>
      %concatenate3A_1989 = tpu.concatenate %slice3A_1987, %slice3A_1988 in 1 : vector<8x1792xf32>, vector<8x256xf32> -> vector<8x2048xf32>
      %slice3A_1990 = vector.extract_strided_slice %select_n3A_1979 {offsets = [0, 1792], sizes = [8, 256], strides = [1, 1]} : vector<8x2048xf32> to vector<8x256xf32>
      %slice3A_1991 = vector.extract_strided_slice %select_n3A_1979 {offsets = [0, 0], sizes = [8, 1792], strides = [1, 1]} : vector<8x2048xf32> to vector<8x1792xf32>
      %concatenate3A_1992 = tpu.concatenate %slice3A_1990, %slice3A_1991 in 1 : vector<8x256xf32>, vector<8x1792xf32> -> vector<8x2048xf32>
      %select_n3A_1993 = arith.select %eq3A_1986, %concatenate3A_1989, %concatenate3A_1992 : vector<8x2048xi1>, vector<8x2048xf32>
      %slice3A_1994 = vector.extract_strided_slice %select_n3A_1980 {offsets = [0, 256], sizes = [8, 1792], strides = [1, 1]} : vector<8x2048xi32> to vector<8x1792xi32>
      %slice3A_1995 = vector.extract_strided_slice %select_n3A_1980 {offsets = [0, 0], sizes = [8, 256], strides = [1, 1]} : vector<8x2048xi32> to vector<8x256xi32>
      %concatenate3A_1996 = tpu.concatenate %slice3A_1994, %slice3A_1995 in 1 : vector<8x1792xi32>, vector<8x256xi32> -> vector<8x2048xi32>
      %slice3A_1997 = vector.extract_strided_slice %select_n3A_1980 {offsets = [0, 1792], sizes = [8, 256], strides = [1, 1]} : vector<8x2048xi32> to vector<8x256xi32>
      %slice3A_1998 = vector.extract_strided_slice %select_n3A_1980 {offsets = [0, 0], sizes = [8, 1792], strides = [1, 1]} : vector<8x2048xi32> to vector<8x1792xi32>
      %concatenate3A_1999 = tpu.concatenate %slice3A_1997, %slice3A_1998 in 1 : vector<8x256xi32>, vector<8x1792xi32> -> vector<8x2048xi32>
      %select_n3A_2000 = arith.select %eq3A_1986, %concatenate3A_1996, %concatenate3A_1999 : vector<8x2048xi1>, vector<8x2048xi32>
      %gt3A_2001 = arith.cmpf ogt, %select_n3A_1979, %select_n3A_1993 : vector<8x2048xf32>
      %eq3A_2002 = arith.cmpf oeq, %select_n3A_1979, %select_n3A_1993 : vector<8x2048xf32>
      %lt3A_2003 = arith.cmpi slt, %select_n3A_1980, %select_n3A_2000 : vector<8x2048xi32>
      %and3A_2004 = arith.andi %eq3A_2002, %lt3A_2003 : vector<8x2048xi1>
      %or3A_2005 = arith.ori %gt3A_2001, %and3A_2004 : vector<8x2048xi1>
      %eq3A_2006 = arith.xori %eq3A_1986, %eq3A_1914 : vector<8x2048xi1>
      %eq3A_2007 = arith.constant dense<true> : vector<8x2048xi1>
      %eq3A_2008 = arith.xori %eq3A_2006, %eq3A_2007 : vector<8x2048xi1>
      %eq3A_2009 = arith.xori %or3A_2005, %eq3A_2008 : vector<8x2048xi1>
      %eq3A_2010 = arith.constant dense<true> : vector<8x2048xi1>
      %eq3A_2011 = arith.xori %eq3A_2009, %eq3A_2010 : vector<8x2048xi1>
      %select_n3A_2012 = arith.select %eq3A_2011, %select_n3A_1979, %select_n3A_1993 : vector<8x2048xi1>, vector<8x2048xf32>
      %select_n3A_2013 = arith.select %eq3A_2011, %select_n3A_1980, %select_n3A_2000 : vector<8x2048xi1>, vector<8x2048xi32>
      %and3A_2014 = arith.constant 128 : i32
      %and3A_2015 = vector.broadcast %and3A_2014 : i32 to vector<8x2048xi32>
      %and3A_2016 = arith.andi %iota3A, %and3A_2015 : vector<8x2048xi32>
      %eq3A_2017 = arith.constant 0 : i32
      %eq3A_2018 = vector.broadcast %eq3A_2017 : i32 to vector<8x2048xi32>
      %eq3A_2019 = arith.cmpi eq, %and3A_2016, %eq3A_2018 : vector<8x2048xi32>
      %slice3A_2020 = vector.extract_strided_slice %select_n3A_2012 {offsets = [0, 128], sizes = [8, 1920], strides = [1, 1]} : vector<8x2048xf32> to vector<8x1920xf32>
      %slice3A_2021 = vector.extract_strided_slice %select_n3A_2012 {offsets = [0, 0], sizes = [8, 128], strides = [1, 1]} : vector<8x2048xf32> to vector<8x128xf32>
      %concatenate3A_2022 = tpu.concatenate %slice3A_2020, %slice3A_2021 in 1 : vector<8x1920xf32>, vector<8x128xf32> -> vector<8x2048xf32>
      %slice3A_2023 = vector.extract_strided_slice %select_n3A_2012 {offsets = [0, 1920], sizes = [8, 128], strides = [1, 1]} : vector<8x2048xf32> to vector<8x128xf32>
      %slice3A_2024 = vector.extract_strided_slice %select_n3A_2012 {offsets = [0, 0], sizes = [8, 1920], strides = [1, 1]} : vector<8x2048xf32> to vector<8x1920xf32>
      %concatenate3A_2025 = tpu.concatenate %slice3A_2023, %slice3A_2024 in 1 : vector<8x128xf32>, vector<8x1920xf32> -> vector<8x2048xf32>
      %select_n3A_2026 = arith.select %eq3A_2019, %concatenate3A_2022, %concatenate3A_2025 : vector<8x2048xi1>, vector<8x2048xf32>
      %slice3A_2027 = vector.extract_strided_slice %select_n3A_2013 {offsets = [0, 128], sizes = [8, 1920], strides = [1, 1]} : vector<8x2048xi32> to vector<8x1920xi32>
      %slice3A_2028 = vector.extract_strided_slice %select_n3A_2013 {offsets = [0, 0], sizes = [8, 128], strides = [1, 1]} : vector<8x2048xi32> to vector<8x128xi32>
      %concatenate3A_2029 = tpu.concatenate %slice3A_2027, %slice3A_2028 in 1 : vector<8x1920xi32>, vector<8x128xi32> -> vector<8x2048xi32>
      %slice3A_2030 = vector.extract_strided_slice %select_n3A_2013 {offsets = [0, 1920], sizes = [8, 128], strides = [1, 1]} : vector<8x2048xi32> to vector<8x128xi32>
      %slice3A_2031 = vector.extract_strided_slice %select_n3A_2013 {offsets = [0, 0], sizes = [8, 1920], strides = [1, 1]} : vector<8x2048xi32> to vector<8x1920xi32>
      %concatenate3A_2032 = tpu.concatenate %slice3A_2030, %slice3A_2031 in 1 : vector<8x128xi32>, vector<8x1920xi32> -> vector<8x2048xi32>
      %select_n3A_2033 = arith.select %eq3A_2019, %concatenate3A_2029, %concatenate3A_2032 : vector<8x2048xi1>, vector<8x2048xi32>
      %gt3A_2034 = arith.cmpf ogt, %select_n3A_2012, %select_n3A_2026 : vector<8x2048xf32>
      %eq3A_2035 = arith.cmpf oeq, %select_n3A_2012, %select_n3A_2026 : vector<8x2048xf32>
      %lt3A_2036 = arith.cmpi slt, %select_n3A_2013, %select_n3A_2033 : vector<8x2048xi32>
      %and3A_2037 = arith.andi %eq3A_2035, %lt3A_2036 : vector<8x2048xi1>
      %or3A_2038 = arith.ori %gt3A_2034, %and3A_2037 : vector<8x2048xi1>
      %eq3A_2039 = arith.xori %eq3A_2019, %eq3A_1914 : vector<8x2048xi1>
      %eq3A_2040 = arith.constant dense<true> : vector<8x2048xi1>
      %eq3A_2041 = arith.xori %eq3A_2039, %eq3A_2040 : vector<8x2048xi1>
      %eq3A_2042 = arith.xori %or3A_2038, %eq3A_2041 : vector<8x2048xi1>
      %eq3A_2043 = arith.constant dense<true> : vector<8x2048xi1>
      %eq3A_2044 = arith.xori %eq3A_2042, %eq3A_2043 : vector<8x2048xi1>
      %select_n3A_2045 = arith.select %eq3A_2044, %select_n3A_2012, %select_n3A_2026 : vector<8x2048xi1>, vector<8x2048xf32>
      %select_n3A_2046 = arith.select %eq3A_2044, %select_n3A_2013, %select_n3A_2033 : vector<8x2048xi1>, vector<8x2048xi32>
      %and3A_2047 = arith.constant 64 : i32
      %and3A_2048 = vector.broadcast %and3A_2047 : i32 to vector<8x2048xi32>
      %and3A_2049 = arith.andi %iota3A, %and3A_2048 : vector<8x2048xi32>
      %eq3A_2050 = arith.constant 0 : i32
      %eq3A_2051 = vector.broadcast %eq3A_2050 : i32 to vector<8x2048xi32>
      %eq3A_2052 = arith.cmpi eq, %and3A_2049, %eq3A_2051 : vector<8x2048xi32>
      %slice3A_2053 = vector.extract_strided_slice %select_n3A_2045 {offsets = [0, 64], sizes = [8, 1984], strides = [1, 1]} : vector<8x2048xf32> to vector<8x1984xf32>
      %slice3A_2054 = vector.extract_strided_slice %select_n3A_2045 {offsets = [0, 0], sizes = [8, 64], strides = [1, 1]} : vector<8x2048xf32> to vector<8x64xf32>
      %concatenate3A_2055 = tpu.concatenate %slice3A_2053, %slice3A_2054 in 1 : vector<8x1984xf32>, vector<8x64xf32> -> vector<8x2048xf32>
      %slice3A_2056 = vector.extract_strided_slice %select_n3A_2045 {offsets = [0, 1984], sizes = [8, 64], strides = [1, 1]} : vector<8x2048xf32> to vector<8x64xf32>
      %slice3A_2057 = vector.extract_strided_slice %select_n3A_2045 {offsets = [0, 0], sizes = [8, 1984], strides = [1, 1]} : vector<8x2048xf32> to vector<8x1984xf32>
      %concatenate3A_2058 = tpu.concatenate %slice3A_2056, %slice3A_2057 in 1 : vector<8x64xf32>, vector<8x1984xf32> -> vector<8x2048xf32>
      %select_n3A_2059 = arith.select %eq3A_2052, %concatenate3A_2055, %concatenate3A_2058 : vector<8x2048xi1>, vector<8x2048xf32>
      %slice3A_2060 = vector.extract_strided_slice %select_n3A_2046 {offsets = [0, 64], sizes = [8, 1984], strides = [1, 1]} : vector<8x2048xi32> to vector<8x1984xi32>
      %slice3A_2061 = vector.extract_strided_slice %select_n3A_2046 {offsets = [0, 0], sizes = [8, 64], strides = [1, 1]} : vector<8x2048xi32> to vector<8x64xi32>
      %concatenate3A_2062 = tpu.concatenate %slice3A_2060, %slice3A_2061 in 1 : vector<8x1984xi32>, vector<8x64xi32> -> vector<8x2048xi32>
      %slice3A_2063 = vector.extract_strided_slice %select_n3A_2046 {offsets = [0, 1984], sizes = [8, 64], strides = [1, 1]} : vector<8x2048xi32> to vector<8x64xi32>
      %slice3A_2064 = vector.extract_strided_slice %select_n3A_2046 {offsets = [0, 0], sizes = [8, 1984], strides = [1, 1]} : vector<8x2048xi32> to vector<8x1984xi32>
      %concatenate3A_2065 = tpu.concatenate %slice3A_2063, %slice3A_2064 in 1 : vector<8x64xi32>, vector<8x1984xi32> -> vector<8x2048xi32>
      %select_n3A_2066 = arith.select %eq3A_2052, %concatenate3A_2062, %concatenate3A_2065 : vector<8x2048xi1>, vector<8x2048xi32>
      %gt3A_2067 = arith.cmpf ogt, %select_n3A_2045, %select_n3A_2059 : vector<8x2048xf32>
      %eq3A_2068 = arith.cmpf oeq, %select_n3A_2045, %select_n3A_2059 : vector<8x2048xf32>
      %lt3A_2069 = arith.cmpi slt, %select_n3A_2046, %select_n3A_2066 : vector<8x2048xi32>
      %and3A_2070 = arith.andi %eq3A_2068, %lt3A_2069 : vector<8x2048xi1>
      %or3A_2071 = arith.ori %gt3A_2067, %and3A_2070 : vector<8x2048xi1>
      %eq3A_2072 = arith.xori %eq3A_2052, %eq3A_1914 : vector<8x2048xi1>
      %eq3A_2073 = arith.constant dense<true> : vector<8x2048xi1>
      %eq3A_2074 = arith.xori %eq3A_2072, %eq3A_2073 : vector<8x2048xi1>
      %eq3A_2075 = arith.xori %or3A_2071, %eq3A_2074 : vector<8x2048xi1>
      %eq3A_2076 = arith.constant dense<true> : vector<8x2048xi1>
      %eq3A_2077 = arith.xori %eq3A_2075, %eq3A_2076 : vector<8x2048xi1>
      %select_n3A_2078 = arith.select %eq3A_2077, %select_n3A_2045, %select_n3A_2059 : vector<8x2048xi1>, vector<8x2048xf32>
      %select_n3A_2079 = arith.select %eq3A_2077, %select_n3A_2046, %select_n3A_2066 : vector<8x2048xi1>, vector<8x2048xi32>
      %and3A_2080 = arith.constant 32 : i32
      %and3A_2081 = vector.broadcast %and3A_2080 : i32 to vector<8x2048xi32>
      %and3A_2082 = arith.andi %iota3A, %and3A_2081 : vector<8x2048xi32>
      %eq3A_2083 = arith.constant 0 : i32
      %eq3A_2084 = vector.broadcast %eq3A_2083 : i32 to vector<8x2048xi32>
      %eq3A_2085 = arith.cmpi eq, %and3A_2082, %eq3A_2084 : vector<8x2048xi32>
      %slice3A_2086 = vector.extract_strided_slice %select_n3A_2078 {offsets = [0, 32], sizes = [8, 2016], strides = [1, 1]} : vector<8x2048xf32> to vector<8x2016xf32>
      %slice3A_2087 = vector.extract_strided_slice %select_n3A_2078 {offsets = [0, 0], sizes = [8, 32], strides = [1, 1]} : vector<8x2048xf32> to vector<8x32xf32>
      %concatenate3A_2088 = tpu.concatenate %slice3A_2086, %slice3A_2087 in 1 : vector<8x2016xf32>, vector<8x32xf32> -> vector<8x2048xf32>
      %slice3A_2089 = vector.extract_strided_slice %select_n3A_2078 {offsets = [0, 2016], sizes = [8, 32], strides = [1, 1]} : vector<8x2048xf32> to vector<8x32xf32>
      %slice3A_2090 = vector.extract_strided_slice %select_n3A_2078 {offsets = [0, 0], sizes = [8, 2016], strides = [1, 1]} : vector<8x2048xf32> to vector<8x2016xf32>
      %concatenate3A_2091 = tpu.concatenate %slice3A_2089, %slice3A_2090 in 1 : vector<8x32xf32>, vector<8x2016xf32> -> vector<8x2048xf32>
      %select_n3A_2092 = arith.select %eq3A_2085, %concatenate3A_2088, %concatenate3A_2091 : vector<8x2048xi1>, vector<8x2048xf32>
      %slice3A_2093 = vector.extract_strided_slice %select_n3A_2079 {offsets = [0, 32], sizes = [8, 2016], strides = [1, 1]} : vector<8x2048xi32> to vector<8x2016xi32>
      %slice3A_2094 = vector.extract_strided_slice %select_n3A_2079 {offsets = [0, 0], sizes = [8, 32], strides = [1, 1]} : vector<8x2048xi32> to vector<8x32xi32>
      %concatenate3A_2095 = tpu.concatenate %slice3A_2093, %slice3A_2094 in 1 : vector<8x2016xi32>, vector<8x32xi32> -> vector<8x2048xi32>
      %slice3A_2096 = vector.extract_strided_slice %select_n3A_2079 {offsets = [0, 2016], sizes = [8, 32], strides = [1, 1]} : vector<8x2048xi32> to vector<8x32xi32>
      %slice3A_2097 = vector.extract_strided_slice %select_n3A_2079 {offsets = [0, 0], sizes = [8, 2016], strides = [1, 1]} : vector<8x2048xi32> to vector<8x2016xi32>
      %concatenate3A_2098 = tpu.concatenate %slice3A_2096, %slice3A_2097 in 1 : vector<8x32xi32>, vector<8x2016xi32> -> vector<8x2048xi32>
      %select_n3A_2099 = arith.select %eq3A_2085, %concatenate3A_2095, %concatenate3A_2098 : vector<8x2048xi1>, vector<8x2048xi32>
      %gt3A_2100 = arith.cmpf ogt, %select_n3A_2078, %select_n3A_2092 : vector<8x2048xf32>
      %eq3A_2101 = arith.cmpf oeq, %select_n3A_2078, %select_n3A_2092 : vector<8x2048xf32>
      %lt3A_2102 = arith.cmpi slt, %select_n3A_2079, %select_n3A_2099 : vector<8x2048xi32>
      %and3A_2103 = arith.andi %eq3A_2101, %lt3A_2102 : vector<8x2048xi1>
      %or3A_2104 = arith.ori %gt3A_2100, %and3A_2103 : vector<8x2048xi1>
      %eq3A_2105 = arith.xori %eq3A_2085, %eq3A_1914 : vector<8x2048xi1>
      %eq3A_2106 = arith.constant dense<true> : vector<8x2048xi1>
      %eq3A_2107 = arith.xori %eq3A_2105, %eq3A_2106 : vector<8x2048xi1>
      %eq3A_2108 = arith.xori %or3A_2104, %eq3A_2107 : vector<8x2048xi1>
      %eq3A_2109 = arith.constant dense<true> : vector<8x2048xi1>
      %eq3A_2110 = arith.xori %eq3A_2108, %eq3A_2109 : vector<8x2048xi1>
      %select_n3A_2111 = arith.select %eq3A_2110, %select_n3A_2078, %select_n3A_2092 : vector<8x2048xi1>, vector<8x2048xf32>
      %select_n3A_2112 = arith.select %eq3A_2110, %select_n3A_2079, %select_n3A_2099 : vector<8x2048xi1>, vector<8x2048xi32>
      %and3A_2113 = arith.constant 16 : i32
      %and3A_2114 = vector.broadcast %and3A_2113 : i32 to vector<8x2048xi32>
      %and3A_2115 = arith.andi %iota3A, %and3A_2114 : vector<8x2048xi32>
      %eq3A_2116 = arith.constant 0 : i32
      %eq3A_2117 = vector.broadcast %eq3A_2116 : i32 to vector<8x2048xi32>
      %eq3A_2118 = arith.cmpi eq, %and3A_2115, %eq3A_2117 : vector<8x2048xi32>
      %slice3A_2119 = vector.extract_strided_slice %select_n3A_2111 {offsets = [0, 16], sizes = [8, 2032], strides = [1, 1]} : vector<8x2048xf32> to vector<8x2032xf32>
      %slice3A_2120 = vector.extract_strided_slice %select_n3A_2111 {offsets = [0, 0], sizes = [8, 16], strides = [1, 1]} : vector<8x2048xf32> to vector<8x16xf32>
      %concatenate3A_2121 = tpu.concatenate %slice3A_2119, %slice3A_2120 in 1 : vector<8x2032xf32>, vector<8x16xf32> -> vector<8x2048xf32>
      %slice3A_2122 = vector.extract_strided_slice %select_n3A_2111 {offsets = [0, 2032], sizes = [8, 16], strides = [1, 1]} : vector<8x2048xf32> to vector<8x16xf32>
      %slice3A_2123 = vector.extract_strided_slice %select_n3A_2111 {offsets = [0, 0], sizes = [8, 2032], strides = [1, 1]} : vector<8x2048xf32> to vector<8x2032xf32>
      %concatenate3A_2124 = tpu.concatenate %slice3A_2122, %slice3A_2123 in 1 : vector<8x16xf32>, vector<8x2032xf32> -> vector<8x2048xf32>
      %select_n3A_2125 = arith.select %eq3A_2118, %concatenate3A_2121, %concatenate3A_2124 : vector<8x2048xi1>, vector<8x2048xf32>
      %slice3A_2126 = vector.extract_strided_slice %select_n3A_2112 {offsets = [0, 16], sizes = [8, 2032], strides = [1, 1]} : vector<8x2048xi32> to vector<8x2032xi32>
      %slice3A_2127 = vector.extract_strided_slice %select_n3A_2112 {offsets = [0, 0], sizes = [8, 16], strides = [1, 1]} : vector<8x2048xi32> to vector<8x16xi32>
      %concatenate3A_2128 = tpu.concatenate %slice3A_2126, %slice3A_2127 in 1 : vector<8x2032xi32>, vector<8x16xi32> -> vector<8x2048xi32>
      %slice3A_2129 = vector.extract_strided_slice %select_n3A_2112 {offsets = [0, 2032], sizes = [8, 16], strides = [1, 1]} : vector<8x2048xi32> to vector<8x16xi32>
      %slice3A_2130 = vector.extract_strided_slice %select_n3A_2112 {offsets = [0, 0], sizes = [8, 2032], strides = [1, 1]} : vector<8x2048xi32> to vector<8x2032xi32>
      %concatenate3A_2131 = tpu.concatenate %slice3A_2129, %slice3A_2130 in 1 : vector<8x16xi32>, vector<8x2032xi32> -> vector<8x2048xi32>
      %select_n3A_2132 = arith.select %eq3A_2118, %concatenate3A_2128, %concatenate3A_2131 : vector<8x2048xi1>, vector<8x2048xi32>
      %gt3A_2133 = arith.cmpf ogt, %select_n3A_2111, %select_n3A_2125 : vector<8x2048xf32>
      %eq3A_2134 = arith.cmpf oeq, %select_n3A_2111, %select_n3A_2125 : vector<8x2048xf32>
      %lt3A_2135 = arith.cmpi slt, %select_n3A_2112, %select_n3A_2132 : vector<8x2048xi32>
      %and3A_2136 = arith.andi %eq3A_2134, %lt3A_2135 : vector<8x2048xi1>
      %or3A_2137 = arith.ori %gt3A_2133, %and3A_2136 : vector<8x2048xi1>
      %eq3A_2138 = arith.xori %eq3A_2118, %eq3A_1914 : vector<8x2048xi1>
      %eq3A_2139 = arith.constant dense<true> : vector<8x2048xi1>
      %eq3A_2140 = arith.xori %eq3A_2138, %eq3A_2139 : vector<8x2048xi1>
      %eq3A_2141 = arith.xori %or3A_2137, %eq3A_2140 : vector<8x2048xi1>
      %eq3A_2142 = arith.constant dense<true> : vector<8x2048xi1>
      %eq3A_2143 = arith.xori %eq3A_2141, %eq3A_2142 : vector<8x2048xi1>
      %select_n3A_2144 = arith.select %eq3A_2143, %select_n3A_2111, %select_n3A_2125 : vector<8x2048xi1>, vector<8x2048xf32>
      %select_n3A_2145 = arith.select %eq3A_2143, %select_n3A_2112, %select_n3A_2132 : vector<8x2048xi1>, vector<8x2048xi32>
      %and3A_2146 = arith.constant 8 : i32
      %and3A_2147 = vector.broadcast %and3A_2146 : i32 to vector<8x2048xi32>
      %and3A_2148 = arith.andi %iota3A, %and3A_2147 : vector<8x2048xi32>
      %eq3A_2149 = arith.constant 0 : i32
      %eq3A_2150 = vector.broadcast %eq3A_2149 : i32 to vector<8x2048xi32>
      %eq3A_2151 = arith.cmpi eq, %and3A_2148, %eq3A_2150 : vector<8x2048xi32>
      %slice3A_2152 = vector.extract_strided_slice %select_n3A_2144 {offsets = [0, 8], sizes = [8, 2040], strides = [1, 1]} : vector<8x2048xf32> to vector<8x2040xf32>
      %slice3A_2153 = vector.extract_strided_slice %select_n3A_2144 {offsets = [0, 0], sizes = [8, 8], strides = [1, 1]} : vector<8x2048xf32> to vector<8x8xf32>
      %concatenate3A_2154 = tpu.concatenate %slice3A_2152, %slice3A_2153 in 1 : vector<8x2040xf32>, vector<8x8xf32> -> vector<8x2048xf32>
      %slice3A_2155 = vector.extract_strided_slice %select_n3A_2144 {offsets = [0, 2040], sizes = [8, 8], strides = [1, 1]} : vector<8x2048xf32> to vector<8x8xf32>
      %slice3A_2156 = vector.extract_strided_slice %select_n3A_2144 {offsets = [0, 0], sizes = [8, 2040], strides = [1, 1]} : vector<8x2048xf32> to vector<8x2040xf32>
      %concatenate3A_2157 = tpu.concatenate %slice3A_2155, %slice3A_2156 in 1 : vector<8x8xf32>, vector<8x2040xf32> -> vector<8x2048xf32>
      %select_n3A_2158 = arith.select %eq3A_2151, %concatenate3A_2154, %concatenate3A_2157 : vector<8x2048xi1>, vector<8x2048xf32>
      %slice3A_2159 = vector.extract_strided_slice %select_n3A_2145 {offsets = [0, 8], sizes = [8, 2040], strides = [1, 1]} : vector<8x2048xi32> to vector<8x2040xi32>
      %slice3A_2160 = vector.extract_strided_slice %select_n3A_2145 {offsets = [0, 0], sizes = [8, 8], strides = [1, 1]} : vector<8x2048xi32> to vector<8x8xi32>
      %concatenate3A_2161 = tpu.concatenate %slice3A_2159, %slice3A_2160 in 1 : vector<8x2040xi32>, vector<8x8xi32> -> vector<8x2048xi32>
      %slice3A_2162 = vector.extract_strided_slice %select_n3A_2145 {offsets = [0, 2040], sizes = [8, 8], strides = [1, 1]} : vector<8x2048xi32> to vector<8x8xi32>
      %slice3A_2163 = vector.extract_strided_slice %select_n3A_2145 {offsets = [0, 0], sizes = [8, 2040], strides = [1, 1]} : vector<8x2048xi32> to vector<8x2040xi32>
      %concatenate3A_2164 = tpu.concatenate %slice3A_2162, %slice3A_2163 in 1 : vector<8x8xi32>, vector<8x2040xi32> -> vector<8x2048xi32>
      %select_n3A_2165 = arith.select %eq3A_2151, %concatenate3A_2161, %concatenate3A_2164 : vector<8x2048xi1>, vector<8x2048xi32>
      %gt3A_2166 = arith.cmpf ogt, %select_n3A_2144, %select_n3A_2158 : vector<8x2048xf32>
      %eq3A_2167 = arith.cmpf oeq, %select_n3A_2144, %select_n3A_2158 : vector<8x2048xf32>
      %lt3A_2168 = arith.cmpi slt, %select_n3A_2145, %select_n3A_2165 : vector<8x2048xi32>
      %and3A_2169 = arith.andi %eq3A_2167, %lt3A_2168 : vector<8x2048xi1>
      %or3A_2170 = arith.ori %gt3A_2166, %and3A_2169 : vector<8x2048xi1>
      %eq3A_2171 = arith.xori %eq3A_2151, %eq3A_1914 : vector<8x2048xi1>
      %eq3A_2172 = arith.constant dense<true> : vector<8x2048xi1>
      %eq3A_2173 = arith.xori %eq3A_2171, %eq3A_2172 : vector<8x2048xi1>
      %eq3A_2174 = arith.xori %or3A_2170, %eq3A_2173 : vector<8x2048xi1>
      %eq3A_2175 = arith.constant dense<true> : vector<8x2048xi1>
      %eq3A_2176 = arith.xori %eq3A_2174, %eq3A_2175 : vector<8x2048xi1>
      %select_n3A_2177 = arith.select %eq3A_2176, %select_n3A_2144, %select_n3A_2158 : vector<8x2048xi1>, vector<8x2048xf32>
      %select_n3A_2178 = arith.select %eq3A_2176, %select_n3A_2145, %select_n3A_2165 : vector<8x2048xi1>, vector<8x2048xi32>
      %and3A_2179 = arith.constant 4 : i32
      %and3A_2180 = vector.broadcast %and3A_2179 : i32 to vector<8x2048xi32>
      %and3A_2181 = arith.andi %iota3A, %and3A_2180 : vector<8x2048xi32>
      %eq3A_2182 = arith.constant 0 : i32
      %eq3A_2183 = vector.broadcast %eq3A_2182 : i32 to vector<8x2048xi32>
      %eq3A_2184 = arith.cmpi eq, %and3A_2181, %eq3A_2183 : vector<8x2048xi32>
      %slice3A_2185 = vector.extract_strided_slice %select_n3A_2177 {offsets = [0, 4], sizes = [8, 2044], strides = [1, 1]} : vector<8x2048xf32> to vector<8x2044xf32>
      %slice3A_2186 = vector.extract_strided_slice %select_n3A_2177 {offsets = [0, 0], sizes = [8, 4], strides = [1, 1]} : vector<8x2048xf32> to vector<8x4xf32>
      %concatenate3A_2187 = tpu.concatenate %slice3A_2185, %slice3A_2186 in 1 : vector<8x2044xf32>, vector<8x4xf32> -> vector<8x2048xf32>
      %slice3A_2188 = vector.extract_strided_slice %select_n3A_2177 {offsets = [0, 2044], sizes = [8, 4], strides = [1, 1]} : vector<8x2048xf32> to vector<8x4xf32>
      %slice3A_2189 = vector.extract_strided_slice %select_n3A_2177 {offsets = [0, 0], sizes = [8, 2044], strides = [1, 1]} : vector<8x2048xf32> to vector<8x2044xf32>
      %concatenate3A_2190 = tpu.concatenate %slice3A_2188, %slice3A_2189 in 1 : vector<8x4xf32>, vector<8x2044xf32> -> vector<8x2048xf32>
      %select_n3A_2191 = arith.select %eq3A_2184, %concatenate3A_2187, %concatenate3A_2190 : vector<8x2048xi1>, vector<8x2048xf32>
      %slice3A_2192 = vector.extract_strided_slice %select_n3A_2178 {offsets = [0, 4], sizes = [8, 2044], strides = [1, 1]} : vector<8x2048xi32> to vector<8x2044xi32>
      %slice3A_2193 = vector.extract_strided_slice %select_n3A_2178 {offsets = [0, 0], sizes = [8, 4], strides = [1, 1]} : vector<8x2048xi32> to vector<8x4xi32>
      %concatenate3A_2194 = tpu.concatenate %slice3A_2192, %slice3A_2193 in 1 : vector<8x2044xi32>, vector<8x4xi32> -> vector<8x2048xi32>
      %slice3A_2195 = vector.extract_strided_slice %select_n3A_2178 {offsets = [0, 2044], sizes = [8, 4], strides = [1, 1]} : vector<8x2048xi32> to vector<8x4xi32>
      %slice3A_2196 = vector.extract_strided_slice %select_n3A_2178 {offsets = [0, 0], sizes = [8, 2044], strides = [1, 1]} : vector<8x2048xi32> to vector<8x2044xi32>
      %concatenate3A_2197 = tpu.concatenate %slice3A_2195, %slice3A_2196 in 1 : vector<8x4xi32>, vector<8x2044xi32> -> vector<8x2048xi32>
      %select_n3A_2198 = arith.select %eq3A_2184, %concatenate3A_2194, %concatenate3A_2197 : vector<8x2048xi1>, vector<8x2048xi32>
      %gt3A_2199 = arith.cmpf ogt, %select_n3A_2177, %select_n3A_2191 : vector<8x2048xf32>
      %eq3A_2200 = arith.cmpf oeq, %select_n3A_2177, %select_n3A_2191 : vector<8x2048xf32>
      %lt3A_2201 = arith.cmpi slt, %select_n3A_2178, %select_n3A_2198 : vector<8x2048xi32>
      %and3A_2202 = arith.andi %eq3A_2200, %lt3A_2201 : vector<8x2048xi1>
      %or3A_2203 = arith.ori %gt3A_2199, %and3A_2202 : vector<8x2048xi1>
      %eq3A_2204 = arith.xori %eq3A_2184, %eq3A_1914 : vector<8x2048xi1>
      %eq3A_2205 = arith.constant dense<true> : vector<8x2048xi1>
      %eq3A_2206 = arith.xori %eq3A_2204, %eq3A_2205 : vector<8x2048xi1>
      %eq3A_2207 = arith.xori %or3A_2203, %eq3A_2206 : vector<8x2048xi1>
      %eq3A_2208 = arith.constant dense<true> : vector<8x2048xi1>
      %eq3A_2209 = arith.xori %eq3A_2207, %eq3A_2208 : vector<8x2048xi1>
      %select_n3A_2210 = arith.select %eq3A_2209, %select_n3A_2177, %select_n3A_2191 : vector<8x2048xi1>, vector<8x2048xf32>
      %select_n3A_2211 = arith.select %eq3A_2209, %select_n3A_2178, %select_n3A_2198 : vector<8x2048xi1>, vector<8x2048xi32>
      %and3A_2212 = arith.constant 2 : i32
      %and3A_2213 = vector.broadcast %and3A_2212 : i32 to vector<8x2048xi32>
      %and3A_2214 = arith.andi %iota3A, %and3A_2213 : vector<8x2048xi32>
      %eq3A_2215 = arith.constant 0 : i32
      %eq3A_2216 = vector.broadcast %eq3A_2215 : i32 to vector<8x2048xi32>
      %eq3A_2217 = arith.cmpi eq, %and3A_2214, %eq3A_2216 : vector<8x2048xi32>
      %slice3A_2218 = vector.extract_strided_slice %select_n3A_2210 {offsets = [0, 2], sizes = [8, 2046], strides = [1, 1]} : vector<8x2048xf32> to vector<8x2046xf32>
      %slice3A_2219 = vector.extract_strided_slice %select_n3A_2210 {offsets = [0, 0], sizes = [8, 2], strides = [1, 1]} : vector<8x2048xf32> to vector<8x2xf32>
      %concatenate3A_2220 = tpu.concatenate %slice3A_2218, %slice3A_2219 in 1 : vector<8x2046xf32>, vector<8x2xf32> -> vector<8x2048xf32>
      %slice3A_2221 = vector.extract_strided_slice %select_n3A_2210 {offsets = [0, 2046], sizes = [8, 2], strides = [1, 1]} : vector<8x2048xf32> to vector<8x2xf32>
      %slice3A_2222 = vector.extract_strided_slice %select_n3A_2210 {offsets = [0, 0], sizes = [8, 2046], strides = [1, 1]} : vector<8x2048xf32> to vector<8x2046xf32>
      %concatenate3A_2223 = tpu.concatenate %slice3A_2221, %slice3A_2222 in 1 : vector<8x2xf32>, vector<8x2046xf32> -> vector<8x2048xf32>
      %select_n3A_2224 = arith.select %eq3A_2217, %concatenate3A_2220, %concatenate3A_2223 : vector<8x2048xi1>, vector<8x2048xf32>
      %slice3A_2225 = vector.extract_strided_slice %select_n3A_2211 {offsets = [0, 2], sizes = [8, 2046], strides = [1, 1]} : vector<8x2048xi32> to vector<8x2046xi32>
      %slice3A_2226 = vector.extract_strided_slice %select_n3A_2211 {offsets = [0, 0], sizes = [8, 2], strides = [1, 1]} : vector<8x2048xi32> to vector<8x2xi32>
      %concatenate3A_2227 = tpu.concatenate %slice3A_2225, %slice3A_2226 in 1 : vector<8x2046xi32>, vector<8x2xi32> -> vector<8x2048xi32>
      %slice3A_2228 = vector.extract_strided_slice %select_n3A_2211 {offsets = [0, 2046], sizes = [8, 2], strides = [1, 1]} : vector<8x2048xi32> to vector<8x2xi32>
      %slice3A_2229 = vector.extract_strided_slice %select_n3A_2211 {offsets = [0, 0], sizes = [8, 2046], strides = [1, 1]} : vector<8x2048xi32> to vector<8x2046xi32>
      %concatenate3A_2230 = tpu.concatenate %slice3A_2228, %slice3A_2229 in 1 : vector<8x2xi32>, vector<8x2046xi32> -> vector<8x2048xi32>
      %select_n3A_2231 = arith.select %eq3A_2217, %concatenate3A_2227, %concatenate3A_2230 : vector<8x2048xi1>, vector<8x2048xi32>
      %gt3A_2232 = arith.cmpf ogt, %select_n3A_2210, %select_n3A_2224 : vector<8x2048xf32>
      %eq3A_2233 = arith.cmpf oeq, %select_n3A_2210, %select_n3A_2224 : vector<8x2048xf32>
      %lt3A_2234 = arith.cmpi slt, %select_n3A_2211, %select_n3A_2231 : vector<8x2048xi32>
      %and3A_2235 = arith.andi %eq3A_2233, %lt3A_2234 : vector<8x2048xi1>
      %or3A_2236 = arith.ori %gt3A_2232, %and3A_2235 : vector<8x2048xi1>
      %eq3A_2237 = arith.xori %eq3A_2217, %eq3A_1914 : vector<8x2048xi1>
      %eq3A_2238 = arith.constant dense<true> : vector<8x2048xi1>
      %eq3A_2239 = arith.xori %eq3A_2237, %eq3A_2238 : vector<8x2048xi1>
      %eq3A_2240 = arith.xori %or3A_2236, %eq3A_2239 : vector<8x2048xi1>
      %eq3A_2241 = arith.constant dense<true> : vector<8x2048xi1>
      %eq3A_2242 = arith.xori %eq3A_2240, %eq3A_2241 : vector<8x2048xi1>
      %select_n3A_2243 = arith.select %eq3A_2242, %select_n3A_2210, %select_n3A_2224 : vector<8x2048xi1>, vector<8x2048xf32>
      %select_n3A_2244 = arith.select %eq3A_2242, %select_n3A_2211, %select_n3A_2231 : vector<8x2048xi1>, vector<8x2048xi32>
      %and3A_2245 = arith.constant 1 : i32
      %and3A_2246 = vector.broadcast %and3A_2245 : i32 to vector<8x2048xi32>
      %and3A_2247 = arith.andi %iota3A, %and3A_2246 : vector<8x2048xi32>
      %eq3A_2248 = arith.constant 0 : i32
      %eq3A_2249 = vector.broadcast %eq3A_2248 : i32 to vector<8x2048xi32>
      %eq3A_2250 = arith.cmpi eq, %and3A_2247, %eq3A_2249 : vector<8x2048xi32>
      %slice3A_2251 = vector.extract_strided_slice %select_n3A_2243 {offsets = [0, 1], sizes = [8, 2047], strides = [1, 1]} : vector<8x2048xf32> to vector<8x2047xf32>
      %slice3A_2252 = vector.extract_strided_slice %select_n3A_2243 {offsets = [0, 0], sizes = [8, 1], strides = [1, 1]} : vector<8x2048xf32> to vector<8x1xf32>
      %concatenate3A_2253 = tpu.concatenate %slice3A_2251, %slice3A_2252 in 1 : vector<8x2047xf32>, vector<8x1xf32> -> vector<8x2048xf32>
      %slice3A_2254 = vector.extract_strided_slice %select_n3A_2243 {offsets = [0, 2047], sizes = [8, 1], strides = [1, 1]} : vector<8x2048xf32> to vector<8x1xf32>
      %slice3A_2255 = vector.extract_strided_slice %select_n3A_2243 {offsets = [0, 0], sizes = [8, 2047], strides = [1, 1]} : vector<8x2048xf32> to vector<8x2047xf32>
      %concatenate3A_2256 = tpu.concatenate %slice3A_2254, %slice3A_2255 in 1 : vector<8x1xf32>, vector<8x2047xf32> -> vector<8x2048xf32>
      %select_n3A_2257 = arith.select %eq3A_2250, %concatenate3A_2253, %concatenate3A_2256 : vector<8x2048xi1>, vector<8x2048xf32>
      %slice3A_2258 = vector.extract_strided_slice %select_n3A_2244 {offsets = [0, 1], sizes = [8, 2047], strides = [1, 1]} : vector<8x2048xi32> to vector<8x2047xi32>
      %slice3A_2259 = vector.extract_strided_slice %select_n3A_2244 {offsets = [0, 0], sizes = [8, 1], strides = [1, 1]} : vector<8x2048xi32> to vector<8x1xi32>
      %concatenate3A_2260 = tpu.concatenate %slice3A_2258, %slice3A_2259 in 1 : vector<8x2047xi32>, vector<8x1xi32> -> vector<8x2048xi32>
      %slice3A_2261 = vector.extract_strided_slice %select_n3A_2244 {offsets = [0, 2047], sizes = [8, 1], strides = [1, 1]} : vector<8x2048xi32> to vector<8x1xi32>
      %slice3A_2262 = vector.extract_strided_slice %select_n3A_2244 {offsets = [0, 0], sizes = [8, 2047], strides = [1, 1]} : vector<8x2048xi32> to vector<8x2047xi32>
      %concatenate3A_2263 = tpu.concatenate %slice3A_2261, %slice3A_2262 in 1 : vector<8x1xi32>, vector<8x2047xi32> -> vector<8x2048xi32>
      %select_n3A_2264 = arith.select %eq3A_2250, %concatenate3A_2260, %concatenate3A_2263 : vector<8x2048xi1>, vector<8x2048xi32>
      %gt3A_2265 = arith.cmpf ogt, %select_n3A_2243, %select_n3A_2257 : vector<8x2048xf32>
      %eq3A_2266 = arith.cmpf oeq, %select_n3A_2243, %select_n3A_2257 : vector<8x2048xf32>
      %lt3A_2267 = arith.cmpi slt, %select_n3A_2244, %select_n3A_2264 : vector<8x2048xi32>
      %and3A_2268 = arith.andi %eq3A_2266, %lt3A_2267 : vector<8x2048xi1>
      %or3A_2269 = arith.ori %gt3A_2265, %and3A_2268 : vector<8x2048xi1>
      %eq3A_2270 = arith.xori %eq3A_2250, %eq3A_1914 : vector<8x2048xi1>
      %eq3A_2271 = arith.constant dense<true> : vector<8x2048xi1>
      %eq3A_2272 = arith.xori %eq3A_2270, %eq3A_2271 : vector<8x2048xi1>
      %eq3A_2273 = arith.xori %or3A_2269, %eq3A_2272 : vector<8x2048xi1>
      %eq3A_2274 = arith.constant dense<true> : vector<8x2048xi1>
      %eq3A_2275 = arith.xori %eq3A_2273, %eq3A_2274 : vector<8x2048xi1>
      %select_n3A_2276 = arith.select %eq3A_2275, %select_n3A_2243, %select_n3A_2257 : vector<8x2048xi1>, vector<8x2048xf32>
      %select_n3A_2277 = arith.select %eq3A_2275, %select_n3A_2244, %select_n3A_2264 : vector<8x2048xi1>, vector<8x2048xi32>
      %slice3A_2278 = vector.extract_strided_slice %select_n3A_2276 {offsets = [0, 0], sizes = [8, 128], strides = [1, 1]} : vector<8x2048xf32> to vector<8x128xf32>
      %slice3A_2279 = vector.extract_strided_slice %select_n3A_2277 {offsets = [0, 0], sizes = [8, 128], strides = [1, 1]} : vector<8x2048xi32> to vector<8x128xi32>
      %swap3A = arith.constant 0 : index
      %swap3A_2280 = arith.constant 0 : index
      %swap3A_2281 = vector.load %arg10[%swap3A, %swap3A_2280] : memref<8x128xf32, #tpu.memory_space<vmem>>, vector<8x128xf32>
      tpu.vector_store %arg10[%swap3A, %swap3A_2280], %slice3A_2278 {strides = array<i32>} : memref<8x128xf32, #tpu.memory_space<vmem>>, vector<8x128xf32>,
      %swap3A_2282 = arith.constant 0 : index
      %swap3A_2283 = arith.constant 0 : index
      %swap3A_2284 = vector.load %arg11[%swap3A_2282, %swap3A_2283] : memref<8x128xi32, #tpu.memory_space<vmem>>, vector<8x128xi32>
      tpu.vector_store %arg11[%swap3A_2282, %swap3A_2283], %slice3A_2279 {strides = array<i32>} : memref<8x128xi32, #tpu.memory_space<vmem>>, vector<8x128xi32>,
      %iota3A_2285 = tpu.iota {dimensions = array<i32: 0>} : vector<8x128xi32>
      %mul3A = arith.constant 2048 : i32
      %mul3A_2286 = vector.broadcast %mul3A : i32 to vector<8x128xi32>
      %mul3A_2287 = arith.muli %iota3A_2285, %mul3A_2286 : vector<8x128xi32>
      %add3A = arith.addi %slice3A_2279, %mul3A_2287 : vector<8x128xi32>
      %swap3A_2288 = arith.constant 0 : index
      %swap3A_2289 = arith.constant 0 : index
      %swap3A_2290 = vector.load %arg12[%swap3A_2288, %swap3A_2289] : memref<8x128xi32, #tpu.memory_space<vmem>>, vector<8x128xi32>
      tpu.vector_store %arg12[%swap3A_2288, %swap3A_2289], %add3A {strides = array<i32>} : memref<8x128xi32, #tpu.memory_space<vmem>>, vector<8x128xi32>,
      %get3A_2291 = arith.constant 0 : index
      %get3A_2292 = arith.constant 0 : index
      %get3A_2293 = vector.load %arg15[%get3A_2291, %get3A_2292] : memref<8x128xf32, #tpu.memory_space<vmem>>, vector<8x1xf32>
      %reduce_sum3A = arith.constant dense<0.000000e+00> : vector<8xf32>
      %reduce_sum3A_2294 = vector.multi_reduction <add>, %slice3A_2278, %reduce_sum3A [1] : vector<8x128xf32> to vector<8xf32>
      %broadcast_in_dim3A = vector.shape_cast %reduce_sum3A_2294 : vector<8xf32> to vector<8x1xf32>
      %div3A = arith.constant 1.280000e+02 : f32
      %div3A_2295 = vector.broadcast %div3A : f32 to vector<8x1xf32>
      %div3A_2296 = arith.divf %broadcast_in_dim3A, %div3A_2295 : vector<8x1xf32>
      %sub3A = arith.subf %div3A_2296, %get3A_2293 : vector<8x1xf32>
      %broadcast_in_dim3A_2297 = vector.shape_cast %sub3A : vector<8x1xf32> to vector<8x1xf32>
      %broadcast_in_dim3A_2298 = vector.broadcast %broadcast_in_dim3A_2297 : vector<8x1xf32> to vector<8x128xf32>
      %swap3A_2299 = arith.constant 0 : index
      %swap3A_2300 = arith.constant 0 : index
      %swap3A_2301 = vector.load %arg13[%swap3A_2299, %swap3A_2300] : memref<8x128xf32, #tpu.memory_space<vmem>>, vector<8x128xf32>
      tpu.vector_store %arg13[%swap3A_2299, %swap3A_2300], %broadcast_in_dim3A_2298 {strides = array<i32>} : memref<8x128xf32, #tpu.memory_space<vmem>>, vector<8x128xf32>,
    } else {
    }
    return
  }
  func.func @transform_0(%arg0: i32) -> (i32, i32, i32) {
    %min3A = arith.constant 7 : i32
    %min3A_0 = arith.minsi %arg0, %min3A : i32
    %c0_i32 = arith.constant 0 : i32
    %c0_i32_1 = arith.constant 0 : i32
    %c0_i32_2 = arith.constant 0 : i32
    return %min3A_0, %c0_i32, %c0_i32_1 : i32, i32, i32
  }
  func.func @transform_1(%arg0: i32) -> (i32, i32, i32) {
    %min3A = arith.constant 7 : i32
    %min3A_0 = arith.minsi %arg0, %min3A : i32
    %c0_i32 = arith.constant 0 : i32
    %c0_i32_1 = arith.constant 0 : i32
    %c0_i32_2 = arith.constant 0 : i32
    return %min3A_0, %c0_i32, %c0_i32_1 : i32, i32, i32
  }
  func.func @transform_2(%arg0: i32) -> (i32, i32) {
    %c0_i32 = arith.constant 0 : i32
    %c0_i32_0 = arith.constant 0 : i32
    %c0_i32_1 = arith.constant 0 : i32
    return %c0_i32, %c0_i32_0 : i32, i32
  }
  func.func @transform_3(%arg0: i32) -> (i32, i32) {
    %c0_i32 = arith.constant 0 : i32
    %c0_i32_0 = arith.constant 0 : i32
    %c0_i32_1 = arith.constant 0 : i32
    return %c0_i32, %c0_i32_0 : i32, i32
  }
  func.func @transform_4(%arg0: i32) -> (i32, i32) {
    %c0_i32 = arith.constant 0 : i32
    %c0_i32_0 = arith.constant 0 : i32
    %c0_i32_1 = arith.constant 0 : i32
    return %c0_i32, %c0_i32_0 : i32, i32
  }
  func.func @transform_5(%arg0: i32) -> (i32, i32) {
    %c0_i32 = arith.constant 0 : i32
    %c0_i32_0 = arith.constant 0 : i32
    %c0_i32_1 = arith.constant 0 : i32
    return %c0_i32, %c0_i32_0 : i32, i32
  }
  func.func @transform_6(%arg0: i32) -> (i32, i32, i32) {
    %min3A = arith.constant 7 : i32
    %min3A_0 = arith.minsi %arg0, %min3A : i32
    %c0_i32 = arith.constant 0 : i32
    %c0_i32_1 = arith.constant 0 : i32
    %c0_i32_2 = arith.constant 0 : i32
    return %min3A_0, %c0_i32, %c0_i32_1 : i32, i32, i32
  }
  func.func @transform_7(%arg0: i32) -> (i32, i32, i32) {
    %min3A = arith.constant 7 : i32
    %min3A_0 = arith.minsi %arg0, %min3A : i32
    %c0_i32 = arith.constant 0 : i32
    %c0_i32_1 = arith.constant 0 : i32
    %c0_i32_2 = arith.constant 0 : i32
    return %min3A_0, %c0_i32, %c0_i32_1 : i32, i32, i32
  }
  func.func @transform_8(%arg0: i32) -> (i32, i32, i32) {
    %min3A = arith.constant 7 : i32
    %min3A_0 = arith.minsi %arg0, %min3A : i32
    %c0_i32 = arith.constant 0 : i32
    %c0_i32_1 = arith.constant 0 : i32
    %c0_i32_2 = arith.constant 0 : i32
    return %min3A_0, %c0_i32, %c0_i32_1 : i32, i32, i32
  }
  func.func @transform_9(%arg0: i32) -> (i32, i32) {
    %c0_i32 = arith.constant 0 : i32
    %c0_i32_0 = arith.constant 0 : i32
    %c0_i32_1 = arith.constant 0 : i32
    return %c0_i32, %c0_i32_0 : i32, i32
  }
  func.func @transform_10(%arg0: i32) -> (i32, i32) {
    %c0_i32 = arith.constant 0 : i32
    %c0_i32_0 = arith.constant 0 : i32
    %c0_i32_1 = arith.constant 0 : i32
    return %c0_i32, %c0_i32_0 : i32, i32
  }
  func.func @transform_11(%arg0: i32) -> (i32, i32) {
    %c0_i32 = arith.constant 0 : i32
    %c0_i32_0 = arith.constant 0 : i32
    %c0_i32_1 = arith.constant 0 : i32
    return %c0_i32, %c0_i32_0 : i32, i32
  }
  func.func @transform_12(%arg0: i32) -> (i32, i32) {
    %c0_i32 = arith.constant 0 : i32
    %c0_i32_0 = arith.constant 0 : i32
    %c0_i32_1 = arith.constant 0 : i32
    return %c0_i32, %c0_i32_0 : i32, i32
  }
}

</mosaic_0001>

<sc_bundles>
// kernel: kernel.5.cloned.1.call-start
scs
__scs_entry_jumppad:
0x0: {  	(pc) =	sbr.rel $0x88, $3  }
0x1: {  	(tag) =	ssettag $0x0;
	lr =	simm.s32 $0x1  }
0x2: {  	[smem:$0x3F8E] =	sst lr;
	_ =	strace $0xD0000000  }
0x3: {  	_ = 	snop  }
0x4: {  	_ = 	snop  }
0x5: {  	_ = 	snop  }
0x6: {  	_ = 	snop  }
0x7: {  	_ = 	snop  }
__scs_overlays_trampoline_lowered:
0x8: {  	[smem:$0x3F9D] =	sst s0  }
0x9: {  	[smem:$0x3F9E] =	sst s1  }
0xa: {  	[smem:$0x3F9F] =	sst s2  }
0xb: {  	[smem:$0x3FA0] =	sst s3  }
0xc: {  	[smem:$0x3FA1] =	sst s4  }
0xd: {  	[smem:$0x3FA2] =	sst s5  }
0xe: {  	[smem:$0x3FA3] =	sst s6  }
0xf: {  	[smem:$0x3FA4] =	sst s7  }
0x10: {  	[smem:$0x3FA5] =	sst s8  }
0x11: {  	[smem:$0x3FA6] =	sst s9;
	s0 =	simm.s32 @!p0 $0x0  }
0x12: {  	s1 =	sld [smem:$0x3F8C];
	s0 =	simm.s32 @p0 $0x1  }
0x13: {  	[smem:$0x3FA7] =	sst s0;
	s0 =	simm.s32 @!p1 $0x0  }
0x14: {  	s2 =	sld [smem:$0x3F8B];
	s0 =	simm.s32 @p1 $0x1  }
0x15: {  	[smem:$0x3FA8] =	sst s0;
	s0 =	simm.s32 @!p2 $0x0  }
0x16: {  	s3 =	sld [smem:$0x3FDB];
	s0 =	simm.s32 @p2 $0x1  }
0x17: {  	s4 =	simm.s32 $0x1BF5;
	[smem:$0x3FAA] =	sst s0  }
0x18: {  	s0 =	sld [smem:$0x3F8D];
	_ =	swait.ge [sflag:s4], $0x0  }
0x19: {  	s7 =	sld [smem:$0x3F8E]  }
0x1a: {  	s8 =	sadd.s32 $0xFFFFE003, lr  }
0x1b: {  	s9 =	sadd.s32 $0xFFFFFEF7, lr;
	s5 =	simm.s32 $0xFFFFFFFF;
	p2 =	slt.u32 s8, $0xFFFFF086  }
0x1c: {  	p1 =	slt.u32 s9, $0xF7A;
	s5 =	simm.s32 @!p2 $0x0  }
0x1d: {  	s5 =	simm.s32 @p1 $0x1;
	p0 =	seq.s32 s7, s2  }
0x1e: {  	s7 =	smul.u32 @!p0 $0xF7A, s2;
	p2 =	seq.s32 @!p0 s5, $0x0  }
0x1f: {  	s9 =	smul.u32 $0xF7A, s1;
	s8 =	simm.s32 @!p0 $0x1BF5;
	p2 =	por !p2, p0  }
0x20: {  	[sflag:s8] =	ssyncset.s32 @!p0 $0xFFFFF086;
	s6 =	sadd.s32 @!p0 s3, s7;
	s7 =	simm.s32 @!p0 $0x108  }
0x21: {  	s3 =	sadd.s32 s3, s9;
	s6 =	sadd.s32 @!p0 $0x88, s6;
	s7 =	simm.s32 @p2 $0x1082  }
0x22: {  	[simem:s7], [sflag:s8] =	dma.local @!p0 [hbm:s6], $0xF7A  }
0x23: {  	s9 =	sor.u32 $0xD0000000, s2;
	s6 =	simm.s32 $0x108;
	_ =	swait.ge @!p0 [sflag:s8], $0x0  }
0x24: {  	s3 =	sadd.s32 $0x88, s3;
	s6 =	simm.s32 @!p1 $0x1082;
	[sflag:s4] =	ssyncset.s32 $0xFFFFF086  }
0x25: {  	[simem:s6], [sflag:s4] =	dma.local [hbm:s3], $0xF7A  }
0x26: {  	[smem:$0x3F8E] =	sst s1;
	(tag) =	ssettag s2;
	_ =	strace s9  }
0x27: {  	s1 =	sld [smem:$0x3F9E]  }
0x28: {  	s2 =	sld [smem:$0x3F9F]  }
0x29: {  	s4 =	sld [smem:$0x3FA1]  }
0x2a: {  	p0 =	seq.s32 s5, $0x0;
	s5 =	sld [smem:$0x3FA2]  }
0x2b: {  	s6 =	sld [smem:$0x3FA3]  }
0x2c: {  	s7 =	sld [smem:$0x3FA4]  }
0x2d: {  	s3 =	simm.s32 $0x108;
	s8 =	sld [smem:$0x3FA5]  }
0x2e: {  	s3 =	simm.s32 @!p0 $0x1082;
	s9 =	sld [smem:$0x3FA6]  }
0x2f: {  	lr =	sadd.s32 s0, s3;
	s0 =	sld [smem:$0x3F9D]  }
0x30: {  	s3 =	sld [smem:$0x3FA0]  }
0x31: {  	[smem:$0x3FA9] =	sst s10  }
0x32: {  	s10 =	sld [smem:$0x3FA7];
	_ =	sdelay $0x3  }
0x33: {  	p0 =	seq.s32 s10, $0x1;
	s10 =	sld [smem:$0x3FA9];
	_ =	sdelay $0x3  }
0x34: {  	[smem:$0x3FA9] =	sst s10  }
0x35: {  	s10 =	sld [smem:$0x3FA8];
	_ =	sdelay $0x3  }
0x36: {  	p1 =	seq.s32 s10, $0x1;
	s10 =	sld [smem:$0x3FA9];
	_ =	sdelay $0x3  }
0x37: {  	[smem:$0x3FA9] =	sst s10  }
0x38: {  	s10 =	sld [smem:$0x3FAA]  }
0x39: {  	_ = 	snop;
	(pc) =	sbr.ind lr, $3  }
0x3a: {  	_ = 	snop  }
0x3b: {  	_ = 	snop  }
0x3c: {  	p2 =	seq.s32 s10, $0x1;
	s10 =	sld [smem:$0x3FA9]  }
0x3d: {  	_ =	shalt  }
0x3e: {  	_ =	shalt  }
0x3f: {  	_ =	shalt  }
0x40: {  	_ =	shalt  }
0x41: {  	_ =	shalt  }
0x42: {  	_ =	shalt  }
0x43: {  	_ =	shalt  }
0x44: {  	_ =	shalt  }
0x45: {  	_ =	shalt  }
0x46: {  	_ =	shalt  }
0x47: {  	_ =	shalt  }
0x48: {  	_ =	shalt  }
0x49: {  	_ =	shalt  }
0x4a: {  	_ =	shalt  }
0x4b: {  	_ =	shalt  }
0x4c: {  	_ =	shalt  }
0x4d: {  	_ =	shalt  }
0x4e: {  	_ =	shalt  }
0x4f: {  	_ =	shalt  }
0x50: {  	_ =	shalt  }
0x51: {  	_ =	shalt  }
0x52: {  	_ =	shalt  }
0x53: {  	_ =	shalt  }
0x54: {  	_ =	shalt  }
0x55: {  	_ =	shalt  }
0x56: {  	_ =	shalt  }
0x57: {  	_ =	shalt  }
0x58: {  	_ =	shalt  }
0x59: {  	_ =	shalt  }
0x5a: {  	_ =	shalt  }
0x5b: {  	_ =	shalt  }
0x5c: {  	_ =	shalt  }
0x5d: {  	_ =	shalt  }
0x5e: {  	_ =	shalt  }
0x5f: {  	_ =	shalt  }
0x60: {  	_ =	shalt  }
0x61: {  	_ =	shalt  }
0x62: {  	_ =	shalt  }
0x63: {  	_ =	shalt  }
0x64: {  	_ =	shalt  }
0x65: {  	_ =	shalt  }
0x66: {  	_ =	shalt  }
0x67: {  	_ =	shalt  }
0x68: {  	_ =	shalt  }
0x69: {  	_ =	shalt  }
0x6a: {  	_ =	shalt  }
0x6b: {  	_ =	shalt  }
0x6c: {  	_ =	shalt  }
0x6d: {  	_ =	shalt  }
0x6e: {  	_ =	shalt  }
0x6f: {  	_ =	shalt  }
0x70: {  	_ =	shalt  }
0x71: {  	_ =	shalt  }
0x72: {  	_ =	shalt  }
0x73: {  	_ =	shalt  }
0x74: {  	_ =	shalt  }
0x75: {  	_ =	shalt  }
0x76: {  	_ =	shalt  }
0x77: {  	_ =	shalt  }
0x78: {  	_ =	shalt  }
0x79: {  	_ =	shalt  }
0x7a: {  	_ =	shalt  }
0x7b: {  	_ =	shalt  }
0x7c: {  	_ =	shalt  }
0x7d: {  	_ =	shalt  }
0x7e: {  	_ =	shalt  }
0x7f: {  	_ =	shalt  }
0x80: {  	_ =	shalt  }
0x81: {  	_ =	shalt  }
0x82: {  	_ =	shalt  }
0x83: {  	_ =	shalt  }
0x84: {  	_ =	shalt  }
0x85: {  	_ =	shalt  }
0x86: {  	_ =	shalt  }
0x87: {  	_ =	shalt  }
.Lfunc_end0:
.L_simem_size_0:
called_computation_lowered:
.L_overlay_start_0:
0x88: {  	s2 =	sld [smem:$0x3FD9]  }
0x89: {  	s3 =	sld [smem:$0x3FFE];
	_ =	sdelay $0x1  }
0x8a: {  	s1 =	srdreg.scid  }
0x8b: {  	s0 =	sand.u32 $0x1, s1  }
0x8c: {  	s14 =	sshll.u32 s0, $0xA;
	s2 =	sadd.s32 s3, s2  }
0x8d: {  	s2 =	sadd.s32 s2, s14  }
0x8e: {  	[smem:$0x3FB5] =	sst s2  }
0x8f: {  	_ = 	snop  }
0x90: {  	s2 =	sld [smem:$0x3FD0];
	_ =	sdelay $0x1  }
0x91: {  	s15 =	sld [smem:$0x3FC9]  }
0x92: {  	s5 =	simm.s32 $0xA;
	s6 =	simm.s32 $0x10;
	s4 =	sld [smem:$0x3FC8]  }
0x93: {  	[smem:s6], [sflag:s5] =	dma.local [hbm:s2], $0x1  }
0x94: {  	_ =	swait.eq [sflag:s5], $0x1  }
0x95: {  	[sflag:s5] =	ssyncset.done $0x0  }
0x96: {  	[sflag:s5] =	ssyncadd.s32 $0xFFFFFFFF  }
0x97: {  	s16 =	sld [smem:$0x10];
	(tm) =	ssettm $0x1  }
0x98: {  	s17 =	sld [smem:$0x3FFB];
	_ =	sdelay $0x3  }
0x99: {  	_ =	strace s17  }
0x9a: {  	s5 =	sld [smem:$0x3FFC];
	_ =	sdelay $0x3  }
0x9b: {  	_ =	strace s5  }
0x9c: {  	s5 =	sld [smem:$0x3FFD];
	_ =	sdelay $0x3  }
0x9d: {  	_ =	strace s5  }
0x9e: {  	_ =	strace $0x8FFFFFFF  }
0x9f: {  	s18 =	sld [smem:$0x3FDB];
	_ =	sdelay $0x1  }
0xa0: {  	s19 =	simm.s32 $_scs_section_size  }
0xa1: {  	s7 =	simm.s32 $_size__tile_overlayer_lowered;
	s8 =	simm.s32 $_tile_overlayer_lowered  }
0xa2: {  	s22 =	simm.s32 $0x1BFF;
	s21 =	sshll.u32 s8, $0x1;
	s5 =	sadd.s32 s19, s18  }
0xa3: {  	s9 =	simm.s32 $0x0;
	s20 =	sshll.u32 s7, $0x1;
	s7 =	sadd.s32 s21, s5  }
0xa4: {  	[timem:s9], [sflag:s22] =	dma.local [hbm:s7], s20  }
0xa5: {  	_ =	swait.ge [sflag:s22], s20  }
0xa6: {  	s6 =	ssub.s32 $0x0, s20;
	[sflag:s22] =	ssyncset.done $0x0  }
0xa7: {  	[sflag:s22] =	ssyncadd.s32 s6;
	_ =	sdelay $0x1  }
0xa8: {  	s23 =	simm.s32 $0x1B8B  }
0xa9: {  	_ =	swait.ge [sflag:s23], $0x1  }
0xaa: {  	[sflag:s23] =	ssyncset.done $0x0  }
0xab: {  	s25 =	simm.s32 $0x1B8E;
	s24 =	sld [smem:$0x3FFE];
	[sflag:s23] =	ssyncadd.s32 $0xFFFFFFFF  }
0xac: {  	s26 =	simm.s32 $execute0_lowered;
	[smem:$0x3FD2] =	sst s25  }
0xad: {  	s7 =	sshll.u32 s26, $0x1;
	_ =	strace $0x80000046;
	[dreg:$0x1] =	wrdreg $0xFFFFFFFF  }
0xae: {  	s28 =	simm.s32 $_size_execute0_lowered;
	s5 =	sadd.s32 s5, s7;
	[dreg:$0x0] =	wrdreg $0x0  }
0xaf: {  	s7 =	sshll.u32 s28, $0x1;
	[dreg:$0x2] =	wrdreg s5  }
0xb0: {  	[dreg:$0x3] =	wrdreg s7  }
0xb1: {  	[dreg:$0x4] =	wrdreg $0xC0  }
0xb2: {  	_ =	task [dreg:s9], $0x5FFFF  }
0xb3: {  	[dreg:$0x1] =	wrdreg $0xFFFFFFFF  }
0xb4: {  	[dreg:$0x0] =	wrdreg $0x60  }
0xb5: {  	[dreg:$0x2] =	wrdreg s24  }
0xb6: {  	[dreg:$0x3] =	wrdreg s4  }
0xb7: {  	[dreg:$0x4] =	wrdreg s15  }
0xb8: {  	[dreg:$0x5] =	wrdreg s16  }
0xb9: {  	[dreg:$0x6] =	wrdreg $0x9  }
0xba: {  	_ =	task.clear_ibuf [dreg:s9], $0x7FFFF;
	_ =	strace $0x90000046  }
0xbb: {  	s29 =	simm.s32 $0x9;
	_ =	strace $0x80000048  }
0xbc: {  	_ =	swait.ge [sflag:s29], $0x1  }
0xbd: {  	[sflag:s29] =	ssyncadd.s32 $0xFFFFFFFF  }
0xbe: {  	_ =	strace $0x90000048  }
0xbf: {  	_ =	sfence  }
0xc0: {  	s30 =	sld [smem:$0x0];
	_ =	sdelay $0x2  }
0xc1: {  	s31 =	sshll.u32 s1, $0xD;
	s1 =	sshrl.u32 s1, $0x2  }
0xc2: {  	s3 =	sand.u32 $0x4000, s31;
	s1 =	sadd.s32 s1, s30  }
0xc3: {  	s0 =	sor.u32 s3, s0;
	s1 =	sshll.u32 s1, $0x11  }
0xc4: {  	s0 =	sor.u32 s1, s0  }
0xc5: {  	s0 =	sadd.s32 $0x8F2B, s0  }
0xc6: {  	[sflag:s0] =	ssyncadd.remote.s32 $0x1  }
0xc7: {  	_ =	sfence.sel $0xFFFF  }
0xc8: {  	[dreg:$0x0] =	wrdreg $0xFFFFFFFF;
	(pc) =	sbr.abs _section_cstart, $3  }
0xc9: {  	[dreg:$0x1] =	wrdreg $0xFFFFFFFF  }
0xca: {  	_ =	task.clear_ibuf [dreg:s9], $0x2FFFF;
	_ =	strace $0x9FFFFFFF  }
0xcb: {  	(tm) =	ssettm $0x7FFFFFFF  }
tec
execute0_lowered:
.L_overlay_start_1:
0x0: {  	(tag) =	ssettag $0x1  }
0x1: {  	s0 =	stileid.u32;
	s2 =	rddreg [dreg:$0x0]  }
0x2: {  	s3 =	srdreg.scid;
	s1 =	rddreg [dreg:$0x1]  }
0x3: {  	s7 =	rddreg [dreg:$0x3];
	s4 =	sshll.u32 s0, $0x1;
	s5 =	sand.u32 $0x1, s3  }
0x4: {  	s3 =	rddreg [dreg:$0x2];
	s6 =	sshrl.u32 s0, $0x1;
	s4 =	sand.u32 $0x2, s4  }
0x5: {  	s8 =	sshll.u32 s6, $0x7;
	s6 =	sshll.u32 s6, $0x4;
	s4 =	sor.u32 s5, s4  }
0x6: {  	s6 =	sadd.s32 s6, s2;
	s9 =	sshll.u32 s4, $0x5;
	s4 =	simm.s32 $0x0  }
0x7: {  	s6 =	sadd.s32 $0x2C00, s6;
	[smem:$0x7FF] =	sst s4  }
0x8: {  	s23 =	simm.s32 $0x80;
	_ =	strace $0x80000047;
	[dreg:$0x6] =	wrdreg s6  }
0x9: {  	s24 =	simm.s32 $0x2900;
	[dreg:$0x9] =	wrdreg s23  }
0xa: {  	s25 =	simm.s32 $0x3100;
	[dreg:$0xa] =	wrdreg s24  }
0xb: {  	s26 =	simm.s32 $0x3900;
	[dreg:$0xb] =	wrdreg s25  }
0xc: {  	s11 =	simm.s32 $0x7100;
	s0 =	simm.s32 $0x4100;
	[dreg:$0xc] =	wrdreg s26  }
0xd: {  	s12 =	simm.s32 $0x7900;
	s13 =	simm.s32 $0x8100;
	[dreg:$0xd] =	wrdreg s0  }
0xe: {  	s15 =	simm.s32 $0x8900;
	s16 =	simm.s32 $0x9100;
	[dreg:$0x13] =	wrdreg s11  }
0xf: {  	s17 =	simm.s32 $0x9900;
	s18 =	simm.s32 $0xA100;
	[dreg:$0x14] =	wrdreg s12  }
0x10: {  	s19 =	simm.s32 $0xA900;
	s20 =	simm.s32 $0xB100;
	[dreg:$0x15] =	wrdreg s13  }
0x11: {  	s21 =	simm.s32 $0xB900;
	s28 =	simm.s32 $0x3;
	[dreg:$0x16] =	wrdreg s15  }
0x12: {  	s29 =	simm.s32 $0x4;
	s30 =	simm.s32 $0x5;
	[dreg:$0x17] =	wrdreg s16  }
0x13: {  	s31 =	simm.s32 $0x1;
	s5 =	ssub.s32 $0x2, s5;
	[dreg:$0x18] =	wrdreg s17  }
0x14: {  	s14 =	sshrl.u32 s5, $0x1;
	s8 =	sor.u32 s8, s9;
	[dreg:$0x19] =	wrdreg s18  }
0x15: {  	s9 =	sshrl.u32 s8, $0x3;
	s10 =	sshll.u32 s8, $0x4;
	[dreg:$0x1a] =	wrdreg s19  }
0x16: {  	s8 =	sshll.u32 s8, $0x5;
	s6 =	simm.s32 $0x4900;
	[dreg:$0x1b] =	wrdreg s20  }
0x17: {  	s12 =	ssub.s32 s5, s14;
	s5 =	sadd.s32 $0x100, s3;
	[dreg:$0x1c] =	wrdreg s21  }
0x18: {  	s11 =	sadd.s32 $0x700, s3;
	s23 =	simm.s32 $0xC900;
	s24 =	simm.s32 $0xD100  }
0x19: {  	s13 =	simm.s32 $0x6;
	s25 =	simm.s32 $0xD900;
	s14 =	simm.s32 $0x2100  }
0x1a: {  	s26 =	simm.s32 $0xE100;
	s16 =	simm.s32 $0xF100;
	s17 =	simm.s32 $0xF900  }
0x1b: {  	s18 =	simm.s32 $0x10100;
	s19 =	simm.s32 $0x10900;
	[dreg:$0xe] =	wrdreg s6  }
0x1c: {  	s20 =	simm.s32 $0x11100;
	s21 =	simm.s32 $0x11900;
	[dreg:$0x1e] =	wrdreg s23  }
0x1d: {  	s9 =	sadd.s32 s9, s2;
	s2 =	sadd.s32 s10, s2;
	[dreg:$0x1f] =	wrdreg s24  }
0x1e: {  	s22 =	sadd.s32 s7, s8;
	s7 =	simm.s32 $0x5100;
	[smem:$0x7FC] =	sst s25  }
0x1f: {  	s8 =	simm.s32 $0x5900;
	s10 =	simm.s32 $0x6900;
	[smem:$0x7FD] =	sst s26  }
0x20: {  	s6 =	sadd.s32 $0x200, s3;
	s12 =	smax.u32 s12, $0x1;
	[dreg:$0x7] =	wrdreg s22  }
0x21: {  	s23 =	simm.s32 $0x900;
	s24 =	simm.s32 $0x1100;
	[dreg:$0xf] =	wrdreg s7  }
0x22: {  	s25 =	simm.s32 $0x1900;
	s26 =	simm.s32 $0x2;
	[dreg:$0x10] =	wrdreg s8  }
0x23: {  	s9 =	sadd.s32 $0x2A00, s9;
	s2 =	sadd.s32 $0x2E00, s2;
	[dreg:$0x12] =	wrdreg s10  }
0x24: {  	s7 =	sadd.s32 $0x300, s3;
	s8 =	sadd.s32 $0x400, s3;
	[dreg:$0x5] =	wrdreg s9  }
0x25: {  	v2 =	vlaneseq.u32;
	s10 =	sadd.s32 $0x600, s3;
	s22 =	simm.s32 $0xC100;
	[dreg:$0x8] =	wrdreg s2  }
0x26: {  	vm0 =	vmmov $0xffff;
	v1 =	vshrl.u32 v2, $0x3;
	s9 =	simm.s32 $0x6100;
	[dreg:$0x1d] =	wrdreg s22;
	s22 =	simm.s32 $0x100  }
0x27: {  	v0 =	vand.u32 $0x7, v2;
	v2 =	vor.u32 $0x8, v2;
	v1 =	vmul.u32 $0x8, v1;
	s2 =	simm.s32 $0x12100;
	[dreg:$0x11] =	wrdreg s9;
	s9 =	sadd.s32 $0x500, s3  }
.LBB2_1:
0x28: {  	s0 =	rddreg [dreg:$0x5]  }
0x29: {  	[tilespmem:s4], [sflag:$0x6] =	stream.linear.gather [hbm4b:s0+s4], $0x20, $0x38;
	[tilespmem:$0x13100] =	vst v63  }
0x2a: {  	_ =	swait.ge [sflag:s13], $0x20  }
0x2b: {  	s0 =	rddreg [dreg:$0x6];
	[sflag:s13] =	ssyncset.done $0x0  }
0x2c: {  	s15 =	rddreg [dreg:$0x9];
	[sflag:s13] =	ssyncadd.s32 $0xFFFFFFE0  }
0x2d: {  	[tilespmem:s15], [sflag:$0x6] =	stream.linear.gather [hbm4b:s0+s4], $0x80, $0x38;
	[tilespmem:$0x13100] =	vst v63  }
0x2e: {  	_ =	swait.ge [sflag:s13], $0x80  }
0x2f: {  	[sflag:s13] =	ssyncset.done $0x0  }
0x30: {  	[sflag:s13] =	ssyncadd.s32 $0xFFFFFF80  }
0x31: {  	v3 =	vld.msk [tilespmem:$0x0], $0xff;
	_ =	sdelay $0x4  }
0x32: {  	v4 =	vshll.u32 v3, $0x4  }
0x33: {  	v3 =	vand.u32 $0x7, v3;
	v4 =	vand.u32 $0xFFFFFF80, v4  }
0x34: {  	v3 =	vor.u32 v3, v4  }
0x35: {  	v3 =	vperm.xlane v3, v0;
	_ =	sdelay $0x1  }
0x36: {  	v3 =	vadd.s32 v1, v3;
	_ =	sdelay $0x4  }
0x37: {  	[tilespmem:s14], [sflag:$0x2] =	stream.indirect_vreg.gather [hbm4b:s3+s4], $0x80, v3, vm0, $0xb8;
	[tilespmem:$0x13100] =	vst v63  }
0x38: {  	s0 =	rddreg [dreg:$0xa]  }
0x39: {  	[tilespmem:s0], [sflag:$0x2] =	stream.indirect_vreg.gather [hbm4b:s5+s4], $0x80, v3, vm0, $0xb8;
	[tilespmem:$0x13100] =	vst v63  }
0x3a: {  	s15 =	rddreg [dreg:$0xb]  }
0x3b: {  	[tilespmem:s15], [sflag:$0x2] =	stream.indirect_vreg.gather [hbm4b:s6+s4], $0x80, v3, vm0, $0xb8;
	[tilespmem:$0x13100] =	vst v63  }
0x3c: {  	s0 =	rddreg [dreg:$0xc]  }
0x3d: {  	[tilespmem:s0], [sflag:$0x2] =	stream.indirect_vreg.gather [hbm4b:s7+s4], $0x80, v3, vm0, $0xb8;
	[tilespmem:$0x13100] =	vst v63  }
0x3e: {  	s15 =	rddreg [dreg:$0xd]  }
0x3f: {  	[tilespmem:s15], [sflag:$0x2] =	stream.indirect_vreg.gather [hbm4b:s8+s4], $0x80, v3, vm0, $0xb8;
	[tilespmem:$0x13100] =	vst v63  }
0x40: {  	s0 =	rddreg [dreg:$0xe]  }
0x41: {  	[tilespmem:s0], [sflag:$0x2] =	stream.indirect_vreg.gather [hbm4b:s9+s4], $0x80, v3, vm0, $0xb8;
	[tilespmem:$0x13100] =	vst v63  }
0x42: {  	s15 =	rddreg [dreg:$0xf]  }
0x43: {  	[tilespmem:s15], [sflag:$0x2] =	stream.indirect_vreg.gather [hbm4b:s10+s4], $0x80, v3, vm0, $0xb8;
	[tilespmem:$0x13100] =	vst v63  }
0x44: {  	s0 =	rddreg [dreg:$0x10]  }
0x45: {  	[tilespmem:s0], [sflag:$0x2] =	stream.indirect_vreg.gather [hbm4b:s11+s4], $0x80, v3, vm0, $0xb8;
	[tilespmem:$0x13100] =	vst v63  }
0x46: {  	v3 =	vld.msk [tilespmem:$0x8], $0xff;
	_ =	sdelay $0x4  }
0x47: {  	v43 =	vshll.u32 v3, $0x4  }
0x48: {  	v3 =	vand.u32 $0x7, v3;
	v4 =	vand.u32 $0xFFFFFF80, v43  }
0x49: {  	v3 =	vor.u32 v3, v4  }
0x4a: {  	v3 =	vperm.xlane v3, v0;
	_ =	sdelay $0x1  }
0x4b: {  	v3 =	vadd.s32 v1, v3;
	_ =	sdelay $0x3  }
0x4c: {  	s0 =	rddreg [dreg:$0x11]  }
0x4d: {  	[tilespmem:s0], [sflag:$0x3] =	stream.indirect_vreg.gather [hbm4b:s3+s4], $0x80, v3, vm0, $0xb8;
	[tilespmem:$0x13100] =	vst v63  }
0x4e: {  	s15 =	rddreg [dreg:$0x12]  }
0x4f: {  	[tilespmem:s15], [sflag:$0x3] =	stream.indirect_vreg.gather [hbm4b:s5+s4], $0x80, v3, vm0, $0xb8;
	[tilespmem:$0x13100] =	vst v63  }
0x50: {  	s0 =	rddreg [dreg:$0x13]  }
0x51: {  	[tilespmem:s0], [sflag:$0x3] =	stream.indirect_vreg.gather [hbm4b:s6+s4], $0x80, v3, vm0, $0xb8;
	[tilespmem:$0x13100] =	vst v63  }
0x52: {  	s15 =	rddreg [dreg:$0x14]  }
0x53: {  	[tilespmem:s15], [sflag:$0x3] =	stream.indirect_vreg.gather [hbm4b:s7+s4], $0x80, v3, vm0, $0xb8;
	[tilespmem:$0x13100] =	vst v63  }
0x54: {  	s0 =	rddreg [dreg:$0x15]  }
0x55: {  	[tilespmem:s0], [sflag:$0x3] =	stream.indirect_vreg.gather [hbm4b:s8+s4], $0x80, v3, vm0, $0xb8;
	[tilespmem:$0x13100] =	vst v63  }
0x56: {  	s15 =	rddreg [dreg:$0x16]  }
0x57: {  	[tilespmem:s15], [sflag:$0x3] =	stream.indirect_vreg.gather [hbm4b:s9+s4], $0x80, v3, vm0, $0xb8;
	[tilespmem:$0x13100] =	vst v63  }
0x58: {  	s0 =	rddreg [dreg:$0x17]  }
0x59: {  	[tilespmem:s0], [sflag:$0x3] =	stream.indirect_vreg.gather [hbm4b:s10+s4], $0x80, v3, vm0, $0xb8;
	[tilespmem:$0x13100] =	vst v63  }
0x5a: {  	s15 =	rddreg [dreg:$0x18]  }
0x5b: {  	[tilespmem:s15], [sflag:$0x3] =	stream.indirect_vreg.gather [hbm4b:s11+s4], $0x80, v3, vm0, $0xb8;
	[tilespmem:$0x13100] =	vst v63  }
0x5c: {  	v3 =	vld.msk [tilespmem:$0x10], $0xff;
	_ =	sdelay $0x4  }
0x5d: {  	v44 =	vshll.u32 v3, $0x4  }
0x5e: {  	v3 =	vand.u32 $0x7, v3;
	v4 =	vand.u32 $0xFFFFFF80, v44  }
0x5f: {  	v3 =	vor.u32 v3, v4  }
0x60: {  	v3 =	vperm.xlane v3, v0;
	_ =	sdelay $0x1  }
0x61: {  	v3 =	vadd.s32 v1, v3;
	_ =	sdelay $0x2  }
0x62: {  	s0 =	rddreg [dreg:$0x19]  }
0x63: {  	s15 =	rddreg [dreg:$0x1a]  }
0x64: {  	[tilespmem:s0], [sflag:$0x4] =	stream.indirect_vreg.gather [hbm4b:s3+s4], $0x80, v3, vm0, $0xb8;
	[tilespmem:$0x13100] =	vst v63  }
0x65: {  	s0 =	rddreg [dreg:$0x1b]  }
0x66: {  	[tilespmem:s15], [sflag:$0x4] =	stream.indirect_vreg.gather [hbm4b:s5+s4], $0x80, v3, vm0, $0xb8;
	[tilespmem:$0x13100] =	vst v63  }
0x67: {  	s15 =	rddreg [dreg:$0x1c]  }
0x68: {  	[tilespmem:s0], [sflag:$0x4] =	stream.indirect_vreg.gather [hbm4b:s6+s4], $0x80, v3, vm0, $0xb8;
	[tilespmem:$0x13100] =	vst v63  }
0x69: {  	s0 =	rddreg [dreg:$0x1d]  }
0x6a: {  	[tilespmem:s15], [sflag:$0x4] =	stream.indirect_vreg.gather [hbm4b:s7+s4], $0x80, v3, vm0, $0xb8;
	[tilespmem:$0x13100] =	vst v63  }
0x6b: {  	s15 =	rddreg [dreg:$0x1e]  }
0x6c: {  	[tilespmem:s0], [sflag:$0x4] =	stream.indirect_vreg.gather [hbm4b:s8+s4], $0x80, v3, vm0, $0xb8;
	[tilespmem:$0x13100] =	vst v63  }
0x6d: {  	s0 =	rddreg [dreg:$0x1f]  }
0x6e: {  	[tilespmem:s15], [sflag:$0x4] =	stream.indirect_vreg.gather [hbm4b:s9+s4], $0x80, v3, vm0, $0xb8;
	[tilespmem:$0x13100] =	vst v63  }
0x6f: {  	s15 =	sld [smem:$0x7FC]  }
0x70: {  	[tilespmem:s0], [sflag:$0x4] =	stream.indirect_vreg.gather [hbm4b:s10+s4], $0x80, v3, vm0, $0xb8;
	[tilespmem:$0x13100] =	vst v63  }
0x71: {  	_ = 	snop  }
0x72: {  	[tilespmem:s15], [sflag:$0x4] =	stream.indirect_vreg.gather [hbm4b:s11+s4], $0x80, v3, vm0, $0xb8;
	[tilespmem:$0x13100] =	vst v63  }
0x73: {  	v3 =	vld.msk [tilespmem:$0x18], $0xff;
	_ =	sdelay $0x4  }
0x74: {  	v45 =	vshll.u32 v3, $0x4  }
0x75: {  	v3 =	vand.u32 $0x7, v3;
	v4 =	vand.u32 $0xFFFFFF80, v45  }
0x76: {  	v3 =	vor.u32 v3, v4  }
0x77: {  	v3 =	vperm.xlane v3, v0;
	_ =	sdelay $0x1  }
0x78: {  	v3 =	vadd.s32 v1, v3;
	_ =	sdelay $0x1  }
0x79: {  	s15 =	sld [smem:$0x7FD];
	_ =	sdelay $0x2  }
0x7a: {  	[tilespmem:s15], [sflag:$0x5] =	stream.indirect_vreg.gather [hbm4b:s3+s4], $0x80, v3, vm0, $0xb8;
	[tilespmem:$0x13100] =	vst v63  }
0x7b: {  	s15 =	simm.s32 $0xE900  }
0x7c: {  	[tilespmem:s15], [sflag:$0x5] =	stream.indirect_vreg.gather [hbm4b:s5+s4], $0x80, v3, vm0, $0xb8;
	[tilespmem:$0x13100] =	vst v63  }
0x7d: {  	_ = 	snop  }
0x7e: {  	[tilespmem:s16], [sflag:$0x5] =	stream.indirect_vreg.gather [hbm4b:s6+s4], $0x80, v3, vm0, $0xb8;
	[tilespmem:$0x13100] =	vst v63  }
0x7f: {  	_ = 	snop  }
0x80: {  	[tilespmem:s17], [sflag:$0x5] =	stream.indirect_vreg.gather [hbm4b:s7+s4], $0x80, v3, vm0, $0xb8;
	[tilespmem:$0x13100] =	vst v63  }
0x81: {  	_ = 	snop  }
0x82: {  	[tilespmem:s18], [sflag:$0x5] =	stream.indirect_vreg.gather [hbm4b:s8+s4], $0x80, v3, vm0, $0xb8;
	[tilespmem:$0x13100] =	vst v63  }
0x83: {  	_ = 	snop  }
0x84: {  	[tilespmem:s19], [sflag:$0x5] =	stream.indirect_vreg.gather [hbm4b:s9+s4], $0x80, v3, vm0, $0xb8;
	[tilespmem:$0x13100] =	vst v63  }
0x85: {  	_ = 	snop  }
0x86: {  	[tilespmem:s20], [sflag:$0x5] =	stream.indirect_vreg.gather [hbm4b:s10+s4], $0x80, v3, vm0, $0xb8;
	[tilespmem:$0x13100] =	vst v63  }
0x87: {  	_ = 	snop  }
0x88: {  	[tilespmem:s21], [sflag:$0x5] =	stream.indirect_vreg.gather [hbm4b:s11+s4], $0x80, v3, vm0, $0xb8;
	[tilespmem:$0x13100] =	vst v63  }
0x89: {  	v3 =	vld [tilespmem:$0x0];
	_ =	sdelay $0x4  }
0x8a: {  	v46 =	vshll.u32 v3, $0x1  }
0x8b: {  	v3 =	vand.u32 $0x7, v3;
	v4 =	vand.u32 $0xFFFFFFF0, v46  }
0x8c: {  	v3 =	vor.u32 v3, v4  }
0x8d: {  	v4 =	vperm.xlane v3, v0;
	_ =	sdelay $0x1  }
0x8e: {  	v3 =	vperm.xlane v3, v2;
	v4 =	vadd.s32 v1, v4;
	_ =	sdelay $0x1  }
0x8f: {  	v3 =	vadd.s32 v1, v3;
	_ =	sdelay $0x2  }
0x90: {  	[tilespmem:s22], [sflag:$0x1] =	stream.indirect_vreg.gather [hbm4b:s1+s4], $0x80, v4, vm0, $0xb8;
	[tilespmem:$0x13100] =	vst v63  }
0x91: {  	_ = 	snop  }
0x92: {  	[tilespmem:s23], [sflag:$0x1] =	stream.indirect_vreg.gather [hbm4b:s1+s4], $0x80, v3, vm0, $0xb8;
	[tilespmem:$0x13100] =	vst v63  }
0x93: {  	v3 =	vld [tilespmem:$0x10];
	_ =	sdelay $0x4  }
0x94: {  	v47 =	vshll.u32 v3, $0x1  }
0x95: {  	v3 =	vand.u32 $0x7, v3;
	v4 =	vand.u32 $0xFFFFFFF0, v47  }
0x96: {  	v3 =	vor.u32 v3, v4  }
0x97: {  	v4 =	vperm.xlane v3, v0;
	_ =	sdelay $0x1  }
0x98: {  	v3 =	vperm.xlane v3, v2;
	v4 =	vadd.s32 v1, v4;
	_ =	sdelay $0x1  }
0x99: {  	v3 =	vadd.s32 v1, v3;
	_ =	sdelay $0x2  }
0x9a: {  	[tilespmem:s24], [sflag:$0x1] =	stream.indirect_vreg.gather [hbm4b:s1+s4], $0x80, v4, vm0, $0xb8;
	[tilespmem:$0x13100] =	vst v63  }
0x9b: {  	_ = 	snop  }
0x9c: {  	[tilespmem:s25], [sflag:$0x1] =	stream.indirect_vreg.gather [hbm4b:s1+s4], $0x80, v3, vm0, $0xb8;
	[tilespmem:$0x13100] =	vst v63  }
0x9d: {  	v3 =	vld [tilespmem:$0x80];
	_ =	sdelay $0x2  }
0x9e: {  	v4 =	vld [tilespmem:$0x90]  }
0x9f: {  	v5 =	vld [tilespmem:$0xA0]  }
0xa0: {  	v6 =	vld [tilespmem:$0xB0];
	v8 =	vshll.u32 v3, $0x3  }
0xa1: {  	v7 =	vld [tilespmem:$0xC0];
	v3 =	vand.u32 $0x7F, v3;
	v8 =	vand.u32 $0xFFFFFC00, v8  }
0xa2: {  	v9 =	vld [tilespmem:$0xD0];
	v3 =	vor.u32 v3, v8  }
0xa3: {  	v10 =	vld [tilespmem:$0xE0]  }
0xa4: {  	v11 =	vld [tilespmem:$0xF0];
	_ =	swait.ge [sflag:s26], $0x4000  }
0xa5: {  	[sflag:s26] =	ssyncset.done $0x0  }
0xa6: {  	[sflag:s26] =	ssyncadd.s32 $0xFFFFC000;
	v48 =	vshll.u32 v4, $0x3  }
0xa7: {  	v4 =	vand.u32 $0x7F, v4;
	v8 =	vand.u32 $0xFFFFFC00, v48;
	v12 =	vld.idx.msk [tilespmem:v3+s14+$0x0], $0xffff  }
0xa8: {  	v4 =	vor.u32 v4, v8;
	_ =	sdelay $0x3  }
0xa9: {  	v49 =	vshll.u32 v5, $0x3;
	[tilespmem:$0x12100] =	vst v12  }
0xaa: {  	v5 =	vand.u32 $0x7F, v5;
	v8 =	vand.u32 $0xFFFFFC00, v49;
	v12 =	vld.idx.msk [tilespmem:v4+s14+$0x0], $0xffff  }
0xab: {  	v5 =	vor.u32 v5, v8;
	_ =	sdelay $0x3  }
0xac: {  	v50 =	vshll.u32 v6, $0x3;
	[tilespmem:$0x12110] =	vst v12  }
0xad: {  	v6 =	vand.u32 $0x7F, v6;
	v8 =	vand.u32 $0xFFFFFC00, v50;
	v12 =	vld.idx.msk [tilespmem:v5+s14+$0x0], $0xffff  }
0xae: {  	v6 =	vor.u32 v6, v8;
	_ =	sdelay $0x3  }
0xaf: {  	v51 =	vshll.u32 v7, $0x3;
	[tilespmem:$0x12120] =	vst v12  }
0xb0: {  	v7 =	vand.u32 $0x7F, v7;
	v8 =	vand.u32 $0xFFFFFC00, v51;
	v12 =	vld.idx.msk [tilespmem:v6+s14+$0x0], $0xffff  }
0xb1: {  	v7 =	vor.u32 v7, v8;
	_ =	sdelay $0x3  }
0xb2: {  	v52 =	vshll.u32 v9, $0x3;
	[tilespmem:$0x12130] =	vst v12  }
0xb3: {  	v9 =	vand.u32 $0x7F, v9;
	v8 =	vand.u32 $0xFFFFFC00, v52;
	v12 =	vld.idx.msk [tilespmem:v7+s14+$0x0], $0xffff  }
0xb4: {  	v8 =	vor.u32 v9, v8;
	_ =	sdelay $0x3  }
0xb5: {  	v53 =	vshll.u32 v10, $0x3;
	[tilespmem:$0x12140] =	vst v12  }
0xb6: {  	v10 =	vand.u32 $0x7F, v10;
	v9 =	vand.u32 $0xFFFFFC00, v53;
	v12 =	vld.idx.msk [tilespmem:v8+s14+$0x0], $0xffff  }
0xb7: {  	v9 =	vor.u32 v10, v9;
	_ =	sdelay $0x3  }
0xb8: {  	v54 =	vshll.u32 v11, $0x3;
	[tilespmem:$0x12150] =	vst v12  }
0xb9: {  	v11 =	vand.u32 $0x7F, v11;
	v10 =	vand.u32 $0xFFFFFC00, v54;
	v12 =	vld.idx.msk [tilespmem:v9+s14+$0x0], $0xffff  }
0xba: {  	v10 =	vor.u32 v11, v10;
	_ =	sdelay $0x3  }
0xbb: {  	[tilespmem:$0x12160] =	vst v12  }
0xbc: {  	v11 =	vld.idx.msk [tilespmem:v10+s14+$0x0], $0xffff  }
0xbd: {  	v55 =	vor.u32 $0x80, v3;
	_ =	sdelay $0x3  }
0xbe: {  	[tilespmem:$0x12170] =	vst v11  }
0xbf: {  	v11 =	vld.idx.msk [tilespmem:v55+s14+$0x0], $0xffff  }
0xc0: {  	v56 =	vor.u32 $0x80, v4;
	_ =	sdelay $0x3  }
0xc1: {  	[tilespmem:$0x12180] =	vst v11  }
0xc2: {  	v11 =	vld.idx.msk [tilespmem:v56+s14+$0x0], $0xffff  }
0xc3: {  	v57 =	vor.u32 $0x80, v5;
	_ =	sdelay $0x3  }
0xc4: {  	[tilespmem:$0x12190] =	vst v11  }
0xc5: {  	v11 =	vld.idx.msk [tilespmem:v57+s14+$0x0], $0xffff  }
0xc6: {  	v58 =	vor.u32 $0x80, v6;
	_ =	sdelay $0x3  }
0xc7: {  	[tilespmem:$0x121A0] =	vst v11  }
0xc8: {  	v11 =	vld.idx.msk [tilespmem:v58+s14+$0x0], $0xffff  }
0xc9: {  	v59 =	vor.u32 $0x80, v7;
	_ =	sdelay $0x3  }
0xca: {  	[tilespmem:$0x121B0] =	vst v11  }
0xcb: {  	v11 =	vld.idx.msk [tilespmem:v59+s14+$0x0], $0xffff  }
0xcc: {  	v60 =	vor.u32 $0x80, v8;
	_ =	sdelay $0x3  }
0xcd: {  	[tilespmem:$0x121C0] =	vst v11  }
0xce: {  	v11 =	vld.idx.msk [tilespmem:v60+s14+$0x0], $0xffff  }
0xcf: {  	v61 =	vor.u32 $0x80, v9;
	_ =	sdelay $0x3  }
0xd0: {  	[tilespmem:$0x121D0] =	vst v11  }
0xd1: {  	v11 =	vld.idx.msk [tilespmem:v61+s14+$0x0], $0xffff  }
0xd2: {  	v62 =	vor.u32 $0x80, v10;
	_ =	sdelay $0x3  }
0xd3: {  	[tilespmem:$0x121E0] =	vst v11  }
0xd4: {  	v11 =	vld.idx.msk [tilespmem:v62+s14+$0x0], $0xffff  }
0xd5: {  	v63 =	vor.u32 $0x100, v3;
	_ =	sdelay $0x3  }
0xd6: {  	[tilespmem:$0x121F0] =	vst v11  }
0xd7: {  	v11 =	vld.idx.msk [tilespmem:v63+s14+$0x0], $0xffff  }
0xd8: {  	v16 =	vor.u32 $0x100, v4;
	_ =	sdelay $0x3  }
0xd9: {  	[tilespmem:$0x12200] =	vst v11  }
0xda: {  	v11 =	vld.idx.msk [tilespmem:v16+s14+$0x0], $0xffff  }
0xdb: {  	v17 =	vor.u32 $0x100, v5;
	_ =	sdelay $0x3  }
0xdc: {  	[tilespmem:$0x12210] =	vst v11  }
0xdd: {  	v11 =	vld.idx.msk [tilespmem:v17+s14+$0x0], $0xffff  }
0xde: {  	v18 =	vor.u32 $0x100, v6;
	_ =	sdelay $0x3  }
0xdf: {  	[tilespmem:$0x12220] =	vst v11  }
0xe0: {  	v11 =	vld.idx.msk [tilespmem:v18+s14+$0x0], $0xffff  }
0xe1: {  	v19 =	vor.u32 $0x100, v7;
	_ =	sdelay $0x3  }
0xe2: {  	[tilespmem:$0x12230] =	vst v11  }
0xe3: {  	v11 =	vld.idx.msk [tilespmem:v19+s14+$0x0], $0xffff  }
0xe4: {  	v20 =	vor.u32 $0x100, v8;
	_ =	sdelay $0x3  }
0xe5: {  	[tilespmem:$0x12240] =	vst v11  }
0xe6: {  	v11 =	vld.idx.msk [tilespmem:v20+s14+$0x0], $0xffff  }
0xe7: {  	v21 =	vor.u32 $0x100, v9;
	_ =	sdelay $0x3  }
0xe8: {  	[tilespmem:$0x12250] =	vst v11  }
0xe9: {  	v11 =	vld.idx.msk [tilespmem:v21+s14+$0x0], $0xffff  }
0xea: {  	v22 =	vor.u32 $0x100, v10;
	_ =	sdelay $0x3  }
0xeb: {  	[tilespmem:$0x12260] =	vst v11  }
0xec: {  	v11 =	vld.idx.msk [tilespmem:v22+s14+$0x0], $0xffff  }
0xed: {  	v23 =	vor.u32 $0x180, v3;
	_ =	sdelay $0x3  }
0xee: {  	[tilespmem:$0x12270] =	vst v11  }
0xef: {  	v11 =	vld.idx.msk [tilespmem:v23+s14+$0x0], $0xffff  }
0xf0: {  	v24 =	vor.u32 $0x180, v4;
	_ =	sdelay $0x3  }
0xf1: {  	[tilespmem:$0x12280] =	vst v11  }
0xf2: {  	v11 =	vld.idx.msk [tilespmem:v24+s14+$0x0], $0xffff  }
0xf3: {  	v25 =	vor.u32 $0x180, v5;
	_ =	sdelay $0x3  }
0xf4: {  	[tilespmem:$0x12290] =	vst v11  }
0xf5: {  	v11 =	vld.idx.msk [tilespmem:v25+s14+$0x0], $0xffff  }
0xf6: {  	v26 =	vor.u32 $0x180, v6;
	_ =	sdelay $0x3  }
0xf7: {  	[tilespmem:$0x122A0] =	vst v11  }
0xf8: {  	v11 =	vld.idx.msk [tilespmem:v26+s14+$0x0], $0xffff  }
0xf9: {  	v27 =	vor.u32 $0x180, v7;
	_ =	sdelay $0x3  }
0xfa: {  	[tilespmem:$0x122B0] =	vst v11  }
0xfb: {  	v11 =	vld.idx.msk [tilespmem:v27+s14+$0x0], $0xffff  }
0xfc: {  	v28 =	vor.u32 $0x180, v8;
	_ =	sdelay $0x3  }
0xfd: {  	[tilespmem:$0x122C0] =	vst v11  }
0xfe: {  	v11 =	vld.idx.msk [tilespmem:v28+s14+$0x0], $0xffff  }
0xff: {  	v29 =	vor.u32 $0x180, v9;
	_ =	sdelay $0x3  }
0x100: {  	[tilespmem:$0x122D0] =	vst v11  }
0x101: {  	v11 =	vld.idx.msk [tilespmem:v29+s14+$0x0], $0xffff  }
0x102: {  	v30 =	vor.u32 $0x180, v10;
	_ =	sdelay $0x3  }
0x103: {  	[tilespmem:$0x122E0] =	vst v11  }
0x104: {  	v11 =	vld.idx.msk [tilespmem:v30+s14+$0x0], $0xffff  }
0x105: {  	v31 =	vor.u32 $0x200, v3;
	_ =	sdelay $0x3  }
0x106: {  	[tilespmem:$0x122F0] =	vst v11  }
0x107: {  	v11 =	vld.idx.msk [tilespmem:v31+s14+$0x0], $0xffff  }
0x108: {  	v32 =	vor.u32 $0x200, v4;
	_ =	sdelay $0x3  }
0x109: {  	[tilespmem:$0x12300] =	vst v11  }
0x10a: {  	v11 =	vld.idx.msk [tilespmem:v32+s14+$0x0], $0xffff  }
0x10b: {  	v33 =	vor.u32 $0x200, v5;
	_ =	sdelay $0x3  }
0x10c: {  	[tilespmem:$0x12310] =	vst v11  }
0x10d: {  	v11 =	vld.idx.msk [tilespmem:v33+s14+$0x0], $0xffff  }
0x10e: {  	v34 =	vor.u32 $0x200, v6;
	_ =	sdelay $0x3  }
0x10f: {  	[tilespmem:$0x12320] =	vst v11  }
0x110: {  	v11 =	vld.idx.msk [tilespmem:v34+s14+$0x0], $0xffff  }
0x111: {  	v35 =	vor.u32 $0x200, v7;
	_ =	sdelay $0x3  }
0x112: {  	[tilespmem:$0x12330] =	vst v11  }
0x113: {  	v11 =	vld.idx.msk [tilespmem:v35+s14+$0x0], $0xffff  }
0x114: {  	v36 =	vor.u32 $0x200, v8;
	_ =	sdelay $0x3  }
0x115: {  	[tilespmem:$0x12340] =	vst v11  }
0x116: {  	v11 =	vld.idx.msk [tilespmem:v36+s14+$0x0], $0xffff  }
0x117: {  	v37 =	vor.u32 $0x200, v9;
	_ =	sdelay $0x3  }
0x118: {  	[tilespmem:$0x12350] =	vst v11  }
0x119: {  	v11 =	vld.idx.msk [tilespmem:v37+s14+$0x0], $0xffff  }
0x11a: {  	v38 =	vor.u32 $0x200, v10;
	_ =	sdelay $0x3  }
0x11b: {  	[tilespmem:$0x12360] =	vst v11  }
0x11c: {  	v11 =	vld.idx.msk [tilespmem:v38+s14+$0x0], $0xffff  }
0x11d: {  	v39 =	vor.u32 $0x280, v3;
	_ =	sdelay $0x3  }
0x11e: {  	[tilespmem:$0x12370] =	vst v11  }
0x11f: {  	v11 =	vld.idx.msk [tilespmem:v39+s14+$0x0], $0xffff  }
0x120: {  	v40 =	vor.u32 $0x280, v4;
	_ =	sdelay $0x3  }
0x121: {  	[tilespmem:$0x12380] =	vst v11  }
0x122: {  	v11 =	vld.idx.msk [tilespmem:v40+s14+$0x0], $0xffff  }
0x123: {  	v41 =	vor.u32 $0x280, v5;
	_ =	sdelay $0x3  }
0x124: {  	[tilespmem:$0x12390] =	vst v11  }
0x125: {  	v11 =	vld.idx.msk [tilespmem:v41+s14+$0x0], $0xffff  }
0x126: {  	v42 =	vor.u32 $0x280, v6;
	_ =	sdelay $0x3  }
0x127: {  	[tilespmem:$0x123A0] =	vst v11  }
0x128: {  	v11 =	vld.idx.msk [tilespmem:v42+s14+$0x0], $0xffff  }
0x129: {  	v43 =	vor.u32 $0x280, v7;
	_ =	sdelay $0x3  }
0x12a: {  	[tilespmem:$0x123B0] =	vst v11  }
0x12b: {  	v11 =	vld.idx.msk [tilespmem:v43+s14+$0x0], $0xffff  }
0x12c: {  	v44 =	vor.u32 $0x280, v8;
	_ =	sdelay $0x3  }
0x12d: {  	[tilespmem:$0x123C0] =	vst v11  }
0x12e: {  	v11 =	vld.idx.msk [tilespmem:v44+s14+$0x0], $0xffff  }
0x12f: {  	v45 =	vor.u32 $0x280, v9;
	_ =	sdelay $0x3  }
0x130: {  	[tilespmem:$0x123D0] =	vst v11  }
0x131: {  	v11 =	vld.idx.msk [tilespmem:v45+s14+$0x0], $0xffff  }
0x132: {  	v46 =	vor.u32 $0x280, v10;
	_ =	sdelay $0x3  }
0x133: {  	[tilespmem:$0x123E0] =	vst v11  }
0x134: {  	v11 =	vld.idx.msk [tilespmem:v46+s14+$0x0], $0xffff  }
0x135: {  	v47 =	vor.u32 $0x300, v3;
	_ =	sdelay $0x3  }
0x136: {  	[tilespmem:$0x123F0] =	vst v11  }
0x137: {  	v11 =	vld.idx.msk [tilespmem:v47+s14+$0x0], $0xffff  }
0x138: {  	v48 =	vor.u32 $0x300, v4;
	_ =	sdelay $0x3  }
0x139: {  	[tilespmem:$0x12400] =	vst v11  }
0x13a: {  	v11 =	vld.idx.msk [tilespmem:v48+s14+$0x0], $0xffff  }
0x13b: {  	v49 =	vor.u32 $0x300, v5;
	_ =	sdelay $0x3  }
0x13c: {  	[tilespmem:$0x12410] =	vst v11  }
0x13d: {  	v11 =	vld.idx.msk [tilespmem:v49+s14+$0x0], $0xffff  }
0x13e: {  	v50 =	vor.u32 $0x300, v6;
	_ =	sdelay $0x3  }
0x13f: {  	[tilespmem:$0x12420] =	vst v11  }
0x140: {  	v11 =	vld.idx.msk [tilespmem:v50+s14+$0x0], $0xffff  }
0x141: {  	v51 =	vor.u32 $0x300, v7;
	_ =	sdelay $0x3  }
0x142: {  	[tilespmem:$0x12430] =	vst v11  }
0x143: {  	v11 =	vld.idx.msk [tilespmem:v51+s14+$0x0], $0xffff  }
0x144: {  	v52 =	vor.u32 $0x300, v8;
	_ =	sdelay $0x3  }
0x145: {  	[tilespmem:$0x12440] =	vst v11  }
0x146: {  	v11 =	vld.idx.msk [tilespmem:v52+s14+$0x0], $0xffff  }
0x147: {  	v53 =	vor.u32 $0x300, v9;
	_ =	sdelay $0x3  }
0x148: {  	[tilespmem:$0x12450] =	vst v11  }
0x149: {  	v11 =	vld.idx.msk [tilespmem:v53+s14+$0x0], $0xffff  }
0x14a: {  	v54 =	vor.u32 $0x300, v10;
	_ =	sdelay $0x3  }
0x14b: {  	[tilespmem:$0x12460] =	vst v11  }
0x14c: {  	v11 =	vld.idx.msk [tilespmem:v54+s14+$0x0], $0xffff  }
0x14d: {  	v55 =	vor.u32 $0x380, v3;
	_ =	sdelay $0x3  }
0x14e: {  	[tilespmem:$0x12470] =	vst v11  }
0x14f: {  	v11 =	vld.idx.msk [tilespmem:v55+s14+$0x0], $0xffff  }
0x150: {  	v56 =	vor.u32 $0x380, v4;
	_ =	sdelay $0x3  }
0x151: {  	[tilespmem:$0x12480] =	vst v11  }
0x152: {  	v11 =	vld.idx.msk [tilespmem:v56+s14+$0x0], $0xffff  }
0x153: {  	v57 =	vor.u32 $0x380, v5;
	_ =	sdelay $0x3  }
0x154: {  	[tilespmem:$0x12490] =	vst v11  }
0x155: {  	v11 =	vld.idx.msk [tilespmem:v57+s14+$0x0], $0xffff  }
0x156: {  	v58 =	vor.u32 $0x380, v6;
	_ =	sdelay $0x3  }
0x157: {  	[tilespmem:$0x124A0] =	vst v11  }
0x158: {  	v11 =	vld.idx.msk [tilespmem:v58+s14+$0x0], $0xffff  }
0x159: {  	v59 =	vor.u32 $0x380, v7;
	_ =	sdelay $0x3  }
0x15a: {  	[tilespmem:$0x124B0] =	vst v11  }
0x15b: {  	v11 =	vld.idx.msk [tilespmem:v59+s14+$0x0], $0xffff  }
0x15c: {  	v60 =	vor.u32 $0x380, v8;
	_ =	sdelay $0x3  }
0x15d: {  	[tilespmem:$0x124C0] =	vst v11  }
0x15e: {  	v11 =	vld.idx.msk [tilespmem:v60+s14+$0x0], $0xffff  }
0x15f: {  	v61 =	vor.u32 $0x380, v9;
	_ =	sdelay $0x3  }
0x160: {  	[tilespmem:$0x124D0] =	vst v11  }
0x161: {  	v11 =	vld.idx.msk [tilespmem:v61+s14+$0x0], $0xffff  }
0x162: {  	v62 =	vor.u32 $0x380, v10;
	_ =	sdelay $0x3  }
0x163: {  	[tilespmem:$0x124E0] =	vst v11  }
0x164: {  	v11 =	vld.idx.msk [tilespmem:v62+s14+$0x0], $0xffff;
	_ =	sdelay $0x3  }
0x165: {  	v63 =	vadd.s32 $0x4000, v3  }
0x166: {  	[tilespmem:$0x124F0] =	vst v11  }
0x167: {  	_ =	swait.ge [sflag:s28], $0x4000  }
0x168: {  	[sflag:s28] =	ssyncset.done $0x0  }
0x169: {  	[sflag:s28] =	ssyncadd.s32 $0xFFFFC000  }
0x16a: {  	v16 =	vld.idx.msk [tilespmem:v63+s14+$0x0], $0xffff  }
0x16b: {  	v17 =	vadd.s32 $0x4000, v4;
	_ =	sdelay $0x3  }
0x16c: {  	[tilespmem:$0x12500] =	vst v16  }
0x16d: {  	v11 =	vld.idx.msk [tilespmem:v17+s14+$0x0], $0xffff  }
0x16e: {  	v18 =	vadd.s32 $0x4000, v5;
	_ =	sdelay $0x3  }
0x16f: {  	[tilespmem:$0x12510] =	vst v11  }
0x170: {  	v11 =	vld.idx.msk [tilespmem:v18+s14+$0x0], $0xffff  }
0x171: {  	v19 =	vadd.s32 $0x4000, v6;
	_ =	sdelay $0x3  }
0x172: {  	[tilespmem:$0x12520] =	vst v11  }
0x173: {  	v11 =	vld.idx.msk [tilespmem:v19+s14+$0x0], $0xffff  }
0x174: {  	v20 =	vadd.s32 $0x4000, v7;
	_ =	sdelay $0x3  }
0x175: {  	[tilespmem:$0x12530] =	vst v11  }
0x176: {  	v11 =	vld.idx.msk [tilespmem:v20+s14+$0x0], $0xffff  }
0x177: {  	v21 =	vadd.s32 $0x4000, v8;
	_ =	sdelay $0x3  }
0x178: {  	[tilespmem:$0x12540] =	vst v11  }
0x179: {  	v11 =	vld.idx.msk [tilespmem:v21+s14+$0x0], $0xffff  }
0x17a: {  	v22 =	vadd.s32 $0x4000, v9;
	_ =	sdelay $0x3  }
0x17b: {  	[tilespmem:$0x12550] =	vst v11  }
0x17c: {  	v11 =	vld.idx.msk [tilespmem:v22+s14+$0x0], $0xffff  }
0x17d: {  	v23 =	vadd.s32 $0x4000, v10;
	_ =	sdelay $0x3  }
0x17e: {  	[tilespmem:$0x12560] =	vst v11  }
0x17f: {  	v11 =	vld.idx.msk [tilespmem:v23+s14+$0x0], $0xffff  }
0x180: {  	v24 =	vadd.s32 $0x4080, v3;
	_ =	sdelay $0x3  }
0x181: {  	[tilespmem:$0x12570] =	vst v11  }
0x182: {  	v11 =	vld.idx.msk [tilespmem:v24+s14+$0x0], $0xffff  }
0x183: {  	v25 =	vadd.s32 $0x4080, v4;
	_ =	sdelay $0x3  }
0x184: {  	[tilespmem:$0x12580] =	vst v11  }
0x185: {  	v11 =	vld.idx.msk [tilespmem:v25+s14+$0x0], $0xffff  }
0x186: {  	v26 =	vadd.s32 $0x4080, v5;
	_ =	sdelay $0x3  }
0x187: {  	[tilespmem:$0x12590] =	vst v11  }
0x188: {  	v11 =	vld.idx.msk [tilespmem:v26+s14+$0x0], $0xffff  }
0x189: {  	v27 =	vadd.s32 $0x4080, v6;
	_ =	sdelay $0x3  }
0x18a: {  	[tilespmem:$0x125A0] =	vst v11  }
0x18b: {  	v11 =	vld.idx.msk [tilespmem:v27+s14+$0x0], $0xffff  }
0x18c: {  	v28 =	vadd.s32 $0x4080, v7;
	_ =	sdelay $0x3  }
0x18d: {  	[tilespmem:$0x125B0] =	vst v11  }
0x18e: {  	v11 =	vld.idx.msk [tilespmem:v28+s14+$0x0], $0xffff  }
0x18f: {  	v29 =	vadd.s32 $0x4080, v8;
	_ =	sdelay $0x3  }
0x190: {  	[tilespmem:$0x125C0] =	vst v11  }
0x191: {  	v11 =	vld.idx.msk [tilespmem:v29+s14+$0x0], $0xffff  }
0x192: {  	v30 =	vadd.s32 $0x4080, v9;
	_ =	sdelay $0x3  }
0x193: {  	[tilespmem:$0x125D0] =	vst v11  }
0x194: {  	v11 =	vld.idx.msk [tilespmem:v30+s14+$0x0], $0xffff  }
0x195: {  	v31 =	vadd.s32 $0x4080, v10;
	_ =	sdelay $0x3  }
0x196: {  	[tilespmem:$0x125E0] =	vst v11  }
0x197: {  	v11 =	vld.idx.msk [tilespmem:v31+s14+$0x0], $0xffff  }
0x198: {  	v32 =	vadd.s32 $0x4100, v3;
	_ =	sdelay $0x3  }
0x199: {  	[tilespmem:$0x125F0] =	vst v11  }
0x19a: {  	v11 =	vld.idx.msk [tilespmem:v32+s14+$0x0], $0xffff  }
0x19b: {  	v33 =	vadd.s32 $0x4100, v4;
	_ =	sdelay $0x3  }
0x19c: {  	[tilespmem:$0x12600] =	vst v11  }
0x19d: {  	v11 =	vld.idx.msk [tilespmem:v33+s14+$0x0], $0xffff  }
0x19e: {  	v34 =	vadd.s32 $0x4100, v5;
	_ =	sdelay $0x3  }
0x19f: {  	[tilespmem:$0x12610] =	vst v11  }
0x1a0: {  	v11 =	vld.idx.msk [tilespmem:v34+s14+$0x0], $0xffff  }
0x1a1: {  	v35 =	vadd.s32 $0x4100, v6;
	_ =	sdelay $0x3  }
0x1a2: {  	[tilespmem:$0x12620] =	vst v11  }
0x1a3: {  	v11 =	vld.idx.msk [tilespmem:v35+s14+$0x0], $0xffff  }
0x1a4: {  	v36 =	vadd.s32 $0x4100, v7;
	_ =	sdelay $0x3  }
0x1a5: {  	[tilespmem:$0x12630] =	vst v11  }
0x1a6: {  	v11 =	vld.idx.msk [tilespmem:v36+s14+$0x0], $0xffff  }
0x1a7: {  	v37 =	vadd.s32 $0x4100, v8;
	_ =	sdelay $0x3  }
0x1a8: {  	[tilespmem:$0x12640] =	vst v11  }
0x1a9: {  	v11 =	vld.idx.msk [tilespmem:v37+s14+$0x0], $0xffff  }
0x1aa: {  	v38 =	vadd.s32 $0x4100, v9;
	_ =	sdelay $0x3  }
0x1ab: {  	[tilespmem:$0x12650] =	vst v11  }
0x1ac: {  	v11 =	vld.idx.msk [tilespmem:v38+s14+$0x0], $0xffff  }
0x1ad: {  	v39 =	vadd.s32 $0x4100, v10;
	_ =	sdelay $0x3  }
0x1ae: {  	[tilespmem:$0x12660] =	vst v11  }
0x1af: {  	v11 =	vld.idx.msk [tilespmem:v39+s14+$0x0], $0xffff  }
0x1b0: {  	v40 =	vadd.s32 $0x4180, v3;
	_ =	sdelay $0x3  }
0x1b1: {  	[tilespmem:$0x12670] =	vst v11  }
0x1b2: {  	v11 =	vld.idx.msk [tilespmem:v40+s14+$0x0], $0xffff  }
0x1b3: {  	v41 =	vadd.s32 $0x4180, v4;
	_ =	sdelay $0x3  }
0x1b4: {  	[tilespmem:$0x12680] =	vst v11  }
0x1b5: {  	v11 =	vld.idx.msk [tilespmem:v41+s14+$0x0], $0xffff  }
0x1b6: {  	v42 =	vadd.s32 $0x4180, v5;
	_ =	sdelay $0x3  }
0x1b7: {  	[tilespmem:$0x12690] =	vst v11  }
0x1b8: {  	v11 =	vld.idx.msk [tilespmem:v42+s14+$0x0], $0xffff  }
0x1b9: {  	v43 =	vadd.s32 $0x4180, v6;
	_ =	sdelay $0x3  }
0x1ba: {  	[tilespmem:$0x126A0] =	vst v11  }
0x1bb: {  	v11 =	vld.idx.msk [tilespmem:v43+s14+$0x0], $0xffff  }
0x1bc: {  	v44 =	vadd.s32 $0x4180, v7;
	_ =	sdelay $0x3  }
0x1bd: {  	[tilespmem:$0x126B0] =	vst v11  }
0x1be: {  	v11 =	vld.idx.msk [tilespmem:v44+s14+$0x0], $0xffff  }
0x1bf: {  	v45 =	vadd.s32 $0x4180, v8;
	_ =	sdelay $0x3  }
0x1c0: {  	[tilespmem:$0x126C0] =	vst v11  }
0x1c1: {  	v11 =	vld.idx.msk [tilespmem:v45+s14+$0x0], $0xffff  }
0x1c2: {  	v46 =	vadd.s32 $0x4180, v9;
	_ =	sdelay $0x3  }
0x1c3: {  	[tilespmem:$0x126D0] =	vst v11  }
0x1c4: {  	v11 =	vld.idx.msk [tilespmem:v46+s14+$0x0], $0xffff  }
0x1c5: {  	v47 =	vadd.s32 $0x4180, v10;
	_ =	sdelay $0x3  }
0x1c6: {  	[tilespmem:$0x126E0] =	vst v11  }
0x1c7: {  	v11 =	vld.idx.msk [tilespmem:v47+s14+$0x0], $0xffff  }
0x1c8: {  	v48 =	vadd.s32 $0x4200, v3;
	_ =	sdelay $0x3  }
0x1c9: {  	[tilespmem:$0x126F0] =	vst v11  }
0x1ca: {  	v11 =	vld.idx.msk [tilespmem:v48+s14+$0x0], $0xffff  }
0x1cb: {  	v49 =	vadd.s32 $0x4200, v4;
	_ =	sdelay $0x3  }
0x1cc: {  	[tilespmem:$0x12700] =	vst v11  }
0x1cd: {  	v11 =	vld.idx.msk [tilespmem:v49+s14+$0x0], $0xffff  }
0x1ce: {  	v50 =	vadd.s32 $0x4200, v5;
	_ =	sdelay $0x3  }
0x1cf: {  	[tilespmem:$0x12710] =	vst v11  }
0x1d0: {  	v11 =	vld.idx.msk [tilespmem:v50+s14+$0x0], $0xffff  }
0x1d1: {  	v51 =	vadd.s32 $0x4200, v6;
	_ =	sdelay $0x3  }
0x1d2: {  	[tilespmem:$0x12720] =	vst v11  }
0x1d3: {  	v11 =	vld.idx.msk [tilespmem:v51+s14+$0x0], $0xffff  }
0x1d4: {  	v52 =	vadd.s32 $0x4200, v7;
	_ =	sdelay $0x3  }
0x1d5: {  	[tilespmem:$0x12730] =	vst v11  }
0x1d6: {  	v11 =	vld.idx.msk [tilespmem:v52+s14+$0x0], $0xffff  }
0x1d7: {  	v53 =	vadd.s32 $0x4200, v8;
	_ =	sdelay $0x3  }
0x1d8: {  	[tilespmem:$0x12740] =	vst v11  }
0x1d9: {  	v11 =	vld.idx.msk [tilespmem:v53+s14+$0x0], $0xffff  }
0x1da: {  	v54 =	vadd.s32 $0x4200, v9;
	_ =	sdelay $0x3  }
0x1db: {  	[tilespmem:$0x12750] =	vst v11  }
0x1dc: {  	v11 =	vld.idx.msk [tilespmem:v54+s14+$0x0], $0xffff  }
0x1dd: {  	v55 =	vadd.s32 $0x4200, v10;
	_ =	sdelay $0x3  }
0x1de: {  	[tilespmem:$0x12760] =	vst v11  }
0x1df: {  	v11 =	vld.idx.msk [tilespmem:v55+s14+$0x0], $0xffff  }
0x1e0: {  	v56 =	vadd.s32 $0x4280, v3;
	_ =	sdelay $0x3  }
0x1e1: {  	[tilespmem:$0x12770] =	vst v11  }
0x1e2: {  	v11 =	vld.idx.msk [tilespmem:v56+s14+$0x0], $0xffff  }
0x1e3: {  	v57 =	vadd.s32 $0x4280, v4;
	_ =	sdelay $0x3  }
0x1e4: {  	[tilespmem:$0x12780] =	vst v11  }
0x1e5: {  	v11 =	vld.idx.msk [tilespmem:v57+s14+$0x0], $0xffff  }
0x1e6: {  	v58 =	vadd.s32 $0x4280, v5;
	_ =	sdelay $0x3  }
0x1e7: {  	[tilespmem:$0x12790] =	vst v11  }
0x1e8: {  	v11 =	vld.idx.msk [tilespmem:v58+s14+$0x0], $0xffff  }
0x1e9: {  	v59 =	vadd.s32 $0x4280, v6;
	_ =	sdelay $0x3  }
0x1ea: {  	[tilespmem:$0x127A0] =	vst v11  }
0x1eb: {  	v11 =	vld.idx.msk [tilespmem:v59+s14+$0x0], $0xffff  }
0x1ec: {  	v60 =	vadd.s32 $0x4280, v7;
	_ =	sdelay $0x3  }
0x1ed: {  	[tilespmem:$0x127B0] =	vst v11  }
0x1ee: {  	v11 =	vld.idx.msk [tilespmem:v60+s14+$0x0], $0xffff  }
0x1ef: {  	v61 =	vadd.s32 $0x4280, v8;
	_ =	sdelay $0x3  }
0x1f0: {  	[tilespmem:$0x127C0] =	vst v11  }
0x1f1: {  	v11 =	vld.idx.msk [tilespmem:v61+s14+$0x0], $0xffff  }
0x1f2: {  	v62 =	vadd.s32 $0x4280, v9;
	_ =	sdelay $0x3  }
0x1f3: {  	[tilespmem:$0x127D0] =	vst v11  }
0x1f4: {  	v11 =	vld.idx.msk [tilespmem:v62+s14+$0x0], $0xffff  }
0x1f5: {  	v63 =	vadd.s32 $0x4280, v10;
	_ =	sdelay $0x3  }
0x1f6: {  	[tilespmem:$0x127E0] =	vst v11  }
0x1f7: {  	v11 =	vld.idx.msk [tilespmem:v63+s14+$0x0], $0xffff  }
0x1f8: {  	v16 =	vadd.s32 $0x4300, v3;
	_ =	sdelay $0x3  }
0x1f9: {  	[tilespmem:$0x127F0] =	vst v11  }
0x1fa: {  	v11 =	vld.idx.msk [tilespmem:v16+s14+$0x0], $0xffff  }
0x1fb: {  	v17 =	vadd.s32 $0x4300, v4;
	_ =	sdelay $0x3  }
0x1fc: {  	[tilespmem:$0x12800] =	vst v11  }
0x1fd: {  	v11 =	vld.idx.msk [tilespmem:v17+s14+$0x0], $0xffff  }
0x1fe: {  	v18 =	vadd.s32 $0x4300, v5;
	_ =	sdelay $0x3  }
0x1ff: {  	[tilespmem:$0x12810] =	vst v11  }
0x200: {  	v11 =	vld.idx.msk [tilespmem:v18+s14+$0x0], $0xffff  }
0x201: {  	v19 =	vadd.s32 $0x4300, v6;
	_ =	sdelay $0x3  }
0x202: {  	[tilespmem:$0x12820] =	vst v11  }
0x203: {  	v11 =	vld.idx.msk [tilespmem:v19+s14+$0x0], $0xffff  }
0x204: {  	v20 =	vadd.s32 $0x4300, v7;
	_ =	sdelay $0x3  }
0x205: {  	[tilespmem:$0x12830] =	vst v11  }
0x206: {  	v11 =	vld.idx.msk [tilespmem:v20+s14+$0x0], $0xffff  }
0x207: {  	v21 =	vadd.s32 $0x4300, v8;
	_ =	sdelay $0x3  }
0x208: {  	[tilespmem:$0x12840] =	vst v11  }
0x209: {  	v11 =	vld.idx.msk [tilespmem:v21+s14+$0x0], $0xffff  }
0x20a: {  	v22 =	vadd.s32 $0x4300, v9;
	_ =	sdelay $0x3  }
0x20b: {  	[tilespmem:$0x12850] =	vst v11  }
0x20c: {  	v11 =	vld.idx.msk [tilespmem:v22+s14+$0x0], $0xffff  }
0x20d: {  	v23 =	vadd.s32 $0x4300, v10;
	_ =	sdelay $0x3  }
0x20e: {  	[tilespmem:$0x12860] =	vst v11  }
0x20f: {  	v11 =	vld.idx.msk [tilespmem:v23+s14+$0x0], $0xffff  }
0x210: {  	v24 =	vadd.s32 $0x4380, v3;
	_ =	sdelay $0x3  }
0x211: {  	[tilespmem:$0x12870] =	vst v11  }
0x212: {  	v11 =	vld.idx.msk [tilespmem:v24+s14+$0x0], $0xffff  }
0x213: {  	v25 =	vadd.s32 $0x4380, v4;
	_ =	sdelay $0x3  }
0x214: {  	[tilespmem:$0x12880] =	vst v11  }
0x215: {  	v11 =	vld.idx.msk [tilespmem:v25+s14+$0x0], $0xffff  }
0x216: {  	v26 =	vadd.s32 $0x4380, v5;
	_ =	sdelay $0x3  }
0x217: {  	[tilespmem:$0x12890] =	vst v11  }
0x218: {  	v11 =	vld.idx.msk [tilespmem:v26+s14+$0x0], $0xffff  }
0x219: {  	v27 =	vadd.s32 $0x4380, v6;
	_ =	sdelay $0x3  }
0x21a: {  	[tilespmem:$0x128A0] =	vst v11  }
0x21b: {  	v11 =	vld.idx.msk [tilespmem:v27+s14+$0x0], $0xffff  }
0x21c: {  	v28 =	vadd.s32 $0x4380, v7;
	_ =	sdelay $0x3  }
0x21d: {  	[tilespmem:$0x128B0] =	vst v11  }
0x21e: {  	v11 =	vld.idx.msk [tilespmem:v28+s14+$0x0], $0xffff  }
0x21f: {  	v29 =	vadd.s32 $0x4380, v8;
	_ =	sdelay $0x3  }
0x220: {  	[tilespmem:$0x128C0] =	vst v11  }
0x221: {  	v11 =	vld.idx.msk [tilespmem:v29+s14+$0x0], $0xffff  }
0x222: {  	v30 =	vadd.s32 $0x4380, v9;
	_ =	sdelay $0x3  }
0x223: {  	[tilespmem:$0x128D0] =	vst v11  }
0x224: {  	v11 =	vld.idx.msk [tilespmem:v30+s14+$0x0], $0xffff  }
0x225: {  	v31 =	vadd.s32 $0x4380, v10;
	_ =	sdelay $0x3  }
0x226: {  	[tilespmem:$0x128E0] =	vst v11  }
0x227: {  	v11 =	vld.idx.msk [tilespmem:v31+s14+$0x0], $0xffff;
	_ =	sdelay $0x3  }
0x228: {  	v32 =	vadd.s32 $0x8000, v3  }
0x229: {  	[tilespmem:$0x128F0] =	vst v11  }
0x22a: {  	_ =	swait.ge [sflag:s29], $0x4000  }
0x22b: {  	[sflag:s29] =	ssyncset.done $0x0  }
0x22c: {  	[sflag:s29] =	ssyncadd.s32 $0xFFFFC000  }
0x22d: {  	v33 =	vld.idx.msk [tilespmem:v32+s14+$0x0], $0xffff  }
0x22e: {  	v34 =	vadd.s32 $0x8000, v4;
	_ =	sdelay $0x3  }
0x22f: {  	[tilespmem:$0x12900] =	vst v33  }
0x230: {  	v11 =	vld.idx.msk [tilespmem:v34+s14+$0x0], $0xffff  }
0x231: {  	v35 =	vadd.s32 $0x8000, v5;
	_ =	sdelay $0x3  }
0x232: {  	[tilespmem:$0x12910] =	vst v11  }
0x233: {  	v11 =	vld.idx.msk [tilespmem:v35+s14+$0x0], $0xffff  }
0x234: {  	v36 =	vadd.s32 $0x8000, v6;
	_ =	sdelay $0x3  }
0x235: {  	[tilespmem:$0x12920] =	vst v11  }
0x236: {  	v11 =	vld.idx.msk [tilespmem:v36+s14+$0x0], $0xffff  }
0x237: {  	v37 =	vadd.s32 $0x8000, v7;
	_ =	sdelay $0x3  }
0x238: {  	[tilespmem:$0x12930] =	vst v11  }
0x239: {  	v11 =	vld.idx.msk [tilespmem:v37+s14+$0x0], $0xffff  }
0x23a: {  	v38 =	vadd.s32 $0x8000, v8;
	_ =	sdelay $0x3  }
0x23b: {  	[tilespmem:$0x12940] =	vst v11  }
0x23c: {  	v11 =	vld.idx.msk [tilespmem:v38+s14+$0x0], $0xffff  }
0x23d: {  	v39 =	vadd.s32 $0x8000, v9;
	_ =	sdelay $0x3  }
0x23e: {  	[tilespmem:$0x12950] =	vst v11  }
0x23f: {  	v11 =	vld.idx.msk [tilespmem:v39+s14+$0x0], $0xffff  }
0x240: {  	v40 =	vadd.s32 $0x8000, v10;
	_ =	sdelay $0x3  }
0x241: {  	[tilespmem:$0x12960] =	vst v11  }
0x242: {  	v11 =	vld.idx.msk [tilespmem:v40+s14+$0x0], $0xffff  }
0x243: {  	v41 =	vadd.s32 $0x8080, v3;
	_ =	sdelay $0x3  }
0x244: {  	[tilespmem:$0x12970] =	vst v11  }
0x245: {  	v11 =	vld.idx.msk [tilespmem:v41+s14+$0x0], $0xffff  }
0x246: {  	v42 =	vadd.s32 $0x8080, v4;
	_ =	sdelay $0x3  }
0x247: {  	[tilespmem:$0x12980] =	vst v11  }
0x248: {  	v11 =	vld.idx.msk [tilespmem:v42+s14+$0x0], $0xffff  }
0x249: {  	v43 =	vadd.s32 $0x8080, v5;
	_ =	sdelay $0x3  }
0x24a: {  	[tilespmem:$0x12990] =	vst v11  }
0x24b: {  	v11 =	vld.idx.msk [tilespmem:v43+s14+$0x0], $0xffff  }
0x24c: {  	v44 =	vadd.s32 $0x8080, v6;
	_ =	sdelay $0x3  }
0x24d: {  	[tilespmem:$0x129A0] =	vst v11  }
0x24e: {  	v11 =	vld.idx.msk [tilespmem:v44+s14+$0x0], $0xffff  }
0x24f: {  	v45 =	vadd.s32 $0x8080, v7;
	_ =	sdelay $0x3  }
0x250: {  	[tilespmem:$0x129B0] =	vst v11  }
0x251: {  	v11 =	vld.idx.msk [tilespmem:v45+s14+$0x0], $0xffff  }
0x252: {  	v46 =	vadd.s32 $0x8080, v8;
	_ =	sdelay $0x3  }
0x253: {  	[tilespmem:$0x129C0] =	vst v11  }
0x254: {  	v11 =	vld.idx.msk [tilespmem:v46+s14+$0x0], $0xffff  }
0x255: {  	v47 =	vadd.s32 $0x8080, v9;
	_ =	sdelay $0x3  }
0x256: {  	[tilespmem:$0x129D0] =	vst v11  }
0x257: {  	v11 =	vld.idx.msk [tilespmem:v47+s14+$0x0], $0xffff  }
0x258: {  	v48 =	vadd.s32 $0x8080, v10;
	_ =	sdelay $0x3  }
0x259: {  	[tilespmem:$0x129E0] =	vst v11  }
0x25a: {  	v11 =	vld.idx.msk [tilespmem:v48+s14+$0x0], $0xffff  }
0x25b: {  	v49 =	vadd.s32 $0x8100, v3;
	_ =	sdelay $0x3  }
0x25c: {  	[tilespmem:$0x129F0] =	vst v11  }
0x25d: {  	v11 =	vld.idx.msk [tilespmem:v49+s14+$0x0], $0xffff  }
0x25e: {  	v50 =	vadd.s32 $0x8100, v4;
	_ =	sdelay $0x3  }
0x25f: {  	[tilespmem:$0x12A00] =	vst v11  }
0x260: {  	v11 =	vld.idx.msk [tilespmem:v50+s14+$0x0], $0xffff  }
0x261: {  	v51 =	vadd.s32 $0x8100, v5;
	_ =	sdelay $0x3  }
0x262: {  	[tilespmem:$0x12A10] =	vst v11  }
0x263: {  	v11 =	vld.idx.msk [tilespmem:v51+s14+$0x0], $0xffff  }
0x264: {  	v52 =	vadd.s32 $0x8100, v6;
	_ =	sdelay $0x3  }
0x265: {  	[tilespmem:$0x12A20] =	vst v11  }
0x266: {  	v11 =	vld.idx.msk [tilespmem:v52+s14+$0x0], $0xffff  }
0x267: {  	v53 =	vadd.s32 $0x8100, v7;
	_ =	sdelay $0x3  }
0x268: {  	[tilespmem:$0x12A30] =	vst v11  }
0x269: {  	v11 =	vld.idx.msk [tilespmem:v53+s14+$0x0], $0xffff  }
0x26a: {  	v54 =	vadd.s32 $0x8100, v8;
	_ =	sdelay $0x3  }
0x26b: {  	[tilespmem:$0x12A40] =	vst v11  }
0x26c: {  	v11 =	vld.idx.msk [tilespmem:v54+s14+$0x0], $0xffff  }
0x26d: {  	v55 =	vadd.s32 $0x8100, v9;
	_ =	sdelay $0x3  }
0x26e: {  	[tilespmem:$0x12A50] =	vst v11  }
0x26f: {  	v11 =	vld.idx.msk [tilespmem:v55+s14+$0x0], $0xffff  }
0x270: {  	v56 =	vadd.s32 $0x8100, v10;
	_ =	sdelay $0x3  }
0x271: {  	[tilespmem:$0x12A60] =	vst v11  }
0x272: {  	v11 =	vld.idx.msk [tilespmem:v56+s14+$0x0], $0xffff  }
0x273: {  	v57 =	vadd.s32 $0x8180, v3;
	_ =	sdelay $0x3  }
0x274: {  	[tilespmem:$0x12A70] =	vst v11  }
0x275: {  	v11 =	vld.idx.msk [tilespmem:v57+s14+$0x0], $0xffff  }
0x276: {  	v58 =	vadd.s32 $0x8180, v4;
	_ =	sdelay $0x3  }
0x277: {  	[tilespmem:$0x12A80] =	vst v11  }
0x278: {  	v11 =	vld.idx.msk [tilespmem:v58+s14+$0x0], $0xffff  }
0x279: {  	v59 =	vadd.s32 $0x8180, v5;
	_ =	sdelay $0x3  }
0x27a: {  	[tilespmem:$0x12A90] =	vst v11  }
0x27b: {  	v11 =	vld.idx.msk [tilespmem:v59+s14+$0x0], $0xffff  }
0x27c: {  	v60 =	vadd.s32 $0x8180, v6;
	_ =	sdelay $0x3  }
0x27d: {  	[tilespmem:$0x12AA0] =	vst v11  }
0x27e: {  	v11 =	vld.idx.msk [tilespmem:v60+s14+$0x0], $0xffff  }
0x27f: {  	v61 =	vadd.s32 $0x8180, v7;
	_ =	sdelay $0x3  }
0x280: {  	[tilespmem:$0x12AB0] =	vst v11  }
0x281: {  	v11 =	vld.idx.msk [tilespmem:v61+s14+$0x0], $0xffff  }
0x282: {  	v62 =	vadd.s32 $0x8180, v8;
	_ =	sdelay $0x3  }
0x283: {  	[tilespmem:$0x12AC0] =	vst v11  }
0x284: {  	v11 =	vld.idx.msk [tilespmem:v62+s14+$0x0], $0xffff  }
0x285: {  	v63 =	vadd.s32 $0x8180, v9;
	_ =	sdelay $0x3  }
0x286: {  	[tilespmem:$0x12AD0] =	vst v11  }
0x287: {  	v11 =	vld.idx.msk [tilespmem:v63+s14+$0x0], $0xffff  }
0x288: {  	v16 =	vadd.s32 $0x8180, v10;
	_ =	sdelay $0x3  }
0x289: {  	[tilespmem:$0x12AE0] =	vst v11  }
0x28a: {  	v11 =	vld.idx.msk [tilespmem:v16+s14+$0x0], $0xffff  }
0x28b: {  	v17 =	vadd.s32 $0x8200, v3;
	_ =	sdelay $0x3  }
0x28c: {  	[tilespmem:$0x12AF0] =	vst v11  }
0x28d: {  	v11 =	vld.idx.msk [tilespmem:v17+s14+$0x0], $0xffff  }
0x28e: {  	v18 =	vadd.s32 $0x8200, v4;
	_ =	sdelay $0x3  }
0x28f: {  	[tilespmem:$0x12B00] =	vst v11  }
0x290: {  	v11 =	vld.idx.msk [tilespmem:v18+s14+$0x0], $0xffff  }
0x291: {  	v19 =	vadd.s32 $0x8200, v5;
	_ =	sdelay $0x3  }
0x292: {  	[tilespmem:$0x12B10] =	vst v11  }
0x293: {  	v11 =	vld.idx.msk [tilespmem:v19+s14+$0x0], $0xffff  }
0x294: {  	v20 =	vadd.s32 $0x8200, v6;
	_ =	sdelay $0x3  }
0x295: {  	[tilespmem:$0x12B20] =	vst v11  }
0x296: {  	v11 =	vld.idx.msk [tilespmem:v20+s14+$0x0], $0xffff  }
0x297: {  	v21 =	vadd.s32 $0x8200, v7;
	_ =	sdelay $0x3  }
0x298: {  	[tilespmem:$0x12B30] =	vst v11  }
0x299: {  	v11 =	vld.idx.msk [tilespmem:v21+s14+$0x0], $0xffff  }
0x29a: {  	v22 =	vadd.s32 $0x8200, v8;
	_ =	sdelay $0x3  }
0x29b: {  	[tilespmem:$0x12B40] =	vst v11  }
0x29c: {  	v11 =	vld.idx.msk [tilespmem:v22+s14+$0x0], $0xffff  }
0x29d: {  	v23 =	vadd.s32 $0x8200, v9;
	_ =	sdelay $0x3  }
0x29e: {  	[tilespmem:$0x12B50] =	vst v11  }
0x29f: {  	v11 =	vld.idx.msk [tilespmem:v23+s14+$0x0], $0xffff  }
0x2a0: {  	v24 =	vadd.s32 $0x8200, v10;
	_ =	sdelay $0x3  }
0x2a1: {  	[tilespmem:$0x12B60] =	vst v11  }
0x2a2: {  	v11 =	vld.idx.msk [tilespmem:v24+s14+$0x0], $0xffff  }
0x2a3: {  	v25 =	vadd.s32 $0x8280, v3;
	_ =	sdelay $0x3  }
0x2a4: {  	[tilespmem:$0x12B70] =	vst v11  }
0x2a5: {  	v11 =	vld.idx.msk [tilespmem:v25+s14+$0x0], $0xffff  }
0x2a6: {  	v26 =	vadd.s32 $0x8280, v4;
	_ =	sdelay $0x3  }
0x2a7: {  	[tilespmem:$0x12B80] =	vst v11  }
0x2a8: {  	v11 =	vld.idx.msk [tilespmem:v26+s14+$0x0], $0xffff  }
0x2a9: {  	v27 =	vadd.s32 $0x8280, v5;
	_ =	sdelay $0x3  }
0x2aa: {  	[tilespmem:$0x12B90] =	vst v11  }
0x2ab: {  	v11 =	vld.idx.msk [tilespmem:v27+s14+$0x0], $0xffff  }
0x2ac: {  	v28 =	vadd.s32 $0x8280, v6;
	_ =	sdelay $0x3  }
0x2ad: {  	[tilespmem:$0x12BA0] =	vst v11  }
0x2ae: {  	v11 =	vld.idx.msk [tilespmem:v28+s14+$0x0], $0xffff  }
0x2af: {  	v29 =	vadd.s32 $0x8280, v7;
	_ =	sdelay $0x3  }
0x2b0: {  	[tilespmem:$0x12BB0] =	vst v11  }
0x2b1: {  	v11 =	vld.idx.msk [tilespmem:v29+s14+$0x0], $0xffff  }
0x2b2: {  	v30 =	vadd.s32 $0x8280, v8;
	_ =	sdelay $0x3  }
0x2b3: {  	[tilespmem:$0x12BC0] =	vst v11  }
0x2b4: {  	v11 =	vld.idx.msk [tilespmem:v30+s14+$0x0], $0xffff  }
0x2b5: {  	v31 =	vadd.s32 $0x8280, v9;
	_ =	sdelay $0x3  }
0x2b6: {  	[tilespmem:$0x12BD0] =	vst v11  }
0x2b7: {  	v11 =	vld.idx.msk [tilespmem:v31+s14+$0x0], $0xffff  }
0x2b8: {  	v32 =	vadd.s32 $0x8280, v10;
	_ =	sdelay $0x3  }
0x2b9: {  	[tilespmem:$0x12BE0] =	vst v11  }
0x2ba: {  	v11 =	vld.idx.msk [tilespmem:v32+s14+$0x0], $0xffff  }
0x2bb: {  	v33 =	vadd.s32 $0x8300, v3;
	_ =	sdelay $0x3  }
0x2bc: {  	[tilespmem:$0x12BF0] =	vst v11  }
0x2bd: {  	v11 =	vld.idx.msk [tilespmem:v33+s14+$0x0], $0xffff  }
0x2be: {  	v34 =	vadd.s32 $0x8300, v4;
	_ =	sdelay $0x3  }
0x2bf: {  	[tilespmem:$0x12C00] =	vst v11  }
0x2c0: {  	v11 =	vld.idx.msk [tilespmem:v34+s14+$0x0], $0xffff  }
0x2c1: {  	v35 =	vadd.s32 $0x8300, v5;
	_ =	sdelay $0x3  }
0x2c2: {  	[tilespmem:$0x12C10] =	vst v11  }
0x2c3: {  	v11 =	vld.idx.msk [tilespmem:v35+s14+$0x0], $0xffff  }
0x2c4: {  	v36 =	vadd.s32 $0x8300, v6;
	_ =	sdelay $0x3  }
0x2c5: {  	[tilespmem:$0x12C20] =	vst v11  }
0x2c6: {  	v11 =	vld.idx.msk [tilespmem:v36+s14+$0x0], $0xffff  }
0x2c7: {  	v37 =	vadd.s32 $0x8300, v7;
	_ =	sdelay $0x3  }
0x2c8: {  	[tilespmem:$0x12C30] =	vst v11  }
0x2c9: {  	v11 =	vld.idx.msk [tilespmem:v37+s14+$0x0], $0xffff  }
0x2ca: {  	v38 =	vadd.s32 $0x8300, v8;
	_ =	sdelay $0x3  }
0x2cb: {  	[tilespmem:$0x12C40] =	vst v11  }
0x2cc: {  	v11 =	vld.idx.msk [tilespmem:v38+s14+$0x0], $0xffff  }
0x2cd: {  	v39 =	vadd.s32 $0x8300, v9;
	_ =	sdelay $0x3  }
0x2ce: {  	[tilespmem:$0x12C50] =	vst v11  }
0x2cf: {  	v11 =	vld.idx.msk [tilespmem:v39+s14+$0x0], $0xffff  }
0x2d0: {  	v40 =	vadd.s32 $0x8300, v10;
	_ =	sdelay $0x3  }
0x2d1: {  	[tilespmem:$0x12C60] =	vst v11  }
0x2d2: {  	v11 =	vld.idx.msk [tilespmem:v40+s14+$0x0], $0xffff  }
0x2d3: {  	v41 =	vadd.s32 $0x8380, v3;
	_ =	sdelay $0x3  }
0x2d4: {  	[tilespmem:$0x12C70] =	vst v11  }
0x2d5: {  	v11 =	vld.idx.msk [tilespmem:v41+s14+$0x0], $0xffff  }
0x2d6: {  	v42 =	vadd.s32 $0x8380, v4;
	_ =	sdelay $0x3  }
0x2d7: {  	[tilespmem:$0x12C80] =	vst v11  }
0x2d8: {  	v11 =	vld.idx.msk [tilespmem:v42+s14+$0x0], $0xffff  }
0x2d9: {  	v43 =	vadd.s32 $0x8380, v5;
	_ =	sdelay $0x3  }
0x2da: {  	[tilespmem:$0x12C90] =	vst v11  }
0x2db: {  	v11 =	vld.idx.msk [tilespmem:v43+s14+$0x0], $0xffff  }
0x2dc: {  	v44 =	vadd.s32 $0x8380, v6;
	_ =	sdelay $0x3  }
0x2dd: {  	[tilespmem:$0x12CA0] =	vst v11  }
0x2de: {  	v11 =	vld.idx.msk [tilespmem:v44+s14+$0x0], $0xffff  }
0x2df: {  	v45 =	vadd.s32 $0x8380, v7;
	_ =	sdelay $0x3  }
0x2e0: {  	[tilespmem:$0x12CB0] =	vst v11  }
0x2e1: {  	v11 =	vld.idx.msk [tilespmem:v45+s14+$0x0], $0xffff  }
0x2e2: {  	v46 =	vadd.s32 $0x8380, v8;
	_ =	sdelay $0x3  }
0x2e3: {  	[tilespmem:$0x12CC0] =	vst v11  }
0x2e4: {  	v11 =	vld.idx.msk [tilespmem:v46+s14+$0x0], $0xffff  }
0x2e5: {  	v47 =	vadd.s32 $0x8380, v9;
	_ =	sdelay $0x3  }
0x2e6: {  	[tilespmem:$0x12CD0] =	vst v11  }
0x2e7: {  	v11 =	vld.idx.msk [tilespmem:v47+s14+$0x0], $0xffff  }
0x2e8: {  	v48 =	vadd.s32 $0x8380, v10;
	_ =	sdelay $0x3  }
0x2e9: {  	[tilespmem:$0x12CE0] =	vst v11  }
0x2ea: {  	v11 =	vld.idx.msk [tilespmem:v48+s14+$0x0], $0xffff;
	_ =	sdelay $0x3  }
0x2eb: {  	v49 =	vadd.s32 $0xC000, v3  }
0x2ec: {  	[tilespmem:$0x12CF0] =	vst v11  }
0x2ed: {  	_ =	swait.ge [sflag:s30], $0x4000  }
0x2ee: {  	[sflag:s30] =	ssyncset.done $0x0  }
0x2ef: {  	[sflag:s30] =	ssyncadd.s32 $0xFFFFC000  }
0x2f0: {  	v50 =	vld.idx.msk [tilespmem:v49+s14+$0x0], $0xffff  }
0x2f1: {  	v51 =	vadd.s32 $0xC000, v4;
	_ =	sdelay $0x3  }
0x2f2: {  	[tilespmem:$0x12D00] =	vst v50  }
0x2f3: {  	v11 =	vld.idx.msk [tilespmem:v51+s14+$0x0], $0xffff  }
0x2f4: {  	v52 =	vadd.s32 $0xC000, v5;
	_ =	sdelay $0x3  }
0x2f5: {  	[tilespmem:$0x12D10] =	vst v11  }
0x2f6: {  	v11 =	vld.idx.msk [tilespmem:v52+s14+$0x0], $0xffff  }
0x2f7: {  	v53 =	vadd.s32 $0xC000, v6;
	_ =	sdelay $0x3  }
0x2f8: {  	[tilespmem:$0x12D20] =	vst v11  }
0x2f9: {  	v11 =	vld.idx.msk [tilespmem:v53+s14+$0x0], $0xffff  }
0x2fa: {  	v54 =	vadd.s32 $0xC000, v7;
	_ =	sdelay $0x3  }
0x2fb: {  	[tilespmem:$0x12D30] =	vst v11  }
0x2fc: {  	v11 =	vld.idx.msk [tilespmem:v54+s14+$0x0], $0xffff  }
0x2fd: {  	v55 =	vadd.s32 $0xC000, v8;
	_ =	sdelay $0x3  }
0x2fe: {  	[tilespmem:$0x12D40] =	vst v11  }
0x2ff: {  	v11 =	vld.idx.msk [tilespmem:v55+s14+$0x0], $0xffff  }
0x300: {  	v56 =	vadd.s32 $0xC000, v9;
	_ =	sdelay $0x3  }
0x301: {  	[tilespmem:$0x12D50] =	vst v11  }
0x302: {  	v11 =	vld.idx.msk [tilespmem:v56+s14+$0x0], $0xffff  }
0x303: {  	v57 =	vadd.s32 $0xC000, v10;
	_ =	sdelay $0x3  }
0x304: {  	[tilespmem:$0x12D60] =	vst v11  }
0x305: {  	v11 =	vld.idx.msk [tilespmem:v57+s14+$0x0], $0xffff  }
0x306: {  	v58 =	vadd.s32 $0xC080, v3;
	_ =	sdelay $0x3  }
0x307: {  	[tilespmem:$0x12D70] =	vst v11  }
0x308: {  	v11 =	vld.idx.msk [tilespmem:v58+s14+$0x0], $0xffff  }
0x309: {  	v59 =	vadd.s32 $0xC080, v4;
	_ =	sdelay $0x3  }
0x30a: {  	[tilespmem:$0x12D80] =	vst v11  }
0x30b: {  	v11 =	vld.idx.msk [tilespmem:v59+s14+$0x0], $0xffff  }
0x30c: {  	v60 =	vadd.s32 $0xC080, v5;
	_ =	sdelay $0x3  }
0x30d: {  	[tilespmem:$0x12D90] =	vst v11  }
0x30e: {  	v11 =	vld.idx.msk [tilespmem:v60+s14+$0x0], $0xffff  }
0x30f: {  	v61 =	vadd.s32 $0xC080, v6;
	_ =	sdelay $0x3  }
0x310: {  	[tilespmem:$0x12DA0] =	vst v11  }
0x311: {  	v11 =	vld.idx.msk [tilespmem:v61+s14+$0x0], $0xffff  }
0x312: {  	v62 =	vadd.s32 $0xC080, v7;
	_ =	sdelay $0x3  }
0x313: {  	[tilespmem:$0x12DB0] =	vst v11  }
0x314: {  	v11 =	vld.idx.msk [tilespmem:v62+s14+$0x0], $0xffff  }
0x315: {  	v63 =	vadd.s32 $0xC080, v8;
	_ =	sdelay $0x3  }
0x316: {  	[tilespmem:$0x12DC0] =	vst v11  }
0x317: {  	v11 =	vld.idx.msk [tilespmem:v63+s14+$0x0], $0xffff  }
0x318: {  	v16 =	vadd.s32 $0xC080, v9;
	_ =	sdelay $0x3  }
0x319: {  	[tilespmem:$0x12DD0] =	vst v11  }
0x31a: {  	v11 =	vld.idx.msk [tilespmem:v16+s14+$0x0], $0xffff  }
0x31b: {  	v17 =	vadd.s32 $0xC080, v10;
	_ =	sdelay $0x3  }
0x31c: {  	[tilespmem:$0x12DE0] =	vst v11  }
0x31d: {  	v11 =	vld.idx.msk [tilespmem:v17+s14+$0x0], $0xffff  }
0x31e: {  	v18 =	vadd.s32 $0xC100, v3;
	_ =	sdelay $0x3  }
0x31f: {  	[tilespmem:$0x12DF0] =	vst v11  }
0x320: {  	v11 =	vld.idx.msk [tilespmem:v18+s14+$0x0], $0xffff  }
0x321: {  	v19 =	vadd.s32 $0xC100, v4;
	_ =	sdelay $0x3  }
0x322: {  	[tilespmem:$0x12E00] =	vst v11  }
0x323: {  	v11 =	vld.idx.msk [tilespmem:v19+s14+$0x0], $0xffff  }
0x324: {  	v20 =	vadd.s32 $0xC100, v5;
	_ =	sdelay $0x3  }
0x325: {  	[tilespmem:$0x12E10] =	vst v11  }
0x326: {  	v11 =	vld.idx.msk [tilespmem:v20+s14+$0x0], $0xffff  }
0x327: {  	v21 =	vadd.s32 $0xC100, v6;
	_ =	sdelay $0x3  }
0x328: {  	[tilespmem:$0x12E20] =	vst v11  }
0x329: {  	v11 =	vld.idx.msk [tilespmem:v21+s14+$0x0], $0xffff  }
0x32a: {  	v22 =	vadd.s32 $0xC100, v7;
	_ =	sdelay $0x3  }
0x32b: {  	[tilespmem:$0x12E30] =	vst v11  }
0x32c: {  	v11 =	vld.idx.msk [tilespmem:v22+s14+$0x0], $0xffff  }
0x32d: {  	v23 =	vadd.s32 $0xC100, v8;
	_ =	sdelay $0x3  }
0x32e: {  	[tilespmem:$0x12E40] =	vst v11  }
0x32f: {  	v11 =	vld.idx.msk [tilespmem:v23+s14+$0x0], $0xffff  }
0x330: {  	v24 =	vadd.s32 $0xC100, v9;
	_ =	sdelay $0x3  }
0x331: {  	[tilespmem:$0x12E50] =	vst v11  }
0x332: {  	v11 =	vld.idx.msk [tilespmem:v24+s14+$0x0], $0xffff  }
0x333: {  	v25 =	vadd.s32 $0xC100, v10;
	_ =	sdelay $0x3  }
0x334: {  	[tilespmem:$0x12E60] =	vst v11  }
0x335: {  	v11 =	vld.idx.msk [tilespmem:v25+s14+$0x0], $0xffff  }
0x336: {  	v26 =	vadd.s32 $0xC180, v3;
	_ =	sdelay $0x3  }
0x337: {  	[tilespmem:$0x12E70] =	vst v11  }
0x338: {  	v11 =	vld.idx.msk [tilespmem:v26+s14+$0x0], $0xffff  }
0x339: {  	v27 =	vadd.s32 $0xC180, v4;
	_ =	sdelay $0x3  }
0x33a: {  	[tilespmem:$0x12E80] =	vst v11  }
0x33b: {  	v11 =	vld.idx.msk [tilespmem:v27+s14+$0x0], $0xffff  }
0x33c: {  	v28 =	vadd.s32 $0xC180, v5;
	_ =	sdelay $0x3  }
0x33d: {  	[tilespmem:$0x12E90] =	vst v11  }
0x33e: {  	v11 =	vld.idx.msk [tilespmem:v28+s14+$0x0], $0xffff  }
0x33f: {  	v29 =	vadd.s32 $0xC180, v6;
	_ =	sdelay $0x3  }
0x340: {  	[tilespmem:$0x12EA0] =	vst v11  }
0x341: {  	v11 =	vld.idx.msk [tilespmem:v29+s14+$0x0], $0xffff  }
0x342: {  	v30 =	vadd.s32 $0xC180, v7;
	_ =	sdelay $0x3  }
0x343: {  	[tilespmem:$0x12EB0] =	vst v11  }
0x344: {  	v11 =	vld.idx.msk [tilespmem:v30+s14+$0x0], $0xffff  }
0x345: {  	v31 =	vadd.s32 $0xC180, v8;
	_ =	sdelay $0x3  }
0x346: {  	[tilespmem:$0x12EC0] =	vst v11  }
0x347: {  	v11 =	vld.idx.msk [tilespmem:v31+s14+$0x0], $0xffff  }
0x348: {  	v32 =	vadd.s32 $0xC180, v9;
	_ =	sdelay $0x3  }
0x349: {  	[tilespmem:$0x12ED0] =	vst v11  }
0x34a: {  	v11 =	vld.idx.msk [tilespmem:v32+s14+$0x0], $0xffff  }
0x34b: {  	v33 =	vadd.s32 $0xC180, v10;
	_ =	sdelay $0x3  }
0x34c: {  	[tilespmem:$0x12EE0] =	vst v11  }
0x34d: {  	v11 =	vld.idx.msk [tilespmem:v33+s14+$0x0], $0xffff  }
0x34e: {  	v34 =	vadd.s32 $0xC200, v3;
	_ =	sdelay $0x3  }
0x34f: {  	[tilespmem:$0x12EF0] =	vst v11  }
0x350: {  	v11 =	vld.idx.msk [tilespmem:v34+s14+$0x0], $0xffff  }
0x351: {  	v35 =	vadd.s32 $0xC200, v4;
	_ =	sdelay $0x3  }
0x352: {  	[tilespmem:$0x12F00] =	vst v11  }
0x353: {  	v11 =	vld.idx.msk [tilespmem:v35+s14+$0x0], $0xffff  }
0x354: {  	v36 =	vadd.s32 $0xC200, v5;
	_ =	sdelay $0x3  }
0x355: {  	[tilespmem:$0x12F10] =	vst v11  }
0x356: {  	v11 =	vld.idx.msk [tilespmem:v36+s14+$0x0], $0xffff  }
0x357: {  	v37 =	vadd.s32 $0xC200, v6;
	_ =	sdelay $0x3  }
0x358: {  	[tilespmem:$0x12F20] =	vst v11  }
0x359: {  	v11 =	vld.idx.msk [tilespmem:v37+s14+$0x0], $0xffff  }
0x35a: {  	v38 =	vadd.s32 $0xC200, v7;
	_ =	sdelay $0x3  }
0x35b: {  	[tilespmem:$0x12F30] =	vst v11  }
0x35c: {  	v11 =	vld.idx.msk [tilespmem:v38+s14+$0x0], $0xffff  }
0x35d: {  	v39 =	vadd.s32 $0xC200, v8;
	_ =	sdelay $0x3  }
0x35e: {  	[tilespmem:$0x12F40] =	vst v11  }
0x35f: {  	v11 =	vld.idx.msk [tilespmem:v39+s14+$0x0], $0xffff  }
0x360: {  	v40 =	vadd.s32 $0xC200, v9;
	_ =	sdelay $0x3  }
0x361: {  	[tilespmem:$0x12F50] =	vst v11  }
0x362: {  	v11 =	vld.idx.msk [tilespmem:v40+s14+$0x0], $0xffff  }
0x363: {  	v41 =	vadd.s32 $0xC200, v10;
	_ =	sdelay $0x3  }
0x364: {  	[tilespmem:$0x12F60] =	vst v11  }
0x365: {  	v11 =	vld.idx.msk [tilespmem:v41+s14+$0x0], $0xffff  }
0x366: {  	v42 =	vadd.s32 $0xC280, v3;
	_ =	sdelay $0x3  }
0x367: {  	[tilespmem:$0x12F70] =	vst v11  }
0x368: {  	v11 =	vld.idx.msk [tilespmem:v42+s14+$0x0], $0xffff  }
0x369: {  	v43 =	vadd.s32 $0xC280, v4;
	_ =	sdelay $0x3  }
0x36a: {  	[tilespmem:$0x12F80] =	vst v11  }
0x36b: {  	v11 =	vld.idx.msk [tilespmem:v43+s14+$0x0], $0xffff  }
0x36c: {  	v44 =	vadd.s32 $0xC280, v5;
	_ =	sdelay $0x3  }
0x36d: {  	[tilespmem:$0x12F90] =	vst v11  }
0x36e: {  	v11 =	vld.idx.msk [tilespmem:v44+s14+$0x0], $0xffff  }
0x36f: {  	v45 =	vadd.s32 $0xC280, v6;
	_ =	sdelay $0x3  }
0x370: {  	[tilespmem:$0x12FA0] =	vst v11  }
0x371: {  	v11 =	vld.idx.msk [tilespmem:v45+s14+$0x0], $0xffff  }
0x372: {  	v46 =	vadd.s32 $0xC280, v7;
	_ =	sdelay $0x3  }
0x373: {  	[tilespmem:$0x12FB0] =	vst v11  }
0x374: {  	v11 =	vld.idx.msk [tilespmem:v46+s14+$0x0], $0xffff  }
0x375: {  	v47 =	vadd.s32 $0xC280, v8;
	_ =	sdelay $0x3  }
0x376: {  	[tilespmem:$0x12FC0] =	vst v11  }
0x377: {  	v11 =	vld.idx.msk [tilespmem:v47+s14+$0x0], $0xffff  }
0x378: {  	v48 =	vadd.s32 $0xC280, v9;
	_ =	sdelay $0x3  }
0x379: {  	[tilespmem:$0x12FD0] =	vst v11  }
0x37a: {  	v11 =	vld.idx.msk [tilespmem:v48+s14+$0x0], $0xffff  }
0x37b: {  	v49 =	vadd.s32 $0xC280, v10;
	_ =	sdelay $0x3  }
0x37c: {  	[tilespmem:$0x12FE0] =	vst v11  }
0x37d: {  	v11 =	vld.idx.msk [tilespmem:v49+s14+$0x0], $0xffff  }
0x37e: {  	v50 =	vadd.s32 $0xC300, v3;
	_ =	sdelay $0x3  }
0x37f: {  	[tilespmem:$0x12FF0] =	vst v11  }
0x380: {  	v11 =	vld.idx.msk [tilespmem:v50+s14+$0x0], $0xffff  }
0x381: {  	v51 =	vadd.s32 $0xC300, v4;
	_ =	sdelay $0x3  }
0x382: {  	[tilespmem:$0x13000] =	vst v11  }
0x383: {  	v11 =	vld.idx.msk [tilespmem:v51+s14+$0x0], $0xffff  }
0x384: {  	v52 =	vadd.s32 $0xC300, v5;
	_ =	sdelay $0x3  }
0x385: {  	[tilespmem:$0x13010] =	vst v11  }
0x386: {  	v11 =	vld.idx.msk [tilespmem:v52+s14+$0x0], $0xffff  }
0x387: {  	v53 =	vadd.s32 $0xC300, v6;
	_ =	sdelay $0x3  }
0x388: {  	[tilespmem:$0x13020] =	vst v11  }
0x389: {  	v11 =	vld.idx.msk [tilespmem:v53+s14+$0x0], $0xffff  }
0x38a: {  	v54 =	vadd.s32 $0xC300, v7;
	_ =	sdelay $0x3  }
0x38b: {  	[tilespmem:$0x13030] =	vst v11  }
0x38c: {  	v11 =	vld.idx.msk [tilespmem:v54+s14+$0x0], $0xffff  }
0x38d: {  	v55 =	vadd.s32 $0xC300, v8;
	_ =	sdelay $0x3  }
0x38e: {  	[tilespmem:$0x13040] =	vst v11  }
0x38f: {  	v11 =	vld.idx.msk [tilespmem:v55+s14+$0x0], $0xffff  }
0x390: {  	v56 =	vadd.s32 $0xC300, v9;
	_ =	sdelay $0x3  }
0x391: {  	[tilespmem:$0x13050] =	vst v11  }
0x392: {  	v11 =	vld.idx.msk [tilespmem:v56+s14+$0x0], $0xffff  }
0x393: {  	v57 =	vadd.s32 $0xC300, v10;
	_ =	sdelay $0x3  }
0x394: {  	[tilespmem:$0x13060] =	vst v11  }
0x395: {  	v11 =	vld.idx.msk [tilespmem:v57+s14+$0x0], $0xffff  }
0x396: {  	v3 =	vadd.s32 $0xC380, v3;
	_ =	sdelay $0x3  }
0x397: {  	[tilespmem:$0x13070] =	vst v11  }
0x398: {  	v3 =	vld.idx.msk [tilespmem:v3+s14+$0x0], $0xffff  }
0x399: {  	v4 =	vadd.s32 $0xC380, v4;
	_ =	sdelay $0x3  }
0x39a: {  	[tilespmem:$0x13080] =	vst v3  }
0x39b: {  	v3 =	vld.idx.msk [tilespmem:v4+s14+$0x0], $0xffff  }
0x39c: {  	v58 =	vadd.s32 $0xC380, v5;
	_ =	sdelay $0x3  }
0x39d: {  	[tilespmem:$0x13090] =	vst v3  }
0x39e: {  	v3 =	vld.idx.msk [tilespmem:v58+s14+$0x0], $0xffff  }
0x39f: {  	v59 =	vadd.s32 $0xC380, v6;
	_ =	sdelay $0x3  }
0x3a0: {  	[tilespmem:$0x130A0] =	vst v3  }
0x3a1: {  	v3 =	vld.idx.msk [tilespmem:v59+s14+$0x0], $0xffff  }
0x3a2: {  	v60 =	vadd.s32 $0xC380, v7;
	_ =	sdelay $0x3  }
0x3a3: {  	[tilespmem:$0x130B0] =	vst v3  }
0x3a4: {  	v3 =	vld.idx.msk [tilespmem:v60+s14+$0x0], $0xffff  }
0x3a5: {  	v61 =	vadd.s32 $0xC380, v8;
	_ =	sdelay $0x3  }
0x3a6: {  	[tilespmem:$0x130C0] =	vst v3  }
0x3a7: {  	v3 =	vld.idx.msk [tilespmem:v61+s14+$0x0], $0xffff  }
0x3a8: {  	v62 =	vadd.s32 $0xC380, v9;
	_ =	sdelay $0x3  }
0x3a9: {  	[tilespmem:$0x130D0] =	vst v3  }
0x3aa: {  	v3 =	vld.idx.msk [tilespmem:v62+s14+$0x0], $0xffff  }
0x3ab: {  	v63 =	vadd.s32 $0xC380, v10;
	_ =	sdelay $0x3  }
0x3ac: {  	[tilespmem:$0x130E0] =	vst v3  }
0x3ad: {  	v3 =	vld.idx.msk [tilespmem:v63+s14+$0x0], $0xffff;
	_ =	sdelay $0x4  }
0x3ae: {  	[tilespmem:$0x130F0] =	vst v3  }
0x3af: {  	_ =	swait.ge [sflag:s31], $0x2000  }
0x3b0: {  	[sflag:s31] =	ssyncset.done $0x0  }
0x3b1: {  	s15 =	rddreg [dreg:$0x7];
	[sflag:s31] =	ssyncadd.s32 $0xFFFFE000  }
0x3b2: {  	[hbm4b:s15+s4] =	stream.linear.scatter [tilespmem:s22], [sflag:$0x6], $0x2000, $0x38;
	[tilespmem:$0x13100] =	vst v63  }
0x3b3: {  	_ =	swait.ge [sflag:s13], $0x2000  }
0x3b4: {  	p0 =	sne.s32 s12, $0x1;
	[sflag:s13] =	ssyncset.done $0x0  }
.Ltmp0:
0x3b5: {  	s15 =	rddreg [dreg:$0x8];
	[sflag:s13] =	ssyncadd.s32 $0xFFFFE000;
	(pc) =	sbr.rel @p0 .LBB2_1-.Ltmp0, $4  }
0x3b6: {  	[hbm4b:s15+s4] =	stream.linear.scatter [tilespmem:s2], [sflag:$0x6], $0x1000, $0x38;
	[tilespmem:$0x13100] =	vst v63  }
0x3b7: {  	_ =	swait.ge [sflag:s13], $0x1000  }
0x3b8: {  	[sflag:s13] =	ssyncset.done $0x0  }
0x3b9: {  	s12 =	sadd.s32 $0xFFFFFFFF, s12;
	[sflag:s13] =	ssyncadd.s32 $0xFFFFF000  }
0x3ba: {  	_ =	sfence.sel $0x180000  }
0x3bb: {  	[bflag:$0x0] =	sbarrier.arrive $0xFFFF  }
0x3bc: {  	_ =	strace $0x90000047  }
0x3bd: {  	s0 =	stileid.u32;
	[bflag:$0x2] =	sbarrier.arrive $0xFFFF  }
0x3be: {  	p0 =	sne.s32 s0, $0x0;
	s0 =	rddreg [dreg:$0x4]  }
0x3bf: {  	s0 =	sadd.s32 @!p0 $0x100000, s0  }
0x3c0: {  	[sflag:s0] =	ssyncadd.tile.s32 @!p0 $0x1;
	_ =	shalt  }
.Lfunc_end2:
_tile_overlayer_lowered:
.L_overlay_start_2:
0x3c1: {  	(tag) =	ssettag $0x2  }
0x3c2: {  	s0 =	rddreg [dreg:$0x0];
	s2 =	stileid.u32  }
0x3c3: {  	s1 =	rddreg [dreg:$0x1];
	p0 =	sne.s32 s2, $0x0  }
0x3c4: {  	s3 =	rddreg [dreg:$0x2];
	[bflag:$0x3] =	sbarrier.arrive $0xFFFF;
	s2 =	simm.s32 @!p0 $0x1C06  }
0x3c5: {  	[timem:s3], [sflag:s2] =	dma.local @!p0 [hbm:s0], s1  }
0x3c6: {  	s0 =	simm.s32 @!p0 $0x6  }
0x3c7: {  	_ =	swait.ge @!p0 [sflag:s0], s1  }
0x3c8: {  	s1 =	ssub.s32 @!p0 $0x0, s1;
	[sflag:s0] =	ssyncset.done @!p0 $0x0  }
0x3c9: {  	[sflag:s0] =	ssyncadd.s32 @!p0 s1  }
0x3ca: {  	[bflag:$0x3] =	sbarrier.arrive $0xFFFF  }
0x3cb: {  	_ =	shalt  }

</sc_bundles>
